<compile_context>
chip_gen: v7x
topology: tpu7x:2x2x1
jax: 0.10.2.dev20260603
libtpu: 0.0.44.dev20260713+nightly
codegen_flags: <defaults>
</compile_context>

<pallas_src>
import functools

import jax
import jax.numpy as jnp
from jax import lax
from jax.experimental import pallas as pl
from jax.experimental.pallas import tpu as pltpu
from jax.experimental.pallas import tpu_sc as plsc

B = 16384
D = 16
NC = 2
NS = 16
NW = NC * NS
BPW = B // NW
G = 16
NG = BPW // G
RB = G * 8
EPS2 = 1e-16


def _rsqrt(x):
    i = lax.bitcast_convert_type(x, jnp.int32)
    i = jnp.int32(0x5F3759DF) - lax.shift_right_logical(i, 1)
    y = lax.bitcast_convert_type(i, jnp.float32)
    for _ in range(3):
        y = y * (1.5 - 0.5 * x * y * y)
    return y


def _body(uidx_hbm, midx_hbm, utab_hbm, mtab_hbm, out_hbm,
          uidx_v, midx_v, ublk_v, mblk_v, uring_v, mring_v, out_v,
          usem0, usem1, msem0, msem1, isem):
    wid = lax.axis_index("s") * NC + lax.axis_index("c")
    base = wid * BPW
    usems = (usem0, usem1)
    msems = (msem0, msem1)

    icopies = []
    for j in range(BPW // 128):
        icopies.append(pltpu.async_copy(
            uidx_hbm.at[pl.ds(base + j * 128, 128)],
            uidx_v.at[pl.ds(j * 128, 128)], isem))
        icopies.append(pltpu.async_copy(
            midx_hbm.at[pl.ds(base + j * 128, 128)],
            midx_v.at[pl.ds(j * 128, 128)], isem))
    for c in icopies:
        c.wait()

    for o in range(BPW // 16):
        s = pl.ds(o * 16, 16)
        ui = uidx_v[s]
        mi = midx_v[s]
        ublk_v[s] = ui & ~jnp.int32(7)
        mblk_v[s] = mi & ~jnp.int32(7)
        uidx_v[s] = ui & 7
        midx_v[s] = mi & 7

    lanes = lax.iota(jnp.int32, 16)

    def fire(g, bank):
        ubv = ublk_v[pl.ds(g * G, 16)]
        mbv = mblk_v[pl.ds(g * G, 16)]

        for j in range(G):
            ub = lax.squeeze(lax.slice_in_dim(ubv, j, j + 1), (0,))
            mb = lax.squeeze(lax.slice_in_dim(mbv, j, j + 1), (0,))
            ub = pl.multiple_of(ub, 8)
            mb = pl.multiple_of(mb, 8)
            dst = bank * RB + j * 8
            pltpu.async_copy(
                utab_hbm.at[pl.ds(ub, 8)], uring_v.at[pl.ds(dst, 8)],
                usems[bank])
            pltpu.async_copy(
                mtab_hbm.at[pl.ds(mb, 8)], mring_v.at[pl.ds(dst, 8)],
                msems[bank])

    def drain(bank):
        boff = bank * RB
        pltpu.make_async_copy(
            utab_hbm.at[pl.ds(0, RB)], uring_v.at[pl.ds(boff, RB)],
            usems[bank]).wait()
        pltpu.make_async_copy(
            mtab_hbm.at[pl.ds(0, RB)], mring_v.at[pl.ds(boff, RB)],
            msems[bank]).wait()

    def compute(g, bank):
        s = pl.ds(g * G, 16)
        usub = uidx_v[s]
        msub = midx_v[s]
        urow = bank * RB + lanes * 8 + usub
        mrow = bank * RB + lanes * 8 + msub
        acc_um = jnp.zeros((16,), jnp.float32)
        acc_uu = jnp.zeros((16,), jnp.float32)
        acc_mm = jnp.zeros((16,), jnp.float32)
        for d in range(D):
            dv = jnp.full((16,), d, jnp.int32)
            u = plsc.load_gather(uring_v, [urow, dv])
            m = plsc.load_gather(mring_v, [mrow, dv])
            acc_um = acc_um + u * m
            acc_uu = acc_uu + u * u
            acc_mm = acc_mm + m * m
        denom2 = jnp.maximum(acc_uu, EPS2) * jnp.maximum(acc_mm, EPS2)
        sim = acc_um * _rsqrt(denom2) * 2.5 + 2.75
        out_v[pl.ds(g * G, 16)] = sim

    fire(jnp.int32(0), 0)
    fire(jnp.int32(1), 1)

    def step(i, carry):
        g0 = 2 * i
        for bank in range(2):
            g = g0 + bank
            drain(bank)
            compute(g, bank)

            @pl.when(g + 2 < NG)
            def _(g=g, bank=bank):
                fire(g + 2, bank)

        return carry

    lax.fori_loop(0, NG // 2, step, jnp.int32(0))

    pltpu.sync_copy(out_v, out_hbm.at[pl.ds(base, BPW)])


_mesh = plsc.VectorSubcoreMesh(core_axis_name="c", subcore_axis_name="s")

_sc_call = functools.partial(
    pl.kernel,
    mesh=_mesh,
    compiler_params=pltpu.CompilerParams(needs_layout_passes=False),
    out_type=jax.ShapeDtypeStruct((B,), jnp.float32),
    scratch_types=[
        pltpu.VMEM((BPW,), jnp.int32),
        pltpu.VMEM((BPW,), jnp.int32),
        pltpu.VMEM((BPW,), jnp.int32),
        pltpu.VMEM((BPW,), jnp.int32),
        pltpu.VMEM((2 * RB, D), jnp.float32),
        pltpu.VMEM((2 * RB, D), jnp.float32),
        pltpu.VMEM((BPW,), jnp.float32),
        pltpu.SemaphoreType.DMA,
        pltpu.SemaphoreType.DMA,
        pltpu.SemaphoreType.DMA,
        pltpu.SemaphoreType.DMA,
        pltpu.SemaphoreType.DMA,
    ],
)(_body)


def kernel(user_idx, movie_idx, user_table, movie_table):
    return _sc_call(user_idx.astype(jnp.int32), movie_idx.astype(jnp.int32),
                    user_table, movie_table)

# --- scband reference (transcript-rebuilt; emitter-appended) ---
"""Pipeline reference for scband-simple-nn-17849884082603 (READ-ONLY COPY).

The authoritative reference and input builder live on the scoring server;
editing this copy changes nothing except your own understanding.
"""

import jax, jax.numpy as jnp
import numpy as np

USER_VOCAB = 1000000
MOVIE_VOCAB = 1000000
EMBED_DIM = 16
BATCH = 16384


def setup_inputs(seed: int = 0) -> dict:
    key = jax.random.key(seed)
    k1, k2, k3, k4 = jax.random.split(key, 4)
    user_idx = jax.random.randint(k1, (BATCH,), 0, USER_VOCAB, dtype=jnp.int64 if jax.config.jax_enable_x64 else jnp.int32)
    movie_idx = jax.random.randint(k2, (BATCH,), 0, MOVIE_VOCAB, dtype=jnp.int64 if jax.config.jax_enable_x64 else jnp.int32)
    user_table = jax.random.normal(k3, (USER_VOCAB, EMBED_DIM), dtype=jnp.float32)
    movie_table = jax.random.normal(k4, (MOVIE_VOCAB, EMBED_DIM), dtype=jnp.float32)
    return {"user_idx": user_idx, "movie_idx": movie_idx, "user_table": user_table, "movie_table": movie_table}


def reference(user_idx, movie_idx, user_table, movie_table):
    # embedding lookups (gather)
    user = jnp.take(user_table, user_idx, axis=0)   # [B, D]
    movie = jnp.take(movie_table, movie_idx, axis=0)  # [B, D]
    # F.cosine_similarity(user, movie, dim=1, eps=1e-8)
    eps = 1e-8
    u_norm = jnp.maximum(jnp.sqrt(jnp.sum(user * user, axis=1)), eps)
    m_norm = jnp.maximum(jnp.sqrt(jnp.sum(movie * movie, axis=1)), eps)
    similarity = jnp.sum(user * movie, axis=1) / (u_norm * m_norm)
    similarity = similarity * 2.5 + 2.75
    return similarity

if __name__ == "__main__":
    import jax
    _d = setup_inputs()
    print(jax.jit(kernel)(*tuple(_d.values())))

</pallas_src>

<mosaic_0001>
#map = affine_map<(d0, d1) -> (0)>
#map1 = affine_map<(d0, d1) -> (0, 0)>
module attributes {stable_mosaic.version = 14 : i64} {
  func.func @_body(%arg0: i32, %arg1: i32, %arg2: memref<16384xi32, #tpu.memory_space<hbm>>, %arg3: memref<16384xi32, #tpu.memory_space<hbm>>, %arg4: memref<1000000x16xf32, #tpu.memory_space<hbm>>, %arg5: memref<1000000x16xf32, #tpu.memory_space<hbm>>, %arg6: memref<16384xf32, #tpu.memory_space<hbm>>, %arg7: memref<512xi32, #tpu.memory_space<vmem>>, %arg8: memref<512xi32, #tpu.memory_space<vmem>>, %arg9: memref<512xi32, #tpu.memory_space<vmem>>, %arg10: memref<512xi32, #tpu.memory_space<vmem>>, %arg11: memref<256x16xf32, #tpu.memory_space<vmem>>, %arg12: memref<256x16xf32, #tpu.memory_space<vmem>>, %arg13: memref<512xf32, #tpu.memory_space<vmem>>, %arg14: memref<!tpu.dma_semaphore, #tpu.memory_space<semaphore_mem>>, %arg15: memref<!tpu.dma_semaphore, #tpu.memory_space<semaphore_mem>>, %arg16: memref<!tpu.dma_semaphore, #tpu.memory_space<semaphore_mem>>, %arg17: memref<!tpu.dma_semaphore, #tpu.memory_space<semaphore_mem>>, %arg18: memref<!tpu.dma_semaphore, #tpu.memory_space<semaphore_mem>>) attributes {dimension_semantics = [#tpu.dimension_semantics<core_parallel>, #tpu.dimension_semantics<subcore_parallel>], iteration_bounds = array<i64: 2, 16>, scalar_prefetch = 0 : i64, scratch_operands = 12 : i64, tpu.core_type = #tpu.core_type<sc_vector_subcore>, window_params = [{transform_indices = #map}, {transform_indices = #map}, {transform_indices = #map1}, {transform_indices = #map1}, {transform_indices = #map}]} {
    %mul3A = arith.constant 2 : i32
    %mul3A_0 = arith.muli %arg1, %mul3A : i32
    %add3A = arith.addi %mul3A_0, %arg0 : i32
    %mul3A_1 = arith.constant 512 : i32
    %mul3A_2 = arith.muli %add3A, %mul3A_1 : i32
    %add3A_3 = arith.constant 0 : i32
    %add3A_4 = arith.addi %mul3A_2, %add3A_3 : i32
    %dma_start3A = arith.constant 0 : i32
    %dma_start3A_5 = tpu.memref_slice %arg7[%dma_start3A] : memref<512xi32, #tpu.memory_space<vmem>> -> memref<128xi32, #tpu.memory_space<vmem>>
    %dma_start3A_6 = tpu.memref_slice %arg2[%add3A_4] : memref<16384xi32, #tpu.memory_space<hbm>> -> memref<128xi32, #tpu.memory_space<hbm>>
    %dma_start3A_7 = arith.constant 0 : i32
    %dma_start3A_8 = tpu.memref_slice %arg7[%dma_start3A_7] : memref<512xi32, #tpu.memory_space<vmem>> -> memref<128xi32, #tpu.memory_space<vmem>>
    %dma_start3A_9 = tpu.memref_slice %arg2[%add3A_4] : memref<16384xi32, #tpu.memory_space<hbm>> -> memref<128xi32, #tpu.memory_space<hbm>>
    tpu.enqueue_dma source(%dma_start3A_9 : memref<128xi32, #tpu.memory_space<hbm>>) target(%dma_start3A_8 : memref<128xi32, #tpu.memory_space<vmem>>) target_semaphore(%arg18 : memref<!tpu.dma_semaphore, #tpu.memory_space<semaphore_mem>>)
    %add3A_10 = arith.constant 0 : i32
    %add3A_11 = arith.addi %mul3A_2, %add3A_10 : i32
    %dma_start3A_12 = arith.constant 0 : i32
    %dma_start3A_13 = tpu.memref_slice %arg8[%dma_start3A_12] : memref<512xi32, #tpu.memory_space<vmem>> -> memref<128xi32, #tpu.memory_space<vmem>>
    %dma_start3A_14 = tpu.memref_slice %arg3[%add3A_11] : memref<16384xi32, #tpu.memory_space<hbm>> -> memref<128xi32, #tpu.memory_space<hbm>>
    %dma_start3A_15 = arith.constant 0 : i32
    %dma_start3A_16 = tpu.memref_slice %arg8[%dma_start3A_15] : memref<512xi32, #tpu.memory_space<vmem>> -> memref<128xi32, #tpu.memory_space<vmem>>
    %dma_start3A_17 = tpu.memref_slice %arg3[%add3A_11] : memref<16384xi32, #tpu.memory_space<hbm>> -> memref<128xi32, #tpu.memory_space<hbm>>
    tpu.enqueue_dma source(%dma_start3A_17 : memref<128xi32, #tpu.memory_space<hbm>>) target(%dma_start3A_16 : memref<128xi32, #tpu.memory_space<vmem>>) target_semaphore(%arg18 : memref<!tpu.dma_semaphore, #tpu.memory_space<semaphore_mem>>)
    %add3A_18 = arith.constant 128 : i32
    %add3A_19 = arith.addi %mul3A_2, %add3A_18 : i32
    %dma_start3A_20 = arith.constant 128 : i32
    %dma_start3A_21 = tpu.memref_slice %arg7[%dma_start3A_20] : memref<512xi32, #tpu.memory_space<vmem>> -> memref<128xi32, #tpu.memory_space<vmem>>
    %dma_start3A_22 = tpu.memref_slice %arg2[%add3A_19] : memref<16384xi32, #tpu.memory_space<hbm>> -> memref<128xi32, #tpu.memory_space<hbm>>
    %dma_start3A_23 = arith.constant 128 : i32
    %dma_start3A_24 = tpu.memref_slice %arg7[%dma_start3A_23] : memref<512xi32, #tpu.memory_space<vmem>> -> memref<128xi32, #tpu.memory_space<vmem>>
    %dma_start3A_25 = tpu.memref_slice %arg2[%add3A_19] : memref<16384xi32, #tpu.memory_space<hbm>> -> memref<128xi32, #tpu.memory_space<hbm>>
    tpu.enqueue_dma source(%dma_start3A_25 : memref<128xi32, #tpu.memory_space<hbm>>) target(%dma_start3A_24 : memref<128xi32, #tpu.memory_space<vmem>>) target_semaphore(%arg18 : memref<!tpu.dma_semaphore, #tpu.memory_space<semaphore_mem>>)
    %add3A_26 = arith.constant 128 : i32
    %add3A_27 = arith.addi %mul3A_2, %add3A_26 : i32
    %dma_start3A_28 = arith.constant 128 : i32
    %dma_start3A_29 = tpu.memref_slice %arg8[%dma_start3A_28] : memref<512xi32, #tpu.memory_space<vmem>> -> memref<128xi32, #tpu.memory_space<vmem>>
    %dma_start3A_30 = tpu.memref_slice %arg3[%add3A_27] : memref<16384xi32, #tpu.memory_space<hbm>> -> memref<128xi32, #tpu.memory_space<hbm>>
    %dma_start3A_31 = arith.constant 128 : i32
    %dma_start3A_32 = tpu.memref_slice %arg8[%dma_start3A_31] : memref<512xi32, #tpu.memory_space<vmem>> -> memref<128xi32, #tpu.memory_space<vmem>>
    %dma_start3A_33 = tpu.memref_slice %arg3[%add3A_27] : memref<16384xi32, #tpu.memory_space<hbm>> -> memref<128xi32, #tpu.memory_space<hbm>>
    tpu.enqueue_dma source(%dma_start3A_33 : memref<128xi32, #tpu.memory_space<hbm>>) target(%dma_start3A_32 : memref<128xi32, #tpu.memory_space<vmem>>) target_semaphore(%arg18 : memref<!tpu.dma_semaphore, #tpu.memory_space<semaphore_mem>>)
    %add3A_34 = arith.constant 256 : i32
    %add3A_35 = arith.addi %mul3A_2, %add3A_34 : i32
    %dma_start3A_36 = arith.constant 256 : i32
    %dma_start3A_37 = tpu.memref_slice %arg7[%dma_start3A_36] : memref<512xi32, #tpu.memory_space<vmem>> -> memref<128xi32, #tpu.memory_space<vmem>>
    %dma_start3A_38 = tpu.memref_slice %arg2[%add3A_35] : memref<16384xi32, #tpu.memory_space<hbm>> -> memref<128xi32, #tpu.memory_space<hbm>>
    %dma_start3A_39 = arith.constant 256 : i32
    %dma_start3A_40 = tpu.memref_slice %arg7[%dma_start3A_39] : memref<512xi32, #tpu.memory_space<vmem>> -> memref<128xi32, #tpu.memory_space<vmem>>
    %dma_start3A_41 = tpu.memref_slice %arg2[%add3A_35] : memref<16384xi32, #tpu.memory_space<hbm>> -> memref<128xi32, #tpu.memory_space<hbm>>
    tpu.enqueue_dma source(%dma_start3A_41 : memref<128xi32, #tpu.memory_space<hbm>>) target(%dma_start3A_40 : memref<128xi32, #tpu.memory_space<vmem>>) target_semaphore(%arg18 : memref<!tpu.dma_semaphore, #tpu.memory_space<semaphore_mem>>)
    %add3A_42 = arith.constant 256 : i32
    %add3A_43 = arith.addi %mul3A_2, %add3A_42 : i32
    %dma_start3A_44 = arith.constant 256 : i32
    %dma_start3A_45 = tpu.memref_slice %arg8[%dma_start3A_44] : memref<512xi32, #tpu.memory_space<vmem>> -> memref<128xi32, #tpu.memory_space<vmem>>
    %dma_start3A_46 = tpu.memref_slice %arg3[%add3A_43] : memref<16384xi32, #tpu.memory_space<hbm>> -> memref<128xi32, #tpu.memory_space<hbm>>
    %dma_start3A_47 = arith.constant 256 : i32
    %dma_start3A_48 = tpu.memref_slice %arg8[%dma_start3A_47] : memref<512xi32, #tpu.memory_space<vmem>> -> memref<128xi32, #tpu.memory_space<vmem>>
    %dma_start3A_49 = tpu.memref_slice %arg3[%add3A_43] : memref<16384xi32, #tpu.memory_space<hbm>> -> memref<128xi32, #tpu.memory_space<hbm>>
    tpu.enqueue_dma source(%dma_start3A_49 : memref<128xi32, #tpu.memory_space<hbm>>) target(%dma_start3A_48 : memref<128xi32, #tpu.memory_space<vmem>>) target_semaphore(%arg18 : memref<!tpu.dma_semaphore, #tpu.memory_space<semaphore_mem>>)
    %add3A_50 = arith.constant 384 : i32
    %add3A_51 = arith.addi %mul3A_2, %add3A_50 : i32
    %dma_start3A_52 = arith.constant 384 : i32
    %dma_start3A_53 = tpu.memref_slice %arg7[%dma_start3A_52] : memref<512xi32, #tpu.memory_space<vmem>> -> memref<128xi32, #tpu.memory_space<vmem>>
    %dma_start3A_54 = tpu.memref_slice %arg2[%add3A_51] : memref<16384xi32, #tpu.memory_space<hbm>> -> memref<128xi32, #tpu.memory_space<hbm>>
    %dma_start3A_55 = arith.constant 384 : i32
    %dma_start3A_56 = tpu.memref_slice %arg7[%dma_start3A_55] : memref<512xi32, #tpu.memory_space<vmem>> -> memref<128xi32, #tpu.memory_space<vmem>>
    %dma_start3A_57 = tpu.memref_slice %arg2[%add3A_51] : memref<16384xi32, #tpu.memory_space<hbm>> -> memref<128xi32, #tpu.memory_space<hbm>>
    tpu.enqueue_dma source(%dma_start3A_57 : memref<128xi32, #tpu.memory_space<hbm>>) target(%dma_start3A_56 : memref<128xi32, #tpu.memory_space<vmem>>) target_semaphore(%arg18 : memref<!tpu.dma_semaphore, #tpu.memory_space<semaphore_mem>>)
    %add3A_58 = arith.constant 384 : i32
    %add3A_59 = arith.addi %mul3A_2, %add3A_58 : i32
    %dma_start3A_60 = arith.constant 384 : i32
    %dma_start3A_61 = tpu.memref_slice %arg8[%dma_start3A_60] : memref<512xi32, #tpu.memory_space<vmem>> -> memref<128xi32, #tpu.memory_space<vmem>>
    %dma_start3A_62 = tpu.memref_slice %arg3[%add3A_59] : memref<16384xi32, #tpu.memory_space<hbm>> -> memref<128xi32, #tpu.memory_space<hbm>>
    %dma_start3A_63 = arith.constant 384 : i32
    %dma_start3A_64 = tpu.memref_slice %arg8[%dma_start3A_63] : memref<512xi32, #tpu.memory_space<vmem>> -> memref<128xi32, #tpu.memory_space<vmem>>
    %dma_start3A_65 = tpu.memref_slice %arg3[%add3A_59] : memref<16384xi32, #tpu.memory_space<hbm>> -> memref<128xi32, #tpu.memory_space<hbm>>
    tpu.enqueue_dma source(%dma_start3A_65 : memref<128xi32, #tpu.memory_space<hbm>>) target(%dma_start3A_64 : memref<128xi32, #tpu.memory_space<vmem>>) target_semaphore(%arg18 : memref<!tpu.dma_semaphore, #tpu.memory_space<semaphore_mem>>)
    %dma_wait3A = arith.constant 0 : i32
    %dma_wait3A_66 = tpu.memref_slice %arg7[%dma_wait3A] : memref<512xi32, #tpu.memory_space<vmem>> -> memref<128xi32, #tpu.memory_space<vmem>>
    %dma_wait3A_67 = tpu.memref_slice %arg2[%add3A_4] : memref<16384xi32, #tpu.memory_space<hbm>> -> memref<128xi32, #tpu.memory_space<hbm>>
    %dma_wait3A_68 = arith.constant 0 : i32
    %dma_wait3A_69 = tpu.memref_slice %arg7[%dma_wait3A_68] : memref<512xi32, #tpu.memory_space<vmem>> -> memref<128xi32, #tpu.memory_space<vmem>>
    %dma_wait3A_70 = tpu.memref_slice %arg2[%add3A_4] : memref<16384xi32, #tpu.memory_space<hbm>> -> memref<128xi32, #tpu.memory_space<hbm>>
    tpu.wait_dma2 semaphore(%arg18 : memref<!tpu.dma_semaphore, #tpu.memory_space<semaphore_mem>>) src(%dma_wait3A_70 : memref<128xi32, #tpu.memory_space<hbm>>) dst(%dma_wait3A_69 : memref<128xi32, #tpu.memory_space<vmem>>)
    %dma_wait3A_71 = arith.constant 0 : i32
    %dma_wait3A_72 = tpu.memref_slice %arg8[%dma_wait3A_71] : memref<512xi32, #tpu.memory_space<vmem>> -> memref<128xi32, #tpu.memory_space<vmem>>
    %dma_wait3A_73 = tpu.memref_slice %arg3[%add3A_11] : memref<16384xi32, #tpu.memory_space<hbm>> -> memref<128xi32, #tpu.memory_space<hbm>>
    %dma_wait3A_74 = arith.constant 0 : i32
    %dma_wait3A_75 = tpu.memref_slice %arg8[%dma_wait3A_74] : memref<512xi32, #tpu.memory_space<vmem>> -> memref<128xi32, #tpu.memory_space<vmem>>
    %dma_wait3A_76 = tpu.memref_slice %arg3[%add3A_11] : memref<16384xi32, #tpu.memory_space<hbm>> -> memref<128xi32, #tpu.memory_space<hbm>>
    tpu.wait_dma2 semaphore(%arg18 : memref<!tpu.dma_semaphore, #tpu.memory_space<semaphore_mem>>) src(%dma_wait3A_76 : memref<128xi32, #tpu.memory_space<hbm>>) dst(%dma_wait3A_75 : memref<128xi32, #tpu.memory_space<vmem>>)
    %dma_wait3A_77 = arith.constant 128 : i32
    %dma_wait3A_78 = tpu.memref_slice %arg7[%dma_wait3A_77] : memref<512xi32, #tpu.memory_space<vmem>> -> memref<128xi32, #tpu.memory_space<vmem>>
    %dma_wait3A_79 = tpu.memref_slice %arg2[%add3A_19] : memref<16384xi32, #tpu.memory_space<hbm>> -> memref<128xi32, #tpu.memory_space<hbm>>
    %dma_wait3A_80 = arith.constant 128 : i32
    %dma_wait3A_81 = tpu.memref_slice %arg7[%dma_wait3A_80] : memref<512xi32, #tpu.memory_space<vmem>> -> memref<128xi32, #tpu.memory_space<vmem>>
    %dma_wait3A_82 = tpu.memref_slice %arg2[%add3A_19] : memref<16384xi32, #tpu.memory_space<hbm>> -> memref<128xi32, #tpu.memory_space<hbm>>
    tpu.wait_dma2 semaphore(%arg18 : memref<!tpu.dma_semaphore, #tpu.memory_space<semaphore_mem>>) src(%dma_wait3A_82 : memref<128xi32, #tpu.memory_space<hbm>>) dst(%dma_wait3A_81 : memref<128xi32, #tpu.memory_space<vmem>>)
    %dma_wait3A_83 = arith.constant 128 : i32
    %dma_wait3A_84 = tpu.memref_slice %arg8[%dma_wait3A_83] : memref<512xi32, #tpu.memory_space<vmem>> -> memref<128xi32, #tpu.memory_space<vmem>>
    %dma_wait3A_85 = tpu.memref_slice %arg3[%add3A_27] : memref<16384xi32, #tpu.memory_space<hbm>> -> memref<128xi32, #tpu.memory_space<hbm>>
    %dma_wait3A_86 = arith.constant 128 : i32
    %dma_wait3A_87 = tpu.memref_slice %arg8[%dma_wait3A_86] : memref<512xi32, #tpu.memory_space<vmem>> -> memref<128xi32, #tpu.memory_space<vmem>>
    %dma_wait3A_88 = tpu.memref_slice %arg3[%add3A_27] : memref<16384xi32, #tpu.memory_space<hbm>> -> memref<128xi32, #tpu.memory_space<hbm>>
    tpu.wait_dma2 semaphore(%arg18 : memref<!tpu.dma_semaphore, #tpu.memory_space<semaphore_mem>>) src(%dma_wait3A_88 : memref<128xi32, #tpu.memory_space<hbm>>) dst(%dma_wait3A_87 : memref<128xi32, #tpu.memory_space<vmem>>)
    %dma_wait3A_89 = arith.constant 256 : i32
    %dma_wait3A_90 = tpu.memref_slice %arg7[%dma_wait3A_89] : memref<512xi32, #tpu.memory_space<vmem>> -> memref<128xi32, #tpu.memory_space<vmem>>
    %dma_wait3A_91 = tpu.memref_slice %arg2[%add3A_35] : memref<16384xi32, #tpu.memory_space<hbm>> -> memref<128xi32, #tpu.memory_space<hbm>>
    %dma_wait3A_92 = arith.constant 256 : i32
    %dma_wait3A_93 = tpu.memref_slice %arg7[%dma_wait3A_92] : memref<512xi32, #tpu.memory_space<vmem>> -> memref<128xi32, #tpu.memory_space<vmem>>
    %dma_wait3A_94 = tpu.memref_slice %arg2[%add3A_35] : memref<16384xi32, #tpu.memory_space<hbm>> -> memref<128xi32, #tpu.memory_space<hbm>>
    tpu.wait_dma2 semaphore(%arg18 : memref<!tpu.dma_semaphore, #tpu.memory_space<semaphore_mem>>) src(%dma_wait3A_94 : memref<128xi32, #tpu.memory_space<hbm>>) dst(%dma_wait3A_93 : memref<128xi32, #tpu.memory_space<vmem>>)
    %dma_wait3A_95 = arith.constant 256 : i32
    %dma_wait3A_96 = tpu.memref_slice %arg8[%dma_wait3A_95] : memref<512xi32, #tpu.memory_space<vmem>> -> memref<128xi32, #tpu.memory_space<vmem>>
    %dma_wait3A_97 = tpu.memref_slice %arg3[%add3A_43] : memref<16384xi32, #tpu.memory_space<hbm>> -> memref<128xi32, #tpu.memory_space<hbm>>
    %dma_wait3A_98 = arith.constant 256 : i32
    %dma_wait3A_99 = tpu.memref_slice %arg8[%dma_wait3A_98] : memref<512xi32, #tpu.memory_space<vmem>> -> memref<128xi32, #tpu.memory_space<vmem>>
    %dma_wait3A_100 = tpu.memref_slice %arg3[%add3A_43] : memref<16384xi32, #tpu.memory_space<hbm>> -> memref<128xi32, #tpu.memory_space<hbm>>
    tpu.wait_dma2 semaphore(%arg18 : memref<!tpu.dma_semaphore, #tpu.memory_space<semaphore_mem>>) src(%dma_wait3A_100 : memref<128xi32, #tpu.memory_space<hbm>>) dst(%dma_wait3A_99 : memref<128xi32, #tpu.memory_space<vmem>>)
    %dma_wait3A_101 = arith.constant 384 : i32
    %dma_wait3A_102 = tpu.memref_slice %arg7[%dma_wait3A_101] : memref<512xi32, #tpu.memory_space<vmem>> -> memref<128xi32, #tpu.memory_space<vmem>>
    %dma_wait3A_103 = tpu.memref_slice %arg2[%add3A_51] : memref<16384xi32, #tpu.memory_space<hbm>> -> memref<128xi32, #tpu.memory_space<hbm>>
    %dma_wait3A_104 = arith.constant 384 : i32
    %dma_wait3A_105 = tpu.memref_slice %arg7[%dma_wait3A_104] : memref<512xi32, #tpu.memory_space<vmem>> -> memref<128xi32, #tpu.memory_space<vmem>>
    %dma_wait3A_106 = tpu.memref_slice %arg2[%add3A_51] : memref<16384xi32, #tpu.memory_space<hbm>> -> memref<128xi32, #tpu.memory_space<hbm>>
    tpu.wait_dma2 semaphore(%arg18 : memref<!tpu.dma_semaphore, #tpu.memory_space<semaphore_mem>>) src(%dma_wait3A_106 : memref<128xi32, #tpu.memory_space<hbm>>) dst(%dma_wait3A_105 : memref<128xi32, #tpu.memory_space<vmem>>)
    %dma_wait3A_107 = arith.constant 384 : i32
    %dma_wait3A_108 = tpu.memref_slice %arg8[%dma_wait3A_107] : memref<512xi32, #tpu.memory_space<vmem>> -> memref<128xi32, #tpu.memory_space<vmem>>
    %dma_wait3A_109 = tpu.memref_slice %arg3[%add3A_59] : memref<16384xi32, #tpu.memory_space<hbm>> -> memref<128xi32, #tpu.memory_space<hbm>>
    %dma_wait3A_110 = arith.constant 384 : i32
    %dma_wait3A_111 = tpu.memref_slice %arg8[%dma_wait3A_110] : memref<512xi32, #tpu.memory_space<vmem>> -> memref<128xi32, #tpu.memory_space<vmem>>
    %dma_wait3A_112 = tpu.memref_slice %arg3[%add3A_59] : memref<16384xi32, #tpu.memory_space<hbm>> -> memref<128xi32, #tpu.memory_space<hbm>>
    tpu.wait_dma2 semaphore(%arg18 : memref<!tpu.dma_semaphore, #tpu.memory_space<semaphore_mem>>) src(%dma_wait3A_112 : memref<128xi32, #tpu.memory_space<hbm>>) dst(%dma_wait3A_111 : memref<128xi32, #tpu.memory_space<vmem>>)
    %get3A = arith.constant 0 : index
    %get3A_113 = tpu.vector_load %arg7[%get3A] {strides = array<i32>} : memref<512xi32, #tpu.memory_space<vmem>>, vector<16xi32>,
    %get3A_114 = arith.constant 0 : index
    %get3A_115 = tpu.vector_load %arg8[%get3A_114] {strides = array<i32>} : memref<512xi32, #tpu.memory_space<vmem>>, vector<16xi32>,
    %not3A = arith.constant 7 : i32
    %not3A_116 = arith.constant -1 : i32
    %not3A_117 = arith.xori %not3A, %not3A_116 : i32
    %and3A = vector.broadcast %not3A_117 : i32 to vector<16xi32>
    %and3A_118 = arith.andi %get3A_113, %and3A : vector<16xi32>
    %swap3A = arith.constant 0 : index
    %swap3A_119 = tpu.vector_load %arg9[%swap3A] {strides = array<i32>} : memref<512xi32, #tpu.memory_space<vmem>>, vector<16xi32>,
    tpu.vector_store %arg9[%swap3A], %and3A_118 {strides = array<i32>} : memref<512xi32, #tpu.memory_space<vmem>>, vector<16xi32>,
    %not3A_120 = arith.constant 7 : i32
    %not3A_121 = arith.constant -1 : i32
    %not3A_122 = arith.xori %not3A_120, %not3A_121 : i32
    %and3A_123 = vector.broadcast %not3A_122 : i32 to vector<16xi32>
    %and3A_124 = arith.andi %get3A_115, %and3A_123 : vector<16xi32>
    %swap3A_125 = arith.constant 0 : index
    %swap3A_126 = tpu.vector_load %arg10[%swap3A_125] {strides = array<i32>} : memref<512xi32, #tpu.memory_space<vmem>>, vector<16xi32>,
    tpu.vector_store %arg10[%swap3A_125], %and3A_124 {strides = array<i32>} : memref<512xi32, #tpu.memory_space<vmem>>, vector<16xi32>,
    %and3A_127 = arith.constant 7 : i32
    %and3A_128 = vector.broadcast %and3A_127 : i32 to vector<16xi32>
    %and3A_129 = arith.andi %get3A_113, %and3A_128 : vector<16xi32>
    %swap3A_130 = arith.constant 0 : index
    %swap3A_131 = tpu.vector_load %arg7[%swap3A_130] {strides = array<i32>} : memref<512xi32, #tpu.memory_space<vmem>>, vector<16xi32>,
    tpu.vector_store %arg7[%swap3A_130], %and3A_129 {strides = array<i32>} : memref<512xi32, #tpu.memory_space<vmem>>, vector<16xi32>,
    %and3A_132 = arith.constant 7 : i32
    %and3A_133 = vector.broadcast %and3A_132 : i32 to vector<16xi32>
    %and3A_134 = arith.andi %get3A_115, %and3A_133 : vector<16xi32>
    %swap3A_135 = arith.constant 0 : index
    %swap3A_136 = tpu.vector_load %arg8[%swap3A_135] {strides = array<i32>} : memref<512xi32, #tpu.memory_space<vmem>>, vector<16xi32>,
    tpu.vector_store %arg8[%swap3A_135], %and3A_134 {strides = array<i32>} : memref<512xi32, #tpu.memory_space<vmem>>, vector<16xi32>,
    %get3A_137 = arith.constant 16 : index
    %get3A_138 = tpu.vector_load %arg7[%get3A_137] {strides = array<i32>} : memref<512xi32, #tpu.memory_space<vmem>>, vector<16xi32>,
    %get3A_139 = arith.constant 16 : index
    %get3A_140 = tpu.vector_load %arg8[%get3A_139] {strides = array<i32>} : memref<512xi32, #tpu.memory_space<vmem>>, vector<16xi32>,
    %not3A_141 = arith.constant 7 : i32
    %not3A_142 = arith.constant -1 : i32
    %not3A_143 = arith.xori %not3A_141, %not3A_142 : i32
    %and3A_144 = vector.broadcast %not3A_143 : i32 to vector<16xi32>
    %and3A_145 = arith.andi %get3A_138, %and3A_144 : vector<16xi32>
    %swap3A_146 = arith.constant 16 : index
    %swap3A_147 = tpu.vector_load %arg9[%swap3A_146] {strides = array<i32>} : memref<512xi32, #tpu.memory_space<vmem>>, vector<16xi32>,
    tpu.vector_store %arg9[%swap3A_146], %and3A_145 {strides = array<i32>} : memref<512xi32, #tpu.memory_space<vmem>>, vector<16xi32>,
    %not3A_148 = arith.constant 7 : i32
    %not3A_149 = arith.constant -1 : i32
    %not3A_150 = arith.xori %not3A_148, %not3A_149 : i32
    %and3A_151 = vector.broadcast %not3A_150 : i32 to vector<16xi32>
    %and3A_152 = arith.andi %get3A_140, %and3A_151 : vector<16xi32>
    %swap3A_153 = arith.constant 16 : index
    %swap3A_154 = tpu.vector_load %arg10[%swap3A_153] {strides = array<i32>} : memref<512xi32, #tpu.memory_space<vmem>>, vector<16xi32>,
    tpu.vector_store %arg10[%swap3A_153], %and3A_152 {strides = array<i32>} : memref<512xi32, #tpu.memory_space<vmem>>, vector<16xi32>,
    %and3A_155 = arith.constant 7 : i32
    %and3A_156 = vector.broadcast %and3A_155 : i32 to vector<16xi32>
    %and3A_157 = arith.andi %get3A_138, %and3A_156 : vector<16xi32>
    %swap3A_158 = arith.constant 16 : index
    %swap3A_159 = tpu.vector_load %arg7[%swap3A_158] {strides = array<i32>} : memref<512xi32, #tpu.memory_space<vmem>>, vector<16xi32>,
    tpu.vector_store %arg7[%swap3A_158], %and3A_157 {strides = array<i32>} : memref<512xi32, #tpu.memory_space<vmem>>, vector<16xi32>,
    %and3A_160 = arith.constant 7 : i32
    %and3A_161 = vector.broadcast %and3A_160 : i32 to vector<16xi32>
    %and3A_162 = arith.andi %get3A_140, %and3A_161 : vector<16xi32>
    %swap3A_163 = arith.constant 16 : index
    %swap3A_164 = tpu.vector_load %arg8[%swap3A_163] {strides = array<i32>} : memref<512xi32, #tpu.memory_space<vmem>>, vector<16xi32>,
    tpu.vector_store %arg8[%swap3A_163], %and3A_162 {strides = array<i32>} : memref<512xi32, #tpu.memory_space<vmem>>, vector<16xi32>,
    %get3A_165 = arith.constant 32 : index
    %get3A_166 = tpu.vector_load %arg7[%get3A_165] {strides = array<i32>} : memref<512xi32, #tpu.memory_space<vmem>>, vector<16xi32>,
    %get3A_167 = arith.constant 32 : index
    %get3A_168 = tpu.vector_load %arg8[%get3A_167] {strides = array<i32>} : memref<512xi32, #tpu.memory_space<vmem>>, vector<16xi32>,
    %not3A_169 = arith.constant 7 : i32
    %not3A_170 = arith.constant -1 : i32
    %not3A_171 = arith.xori %not3A_169, %not3A_170 : i32
    %and3A_172 = vector.broadcast %not3A_171 : i32 to vector<16xi32>
    %and3A_173 = arith.andi %get3A_166, %and3A_172 : vector<16xi32>
    %swap3A_174 = arith.constant 32 : index
    %swap3A_175 = tpu.vector_load %arg9[%swap3A_174] {strides = array<i32>} : memref<512xi32, #tpu.memory_space<vmem>>, vector<16xi32>,
    tpu.vector_store %arg9[%swap3A_174], %and3A_173 {strides = array<i32>} : memref<512xi32, #tpu.memory_space<vmem>>, vector<16xi32>,
    %not3A_176 = arith.constant 7 : i32
    %not3A_177 = arith.constant -1 : i32
    %not3A_178 = arith.xori %not3A_176, %not3A_177 : i32
    %and3A_179 = vector.broadcast %not3A_178 : i32 to vector<16xi32>
    %and3A_180 = arith.andi %get3A_168, %and3A_179 : vector<16xi32>
    %swap3A_181 = arith.constant 32 : index
    %swap3A_182 = tpu.vector_load %arg10[%swap3A_181] {strides = array<i32>} : memref<512xi32, #tpu.memory_space<vmem>>, vector<16xi32>,
    tpu.vector_store %arg10[%swap3A_181], %and3A_180 {strides = array<i32>} : memref<512xi32, #tpu.memory_space<vmem>>, vector<16xi32>,
    %and3A_183 = arith.constant 7 : i32
    %and3A_184 = vector.broadcast %and3A_183 : i32 to vector<16xi32>
    %and3A_185 = arith.andi %get3A_166, %and3A_184 : vector<16xi32>
    %swap3A_186 = arith.constant 32 : index
    %swap3A_187 = tpu.vector_load %arg7[%swap3A_186] {strides = array<i32>} : memref<512xi32, #tpu.memory_space<vmem>>, vector<16xi32>,
    tpu.vector_store %arg7[%swap3A_186], %and3A_185 {strides = array<i32>} : memref<512xi32, #tpu.memory_space<vmem>>, vector<16xi32>,
    %and3A_188 = arith.constant 7 : i32
    %and3A_189 = vector.broadcast %and3A_188 : i32 to vector<16xi32>
    %and3A_190 = arith.andi %get3A_168, %and3A_189 : vector<16xi32>
    %swap3A_191 = arith.constant 32 : index
    %swap3A_192 = tpu.vector_load %arg8[%swap3A_191] {strides = array<i32>} : memref<512xi32, #tpu.memory_space<vmem>>, vector<16xi32>,
    tpu.vector_store %arg8[%swap3A_191], %and3A_190 {strides = array<i32>} : memref<512xi32, #tpu.memory_space<vmem>>, vector<16xi32>,
    %get3A_193 = arith.constant 48 : index
    %get3A_194 = tpu.vector_load %arg7[%get3A_193] {strides = array<i32>} : memref<512xi32, #tpu.memory_space<vmem>>, vector<16xi32>,
    %get3A_195 = arith.constant 48 : index
    %get3A_196 = tpu.vector_load %arg8[%get3A_195] {strides = array<i32>} : memref<512xi32, #tpu.memory_space<vmem>>, vector<16xi32>,
    %not3A_197 = arith.constant 7 : i32
    %not3A_198 = arith.constant -1 : i32
    %not3A_199 = arith.xori %not3A_197, %not3A_198 : i32
    %and3A_200 = vector.broadcast %not3A_199 : i32 to vector<16xi32>
    %and3A_201 = arith.andi %get3A_194, %and3A_200 : vector<16xi32>
    %swap3A_202 = arith.constant 48 : index
    %swap3A_203 = tpu.vector_load %arg9[%swap3A_202] {strides = array<i32>} : memref<512xi32, #tpu.memory_space<vmem>>, vector<16xi32>,
    tpu.vector_store %arg9[%swap3A_202], %and3A_201 {strides = array<i32>} : memref<512xi32, #tpu.memory_space<vmem>>, vector<16xi32>,
    %not3A_204 = arith.constant 7 : i32
    %not3A_205 = arith.constant -1 : i32
    %not3A_206 = arith.xori %not3A_204, %not3A_205 : i32
    %and3A_207 = vector.broadcast %not3A_206 : i32 to vector<16xi32>
    %and3A_208 = arith.andi %get3A_196, %and3A_207 : vector<16xi32>
    %swap3A_209 = arith.constant 48 : index
    %swap3A_210 = tpu.vector_load %arg10[%swap3A_209] {strides = array<i32>} : memref<512xi32, #tpu.memory_space<vmem>>, vector<16xi32>,
    tpu.vector_store %arg10[%swap3A_209], %and3A_208 {strides = array<i32>} : memref<512xi32, #tpu.memory_space<vmem>>, vector<16xi32>,
    %and3A_211 = arith.constant 7 : i32
    %and3A_212 = vector.broadcast %and3A_211 : i32 to vector<16xi32>
    %and3A_213 = arith.andi %get3A_194, %and3A_212 : vector<16xi32>
    %swap3A_214 = arith.constant 48 : index
    %swap3A_215 = tpu.vector_load %arg7[%swap3A_214] {strides = array<i32>} : memref<512xi32, #tpu.memory_space<vmem>>, vector<16xi32>,
    tpu.vector_store %arg7[%swap3A_214], %and3A_213 {strides = array<i32>} : memref<512xi32, #tpu.memory_space<vmem>>, vector<16xi32>,
    %and3A_216 = arith.constant 7 : i32
    %and3A_217 = vector.broadcast %and3A_216 : i32 to vector<16xi32>
    %and3A_218 = arith.andi %get3A_196, %and3A_217 : vector<16xi32>
    %swap3A_219 = arith.constant 48 : index
    %swap3A_220 = tpu.vector_load %arg8[%swap3A_219] {strides = array<i32>} : memref<512xi32, #tpu.memory_space<vmem>>, vector<16xi32>,
    tpu.vector_store %arg8[%swap3A_219], %and3A_218 {strides = array<i32>} : memref<512xi32, #tpu.memory_space<vmem>>, vector<16xi32>,
    %get3A_221 = arith.constant 64 : index
    %get3A_222 = tpu.vector_load %arg7[%get3A_221] {strides = array<i32>} : memref<512xi32, #tpu.memory_space<vmem>>, vector<16xi32>,
    %get3A_223 = arith.constant 64 : index
    %get3A_224 = tpu.vector_load %arg8[%get3A_223] {strides = array<i32>} : memref<512xi32, #tpu.memory_space<vmem>>, vector<16xi32>,
    %not3A_225 = arith.constant 7 : i32
    %not3A_226 = arith.constant -1 : i32
    %not3A_227 = arith.xori %not3A_225, %not3A_226 : i32
    %and3A_228 = vector.broadcast %not3A_227 : i32 to vector<16xi32>
    %and3A_229 = arith.andi %get3A_222, %and3A_228 : vector<16xi32>
    %swap3A_230 = arith.constant 64 : index
    %swap3A_231 = tpu.vector_load %arg9[%swap3A_230] {strides = array<i32>} : memref<512xi32, #tpu.memory_space<vmem>>, vector<16xi32>,
    tpu.vector_store %arg9[%swap3A_230], %and3A_229 {strides = array<i32>} : memref<512xi32, #tpu.memory_space<vmem>>, vector<16xi32>,
    %not3A_232 = arith.constant 7 : i32
    %not3A_233 = arith.constant -1 : i32
    %not3A_234 = arith.xori %not3A_232, %not3A_233 : i32
    %and3A_235 = vector.broadcast %not3A_234 : i32 to vector<16xi32>
    %and3A_236 = arith.andi %get3A_224, %and3A_235 : vector<16xi32>
    %swap3A_237 = arith.constant 64 : index
    %swap3A_238 = tpu.vector_load %arg10[%swap3A_237] {strides = array<i32>} : memref<512xi32, #tpu.memory_space<vmem>>, vector<16xi32>,
    tpu.vector_store %arg10[%swap3A_237], %and3A_236 {strides = array<i32>} : memref<512xi32, #tpu.memory_space<vmem>>, vector<16xi32>,
    %and3A_239 = arith.constant 7 : i32
    %and3A_240 = vector.broadcast %and3A_239 : i32 to vector<16xi32>
    %and3A_241 = arith.andi %get3A_222, %and3A_240 : vector<16xi32>
    %swap3A_242 = arith.constant 64 : index
    %swap3A_243 = tpu.vector_load %arg7[%swap3A_242] {strides = array<i32>} : memref<512xi32, #tpu.memory_space<vmem>>, vector<16xi32>,
    tpu.vector_store %arg7[%swap3A_242], %and3A_241 {strides = array<i32>} : memref<512xi32, #tpu.memory_space<vmem>>, vector<16xi32>,
    %and3A_244 = arith.constant 7 : i32
    %and3A_245 = vector.broadcast %and3A_244 : i32 to vector<16xi32>
    %and3A_246 = arith.andi %get3A_224, %and3A_245 : vector<16xi32>
    %swap3A_247 = arith.constant 64 : index
    %swap3A_248 = tpu.vector_load %arg8[%swap3A_247] {strides = array<i32>} : memref<512xi32, #tpu.memory_space<vmem>>, vector<16xi32>,
    tpu.vector_store %arg8[%swap3A_247], %and3A_246 {strides = array<i32>} : memref<512xi32, #tpu.memory_space<vmem>>, vector<16xi32>,
    %get3A_249 = arith.constant 80 : index
    %get3A_250 = tpu.vector_load %arg7[%get3A_249] {strides = array<i32>} : memref<512xi32, #tpu.memory_space<vmem>>, vector<16xi32>,
    %get3A_251 = arith.constant 80 : index
    %get3A_252 = tpu.vector_load %arg8[%get3A_251] {strides = array<i32>} : memref<512xi32, #tpu.memory_space<vmem>>, vector<16xi32>,
    %not3A_253 = arith.constant 7 : i32
    %not3A_254 = arith.constant -1 : i32
    %not3A_255 = arith.xori %not3A_253, %not3A_254 : i32
    %and3A_256 = vector.broadcast %not3A_255 : i32 to vector<16xi32>
    %and3A_257 = arith.andi %get3A_250, %and3A_256 : vector<16xi32>
    %swap3A_258 = arith.constant 80 : index
    %swap3A_259 = tpu.vector_load %arg9[%swap3A_258] {strides = array<i32>} : memref<512xi32, #tpu.memory_space<vmem>>, vector<16xi32>,
    tpu.vector_store %arg9[%swap3A_258], %and3A_257 {strides = array<i32>} : memref<512xi32, #tpu.memory_space<vmem>>, vector<16xi32>,
    %not3A_260 = arith.constant 7 : i32
    %not3A_261 = arith.constant -1 : i32
    %not3A_262 = arith.xori %not3A_260, %not3A_261 : i32
    %and3A_263 = vector.broadcast %not3A_262 : i32 to vector<16xi32>
    %and3A_264 = arith.andi %get3A_252, %and3A_263 : vector<16xi32>
    %swap3A_265 = arith.constant 80 : index
    %swap3A_266 = tpu.vector_load %arg10[%swap3A_265] {strides = array<i32>} : memref<512xi32, #tpu.memory_space<vmem>>, vector<16xi32>,
    tpu.vector_store %arg10[%swap3A_265], %and3A_264 {strides = array<i32>} : memref<512xi32, #tpu.memory_space<vmem>>, vector<16xi32>,
    %and3A_267 = arith.constant 7 : i32
    %and3A_268 = vector.broadcast %and3A_267 : i32 to vector<16xi32>
    %and3A_269 = arith.andi %get3A_250, %and3A_268 : vector<16xi32>
    %swap3A_270 = arith.constant 80 : index
    %swap3A_271 = tpu.vector_load %arg7[%swap3A_270] {strides = array<i32>} : memref<512xi32, #tpu.memory_space<vmem>>, vector<16xi32>,
    tpu.vector_store %arg7[%swap3A_270], %and3A_269 {strides = array<i32>} : memref<512xi32, #tpu.memory_space<vmem>>, vector<16xi32>,
    %and3A_272 = arith.constant 7 : i32
    %and3A_273 = vector.broadcast %and3A_272 : i32 to vector<16xi32>
    %and3A_274 = arith.andi %get3A_252, %and3A_273 : vector<16xi32>
    %swap3A_275 = arith.constant 80 : index
    %swap3A_276 = tpu.vector_load %arg8[%swap3A_275] {strides = array<i32>} : memref<512xi32, #tpu.memory_space<vmem>>, vector<16xi32>,
    tpu.vector_store %arg8[%swap3A_275], %and3A_274 {strides = array<i32>} : memref<512xi32, #tpu.memory_space<vmem>>, vector<16xi32>,
    %get3A_277 = arith.constant 96 : index
    %get3A_278 = tpu.vector_load %arg7[%get3A_277] {strides = array<i32>} : memref<512xi32, #tpu.memory_space<vmem>>, vector<16xi32>,
    %get3A_279 = arith.constant 96 : index
    %get3A_280 = tpu.vector_load %arg8[%get3A_279] {strides = array<i32>} : memref<512xi32, #tpu.memory_space<vmem>>, vector<16xi32>,
    %not3A_281 = arith.constant 7 : i32
    %not3A_282 = arith.constant -1 : i32
    %not3A_283 = arith.xori %not3A_281, %not3A_282 : i32
    %and3A_284 = vector.broadcast %not3A_283 : i32 to vector<16xi32>
    %and3A_285 = arith.andi %get3A_278, %and3A_284 : vector<16xi32>
    %swap3A_286 = arith.constant 96 : index
    %swap3A_287 = tpu.vector_load %arg9[%swap3A_286] {strides = array<i32>} : memref<512xi32, #tpu.memory_space<vmem>>, vector<16xi32>,
    tpu.vector_store %arg9[%swap3A_286], %and3A_285 {strides = array<i32>} : memref<512xi32, #tpu.memory_space<vmem>>, vector<16xi32>,
    %not3A_288 = arith.constant 7 : i32
    %not3A_289 = arith.constant -1 : i32
    %not3A_290 = arith.xori %not3A_288, %not3A_289 : i32
    %and3A_291 = vector.broadcast %not3A_290 : i32 to vector<16xi32>
    %and3A_292 = arith.andi %get3A_280, %and3A_291 : vector<16xi32>
    %swap3A_293 = arith.constant 96 : index
    %swap3A_294 = tpu.vector_load %arg10[%swap3A_293] {strides = array<i32>} : memref<512xi32, #tpu.memory_space<vmem>>, vector<16xi32>,
    tpu.vector_store %arg10[%swap3A_293], %and3A_292 {strides = array<i32>} : memref<512xi32, #tpu.memory_space<vmem>>, vector<16xi32>,
    %and3A_295 = arith.constant 7 : i32
    %and3A_296 = vector.broadcast %and3A_295 : i32 to vector<16xi32>
    %and3A_297 = arith.andi %get3A_278, %and3A_296 : vector<16xi32>
    %swap3A_298 = arith.constant 96 : index
    %swap3A_299 = tpu.vector_load %arg7[%swap3A_298] {strides = array<i32>} : memref<512xi32, #tpu.memory_space<vmem>>, vector<16xi32>,
    tpu.vector_store %arg7[%swap3A_298], %and3A_297 {strides = array<i32>} : memref<512xi32, #tpu.memory_space<vmem>>, vector<16xi32>,
    %and3A_300 = arith.constant 7 : i32
    %and3A_301 = vector.broadcast %and3A_300 : i32 to vector<16xi32>
    %and3A_302 = arith.andi %get3A_280, %and3A_301 : vector<16xi32>
    %swap3A_303 = arith.constant 96 : index
    %swap3A_304 = tpu.vector_load %arg8[%swap3A_303] {strides = array<i32>} : memref<512xi32, #tpu.memory_space<vmem>>, vector<16xi32>,
    tpu.vector_store %arg8[%swap3A_303], %and3A_302 {strides = array<i32>} : memref<512xi32, #tpu.memory_space<vmem>>, vector<16xi32>,
    %get3A_305 = arith.constant 112 : index
    %get3A_306 = tpu.vector_load %arg7[%get3A_305] {strides = array<i32>} : memref<512xi32, #tpu.memory_space<vmem>>, vector<16xi32>,
    %get3A_307 = arith.constant 112 : index
    %get3A_308 = tpu.vector_load %arg8[%get3A_307] {strides = array<i32>} : memref<512xi32, #tpu.memory_space<vmem>>, vector<16xi32>,
    %not3A_309 = arith.constant 7 : i32
    %not3A_310 = arith.constant -1 : i32
    %not3A_311 = arith.xori %not3A_309, %not3A_310 : i32
    %and3A_312 = vector.broadcast %not3A_311 : i32 to vector<16xi32>
    %and3A_313 = arith.andi %get3A_306, %and3A_312 : vector<16xi32>
    %swap3A_314 = arith.constant 112 : index
    %swap3A_315 = tpu.vector_load %arg9[%swap3A_314] {strides = array<i32>} : memref<512xi32, #tpu.memory_space<vmem>>, vector<16xi32>,
    tpu.vector_store %arg9[%swap3A_314], %and3A_313 {strides = array<i32>} : memref<512xi32, #tpu.memory_space<vmem>>, vector<16xi32>,
    %not3A_316 = arith.constant 7 : i32
    %not3A_317 = arith.constant -1 : i32
    %not3A_318 = arith.xori %not3A_316, %not3A_317 : i32
    %and3A_319 = vector.broadcast %not3A_318 : i32 to vector<16xi32>
    %and3A_320 = arith.andi %get3A_308, %and3A_319 : vector<16xi32>
    %swap3A_321 = arith.constant 112 : index
    %swap3A_322 = tpu.vector_load %arg10[%swap3A_321] {strides = array<i32>} : memref<512xi32, #tpu.memory_space<vmem>>, vector<16xi32>,
    tpu.vector_store %arg10[%swap3A_321], %and3A_320 {strides = array<i32>} : memref<512xi32, #tpu.memory_space<vmem>>, vector<16xi32>,
    %and3A_323 = arith.constant 7 : i32
    %and3A_324 = vector.broadcast %and3A_323 : i32 to vector<16xi32>
    %and3A_325 = arith.andi %get3A_306, %and3A_324 : vector<16xi32>
    %swap3A_326 = arith.constant 112 : index
    %swap3A_327 = tpu.vector_load %arg7[%swap3A_326] {strides = array<i32>} : memref<512xi32, #tpu.memory_space<vmem>>, vector<16xi32>,
    tpu.vector_store %arg7[%swap3A_326], %and3A_325 {strides = array<i32>} : memref<512xi32, #tpu.memory_space<vmem>>, vector<16xi32>,
    %and3A_328 = arith.constant 7 : i32
    %and3A_329 = vector.broadcast %and3A_328 : i32 to vector<16xi32>
    %and3A_330 = arith.andi %get3A_308, %and3A_329 : vector<16xi32>
    %swap3A_331 = arith.constant 112 : index
    %swap3A_332 = tpu.vector_load %arg8[%swap3A_331] {strides = array<i32>} : memref<512xi32, #tpu.memory_space<vmem>>, vector<16xi32>,
    tpu.vector_store %arg8[%swap3A_331], %and3A_330 {strides = array<i32>} : memref<512xi32, #tpu.memory_space<vmem>>, vector<16xi32>,
    %get3A_333 = arith.constant 128 : index
    %get3A_334 = tpu.vector_load %arg7[%get3A_333] {strides = array<i32>} : memref<512xi32, #tpu.memory_space<vmem>>, vector<16xi32>,
    %get3A_335 = arith.constant 128 : index
    %get3A_336 = tpu.vector_load %arg8[%get3A_335] {strides = array<i32>} : memref<512xi32, #tpu.memory_space<vmem>>, vector<16xi32>,
    %not3A_337 = arith.constant 7 : i32
    %not3A_338 = arith.constant -1 : i32
    %not3A_339 = arith.xori %not3A_337, %not3A_338 : i32
    %and3A_340 = vector.broadcast %not3A_339 : i32 to vector<16xi32>
    %and3A_341 = arith.andi %get3A_334, %and3A_340 : vector<16xi32>
    %swap3A_342 = arith.constant 128 : index
    %swap3A_343 = tpu.vector_load %arg9[%swap3A_342] {strides = array<i32>} : memref<512xi32, #tpu.memory_space<vmem>>, vector<16xi32>,
    tpu.vector_store %arg9[%swap3A_342], %and3A_341 {strides = array<i32>} : memref<512xi32, #tpu.memory_space<vmem>>, vector<16xi32>,
    %not3A_344 = arith.constant 7 : i32
    %not3A_345 = arith.constant -1 : i32
    %not3A_346 = arith.xori %not3A_344, %not3A_345 : i32
    %and3A_347 = vector.broadcast %not3A_346 : i32 to vector<16xi32>
    %and3A_348 = arith.andi %get3A_336, %and3A_347 : vector<16xi32>
    %swap3A_349 = arith.constant 128 : index
    %swap3A_350 = tpu.vector_load %arg10[%swap3A_349] {strides = array<i32>} : memref<512xi32, #tpu.memory_space<vmem>>, vector<16xi32>,
    tpu.vector_store %arg10[%swap3A_349], %and3A_348 {strides = array<i32>} : memref<512xi32, #tpu.memory_space<vmem>>, vector<16xi32>,
    %and3A_351 = arith.constant 7 : i32
    %and3A_352 = vector.broadcast %and3A_351 : i32 to vector<16xi32>
    %and3A_353 = arith.andi %get3A_334, %and3A_352 : vector<16xi32>
    %swap3A_354 = arith.constant 128 : index
    %swap3A_355 = tpu.vector_load %arg7[%swap3A_354] {strides = array<i32>} : memref<512xi32, #tpu.memory_space<vmem>>, vector<16xi32>,
    tpu.vector_store %arg7[%swap3A_354], %and3A_353 {strides = array<i32>} : memref<512xi32, #tpu.memory_space<vmem>>, vector<16xi32>,
    %and3A_356 = arith.constant 7 : i32
    %and3A_357 = vector.broadcast %and3A_356 : i32 to vector<16xi32>
    %and3A_358 = arith.andi %get3A_336, %and3A_357 : vector<16xi32>
    %swap3A_359 = arith.constant 128 : index
    %swap3A_360 = tpu.vector_load %arg8[%swap3A_359] {strides = array<i32>} : memref<512xi32, #tpu.memory_space<vmem>>, vector<16xi32>,
    tpu.vector_store %arg8[%swap3A_359], %and3A_358 {strides = array<i32>} : memref<512xi32, #tpu.memory_space<vmem>>, vector<16xi32>,
    %get3A_361 = arith.constant 144 : index
    %get3A_362 = tpu.vector_load %arg7[%get3A_361] {strides = array<i32>} : memref<512xi32, #tpu.memory_space<vmem>>, vector<16xi32>,
    %get3A_363 = arith.constant 144 : index
    %get3A_364 = tpu.vector_load %arg8[%get3A_363] {strides = array<i32>} : memref<512xi32, #tpu.memory_space<vmem>>, vector<16xi32>,
    %not3A_365 = arith.constant 7 : i32
    %not3A_366 = arith.constant -1 : i32
    %not3A_367 = arith.xori %not3A_365, %not3A_366 : i32
    %and3A_368 = vector.broadcast %not3A_367 : i32 to vector<16xi32>
    %and3A_369 = arith.andi %get3A_362, %and3A_368 : vector<16xi32>
    %swap3A_370 = arith.constant 144 : index
    %swap3A_371 = tpu.vector_load %arg9[%swap3A_370] {strides = array<i32>} : memref<512xi32, #tpu.memory_space<vmem>>, vector<16xi32>,
    tpu.vector_store %arg9[%swap3A_370], %and3A_369 {strides = array<i32>} : memref<512xi32, #tpu.memory_space<vmem>>, vector<16xi32>,
    %not3A_372 = arith.constant 7 : i32
    %not3A_373 = arith.constant -1 : i32
    %not3A_374 = arith.xori %not3A_372, %not3A_373 : i32
    %and3A_375 = vector.broadcast %not3A_374 : i32 to vector<16xi32>
    %and3A_376 = arith.andi %get3A_364, %and3A_375 : vector<16xi32>
    %swap3A_377 = arith.constant 144 : index
    %swap3A_378 = tpu.vector_load %arg10[%swap3A_377] {strides = array<i32>} : memref<512xi32, #tpu.memory_space<vmem>>, vector<16xi32>,
    tpu.vector_store %arg10[%swap3A_377], %and3A_376 {strides = array<i32>} : memref<512xi32, #tpu.memory_space<vmem>>, vector<16xi32>,
    %and3A_379 = arith.constant 7 : i32
    %and3A_380 = vector.broadcast %and3A_379 : i32 to vector<16xi32>
    %and3A_381 = arith.andi %get3A_362, %and3A_380 : vector<16xi32>
    %swap3A_382 = arith.constant 144 : index
    %swap3A_383 = tpu.vector_load %arg7[%swap3A_382] {strides = array<i32>} : memref<512xi32, #tpu.memory_space<vmem>>, vector<16xi32>,
    tpu.vector_store %arg7[%swap3A_382], %and3A_381 {strides = array<i32>} : memref<512xi32, #tpu.memory_space<vmem>>, vector<16xi32>,
    %and3A_384 = arith.constant 7 : i32
    %and3A_385 = vector.broadcast %and3A_384 : i32 to vector<16xi32>
    %and3A_386 = arith.andi %get3A_364, %and3A_385 : vector<16xi32>
    %swap3A_387 = arith.constant 144 : index
    %swap3A_388 = tpu.vector_load %arg8[%swap3A_387] {strides = array<i32>} : memref<512xi32, #tpu.memory_space<vmem>>, vector<16xi32>,
    tpu.vector_store %arg8[%swap3A_387], %and3A_386 {strides = array<i32>} : memref<512xi32, #tpu.memory_space<vmem>>, vector<16xi32>,
    %get3A_389 = arith.constant 160 : index
    %get3A_390 = tpu.vector_load %arg7[%get3A_389] {strides = array<i32>} : memref<512xi32, #tpu.memory_space<vmem>>, vector<16xi32>,
    %get3A_391 = arith.constant 160 : index
    %get3A_392 = tpu.vector_load %arg8[%get3A_391] {strides = array<i32>} : memref<512xi32, #tpu.memory_space<vmem>>, vector<16xi32>,
    %not3A_393 = arith.constant 7 : i32
    %not3A_394 = arith.constant -1 : i32
    %not3A_395 = arith.xori %not3A_393, %not3A_394 : i32
    %and3A_396 = vector.broadcast %not3A_395 : i32 to vector<16xi32>
    %and3A_397 = arith.andi %get3A_390, %and3A_396 : vector<16xi32>
    %swap3A_398 = arith.constant 160 : index
    %swap3A_399 = tpu.vector_load %arg9[%swap3A_398] {strides = array<i32>} : memref<512xi32, #tpu.memory_space<vmem>>, vector<16xi32>,
    tpu.vector_store %arg9[%swap3A_398], %and3A_397 {strides = array<i32>} : memref<512xi32, #tpu.memory_space<vmem>>, vector<16xi32>,
    %not3A_400 = arith.constant 7 : i32
    %not3A_401 = arith.constant -1 : i32
    %not3A_402 = arith.xori %not3A_400, %not3A_401 : i32
    %and3A_403 = vector.broadcast %not3A_402 : i32 to vector<16xi32>
    %and3A_404 = arith.andi %get3A_392, %and3A_403 : vector<16xi32>
    %swap3A_405 = arith.constant 160 : index
    %swap3A_406 = tpu.vector_load %arg10[%swap3A_405] {strides = array<i32>} : memref<512xi32, #tpu.memory_space<vmem>>, vector<16xi32>,
    tpu.vector_store %arg10[%swap3A_405], %and3A_404 {strides = array<i32>} : memref<512xi32, #tpu.memory_space<vmem>>, vector<16xi32>,
    %and3A_407 = arith.constant 7 : i32
    %and3A_408 = vector.broadcast %and3A_407 : i32 to vector<16xi32>
    %and3A_409 = arith.andi %get3A_390, %and3A_408 : vector<16xi32>
    %swap3A_410 = arith.constant 160 : index
    %swap3A_411 = tpu.vector_load %arg7[%swap3A_410] {strides = array<i32>} : memref<512xi32, #tpu.memory_space<vmem>>, vector<16xi32>,
    tpu.vector_store %arg7[%swap3A_410], %and3A_409 {strides = array<i32>} : memref<512xi32, #tpu.memory_space<vmem>>, vector<16xi32>,
    %and3A_412 = arith.constant 7 : i32
    %and3A_413 = vector.broadcast %and3A_412 : i32 to vector<16xi32>
    %and3A_414 = arith.andi %get3A_392, %and3A_413 : vector<16xi32>
    %swap3A_415 = arith.constant 160 : index
    %swap3A_416 = tpu.vector_load %arg8[%swap3A_415] {strides = array<i32>} : memref<512xi32, #tpu.memory_space<vmem>>, vector<16xi32>,
    tpu.vector_store %arg8[%swap3A_415], %and3A_414 {strides = array<i32>} : memref<512xi32, #tpu.memory_space<vmem>>, vector<16xi32>,
    %get3A_417 = arith.constant 176 : index
    %get3A_418 = tpu.vector_load %arg7[%get3A_417] {strides = array<i32>} : memref<512xi32, #tpu.memory_space<vmem>>, vector<16xi32>,
    %get3A_419 = arith.constant 176 : index
    %get3A_420 = tpu.vector_load %arg8[%get3A_419] {strides = array<i32>} : memref<512xi32, #tpu.memory_space<vmem>>, vector<16xi32>,
    %not3A_421 = arith.constant 7 : i32
    %not3A_422 = arith.constant -1 : i32
    %not3A_423 = arith.xori %not3A_421, %not3A_422 : i32
    %and3A_424 = vector.broadcast %not3A_423 : i32 to vector<16xi32>
    %and3A_425 = arith.andi %get3A_418, %and3A_424 : vector<16xi32>
    %swap3A_426 = arith.constant 176 : index
    %swap3A_427 = tpu.vector_load %arg9[%swap3A_426] {strides = array<i32>} : memref<512xi32, #tpu.memory_space<vmem>>, vector<16xi32>,
    tpu.vector_store %arg9[%swap3A_426], %and3A_425 {strides = array<i32>} : memref<512xi32, #tpu.memory_space<vmem>>, vector<16xi32>,
    %not3A_428 = arith.constant 7 : i32
    %not3A_429 = arith.constant -1 : i32
    %not3A_430 = arith.xori %not3A_428, %not3A_429 : i32
    %and3A_431 = vector.broadcast %not3A_430 : i32 to vector<16xi32>
    %and3A_432 = arith.andi %get3A_420, %and3A_431 : vector<16xi32>
    %swap3A_433 = arith.constant 176 : index
    %swap3A_434 = tpu.vector_load %arg10[%swap3A_433] {strides = array<i32>} : memref<512xi32, #tpu.memory_space<vmem>>, vector<16xi32>,
    tpu.vector_store %arg10[%swap3A_433], %and3A_432 {strides = array<i32>} : memref<512xi32, #tpu.memory_space<vmem>>, vector<16xi32>,
    %and3A_435 = arith.constant 7 : i32
    %and3A_436 = vector.broadcast %and3A_435 : i32 to vector<16xi32>
    %and3A_437 = arith.andi %get3A_418, %and3A_436 : vector<16xi32>
    %swap3A_438 = arith.constant 176 : index
    %swap3A_439 = tpu.vector_load %arg7[%swap3A_438] {strides = array<i32>} : memref<512xi32, #tpu.memory_space<vmem>>, vector<16xi32>,
    tpu.vector_store %arg7[%swap3A_438], %and3A_437 {strides = array<i32>} : memref<512xi32, #tpu.memory_space<vmem>>, vector<16xi32>,
    %and3A_440 = arith.constant 7 : i32
    %and3A_441 = vector.broadcast %and3A_440 : i32 to vector<16xi32>
    %and3A_442 = arith.andi %get3A_420, %and3A_441 : vector<16xi32>
    %swap3A_443 = arith.constant 176 : index
    %swap3A_444 = tpu.vector_load %arg8[%swap3A_443] {strides = array<i32>} : memref<512xi32, #tpu.memory_space<vmem>>, vector<16xi32>,
    tpu.vector_store %arg8[%swap3A_443], %and3A_442 {strides = array<i32>} : memref<512xi32, #tpu.memory_space<vmem>>, vector<16xi32>,
    %get3A_445 = arith.constant 192 : index
    %get3A_446 = tpu.vector_load %arg7[%get3A_445] {strides = array<i32>} : memref<512xi32, #tpu.memory_space<vmem>>, vector<16xi32>,
    %get3A_447 = arith.constant 192 : index
    %get3A_448 = tpu.vector_load %arg8[%get3A_447] {strides = array<i32>} : memref<512xi32, #tpu.memory_space<vmem>>, vector<16xi32>,
    %not3A_449 = arith.constant 7 : i32
    %not3A_450 = arith.constant -1 : i32
    %not3A_451 = arith.xori %not3A_449, %not3A_450 : i32
    %and3A_452 = vector.broadcast %not3A_451 : i32 to vector<16xi32>
    %and3A_453 = arith.andi %get3A_446, %and3A_452 : vector<16xi32>
    %swap3A_454 = arith.constant 192 : index
    %swap3A_455 = tpu.vector_load %arg9[%swap3A_454] {strides = array<i32>} : memref<512xi32, #tpu.memory_space<vmem>>, vector<16xi32>,
    tpu.vector_store %arg9[%swap3A_454], %and3A_453 {strides = array<i32>} : memref<512xi32, #tpu.memory_space<vmem>>, vector<16xi32>,
    %not3A_456 = arith.constant 7 : i32
    %not3A_457 = arith.constant -1 : i32
    %not3A_458 = arith.xori %not3A_456, %not3A_457 : i32
    %and3A_459 = vector.broadcast %not3A_458 : i32 to vector<16xi32>
    %and3A_460 = arith.andi %get3A_448, %and3A_459 : vector<16xi32>
    %swap3A_461 = arith.constant 192 : index
    %swap3A_462 = tpu.vector_load %arg10[%swap3A_461] {strides = array<i32>} : memref<512xi32, #tpu.memory_space<vmem>>, vector<16xi32>,
    tpu.vector_store %arg10[%swap3A_461], %and3A_460 {strides = array<i32>} : memref<512xi32, #tpu.memory_space<vmem>>, vector<16xi32>,
    %and3A_463 = arith.constant 7 : i32
    %and3A_464 = vector.broadcast %and3A_463 : i32 to vector<16xi32>
    %and3A_465 = arith.andi %get3A_446, %and3A_464 : vector<16xi32>
    %swap3A_466 = arith.constant 192 : index
    %swap3A_467 = tpu.vector_load %arg7[%swap3A_466] {strides = array<i32>} : memref<512xi32, #tpu.memory_space<vmem>>, vector<16xi32>,
    tpu.vector_store %arg7[%swap3A_466], %and3A_465 {strides = array<i32>} : memref<512xi32, #tpu.memory_space<vmem>>, vector<16xi32>,
    %and3A_468 = arith.constant 7 : i32
    %and3A_469 = vector.broadcast %and3A_468 : i32 to vector<16xi32>
    %and3A_470 = arith.andi %get3A_448, %and3A_469 : vector<16xi32>
    %swap3A_471 = arith.constant 192 : index
    %swap3A_472 = tpu.vector_load %arg8[%swap3A_471] {strides = array<i32>} : memref<512xi32, #tpu.memory_space<vmem>>, vector<16xi32>,
    tpu.vector_store %arg8[%swap3A_471], %and3A_470 {strides = array<i32>} : memref<512xi32, #tpu.memory_space<vmem>>, vector<16xi32>,
    %get3A_473 = arith.constant 208 : index
    %get3A_474 = tpu.vector_load %arg7[%get3A_473] {strides = array<i32>} : memref<512xi32, #tpu.memory_space<vmem>>, vector<16xi32>,
    %get3A_475 = arith.constant 208 : index
    %get3A_476 = tpu.vector_load %arg8[%get3A_475] {strides = array<i32>} : memref<512xi32, #tpu.memory_space<vmem>>, vector<16xi32>,
    %not3A_477 = arith.constant 7 : i32
    %not3A_478 = arith.constant -1 : i32
    %not3A_479 = arith.xori %not3A_477, %not3A_478 : i32
    %and3A_480 = vector.broadcast %not3A_479 : i32 to vector<16xi32>
    %and3A_481 = arith.andi %get3A_474, %and3A_480 : vector<16xi32>
    %swap3A_482 = arith.constant 208 : index
    %swap3A_483 = tpu.vector_load %arg9[%swap3A_482] {strides = array<i32>} : memref<512xi32, #tpu.memory_space<vmem>>, vector<16xi32>,
    tpu.vector_store %arg9[%swap3A_482], %and3A_481 {strides = array<i32>} : memref<512xi32, #tpu.memory_space<vmem>>, vector<16xi32>,
    %not3A_484 = arith.constant 7 : i32
    %not3A_485 = arith.constant -1 : i32
    %not3A_486 = arith.xori %not3A_484, %not3A_485 : i32
    %and3A_487 = vector.broadcast %not3A_486 : i32 to vector<16xi32>
    %and3A_488 = arith.andi %get3A_476, %and3A_487 : vector<16xi32>
    %swap3A_489 = arith.constant 208 : index
    %swap3A_490 = tpu.vector_load %arg10[%swap3A_489] {strides = array<i32>} : memref<512xi32, #tpu.memory_space<vmem>>, vector<16xi32>,
    tpu.vector_store %arg10[%swap3A_489], %and3A_488 {strides = array<i32>} : memref<512xi32, #tpu.memory_space<vmem>>, vector<16xi32>,
    %and3A_491 = arith.constant 7 : i32
    %and3A_492 = vector.broadcast %and3A_491 : i32 to vector<16xi32>
    %and3A_493 = arith.andi %get3A_474, %and3A_492 : vector<16xi32>
    %swap3A_494 = arith.constant 208 : index
    %swap3A_495 = tpu.vector_load %arg7[%swap3A_494] {strides = array<i32>} : memref<512xi32, #tpu.memory_space<vmem>>, vector<16xi32>,
    tpu.vector_store %arg7[%swap3A_494], %and3A_493 {strides = array<i32>} : memref<512xi32, #tpu.memory_space<vmem>>, vector<16xi32>,
    %and3A_496 = arith.constant 7 : i32
    %and3A_497 = vector.broadcast %and3A_496 : i32 to vector<16xi32>
    %and3A_498 = arith.andi %get3A_476, %and3A_497 : vector<16xi32>
    %swap3A_499 = arith.constant 208 : index
    %swap3A_500 = tpu.vector_load %arg8[%swap3A_499] {strides = array<i32>} : memref<512xi32, #tpu.memory_space<vmem>>, vector<16xi32>,
    tpu.vector_store %arg8[%swap3A_499], %and3A_498 {strides = array<i32>} : memref<512xi32, #tpu.memory_space<vmem>>, vector<16xi32>,
    %get3A_501 = arith.constant 224 : index
    %get3A_502 = tpu.vector_load %arg7[%get3A_501] {strides = array<i32>} : memref<512xi32, #tpu.memory_space<vmem>>, vector<16xi32>,
    %get3A_503 = arith.constant 224 : index
    %get3A_504 = tpu.vector_load %arg8[%get3A_503] {strides = array<i32>} : memref<512xi32, #tpu.memory_space<vmem>>, vector<16xi32>,
    %not3A_505 = arith.constant 7 : i32
    %not3A_506 = arith.constant -1 : i32
    %not3A_507 = arith.xori %not3A_505, %not3A_506 : i32
    %and3A_508 = vector.broadcast %not3A_507 : i32 to vector<16xi32>
    %and3A_509 = arith.andi %get3A_502, %and3A_508 : vector<16xi32>
    %swap3A_510 = arith.constant 224 : index
    %swap3A_511 = tpu.vector_load %arg9[%swap3A_510] {strides = array<i32>} : memref<512xi32, #tpu.memory_space<vmem>>, vector<16xi32>,
    tpu.vector_store %arg9[%swap3A_510], %and3A_509 {strides = array<i32>} : memref<512xi32, #tpu.memory_space<vmem>>, vector<16xi32>,
    %not3A_512 = arith.constant 7 : i32
    %not3A_513 = arith.constant -1 : i32
    %not3A_514 = arith.xori %not3A_512, %not3A_513 : i32
    %and3A_515 = vector.broadcast %not3A_514 : i32 to vector<16xi32>
    %and3A_516 = arith.andi %get3A_504, %and3A_515 : vector<16xi32>
    %swap3A_517 = arith.constant 224 : index
    %swap3A_518 = tpu.vector_load %arg10[%swap3A_517] {strides = array<i32>} : memref<512xi32, #tpu.memory_space<vmem>>, vector<16xi32>,
    tpu.vector_store %arg10[%swap3A_517], %and3A_516 {strides = array<i32>} : memref<512xi32, #tpu.memory_space<vmem>>, vector<16xi32>,
    %and3A_519 = arith.constant 7 : i32
    %and3A_520 = vector.broadcast %and3A_519 : i32 to vector<16xi32>
    %and3A_521 = arith.andi %get3A_502, %and3A_520 : vector<16xi32>
    %swap3A_522 = arith.constant 224 : index
    %swap3A_523 = tpu.vector_load %arg7[%swap3A_522] {strides = array<i32>} : memref<512xi32, #tpu.memory_space<vmem>>, vector<16xi32>,
    tpu.vector_store %arg7[%swap3A_522], %and3A_521 {strides = array<i32>} : memref<512xi32, #tpu.memory_space<vmem>>, vector<16xi32>,
    %and3A_524 = arith.constant 7 : i32
    %and3A_525 = vector.broadcast %and3A_524 : i32 to vector<16xi32>
    %and3A_526 = arith.andi %get3A_504, %and3A_525 : vector<16xi32>
    %swap3A_527 = arith.constant 224 : index
    %swap3A_528 = tpu.vector_load %arg8[%swap3A_527] {strides = array<i32>} : memref<512xi32, #tpu.memory_space<vmem>>, vector<16xi32>,
    tpu.vector_store %arg8[%swap3A_527], %and3A_526 {strides = array<i32>} : memref<512xi32, #tpu.memory_space<vmem>>, vector<16xi32>,
    %get3A_529 = arith.constant 240 : index
    %get3A_530 = tpu.vector_load %arg7[%get3A_529] {strides = array<i32>} : memref<512xi32, #tpu.memory_space<vmem>>, vector<16xi32>,
    %get3A_531 = arith.constant 240 : index
    %get3A_532 = tpu.vector_load %arg8[%get3A_531] {strides = array<i32>} : memref<512xi32, #tpu.memory_space<vmem>>, vector<16xi32>,
    %not3A_533 = arith.constant 7 : i32
    %not3A_534 = arith.constant -1 : i32
    %not3A_535 = arith.xori %not3A_533, %not3A_534 : i32
    %and3A_536 = vector.broadcast %not3A_535 : i32 to vector<16xi32>
    %and3A_537 = arith.andi %get3A_530, %and3A_536 : vector<16xi32>
    %swap3A_538 = arith.constant 240 : index
    %swap3A_539 = tpu.vector_load %arg9[%swap3A_538] {strides = array<i32>} : memref<512xi32, #tpu.memory_space<vmem>>, vector<16xi32>,
    tpu.vector_store %arg9[%swap3A_538], %and3A_537 {strides = array<i32>} : memref<512xi32, #tpu.memory_space<vmem>>, vector<16xi32>,
    %not3A_540 = arith.constant 7 : i32
    %not3A_541 = arith.constant -1 : i32
    %not3A_542 = arith.xori %not3A_540, %not3A_541 : i32
    %and3A_543 = vector.broadcast %not3A_542 : i32 to vector<16xi32>
    %and3A_544 = arith.andi %get3A_532, %and3A_543 : vector<16xi32>
    %swap3A_545 = arith.constant 240 : index
    %swap3A_546 = tpu.vector_load %arg10[%swap3A_545] {strides = array<i32>} : memref<512xi32, #tpu.memory_space<vmem>>, vector<16xi32>,
    tpu.vector_store %arg10[%swap3A_545], %and3A_544 {strides = array<i32>} : memref<512xi32, #tpu.memory_space<vmem>>, vector<16xi32>,
    %and3A_547 = arith.constant 7 : i32
    %and3A_548 = vector.broadcast %and3A_547 : i32 to vector<16xi32>
    %and3A_549 = arith.andi %get3A_530, %and3A_548 : vector<16xi32>
    %swap3A_550 = arith.constant 240 : index
    %swap3A_551 = tpu.vector_load %arg7[%swap3A_550] {strides = array<i32>} : memref<512xi32, #tpu.memory_space<vmem>>, vector<16xi32>,
    tpu.vector_store %arg7[%swap3A_550], %and3A_549 {strides = array<i32>} : memref<512xi32, #tpu.memory_space<vmem>>, vector<16xi32>,
    %and3A_552 = arith.constant 7 : i32
    %and3A_553 = vector.broadcast %and3A_552 : i32 to vector<16xi32>
    %and3A_554 = arith.andi %get3A_532, %and3A_553 : vector<16xi32>
    %swap3A_555 = arith.constant 240 : index
    %swap3A_556 = tpu.vector_load %arg8[%swap3A_555] {strides = array<i32>} : memref<512xi32, #tpu.memory_space<vmem>>, vector<16xi32>,
    tpu.vector_store %arg8[%swap3A_555], %and3A_554 {strides = array<i32>} : memref<512xi32, #tpu.memory_space<vmem>>, vector<16xi32>,
    %get3A_557 = arith.constant 256 : index
    %get3A_558 = tpu.vector_load %arg7[%get3A_557] {strides = array<i32>} : memref<512xi32, #tpu.memory_space<vmem>>, vector<16xi32>,
    %get3A_559 = arith.constant 256 : index
    %get3A_560 = tpu.vector_load %arg8[%get3A_559] {strides = array<i32>} : memref<512xi32, #tpu.memory_space<vmem>>, vector<16xi32>,
    %not3A_561 = arith.constant 7 : i32
    %not3A_562 = arith.constant -1 : i32
    %not3A_563 = arith.xori %not3A_561, %not3A_562 : i32
    %and3A_564 = vector.broadcast %not3A_563 : i32 to vector<16xi32>
    %and3A_565 = arith.andi %get3A_558, %and3A_564 : vector<16xi32>
    %swap3A_566 = arith.constant 256 : index
    %swap3A_567 = tpu.vector_load %arg9[%swap3A_566] {strides = array<i32>} : memref<512xi32, #tpu.memory_space<vmem>>, vector<16xi32>,
    tpu.vector_store %arg9[%swap3A_566], %and3A_565 {strides = array<i32>} : memref<512xi32, #tpu.memory_space<vmem>>, vector<16xi32>,
    %not3A_568 = arith.constant 7 : i32
    %not3A_569 = arith.constant -1 : i32
    %not3A_570 = arith.xori %not3A_568, %not3A_569 : i32
    %and3A_571 = vector.broadcast %not3A_570 : i32 to vector<16xi32>
    %and3A_572 = arith.andi %get3A_560, %and3A_571 : vector<16xi32>
    %swap3A_573 = arith.constant 256 : index
    %swap3A_574 = tpu.vector_load %arg10[%swap3A_573] {strides = array<i32>} : memref<512xi32, #tpu.memory_space<vmem>>, vector<16xi32>,
    tpu.vector_store %arg10[%swap3A_573], %and3A_572 {strides = array<i32>} : memref<512xi32, #tpu.memory_space<vmem>>, vector<16xi32>,
    %and3A_575 = arith.constant 7 : i32
    %and3A_576 = vector.broadcast %and3A_575 : i32 to vector<16xi32>
    %and3A_577 = arith.andi %get3A_558, %and3A_576 : vector<16xi32>
    %swap3A_578 = arith.constant 256 : index
    %swap3A_579 = tpu.vector_load %arg7[%swap3A_578] {strides = array<i32>} : memref<512xi32, #tpu.memory_space<vmem>>, vector<16xi32>,
    tpu.vector_store %arg7[%swap3A_578], %and3A_577 {strides = array<i32>} : memref<512xi32, #tpu.memory_space<vmem>>, vector<16xi32>,
    %and3A_580 = arith.constant 7 : i32
    %and3A_581 = vector.broadcast %and3A_580 : i32 to vector<16xi32>
    %and3A_582 = arith.andi %get3A_560, %and3A_581 : vector<16xi32>
    %swap3A_583 = arith.constant 256 : index
    %swap3A_584 = tpu.vector_load %arg8[%swap3A_583] {strides = array<i32>} : memref<512xi32, #tpu.memory_space<vmem>>, vector<16xi32>,
    tpu.vector_store %arg8[%swap3A_583], %and3A_582 {strides = array<i32>} : memref<512xi32, #tpu.memory_space<vmem>>, vector<16xi32>,
    %get3A_585 = arith.constant 272 : index
    %get3A_586 = tpu.vector_load %arg7[%get3A_585] {strides = array<i32>} : memref<512xi32, #tpu.memory_space<vmem>>, vector<16xi32>,
    %get3A_587 = arith.constant 272 : index
    %get3A_588 = tpu.vector_load %arg8[%get3A_587] {strides = array<i32>} : memref<512xi32, #tpu.memory_space<vmem>>, vector<16xi32>,
    %not3A_589 = arith.constant 7 : i32
    %not3A_590 = arith.constant -1 : i32
    %not3A_591 = arith.xori %not3A_589, %not3A_590 : i32
    %and3A_592 = vector.broadcast %not3A_591 : i32 to vector<16xi32>
    %and3A_593 = arith.andi %get3A_586, %and3A_592 : vector<16xi32>
    %swap3A_594 = arith.constant 272 : index
    %swap3A_595 = tpu.vector_load %arg9[%swap3A_594] {strides = array<i32>} : memref<512xi32, #tpu.memory_space<vmem>>, vector<16xi32>,
    tpu.vector_store %arg9[%swap3A_594], %and3A_593 {strides = array<i32>} : memref<512xi32, #tpu.memory_space<vmem>>, vector<16xi32>,
    %not3A_596 = arith.constant 7 : i32
    %not3A_597 = arith.constant -1 : i32
    %not3A_598 = arith.xori %not3A_596, %not3A_597 : i32
    %and3A_599 = vector.broadcast %not3A_598 : i32 to vector<16xi32>
    %and3A_600 = arith.andi %get3A_588, %and3A_599 : vector<16xi32>
    %swap3A_601 = arith.constant 272 : index
    %swap3A_602 = tpu.vector_load %arg10[%swap3A_601] {strides = array<i32>} : memref<512xi32, #tpu.memory_space<vmem>>, vector<16xi32>,
    tpu.vector_store %arg10[%swap3A_601], %and3A_600 {strides = array<i32>} : memref<512xi32, #tpu.memory_space<vmem>>, vector<16xi32>,
    %and3A_603 = arith.constant 7 : i32
    %and3A_604 = vector.broadcast %and3A_603 : i32 to vector<16xi32>
    %and3A_605 = arith.andi %get3A_586, %and3A_604 : vector<16xi32>
    %swap3A_606 = arith.constant 272 : index
    %swap3A_607 = tpu.vector_load %arg7[%swap3A_606] {strides = array<i32>} : memref<512xi32, #tpu.memory_space<vmem>>, vector<16xi32>,
    tpu.vector_store %arg7[%swap3A_606], %and3A_605 {strides = array<i32>} : memref<512xi32, #tpu.memory_space<vmem>>, vector<16xi32>,
    %and3A_608 = arith.constant 7 : i32
    %and3A_609 = vector.broadcast %and3A_608 : i32 to vector<16xi32>
    %and3A_610 = arith.andi %get3A_588, %and3A_609 : vector<16xi32>
    %swap3A_611 = arith.constant 272 : index
    %swap3A_612 = tpu.vector_load %arg8[%swap3A_611] {strides = array<i32>} : memref<512xi32, #tpu.memory_space<vmem>>, vector<16xi32>,
    tpu.vector_store %arg8[%swap3A_611], %and3A_610 {strides = array<i32>} : memref<512xi32, #tpu.memory_space<vmem>>, vector<16xi32>,
    %get3A_613 = arith.constant 288 : index
    %get3A_614 = tpu.vector_load %arg7[%get3A_613] {strides = array<i32>} : memref<512xi32, #tpu.memory_space<vmem>>, vector<16xi32>,
    %get3A_615 = arith.constant 288 : index
    %get3A_616 = tpu.vector_load %arg8[%get3A_615] {strides = array<i32>} : memref<512xi32, #tpu.memory_space<vmem>>, vector<16xi32>,
    %not3A_617 = arith.constant 7 : i32
    %not3A_618 = arith.constant -1 : i32
    %not3A_619 = arith.xori %not3A_617, %not3A_618 : i32
    %and3A_620 = vector.broadcast %not3A_619 : i32 to vector<16xi32>
    %and3A_621 = arith.andi %get3A_614, %and3A_620 : vector<16xi32>
    %swap3A_622 = arith.constant 288 : index
    %swap3A_623 = tpu.vector_load %arg9[%swap3A_622] {strides = array<i32>} : memref<512xi32, #tpu.memory_space<vmem>>, vector<16xi32>,
    tpu.vector_store %arg9[%swap3A_622], %and3A_621 {strides = array<i32>} : memref<512xi32, #tpu.memory_space<vmem>>, vector<16xi32>,
    %not3A_624 = arith.constant 7 : i32
    %not3A_625 = arith.constant -1 : i32
    %not3A_626 = arith.xori %not3A_624, %not3A_625 : i32
    %and3A_627 = vector.broadcast %not3A_626 : i32 to vector<16xi32>
    %and3A_628 = arith.andi %get3A_616, %and3A_627 : vector<16xi32>
    %swap3A_629 = arith.constant 288 : index
    %swap3A_630 = tpu.vector_load %arg10[%swap3A_629] {strides = array<i32>} : memref<512xi32, #tpu.memory_space<vmem>>, vector<16xi32>,
    tpu.vector_store %arg10[%swap3A_629], %and3A_628 {strides = array<i32>} : memref<512xi32, #tpu.memory_space<vmem>>, vector<16xi32>,
    %and3A_631 = arith.constant 7 : i32
    %and3A_632 = vector.broadcast %and3A_631 : i32 to vector<16xi32>
    %and3A_633 = arith.andi %get3A_614, %and3A_632 : vector<16xi32>
    %swap3A_634 = arith.constant 288 : index
    %swap3A_635 = tpu.vector_load %arg7[%swap3A_634] {strides = array<i32>} : memref<512xi32, #tpu.memory_space<vmem>>, vector<16xi32>,
    tpu.vector_store %arg7[%swap3A_634], %and3A_633 {strides = array<i32>} : memref<512xi32, #tpu.memory_space<vmem>>, vector<16xi32>,
    %and3A_636 = arith.constant 7 : i32
    %and3A_637 = vector.broadcast %and3A_636 : i32 to vector<16xi32>
    %and3A_638 = arith.andi %get3A_616, %and3A_637 : vector<16xi32>
    %swap3A_639 = arith.constant 288 : index
    %swap3A_640 = tpu.vector_load %arg8[%swap3A_639] {strides = array<i32>} : memref<512xi32, #tpu.memory_space<vmem>>, vector<16xi32>,
    tpu.vector_store %arg8[%swap3A_639], %and3A_638 {strides = array<i32>} : memref<512xi32, #tpu.memory_space<vmem>>, vector<16xi32>,
    %get3A_641 = arith.constant 304 : index
    %get3A_642 = tpu.vector_load %arg7[%get3A_641] {strides = array<i32>} : memref<512xi32, #tpu.memory_space<vmem>>, vector<16xi32>,
    %get3A_643 = arith.constant 304 : index
    %get3A_644 = tpu.vector_load %arg8[%get3A_643] {strides = array<i32>} : memref<512xi32, #tpu.memory_space<vmem>>, vector<16xi32>,
    %not3A_645 = arith.constant 7 : i32
    %not3A_646 = arith.constant -1 : i32
    %not3A_647 = arith.xori %not3A_645, %not3A_646 : i32
    %and3A_648 = vector.broadcast %not3A_647 : i32 to vector<16xi32>
    %and3A_649 = arith.andi %get3A_642, %and3A_648 : vector<16xi32>
    %swap3A_650 = arith.constant 304 : index
    %swap3A_651 = tpu.vector_load %arg9[%swap3A_650] {strides = array<i32>} : memref<512xi32, #tpu.memory_space<vmem>>, vector<16xi32>,
    tpu.vector_store %arg9[%swap3A_650], %and3A_649 {strides = array<i32>} : memref<512xi32, #tpu.memory_space<vmem>>, vector<16xi32>,
    %not3A_652 = arith.constant 7 : i32
    %not3A_653 = arith.constant -1 : i32
    %not3A_654 = arith.xori %not3A_652, %not3A_653 : i32
    %and3A_655 = vector.broadcast %not3A_654 : i32 to vector<16xi32>
    %and3A_656 = arith.andi %get3A_644, %and3A_655 : vector<16xi32>
    %swap3A_657 = arith.constant 304 : index
    %swap3A_658 = tpu.vector_load %arg10[%swap3A_657] {strides = array<i32>} : memref<512xi32, #tpu.memory_space<vmem>>, vector<16xi32>,
    tpu.vector_store %arg10[%swap3A_657], %and3A_656 {strides = array<i32>} : memref<512xi32, #tpu.memory_space<vmem>>, vector<16xi32>,
    %and3A_659 = arith.constant 7 : i32
    %and3A_660 = vector.broadcast %and3A_659 : i32 to vector<16xi32>
    %and3A_661 = arith.andi %get3A_642, %and3A_660 : vector<16xi32>
    %swap3A_662 = arith.constant 304 : index
    %swap3A_663 = tpu.vector_load %arg7[%swap3A_662] {strides = array<i32>} : memref<512xi32, #tpu.memory_space<vmem>>, vector<16xi32>,
    tpu.vector_store %arg7[%swap3A_662], %and3A_661 {strides = array<i32>} : memref<512xi32, #tpu.memory_space<vmem>>, vector<16xi32>,
    %and3A_664 = arith.constant 7 : i32
    %and3A_665 = vector.broadcast %and3A_664 : i32 to vector<16xi32>
    %and3A_666 = arith.andi %get3A_644, %and3A_665 : vector<16xi32>
    %swap3A_667 = arith.constant 304 : index
    %swap3A_668 = tpu.vector_load %arg8[%swap3A_667] {strides = array<i32>} : memref<512xi32, #tpu.memory_space<vmem>>, vector<16xi32>,
    tpu.vector_store %arg8[%swap3A_667], %and3A_666 {strides = array<i32>} : memref<512xi32, #tpu.memory_space<vmem>>, vector<16xi32>,
    %get3A_669 = arith.constant 320 : index
    %get3A_670 = tpu.vector_load %arg7[%get3A_669] {strides = array<i32>} : memref<512xi32, #tpu.memory_space<vmem>>, vector<16xi32>,
    %get3A_671 = arith.constant 320 : index
    %get3A_672 = tpu.vector_load %arg8[%get3A_671] {strides = array<i32>} : memref<512xi32, #tpu.memory_space<vmem>>, vector<16xi32>,
    %not3A_673 = arith.constant 7 : i32
    %not3A_674 = arith.constant -1 : i32
    %not3A_675 = arith.xori %not3A_673, %not3A_674 : i32
    %and3A_676 = vector.broadcast %not3A_675 : i32 to vector<16xi32>
    %and3A_677 = arith.andi %get3A_670, %and3A_676 : vector<16xi32>
    %swap3A_678 = arith.constant 320 : index
    %swap3A_679 = tpu.vector_load %arg9[%swap3A_678] {strides = array<i32>} : memref<512xi32, #tpu.memory_space<vmem>>, vector<16xi32>,
    tpu.vector_store %arg9[%swap3A_678], %and3A_677 {strides = array<i32>} : memref<512xi32, #tpu.memory_space<vmem>>, vector<16xi32>,
    %not3A_680 = arith.constant 7 : i32
    %not3A_681 = arith.constant -1 : i32
    %not3A_682 = arith.xori %not3A_680, %not3A_681 : i32
    %and3A_683 = vector.broadcast %not3A_682 : i32 to vector<16xi32>
    %and3A_684 = arith.andi %get3A_672, %and3A_683 : vector<16xi32>
    %swap3A_685 = arith.constant 320 : index
    %swap3A_686 = tpu.vector_load %arg10[%swap3A_685] {strides = array<i32>} : memref<512xi32, #tpu.memory_space<vmem>>, vector<16xi32>,
    tpu.vector_store %arg10[%swap3A_685], %and3A_684 {strides = array<i32>} : memref<512xi32, #tpu.memory_space<vmem>>, vector<16xi32>,
    %and3A_687 = arith.constant 7 : i32
    %and3A_688 = vector.broadcast %and3A_687 : i32 to vector<16xi32>
    %and3A_689 = arith.andi %get3A_670, %and3A_688 : vector<16xi32>
    %swap3A_690 = arith.constant 320 : index
    %swap3A_691 = tpu.vector_load %arg7[%swap3A_690] {strides = array<i32>} : memref<512xi32, #tpu.memory_space<vmem>>, vector<16xi32>,
    tpu.vector_store %arg7[%swap3A_690], %and3A_689 {strides = array<i32>} : memref<512xi32, #tpu.memory_space<vmem>>, vector<16xi32>,
    %and3A_692 = arith.constant 7 : i32
    %and3A_693 = vector.broadcast %and3A_692 : i32 to vector<16xi32>
    %and3A_694 = arith.andi %get3A_672, %and3A_693 : vector<16xi32>
    %swap3A_695 = arith.constant 320 : index
    %swap3A_696 = tpu.vector_load %arg8[%swap3A_695] {strides = array<i32>} : memref<512xi32, #tpu.memory_space<vmem>>, vector<16xi32>,
    tpu.vector_store %arg8[%swap3A_695], %and3A_694 {strides = array<i32>} : memref<512xi32, #tpu.memory_space<vmem>>, vector<16xi32>,
    %get3A_697 = arith.constant 336 : index
    %get3A_698 = tpu.vector_load %arg7[%get3A_697] {strides = array<i32>} : memref<512xi32, #tpu.memory_space<vmem>>, vector<16xi32>,
    %get3A_699 = arith.constant 336 : index
    %get3A_700 = tpu.vector_load %arg8[%get3A_699] {strides = array<i32>} : memref<512xi32, #tpu.memory_space<vmem>>, vector<16xi32>,
    %not3A_701 = arith.constant 7 : i32
    %not3A_702 = arith.constant -1 : i32
    %not3A_703 = arith.xori %not3A_701, %not3A_702 : i32
    %and3A_704 = vector.broadcast %not3A_703 : i32 to vector<16xi32>
    %and3A_705 = arith.andi %get3A_698, %and3A_704 : vector<16xi32>
    %swap3A_706 = arith.constant 336 : index
    %swap3A_707 = tpu.vector_load %arg9[%swap3A_706] {strides = array<i32>} : memref<512xi32, #tpu.memory_space<vmem>>, vector<16xi32>,
    tpu.vector_store %arg9[%swap3A_706], %and3A_705 {strides = array<i32>} : memref<512xi32, #tpu.memory_space<vmem>>, vector<16xi32>,
    %not3A_708 = arith.constant 7 : i32
    %not3A_709 = arith.constant -1 : i32
    %not3A_710 = arith.xori %not3A_708, %not3A_709 : i32
    %and3A_711 = vector.broadcast %not3A_710 : i32 to vector<16xi32>
    %and3A_712 = arith.andi %get3A_700, %and3A_711 : vector<16xi32>
    %swap3A_713 = arith.constant 336 : index
    %swap3A_714 = tpu.vector_load %arg10[%swap3A_713] {strides = array<i32>} : memref<512xi32, #tpu.memory_space<vmem>>, vector<16xi32>,
    tpu.vector_store %arg10[%swap3A_713], %and3A_712 {strides = array<i32>} : memref<512xi32, #tpu.memory_space<vmem>>, vector<16xi32>,
    %and3A_715 = arith.constant 7 : i32
    %and3A_716 = vector.broadcast %and3A_715 : i32 to vector<16xi32>
    %and3A_717 = arith.andi %get3A_698, %and3A_716 : vector<16xi32>
    %swap3A_718 = arith.constant 336 : index
    %swap3A_719 = tpu.vector_load %arg7[%swap3A_718] {strides = array<i32>} : memref<512xi32, #tpu.memory_space<vmem>>, vector<16xi32>,
    tpu.vector_store %arg7[%swap3A_718], %and3A_717 {strides = array<i32>} : memref<512xi32, #tpu.memory_space<vmem>>, vector<16xi32>,
    %and3A_720 = arith.constant 7 : i32
    %and3A_721 = vector.broadcast %and3A_720 : i32 to vector<16xi32>
    %and3A_722 = arith.andi %get3A_700, %and3A_721 : vector<16xi32>
    %swap3A_723 = arith.constant 336 : index
    %swap3A_724 = tpu.vector_load %arg8[%swap3A_723] {strides = array<i32>} : memref<512xi32, #tpu.memory_space<vmem>>, vector<16xi32>,
    tpu.vector_store %arg8[%swap3A_723], %and3A_722 {strides = array<i32>} : memref<512xi32, #tpu.memory_space<vmem>>, vector<16xi32>,
    %get3A_725 = arith.constant 352 : index
    %get3A_726 = tpu.vector_load %arg7[%get3A_725] {strides = array<i32>} : memref<512xi32, #tpu.memory_space<vmem>>, vector<16xi32>,
    %get3A_727 = arith.constant 352 : index
    %get3A_728 = tpu.vector_load %arg8[%get3A_727] {strides = array<i32>} : memref<512xi32, #tpu.memory_space<vmem>>, vector<16xi32>,
    %not3A_729 = arith.constant 7 : i32
    %not3A_730 = arith.constant -1 : i32
    %not3A_731 = arith.xori %not3A_729, %not3A_730 : i32
    %and3A_732 = vector.broadcast %not3A_731 : i32 to vector<16xi32>
    %and3A_733 = arith.andi %get3A_726, %and3A_732 : vector<16xi32>
    %swap3A_734 = arith.constant 352 : index
    %swap3A_735 = tpu.vector_load %arg9[%swap3A_734] {strides = array<i32>} : memref<512xi32, #tpu.memory_space<vmem>>, vector<16xi32>,
    tpu.vector_store %arg9[%swap3A_734], %and3A_733 {strides = array<i32>} : memref<512xi32, #tpu.memory_space<vmem>>, vector<16xi32>,
    %not3A_736 = arith.constant 7 : i32
    %not3A_737 = arith.constant -1 : i32
    %not3A_738 = arith.xori %not3A_736, %not3A_737 : i32
    %and3A_739 = vector.broadcast %not3A_738 : i32 to vector<16xi32>
    %and3A_740 = arith.andi %get3A_728, %and3A_739 : vector<16xi32>
    %swap3A_741 = arith.constant 352 : index
    %swap3A_742 = tpu.vector_load %arg10[%swap3A_741] {strides = array<i32>} : memref<512xi32, #tpu.memory_space<vmem>>, vector<16xi32>,
    tpu.vector_store %arg10[%swap3A_741], %and3A_740 {strides = array<i32>} : memref<512xi32, #tpu.memory_space<vmem>>, vector<16xi32>,
    %and3A_743 = arith.constant 7 : i32
    %and3A_744 = vector.broadcast %and3A_743 : i32 to vector<16xi32>
    %and3A_745 = arith.andi %get3A_726, %and3A_744 : vector<16xi32>
    %swap3A_746 = arith.constant 352 : index
    %swap3A_747 = tpu.vector_load %arg7[%swap3A_746] {strides = array<i32>} : memref<512xi32, #tpu.memory_space<vmem>>, vector<16xi32>,
    tpu.vector_store %arg7[%swap3A_746], %and3A_745 {strides = array<i32>} : memref<512xi32, #tpu.memory_space<vmem>>, vector<16xi32>,
    %and3A_748 = arith.constant 7 : i32
    %and3A_749 = vector.broadcast %and3A_748 : i32 to vector<16xi32>
    %and3A_750 = arith.andi %get3A_728, %and3A_749 : vector<16xi32>
    %swap3A_751 = arith.constant 352 : index
    %swap3A_752 = tpu.vector_load %arg8[%swap3A_751] {strides = array<i32>} : memref<512xi32, #tpu.memory_space<vmem>>, vector<16xi32>,
    tpu.vector_store %arg8[%swap3A_751], %and3A_750 {strides = array<i32>} : memref<512xi32, #tpu.memory_space<vmem>>, vector<16xi32>,
    %get3A_753 = arith.constant 368 : index
    %get3A_754 = tpu.vector_load %arg7[%get3A_753] {strides = array<i32>} : memref<512xi32, #tpu.memory_space<vmem>>, vector<16xi32>,
    %get3A_755 = arith.constant 368 : index
    %get3A_756 = tpu.vector_load %arg8[%get3A_755] {strides = array<i32>} : memref<512xi32, #tpu.memory_space<vmem>>, vector<16xi32>,
    %not3A_757 = arith.constant 7 : i32
    %not3A_758 = arith.constant -1 : i32
    %not3A_759 = arith.xori %not3A_757, %not3A_758 : i32
    %and3A_760 = vector.broadcast %not3A_759 : i32 to vector<16xi32>
    %and3A_761 = arith.andi %get3A_754, %and3A_760 : vector<16xi32>
    %swap3A_762 = arith.constant 368 : index
    %swap3A_763 = tpu.vector_load %arg9[%swap3A_762] {strides = array<i32>} : memref<512xi32, #tpu.memory_space<vmem>>, vector<16xi32>,
    tpu.vector_store %arg9[%swap3A_762], %and3A_761 {strides = array<i32>} : memref<512xi32, #tpu.memory_space<vmem>>, vector<16xi32>,
    %not3A_764 = arith.constant 7 : i32
    %not3A_765 = arith.constant -1 : i32
    %not3A_766 = arith.xori %not3A_764, %not3A_765 : i32
    %and3A_767 = vector.broadcast %not3A_766 : i32 to vector<16xi32>
    %and3A_768 = arith.andi %get3A_756, %and3A_767 : vector<16xi32>
    %swap3A_769 = arith.constant 368 : index
    %swap3A_770 = tpu.vector_load %arg10[%swap3A_769] {strides = array<i32>} : memref<512xi32, #tpu.memory_space<vmem>>, vector<16xi32>,
    tpu.vector_store %arg10[%swap3A_769], %and3A_768 {strides = array<i32>} : memref<512xi32, #tpu.memory_space<vmem>>, vector<16xi32>,
    %and3A_771 = arith.constant 7 : i32
    %and3A_772 = vector.broadcast %and3A_771 : i32 to vector<16xi32>
    %and3A_773 = arith.andi %get3A_754, %and3A_772 : vector<16xi32>
    %swap3A_774 = arith.constant 368 : index
    %swap3A_775 = tpu.vector_load %arg7[%swap3A_774] {strides = array<i32>} : memref<512xi32, #tpu.memory_space<vmem>>, vector<16xi32>,
    tpu.vector_store %arg7[%swap3A_774], %and3A_773 {strides = array<i32>} : memref<512xi32, #tpu.memory_space<vmem>>, vector<16xi32>,
    %and3A_776 = arith.constant 7 : i32
    %and3A_777 = vector.broadcast %and3A_776 : i32 to vector<16xi32>
    %and3A_778 = arith.andi %get3A_756, %and3A_777 : vector<16xi32>
    %swap3A_779 = arith.constant 368 : index
    %swap3A_780 = tpu.vector_load %arg8[%swap3A_779] {strides = array<i32>} : memref<512xi32, #tpu.memory_space<vmem>>, vector<16xi32>,
    tpu.vector_store %arg8[%swap3A_779], %and3A_778 {strides = array<i32>} : memref<512xi32, #tpu.memory_space<vmem>>, vector<16xi32>,
    %get3A_781 = arith.constant 384 : index
    %get3A_782 = tpu.vector_load %arg7[%get3A_781] {strides = array<i32>} : memref<512xi32, #tpu.memory_space<vmem>>, vector<16xi32>,
    %get3A_783 = arith.constant 384 : index
    %get3A_784 = tpu.vector_load %arg8[%get3A_783] {strides = array<i32>} : memref<512xi32, #tpu.memory_space<vmem>>, vector<16xi32>,
    %not3A_785 = arith.constant 7 : i32
    %not3A_786 = arith.constant -1 : i32
    %not3A_787 = arith.xori %not3A_785, %not3A_786 : i32
    %and3A_788 = vector.broadcast %not3A_787 : i32 to vector<16xi32>
    %and3A_789 = arith.andi %get3A_782, %and3A_788 : vector<16xi32>
    %swap3A_790 = arith.constant 384 : index
    %swap3A_791 = tpu.vector_load %arg9[%swap3A_790] {strides = array<i32>} : memref<512xi32, #tpu.memory_space<vmem>>, vector<16xi32>,
    tpu.vector_store %arg9[%swap3A_790], %and3A_789 {strides = array<i32>} : memref<512xi32, #tpu.memory_space<vmem>>, vector<16xi32>,
    %not3A_792 = arith.constant 7 : i32
    %not3A_793 = arith.constant -1 : i32
    %not3A_794 = arith.xori %not3A_792, %not3A_793 : i32
    %and3A_795 = vector.broadcast %not3A_794 : i32 to vector<16xi32>
    %and3A_796 = arith.andi %get3A_784, %and3A_795 : vector<16xi32>
    %swap3A_797 = arith.constant 384 : index
    %swap3A_798 = tpu.vector_load %arg10[%swap3A_797] {strides = array<i32>} : memref<512xi32, #tpu.memory_space<vmem>>, vector<16xi32>,
    tpu.vector_store %arg10[%swap3A_797], %and3A_796 {strides = array<i32>} : memref<512xi32, #tpu.memory_space<vmem>>, vector<16xi32>,
    %and3A_799 = arith.constant 7 : i32
    %and3A_800 = vector.broadcast %and3A_799 : i32 to vector<16xi32>
    %and3A_801 = arith.andi %get3A_782, %and3A_800 : vector<16xi32>
    %swap3A_802 = arith.constant 384 : index
    %swap3A_803 = tpu.vector_load %arg7[%swap3A_802] {strides = array<i32>} : memref<512xi32, #tpu.memory_space<vmem>>, vector<16xi32>,
    tpu.vector_store %arg7[%swap3A_802], %and3A_801 {strides = array<i32>} : memref<512xi32, #tpu.memory_space<vmem>>, vector<16xi32>,
    %and3A_804 = arith.constant 7 : i32
    %and3A_805 = vector.broadcast %and3A_804 : i32 to vector<16xi32>
    %and3A_806 = arith.andi %get3A_784, %and3A_805 : vector<16xi32>
    %swap3A_807 = arith.constant 384 : index
    %swap3A_808 = tpu.vector_load %arg8[%swap3A_807] {strides = array<i32>} : memref<512xi32, #tpu.memory_space<vmem>>, vector<16xi32>,
    tpu.vector_store %arg8[%swap3A_807], %and3A_806 {strides = array<i32>} : memref<512xi32, #tpu.memory_space<vmem>>, vector<16xi32>,
    %get3A_809 = arith.constant 400 : index
    %get3A_810 = tpu.vector_load %arg7[%get3A_809] {strides = array<i32>} : memref<512xi32, #tpu.memory_space<vmem>>, vector<16xi32>,
    %get3A_811 = arith.constant 400 : index
    %get3A_812 = tpu.vector_load %arg8[%get3A_811] {strides = array<i32>} : memref<512xi32, #tpu.memory_space<vmem>>, vector<16xi32>,
    %not3A_813 = arith.constant 7 : i32
    %not3A_814 = arith.constant -1 : i32
    %not3A_815 = arith.xori %not3A_813, %not3A_814 : i32
    %and3A_816 = vector.broadcast %not3A_815 : i32 to vector<16xi32>
    %and3A_817 = arith.andi %get3A_810, %and3A_816 : vector<16xi32>
    %swap3A_818 = arith.constant 400 : index
    %swap3A_819 = tpu.vector_load %arg9[%swap3A_818] {strides = array<i32>} : memref<512xi32, #tpu.memory_space<vmem>>, vector<16xi32>,
    tpu.vector_store %arg9[%swap3A_818], %and3A_817 {strides = array<i32>} : memref<512xi32, #tpu.memory_space<vmem>>, vector<16xi32>,
    %not3A_820 = arith.constant 7 : i32
    %not3A_821 = arith.constant -1 : i32
    %not3A_822 = arith.xori %not3A_820, %not3A_821 : i32
    %and3A_823 = vector.broadcast %not3A_822 : i32 to vector<16xi32>
    %and3A_824 = arith.andi %get3A_812, %and3A_823 : vector<16xi32>
    %swap3A_825 = arith.constant 400 : index
    %swap3A_826 = tpu.vector_load %arg10[%swap3A_825] {strides = array<i32>} : memref<512xi32, #tpu.memory_space<vmem>>, vector<16xi32>,
    tpu.vector_store %arg10[%swap3A_825], %and3A_824 {strides = array<i32>} : memref<512xi32, #tpu.memory_space<vmem>>, vector<16xi32>,
    %and3A_827 = arith.constant 7 : i32
    %and3A_828 = vector.broadcast %and3A_827 : i32 to vector<16xi32>
    %and3A_829 = arith.andi %get3A_810, %and3A_828 : vector<16xi32>
    %swap3A_830 = arith.constant 400 : index
    %swap3A_831 = tpu.vector_load %arg7[%swap3A_830] {strides = array<i32>} : memref<512xi32, #tpu.memory_space<vmem>>, vector<16xi32>,
    tpu.vector_store %arg7[%swap3A_830], %and3A_829 {strides = array<i32>} : memref<512xi32, #tpu.memory_space<vmem>>, vector<16xi32>,
    %and3A_832 = arith.constant 7 : i32
    %and3A_833 = vector.broadcast %and3A_832 : i32 to vector<16xi32>
    %and3A_834 = arith.andi %get3A_812, %and3A_833 : vector<16xi32>
    %swap3A_835 = arith.constant 400 : index
    %swap3A_836 = tpu.vector_load %arg8[%swap3A_835] {strides = array<i32>} : memref<512xi32, #tpu.memory_space<vmem>>, vector<16xi32>,
    tpu.vector_store %arg8[%swap3A_835], %and3A_834 {strides = array<i32>} : memref<512xi32, #tpu.memory_space<vmem>>, vector<16xi32>,
    %get3A_837 = arith.constant 416 : index
    %get3A_838 = tpu.vector_load %arg7[%get3A_837] {strides = array<i32>} : memref<512xi32, #tpu.memory_space<vmem>>, vector<16xi32>,
    %get3A_839 = arith.constant 416 : index
    %get3A_840 = tpu.vector_load %arg8[%get3A_839] {strides = array<i32>} : memref<512xi32, #tpu.memory_space<vmem>>, vector<16xi32>,
    %not3A_841 = arith.constant 7 : i32
    %not3A_842 = arith.constant -1 : i32
    %not3A_843 = arith.xori %not3A_841, %not3A_842 : i32
    %and3A_844 = vector.broadcast %not3A_843 : i32 to vector<16xi32>
    %and3A_845 = arith.andi %get3A_838, %and3A_844 : vector<16xi32>
    %swap3A_846 = arith.constant 416 : index
    %swap3A_847 = tpu.vector_load %arg9[%swap3A_846] {strides = array<i32>} : memref<512xi32, #tpu.memory_space<vmem>>, vector<16xi32>,
    tpu.vector_store %arg9[%swap3A_846], %and3A_845 {strides = array<i32>} : memref<512xi32, #tpu.memory_space<vmem>>, vector<16xi32>,
    %not3A_848 = arith.constant 7 : i32
    %not3A_849 = arith.constant -1 : i32
    %not3A_850 = arith.xori %not3A_848, %not3A_849 : i32
    %and3A_851 = vector.broadcast %not3A_850 : i32 to vector<16xi32>
    %and3A_852 = arith.andi %get3A_840, %and3A_851 : vector<16xi32>
    %swap3A_853 = arith.constant 416 : index
    %swap3A_854 = tpu.vector_load %arg10[%swap3A_853] {strides = array<i32>} : memref<512xi32, #tpu.memory_space<vmem>>, vector<16xi32>,
    tpu.vector_store %arg10[%swap3A_853], %and3A_852 {strides = array<i32>} : memref<512xi32, #tpu.memory_space<vmem>>, vector<16xi32>,
    %and3A_855 = arith.constant 7 : i32
    %and3A_856 = vector.broadcast %and3A_855 : i32 to vector<16xi32>
    %and3A_857 = arith.andi %get3A_838, %and3A_856 : vector<16xi32>
    %swap3A_858 = arith.constant 416 : index
    %swap3A_859 = tpu.vector_load %arg7[%swap3A_858] {strides = array<i32>} : memref<512xi32, #tpu.memory_space<vmem>>, vector<16xi32>,
    tpu.vector_store %arg7[%swap3A_858], %and3A_857 {strides = array<i32>} : memref<512xi32, #tpu.memory_space<vmem>>, vector<16xi32>,
    %and3A_860 = arith.constant 7 : i32
    %and3A_861 = vector.broadcast %and3A_860 : i32 to vector<16xi32>
    %and3A_862 = arith.andi %get3A_840, %and3A_861 : vector<16xi32>
    %swap3A_863 = arith.constant 416 : index
    %swap3A_864 = tpu.vector_load %arg8[%swap3A_863] {strides = array<i32>} : memref<512xi32, #tpu.memory_space<vmem>>, vector<16xi32>,
    tpu.vector_store %arg8[%swap3A_863], %and3A_862 {strides = array<i32>} : memref<512xi32, #tpu.memory_space<vmem>>, vector<16xi32>,
    %get3A_865 = arith.constant 432 : index
    %get3A_866 = tpu.vector_load %arg7[%get3A_865] {strides = array<i32>} : memref<512xi32, #tpu.memory_space<vmem>>, vector<16xi32>,
    %get3A_867 = arith.constant 432 : index
    %get3A_868 = tpu.vector_load %arg8[%get3A_867] {strides = array<i32>} : memref<512xi32, #tpu.memory_space<vmem>>, vector<16xi32>,
    %not3A_869 = arith.constant 7 : i32
    %not3A_870 = arith.constant -1 : i32
    %not3A_871 = arith.xori %not3A_869, %not3A_870 : i32
    %and3A_872 = vector.broadcast %not3A_871 : i32 to vector<16xi32>
    %and3A_873 = arith.andi %get3A_866, %and3A_872 : vector<16xi32>
    %swap3A_874 = arith.constant 432 : index
    %swap3A_875 = tpu.vector_load %arg9[%swap3A_874] {strides = array<i32>} : memref<512xi32, #tpu.memory_space<vmem>>, vector<16xi32>,
    tpu.vector_store %arg9[%swap3A_874], %and3A_873 {strides = array<i32>} : memref<512xi32, #tpu.memory_space<vmem>>, vector<16xi32>,
    %not3A_876 = arith.constant 7 : i32
    %not3A_877 = arith.constant -1 : i32
    %not3A_878 = arith.xori %not3A_876, %not3A_877 : i32
    %and3A_879 = vector.broadcast %not3A_878 : i32 to vector<16xi32>
    %and3A_880 = arith.andi %get3A_868, %and3A_879 : vector<16xi32>
    %swap3A_881 = arith.constant 432 : index
    %swap3A_882 = tpu.vector_load %arg10[%swap3A_881] {strides = array<i32>} : memref<512xi32, #tpu.memory_space<vmem>>, vector<16xi32>,
    tpu.vector_store %arg10[%swap3A_881], %and3A_880 {strides = array<i32>} : memref<512xi32, #tpu.memory_space<vmem>>, vector<16xi32>,
    %and3A_883 = arith.constant 7 : i32
    %and3A_884 = vector.broadcast %and3A_883 : i32 to vector<16xi32>
    %and3A_885 = arith.andi %get3A_866, %and3A_884 : vector<16xi32>
    %swap3A_886 = arith.constant 432 : index
    %swap3A_887 = tpu.vector_load %arg7[%swap3A_886] {strides = array<i32>} : memref<512xi32, #tpu.memory_space<vmem>>, vector<16xi32>,
    tpu.vector_store %arg7[%swap3A_886], %and3A_885 {strides = array<i32>} : memref<512xi32, #tpu.memory_space<vmem>>, vector<16xi32>,
    %and3A_888 = arith.constant 7 : i32
    %and3A_889 = vector.broadcast %and3A_888 : i32 to vector<16xi32>
    %and3A_890 = arith.andi %get3A_868, %and3A_889 : vector<16xi32>
    %swap3A_891 = arith.constant 432 : index
    %swap3A_892 = tpu.vector_load %arg8[%swap3A_891] {strides = array<i32>} : memref<512xi32, #tpu.memory_space<vmem>>, vector<16xi32>,
    tpu.vector_store %arg8[%swap3A_891], %and3A_890 {strides = array<i32>} : memref<512xi32, #tpu.memory_space<vmem>>, vector<16xi32>,
    %get3A_893 = arith.constant 448 : index
    %get3A_894 = tpu.vector_load %arg7[%get3A_893] {strides = array<i32>} : memref<512xi32, #tpu.memory_space<vmem>>, vector<16xi32>,
    %get3A_895 = arith.constant 448 : index
    %get3A_896 = tpu.vector_load %arg8[%get3A_895] {strides = array<i32>} : memref<512xi32, #tpu.memory_space<vmem>>, vector<16xi32>,
    %not3A_897 = arith.constant 7 : i32
    %not3A_898 = arith.constant -1 : i32
    %not3A_899 = arith.xori %not3A_897, %not3A_898 : i32
    %and3A_900 = vector.broadcast %not3A_899 : i32 to vector<16xi32>
    %and3A_901 = arith.andi %get3A_894, %and3A_900 : vector<16xi32>
    %swap3A_902 = arith.constant 448 : index
    %swap3A_903 = tpu.vector_load %arg9[%swap3A_902] {strides = array<i32>} : memref<512xi32, #tpu.memory_space<vmem>>, vector<16xi32>,
    tpu.vector_store %arg9[%swap3A_902], %and3A_901 {strides = array<i32>} : memref<512xi32, #tpu.memory_space<vmem>>, vector<16xi32>,
    %not3A_904 = arith.constant 7 : i32
    %not3A_905 = arith.constant -1 : i32
    %not3A_906 = arith.xori %not3A_904, %not3A_905 : i32
    %and3A_907 = vector.broadcast %not3A_906 : i32 to vector<16xi32>
    %and3A_908 = arith.andi %get3A_896, %and3A_907 : vector<16xi32>
    %swap3A_909 = arith.constant 448 : index
    %swap3A_910 = tpu.vector_load %arg10[%swap3A_909] {strides = array<i32>} : memref<512xi32, #tpu.memory_space<vmem>>, vector<16xi32>,
    tpu.vector_store %arg10[%swap3A_909], %and3A_908 {strides = array<i32>} : memref<512xi32, #tpu.memory_space<vmem>>, vector<16xi32>,
    %and3A_911 = arith.constant 7 : i32
    %and3A_912 = vector.broadcast %and3A_911 : i32 to vector<16xi32>
    %and3A_913 = arith.andi %get3A_894, %and3A_912 : vector<16xi32>
    %swap3A_914 = arith.constant 448 : index
    %swap3A_915 = tpu.vector_load %arg7[%swap3A_914] {strides = array<i32>} : memref<512xi32, #tpu.memory_space<vmem>>, vector<16xi32>,
    tpu.vector_store %arg7[%swap3A_914], %and3A_913 {strides = array<i32>} : memref<512xi32, #tpu.memory_space<vmem>>, vector<16xi32>,
    %and3A_916 = arith.constant 7 : i32
    %and3A_917 = vector.broadcast %and3A_916 : i32 to vector<16xi32>
    %and3A_918 = arith.andi %get3A_896, %and3A_917 : vector<16xi32>
    %swap3A_919 = arith.constant 448 : index
    %swap3A_920 = tpu.vector_load %arg8[%swap3A_919] {strides = array<i32>} : memref<512xi32, #tpu.memory_space<vmem>>, vector<16xi32>,
    tpu.vector_store %arg8[%swap3A_919], %and3A_918 {strides = array<i32>} : memref<512xi32, #tpu.memory_space<vmem>>, vector<16xi32>,
    %get3A_921 = arith.constant 464 : index
    %get3A_922 = tpu.vector_load %arg7[%get3A_921] {strides = array<i32>} : memref<512xi32, #tpu.memory_space<vmem>>, vector<16xi32>,
    %get3A_923 = arith.constant 464 : index
    %get3A_924 = tpu.vector_load %arg8[%get3A_923] {strides = array<i32>} : memref<512xi32, #tpu.memory_space<vmem>>, vector<16xi32>,
    %not3A_925 = arith.constant 7 : i32
    %not3A_926 = arith.constant -1 : i32
    %not3A_927 = arith.xori %not3A_925, %not3A_926 : i32
    %and3A_928 = vector.broadcast %not3A_927 : i32 to vector<16xi32>
    %and3A_929 = arith.andi %get3A_922, %and3A_928 : vector<16xi32>
    %swap3A_930 = arith.constant 464 : index
    %swap3A_931 = tpu.vector_load %arg9[%swap3A_930] {strides = array<i32>} : memref<512xi32, #tpu.memory_space<vmem>>, vector<16xi32>,
    tpu.vector_store %arg9[%swap3A_930], %and3A_929 {strides = array<i32>} : memref<512xi32, #tpu.memory_space<vmem>>, vector<16xi32>,
    %not3A_932 = arith.constant 7 : i32
    %not3A_933 = arith.constant -1 : i32
    %not3A_934 = arith.xori %not3A_932, %not3A_933 : i32
    %and3A_935 = vector.broadcast %not3A_934 : i32 to vector<16xi32>
    %and3A_936 = arith.andi %get3A_924, %and3A_935 : vector<16xi32>
    %swap3A_937 = arith.constant 464 : index
    %swap3A_938 = tpu.vector_load %arg10[%swap3A_937] {strides = array<i32>} : memref<512xi32, #tpu.memory_space<vmem>>, vector<16xi32>,
    tpu.vector_store %arg10[%swap3A_937], %and3A_936 {strides = array<i32>} : memref<512xi32, #tpu.memory_space<vmem>>, vector<16xi32>,
    %and3A_939 = arith.constant 7 : i32
    %and3A_940 = vector.broadcast %and3A_939 : i32 to vector<16xi32>
    %and3A_941 = arith.andi %get3A_922, %and3A_940 : vector<16xi32>
    %swap3A_942 = arith.constant 464 : index
    %swap3A_943 = tpu.vector_load %arg7[%swap3A_942] {strides = array<i32>} : memref<512xi32, #tpu.memory_space<vmem>>, vector<16xi32>,
    tpu.vector_store %arg7[%swap3A_942], %and3A_941 {strides = array<i32>} : memref<512xi32, #tpu.memory_space<vmem>>, vector<16xi32>,
    %and3A_944 = arith.constant 7 : i32
    %and3A_945 = vector.broadcast %and3A_944 : i32 to vector<16xi32>
    %and3A_946 = arith.andi %get3A_924, %and3A_945 : vector<16xi32>
    %swap3A_947 = arith.constant 464 : index
    %swap3A_948 = tpu.vector_load %arg8[%swap3A_947] {strides = array<i32>} : memref<512xi32, #tpu.memory_space<vmem>>, vector<16xi32>,
    tpu.vector_store %arg8[%swap3A_947], %and3A_946 {strides = array<i32>} : memref<512xi32, #tpu.memory_space<vmem>>, vector<16xi32>,
    %get3A_949 = arith.constant 480 : index
    %get3A_950 = tpu.vector_load %arg7[%get3A_949] {strides = array<i32>} : memref<512xi32, #tpu.memory_space<vmem>>, vector<16xi32>,
    %get3A_951 = arith.constant 480 : index
    %get3A_952 = tpu.vector_load %arg8[%get3A_951] {strides = array<i32>} : memref<512xi32, #tpu.memory_space<vmem>>, vector<16xi32>,
    %not3A_953 = arith.constant 7 : i32
    %not3A_954 = arith.constant -1 : i32
    %not3A_955 = arith.xori %not3A_953, %not3A_954 : i32
    %and3A_956 = vector.broadcast %not3A_955 : i32 to vector<16xi32>
    %and3A_957 = arith.andi %get3A_950, %and3A_956 : vector<16xi32>
    %swap3A_958 = arith.constant 480 : index
    %swap3A_959 = tpu.vector_load %arg9[%swap3A_958] {strides = array<i32>} : memref<512xi32, #tpu.memory_space<vmem>>, vector<16xi32>,
    tpu.vector_store %arg9[%swap3A_958], %and3A_957 {strides = array<i32>} : memref<512xi32, #tpu.memory_space<vmem>>, vector<16xi32>,
    %not3A_960 = arith.constant 7 : i32
    %not3A_961 = arith.constant -1 : i32
    %not3A_962 = arith.xori %not3A_960, %not3A_961 : i32
    %and3A_963 = vector.broadcast %not3A_962 : i32 to vector<16xi32>
    %and3A_964 = arith.andi %get3A_952, %and3A_963 : vector<16xi32>
    %swap3A_965 = arith.constant 480 : index
    %swap3A_966 = tpu.vector_load %arg10[%swap3A_965] {strides = array<i32>} : memref<512xi32, #tpu.memory_space<vmem>>, vector<16xi32>,
    tpu.vector_store %arg10[%swap3A_965], %and3A_964 {strides = array<i32>} : memref<512xi32, #tpu.memory_space<vmem>>, vector<16xi32>,
    %and3A_967 = arith.constant 7 : i32
    %and3A_968 = vector.broadcast %and3A_967 : i32 to vector<16xi32>
    %and3A_969 = arith.andi %get3A_950, %and3A_968 : vector<16xi32>
    %swap3A_970 = arith.constant 480 : index
    %swap3A_971 = tpu.vector_load %arg7[%swap3A_970] {strides = array<i32>} : memref<512xi32, #tpu.memory_space<vmem>>, vector<16xi32>,
    tpu.vector_store %arg7[%swap3A_970], %and3A_969 {strides = array<i32>} : memref<512xi32, #tpu.memory_space<vmem>>, vector<16xi32>,
    %and3A_972 = arith.constant 7 : i32
    %and3A_973 = vector.broadcast %and3A_972 : i32 to vector<16xi32>
    %and3A_974 = arith.andi %get3A_952, %and3A_973 : vector<16xi32>
    %swap3A_975 = arith.constant 480 : index
    %swap3A_976 = tpu.vector_load %arg8[%swap3A_975] {strides = array<i32>} : memref<512xi32, #tpu.memory_space<vmem>>, vector<16xi32>,
    tpu.vector_store %arg8[%swap3A_975], %and3A_974 {strides = array<i32>} : memref<512xi32, #tpu.memory_space<vmem>>, vector<16xi32>,
    %get3A_977 = arith.constant 496 : index
    %get3A_978 = tpu.vector_load %arg7[%get3A_977] {strides = array<i32>} : memref<512xi32, #tpu.memory_space<vmem>>, vector<16xi32>,
    %get3A_979 = arith.constant 496 : index
    %get3A_980 = tpu.vector_load %arg8[%get3A_979] {strides = array<i32>} : memref<512xi32, #tpu.memory_space<vmem>>, vector<16xi32>,
    %not3A_981 = arith.constant 7 : i32
    %not3A_982 = arith.constant -1 : i32
    %not3A_983 = arith.xori %not3A_981, %not3A_982 : i32
    %and3A_984 = vector.broadcast %not3A_983 : i32 to vector<16xi32>
    %and3A_985 = arith.andi %get3A_978, %and3A_984 : vector<16xi32>
    %swap3A_986 = arith.constant 496 : index
    %swap3A_987 = tpu.vector_load %arg9[%swap3A_986] {strides = array<i32>} : memref<512xi32, #tpu.memory_space<vmem>>, vector<16xi32>,
    tpu.vector_store %arg9[%swap3A_986], %and3A_985 {strides = array<i32>} : memref<512xi32, #tpu.memory_space<vmem>>, vector<16xi32>,
    %not3A_988 = arith.constant 7 : i32
    %not3A_989 = arith.constant -1 : i32
    %not3A_990 = arith.xori %not3A_988, %not3A_989 : i32
    %and3A_991 = vector.broadcast %not3A_990 : i32 to vector<16xi32>
    %and3A_992 = arith.andi %get3A_980, %and3A_991 : vector<16xi32>
    %swap3A_993 = arith.constant 496 : index
    %swap3A_994 = tpu.vector_load %arg10[%swap3A_993] {strides = array<i32>} : memref<512xi32, #tpu.memory_space<vmem>>, vector<16xi32>,
    tpu.vector_store %arg10[%swap3A_993], %and3A_992 {strides = array<i32>} : memref<512xi32, #tpu.memory_space<vmem>>, vector<16xi32>,
    %and3A_995 = arith.constant 7 : i32
    %and3A_996 = vector.broadcast %and3A_995 : i32 to vector<16xi32>
    %and3A_997 = arith.andi %get3A_978, %and3A_996 : vector<16xi32>
    %swap3A_998 = arith.constant 496 : index
    %swap3A_999 = tpu.vector_load %arg7[%swap3A_998] {strides = array<i32>} : memref<512xi32, #tpu.memory_space<vmem>>, vector<16xi32>,
    tpu.vector_store %arg7[%swap3A_998], %and3A_997 {strides = array<i32>} : memref<512xi32, #tpu.memory_space<vmem>>, vector<16xi32>,
    %and3A_1000 = arith.constant 7 : i32
    %and3A_1001 = vector.broadcast %and3A_1000 : i32 to vector<16xi32>
    %and3A_1002 = arith.andi %get3A_980, %and3A_1001 : vector<16xi32>
    %swap3A_1003 = arith.constant 496 : index
    %swap3A_1004 = tpu.vector_load %arg8[%swap3A_1003] {strides = array<i32>} : memref<512xi32, #tpu.memory_space<vmem>>, vector<16xi32>,
    tpu.vector_store %arg8[%swap3A_1003], %and3A_1002 {strides = array<i32>} : memref<512xi32, #tpu.memory_space<vmem>>, vector<16xi32>,
    %iota3A = tpu.iota {dimensions = array<i32: 0>} : vector<16xi32>
    %mul3A_1005 = arith.constant 0 : i32
    %mul3A_1006 = arith.constant 16 : i32
    %mul3A_1007 = arith.muli %mul3A_1005, %mul3A_1006 : i32
    %get3A_1008 = arith.index_cast %mul3A_1007 : i32 to index
    %get3A_1009 = tpu.vector_load %arg9[%get3A_1008] {strides = array<i32>} : memref<512xi32, #tpu.memory_space<vmem>>, vector<16xi32>,
    %mul3A_1010 = arith.constant 0 : i32
    %mul3A_1011 = arith.constant 16 : i32
    %mul3A_1012 = arith.muli %mul3A_1010, %mul3A_1011 : i32
    %get3A_1013 = arith.index_cast %mul3A_1012 : i32 to index
    %get3A_1014 = tpu.vector_load %arg10[%get3A_1013] {strides = array<i32>} : memref<512xi32, #tpu.memory_space<vmem>>, vector<16xi32>,
    %slice3A = vector.extract_strided_slice %get3A_1009 {offsets = [0], sizes = [1], strides = [1]} : vector<16xi32> to vector<1xi32>
    %squeeze3A = vector.extract %slice3A[0] : i32 from vector<1xi32>
    %slice3A_1015 = vector.extract_strided_slice %get3A_1014 {offsets = [0], sizes = [1], strides = [1]} : vector<16xi32> to vector<1xi32>
    %squeeze3A_1016 = vector.extract %slice3A_1015[0] : i32 from vector<1xi32>
    %multiple_of3A = tpu.assume_multiple %squeeze3A, 8 : i32
    %multiple_of3A_1017 = tpu.assume_multiple %squeeze3A_1016, 8 : i32
    %dma_start3A_1018 = arith.constant 0 : i32
    %dma_start3A_1019 = arith.constant 0 : i32
    %dma_start3A_1020 = tpu.memref_slice %arg11[%dma_start3A_1018, %dma_start3A_1019] : memref<256x16xf32, #tpu.memory_space<vmem>> -> memref<8x16xf32, #tpu.memory_space<vmem>>
    %dma_start3A_1021 = arith.constant 0 : i32
    %dma_start3A_1022 = tpu.memref_slice %arg4[%multiple_of3A, %dma_start3A_1021] : memref<1000000x16xf32, #tpu.memory_space<hbm>> -> memref<8x16xf32, #tpu.memory_space<hbm>>
    %dma_start3A_1023 = arith.constant 0 : i32
    %dma_start3A_1024 = arith.constant 0 : i32
    %dma_start3A_1025 = tpu.memref_slice %arg11[%dma_start3A_1023, %dma_start3A_1024] : memref<256x16xf32, #tpu.memory_space<vmem>> -> memref<8x16xf32, #tpu.memory_space<vmem>>
    %dma_start3A_1026 = arith.constant 0 : i32
    %dma_start3A_1027 = tpu.memref_slice %arg4[%multiple_of3A, %dma_start3A_1026] : memref<1000000x16xf32, #tpu.memory_space<hbm>> -> memref<8x16xf32, #tpu.memory_space<hbm>>
    tpu.enqueue_dma source(%dma_start3A_1027 : memref<8x16xf32, #tpu.memory_space<hbm>>) target(%dma_start3A_1025 : memref<8x16xf32, #tpu.memory_space<vmem>>) target_semaphore(%arg14 : memref<!tpu.dma_semaphore, #tpu.memory_space<semaphore_mem>>)
    %dma_start3A_1028 = arith.constant 0 : i32
    %dma_start3A_1029 = arith.constant 0 : i32
    %dma_start3A_1030 = tpu.memref_slice %arg12[%dma_start3A_1028, %dma_start3A_1029] : memref<256x16xf32, #tpu.memory_space<vmem>> -> memref<8x16xf32, #tpu.memory_space<vmem>>
    %dma_start3A_1031 = arith.constant 0 : i32
    %dma_start3A_1032 = tpu.memref_slice %arg5[%multiple_of3A_1017, %dma_start3A_1031] : memref<1000000x16xf32, #tpu.memory_space<hbm>> -> memref<8x16xf32, #tpu.memory_space<hbm>>
    %dma_start3A_1033 = arith.constant 0 : i32
    %dma_start3A_1034 = arith.constant 0 : i32
    %dma_start3A_1035 = tpu.memref_slice %arg12[%dma_start3A_1033, %dma_start3A_1034] : memref<256x16xf32, #tpu.memory_space<vmem>> -> memref<8x16xf32, #tpu.memory_space<vmem>>
    %dma_start3A_1036 = arith.constant 0 : i32
    %dma_start3A_1037 = tpu.memref_slice %arg5[%multiple_of3A_1017, %dma_start3A_1036] : memref<1000000x16xf32, #tpu.memory_space<hbm>> -> memref<8x16xf32, #tpu.memory_space<hbm>>
    tpu.enqueue_dma source(%dma_start3A_1037 : memref<8x16xf32, #tpu.memory_space<hbm>>) target(%dma_start3A_1035 : memref<8x16xf32, #tpu.memory_space<vmem>>) target_semaphore(%arg16 : memref<!tpu.dma_semaphore, #tpu.memory_space<semaphore_mem>>)
    %slice3A_1038 = vector.extract_strided_slice %get3A_1009 {offsets = [1], sizes = [1], strides = [1]} : vector<16xi32> to vector<1xi32>
    %squeeze3A_1039 = vector.extract %slice3A_1038[0] : i32 from vector<1xi32>
    %slice3A_1040 = vector.extract_strided_slice %get3A_1014 {offsets = [1], sizes = [1], strides = [1]} : vector<16xi32> to vector<1xi32>
    %squeeze3A_1041 = vector.extract %slice3A_1040[0] : i32 from vector<1xi32>
    %multiple_of3A_1042 = tpu.assume_multiple %squeeze3A_1039, 8 : i32
    %multiple_of3A_1043 = tpu.assume_multiple %squeeze3A_1041, 8 : i32
    %dma_start3A_1044 = arith.constant 8 : i32
    %dma_start3A_1045 = arith.constant 0 : i32
    %dma_start3A_1046 = tpu.memref_slice %arg11[%dma_start3A_1044, %dma_start3A_1045] : memref<256x16xf32, #tpu.memory_space<vmem>> -> memref<8x16xf32, #tpu.memory_space<vmem>>
    %dma_start3A_1047 = arith.constant 0 : i32
    %dma_start3A_1048 = tpu.memref_slice %arg4[%multiple_of3A_1042, %dma_start3A_1047] : memref<1000000x16xf32, #tpu.memory_space<hbm>> -> memref<8x16xf32, #tpu.memory_space<hbm>>
    %dma_start3A_1049 = arith.constant 8 : i32
    %dma_start3A_1050 = arith.constant 0 : i32
    %dma_start3A_1051 = tpu.memref_slice %arg11[%dma_start3A_1049, %dma_start3A_1050] : memref<256x16xf32, #tpu.memory_space<vmem>> -> memref<8x16xf32, #tpu.memory_space<vmem>>
    %dma_start3A_1052 = arith.constant 0 : i32
    %dma_start3A_1053 = tpu.memref_slice %arg4[%multiple_of3A_1042, %dma_start3A_1052] : memref<1000000x16xf32, #tpu.memory_space<hbm>> -> memref<8x16xf32, #tpu.memory_space<hbm>>
    tpu.enqueue_dma source(%dma_start3A_1053 : memref<8x16xf32, #tpu.memory_space<hbm>>) target(%dma_start3A_1051 : memref<8x16xf32, #tpu.memory_space<vmem>>) target_semaphore(%arg14 : memref<!tpu.dma_semaphore, #tpu.memory_space<semaphore_mem>>)
    %dma_start3A_1054 = arith.constant 8 : i32
    %dma_start3A_1055 = arith.constant 0 : i32
    %dma_start3A_1056 = tpu.memref_slice %arg12[%dma_start3A_1054, %dma_start3A_1055] : memref<256x16xf32, #tpu.memory_space<vmem>> -> memref<8x16xf32, #tpu.memory_space<vmem>>
    %dma_start3A_1057 = arith.constant 0 : i32
    %dma_start3A_1058 = tpu.memref_slice %arg5[%multiple_of3A_1043, %dma_start3A_1057] : memref<1000000x16xf32, #tpu.memory_space<hbm>> -> memref<8x16xf32, #tpu.memory_space<hbm>>
    %dma_start3A_1059 = arith.constant 8 : i32
    %dma_start3A_1060 = arith.constant 0 : i32
    %dma_start3A_1061 = tpu.memref_slice %arg12[%dma_start3A_1059, %dma_start3A_1060] : memref<256x16xf32, #tpu.memory_space<vmem>> -> memref<8x16xf32, #tpu.memory_space<vmem>>
    %dma_start3A_1062 = arith.constant 0 : i32
    %dma_start3A_1063 = tpu.memref_slice %arg5[%multiple_of3A_1043, %dma_start3A_1062] : memref<1000000x16xf32, #tpu.memory_space<hbm>> -> memref<8x16xf32, #tpu.memory_space<hbm>>
    tpu.enqueue_dma source(%dma_start3A_1063 : memref<8x16xf32, #tpu.memory_space<hbm>>) target(%dma_start3A_1061 : memref<8x16xf32, #tpu.memory_space<vmem>>) target_semaphore(%arg16 : memref<!tpu.dma_semaphore, #tpu.memory_space<semaphore_mem>>)
    %slice3A_1064 = vector.extract_strided_slice %get3A_1009 {offsets = [2], sizes = [1], strides = [1]} : vector<16xi32> to vector<1xi32>
    %squeeze3A_1065 = vector.extract %slice3A_1064[0] : i32 from vector<1xi32>
    %slice3A_1066 = vector.extract_strided_slice %get3A_1014 {offsets = [2], sizes = [1], strides = [1]} : vector<16xi32> to vector<1xi32>
    %squeeze3A_1067 = vector.extract %slice3A_1066[0] : i32 from vector<1xi32>
    %multiple_of3A_1068 = tpu.assume_multiple %squeeze3A_1065, 8 : i32
    %multiple_of3A_1069 = tpu.assume_multiple %squeeze3A_1067, 8 : i32
    %dma_start3A_1070 = arith.constant 16 : i32
    %dma_start3A_1071 = arith.constant 0 : i32
    %dma_start3A_1072 = tpu.memref_slice %arg11[%dma_start3A_1070, %dma_start3A_1071] : memref<256x16xf32, #tpu.memory_space<vmem>> -> memref<8x16xf32, #tpu.memory_space<vmem>>
    %dma_start3A_1073 = arith.constant 0 : i32
    %dma_start3A_1074 = tpu.memref_slice %arg4[%multiple_of3A_1068, %dma_start3A_1073] : memref<1000000x16xf32, #tpu.memory_space<hbm>> -> memref<8x16xf32, #tpu.memory_space<hbm>>
    %dma_start3A_1075 = arith.constant 16 : i32
    %dma_start3A_1076 = arith.constant 0 : i32
    %dma_start3A_1077 = tpu.memref_slice %arg11[%dma_start3A_1075, %dma_start3A_1076] : memref<256x16xf32, #tpu.memory_space<vmem>> -> memref<8x16xf32, #tpu.memory_space<vmem>>
    %dma_start3A_1078 = arith.constant 0 : i32
    %dma_start3A_1079 = tpu.memref_slice %arg4[%multiple_of3A_1068, %dma_start3A_1078] : memref<1000000x16xf32, #tpu.memory_space<hbm>> -> memref<8x16xf32, #tpu.memory_space<hbm>>
    tpu.enqueue_dma source(%dma_start3A_1079 : memref<8x16xf32, #tpu.memory_space<hbm>>) target(%dma_start3A_1077 : memref<8x16xf32, #tpu.memory_space<vmem>>) target_semaphore(%arg14 : memref<!tpu.dma_semaphore, #tpu.memory_space<semaphore_mem>>)
    %dma_start3A_1080 = arith.constant 16 : i32
    %dma_start3A_1081 = arith.constant 0 : i32
    %dma_start3A_1082 = tpu.memref_slice %arg12[%dma_start3A_1080, %dma_start3A_1081] : memref<256x16xf32, #tpu.memory_space<vmem>> -> memref<8x16xf32, #tpu.memory_space<vmem>>
    %dma_start3A_1083 = arith.constant 0 : i32
    %dma_start3A_1084 = tpu.memref_slice %arg5[%multiple_of3A_1069, %dma_start3A_1083] : memref<1000000x16xf32, #tpu.memory_space<hbm>> -> memref<8x16xf32, #tpu.memory_space<hbm>>
    %dma_start3A_1085 = arith.constant 16 : i32
    %dma_start3A_1086 = arith.constant 0 : i32
    %dma_start3A_1087 = tpu.memref_slice %arg12[%dma_start3A_1085, %dma_start3A_1086] : memref<256x16xf32, #tpu.memory_space<vmem>> -> memref<8x16xf32, #tpu.memory_space<vmem>>
    %dma_start3A_1088 = arith.constant 0 : i32
    %dma_start3A_1089 = tpu.memref_slice %arg5[%multiple_of3A_1069, %dma_start3A_1088] : memref<1000000x16xf32, #tpu.memory_space<hbm>> -> memref<8x16xf32, #tpu.memory_space<hbm>>
    tpu.enqueue_dma source(%dma_start3A_1089 : memref<8x16xf32, #tpu.memory_space<hbm>>) target(%dma_start3A_1087 : memref<8x16xf32, #tpu.memory_space<vmem>>) target_semaphore(%arg16 : memref<!tpu.dma_semaphore, #tpu.memory_space<semaphore_mem>>)
    %slice3A_1090 = vector.extract_strided_slice %get3A_1009 {offsets = [3], sizes = [1], strides = [1]} : vector<16xi32> to vector<1xi32>
    %squeeze3A_1091 = vector.extract %slice3A_1090[0] : i32 from vector<1xi32>
    %slice3A_1092 = vector.extract_strided_slice %get3A_1014 {offsets = [3], sizes = [1], strides = [1]} : vector<16xi32> to vector<1xi32>
    %squeeze3A_1093 = vector.extract %slice3A_1092[0] : i32 from vector<1xi32>
    %multiple_of3A_1094 = tpu.assume_multiple %squeeze3A_1091, 8 : i32
    %multiple_of3A_1095 = tpu.assume_multiple %squeeze3A_1093, 8 : i32
    %dma_start3A_1096 = arith.constant 24 : i32
    %dma_start3A_1097 = arith.constant 0 : i32
    %dma_start3A_1098 = tpu.memref_slice %arg11[%dma_start3A_1096, %dma_start3A_1097] : memref<256x16xf32, #tpu.memory_space<vmem>> -> memref<8x16xf32, #tpu.memory_space<vmem>>
    %dma_start3A_1099 = arith.constant 0 : i32
    %dma_start3A_1100 = tpu.memref_slice %arg4[%multiple_of3A_1094, %dma_start3A_1099] : memref<1000000x16xf32, #tpu.memory_space<hbm>> -> memref<8x16xf32, #tpu.memory_space<hbm>>
    %dma_start3A_1101 = arith.constant 24 : i32
    %dma_start3A_1102 = arith.constant 0 : i32
    %dma_start3A_1103 = tpu.memref_slice %arg11[%dma_start3A_1101, %dma_start3A_1102] : memref<256x16xf32, #tpu.memory_space<vmem>> -> memref<8x16xf32, #tpu.memory_space<vmem>>
    %dma_start3A_1104 = arith.constant 0 : i32
    %dma_start3A_1105 = tpu.memref_slice %arg4[%multiple_of3A_1094, %dma_start3A_1104] : memref<1000000x16xf32, #tpu.memory_space<hbm>> -> memref<8x16xf32, #tpu.memory_space<hbm>>
    tpu.enqueue_dma source(%dma_start3A_1105 : memref<8x16xf32, #tpu.memory_space<hbm>>) target(%dma_start3A_1103 : memref<8x16xf32, #tpu.memory_space<vmem>>) target_semaphore(%arg14 : memref<!tpu.dma_semaphore, #tpu.memory_space<semaphore_mem>>)
    %dma_start3A_1106 = arith.constant 24 : i32
    %dma_start3A_1107 = arith.constant 0 : i32
    %dma_start3A_1108 = tpu.memref_slice %arg12[%dma_start3A_1106, %dma_start3A_1107] : memref<256x16xf32, #tpu.memory_space<vmem>> -> memref<8x16xf32, #tpu.memory_space<vmem>>
    %dma_start3A_1109 = arith.constant 0 : i32
    %dma_start3A_1110 = tpu.memref_slice %arg5[%multiple_of3A_1095, %dma_start3A_1109] : memref<1000000x16xf32, #tpu.memory_space<hbm>> -> memref<8x16xf32, #tpu.memory_space<hbm>>
    %dma_start3A_1111 = arith.constant 24 : i32
    %dma_start3A_1112 = arith.constant 0 : i32
    %dma_start3A_1113 = tpu.memref_slice %arg12[%dma_start3A_1111, %dma_start3A_1112] : memref<256x16xf32, #tpu.memory_space<vmem>> -> memref<8x16xf32, #tpu.memory_space<vmem>>
    %dma_start3A_1114 = arith.constant 0 : i32
    %dma_start3A_1115 = tpu.memref_slice %arg5[%multiple_of3A_1095, %dma_start3A_1114] : memref<1000000x16xf32, #tpu.memory_space<hbm>> -> memref<8x16xf32, #tpu.memory_space<hbm>>
    tpu.enqueue_dma source(%dma_start3A_1115 : memref<8x16xf32, #tpu.memory_space<hbm>>) target(%dma_start3A_1113 : memref<8x16xf32, #tpu.memory_space<vmem>>) target_semaphore(%arg16 : memref<!tpu.dma_semaphore, #tpu.memory_space<semaphore_mem>>)
    %slice3A_1116 = vector.extract_strided_slice %get3A_1009 {offsets = [4], sizes = [1], strides = [1]} : vector<16xi32> to vector<1xi32>
    %squeeze3A_1117 = vector.extract %slice3A_1116[0] : i32 from vector<1xi32>
    %slice3A_1118 = vector.extract_strided_slice %get3A_1014 {offsets = [4], sizes = [1], strides = [1]} : vector<16xi32> to vector<1xi32>
    %squeeze3A_1119 = vector.extract %slice3A_1118[0] : i32 from vector<1xi32>
    %multiple_of3A_1120 = tpu.assume_multiple %squeeze3A_1117, 8 : i32
    %multiple_of3A_1121 = tpu.assume_multiple %squeeze3A_1119, 8 : i32
    %dma_start3A_1122 = arith.constant 32 : i32
    %dma_start3A_1123 = arith.constant 0 : i32
    %dma_start3A_1124 = tpu.memref_slice %arg11[%dma_start3A_1122, %dma_start3A_1123] : memref<256x16xf32, #tpu.memory_space<vmem>> -> memref<8x16xf32, #tpu.memory_space<vmem>>
    %dma_start3A_1125 = arith.constant 0 : i32
    %dma_start3A_1126 = tpu.memref_slice %arg4[%multiple_of3A_1120, %dma_start3A_1125] : memref<1000000x16xf32, #tpu.memory_space<hbm>> -> memref<8x16xf32, #tpu.memory_space<hbm>>
    %dma_start3A_1127 = arith.constant 32 : i32
    %dma_start3A_1128 = arith.constant 0 : i32
    %dma_start3A_1129 = tpu.memref_slice %arg11[%dma_start3A_1127, %dma_start3A_1128] : memref<256x16xf32, #tpu.memory_space<vmem>> -> memref<8x16xf32, #tpu.memory_space<vmem>>
    %dma_start3A_1130 = arith.constant 0 : i32
    %dma_start3A_1131 = tpu.memref_slice %arg4[%multiple_of3A_1120, %dma_start3A_1130] : memref<1000000x16xf32, #tpu.memory_space<hbm>> -> memref<8x16xf32, #tpu.memory_space<hbm>>
    tpu.enqueue_dma source(%dma_start3A_1131 : memref<8x16xf32, #tpu.memory_space<hbm>>) target(%dma_start3A_1129 : memref<8x16xf32, #tpu.memory_space<vmem>>) target_semaphore(%arg14 : memref<!tpu.dma_semaphore, #tpu.memory_space<semaphore_mem>>)
    %dma_start3A_1132 = arith.constant 32 : i32
    %dma_start3A_1133 = arith.constant 0 : i32
    %dma_start3A_1134 = tpu.memref_slice %arg12[%dma_start3A_1132, %dma_start3A_1133] : memref<256x16xf32, #tpu.memory_space<vmem>> -> memref<8x16xf32, #tpu.memory_space<vmem>>
    %dma_start3A_1135 = arith.constant 0 : i32
    %dma_start3A_1136 = tpu.memref_slice %arg5[%multiple_of3A_1121, %dma_start3A_1135] : memref<1000000x16xf32, #tpu.memory_space<hbm>> -> memref<8x16xf32, #tpu.memory_space<hbm>>
    %dma_start3A_1137 = arith.constant 32 : i32
    %dma_start3A_1138 = arith.constant 0 : i32
    %dma_start3A_1139 = tpu.memref_slice %arg12[%dma_start3A_1137, %dma_start3A_1138] : memref<256x16xf32, #tpu.memory_space<vmem>> -> memref<8x16xf32, #tpu.memory_space<vmem>>
    %dma_start3A_1140 = arith.constant 0 : i32
    %dma_start3A_1141 = tpu.memref_slice %arg5[%multiple_of3A_1121, %dma_start3A_1140] : memref<1000000x16xf32, #tpu.memory_space<hbm>> -> memref<8x16xf32, #tpu.memory_space<hbm>>
    tpu.enqueue_dma source(%dma_start3A_1141 : memref<8x16xf32, #tpu.memory_space<hbm>>) target(%dma_start3A_1139 : memref<8x16xf32, #tpu.memory_space<vmem>>) target_semaphore(%arg16 : memref<!tpu.dma_semaphore, #tpu.memory_space<semaphore_mem>>)
    %slice3A_1142 = vector.extract_strided_slice %get3A_1009 {offsets = [5], sizes = [1], strides = [1]} : vector<16xi32> to vector<1xi32>
    %squeeze3A_1143 = vector.extract %slice3A_1142[0] : i32 from vector<1xi32>
    %slice3A_1144 = vector.extract_strided_slice %get3A_1014 {offsets = [5], sizes = [1], strides = [1]} : vector<16xi32> to vector<1xi32>
    %squeeze3A_1145 = vector.extract %slice3A_1144[0] : i32 from vector<1xi32>
    %multiple_of3A_1146 = tpu.assume_multiple %squeeze3A_1143, 8 : i32
    %multiple_of3A_1147 = tpu.assume_multiple %squeeze3A_1145, 8 : i32
    %dma_start3A_1148 = arith.constant 40 : i32
    %dma_start3A_1149 = arith.constant 0 : i32
    %dma_start3A_1150 = tpu.memref_slice %arg11[%dma_start3A_1148, %dma_start3A_1149] : memref<256x16xf32, #tpu.memory_space<vmem>> -> memref<8x16xf32, #tpu.memory_space<vmem>>
    %dma_start3A_1151 = arith.constant 0 : i32
    %dma_start3A_1152 = tpu.memref_slice %arg4[%multiple_of3A_1146, %dma_start3A_1151] : memref<1000000x16xf32, #tpu.memory_space<hbm>> -> memref<8x16xf32, #tpu.memory_space<hbm>>
    %dma_start3A_1153 = arith.constant 40 : i32
    %dma_start3A_1154 = arith.constant 0 : i32
    %dma_start3A_1155 = tpu.memref_slice %arg11[%dma_start3A_1153, %dma_start3A_1154] : memref<256x16xf32, #tpu.memory_space<vmem>> -> memref<8x16xf32, #tpu.memory_space<vmem>>
    %dma_start3A_1156 = arith.constant 0 : i32
    %dma_start3A_1157 = tpu.memref_slice %arg4[%multiple_of3A_1146, %dma_start3A_1156] : memref<1000000x16xf32, #tpu.memory_space<hbm>> -> memref<8x16xf32, #tpu.memory_space<hbm>>
    tpu.enqueue_dma source(%dma_start3A_1157 : memref<8x16xf32, #tpu.memory_space<hbm>>) target(%dma_start3A_1155 : memref<8x16xf32, #tpu.memory_space<vmem>>) target_semaphore(%arg14 : memref<!tpu.dma_semaphore, #tpu.memory_space<semaphore_mem>>)
    %dma_start3A_1158 = arith.constant 40 : i32
    %dma_start3A_1159 = arith.constant 0 : i32
    %dma_start3A_1160 = tpu.memref_slice %arg12[%dma_start3A_1158, %dma_start3A_1159] : memref<256x16xf32, #tpu.memory_space<vmem>> -> memref<8x16xf32, #tpu.memory_space<vmem>>
    %dma_start3A_1161 = arith.constant 0 : i32
    %dma_start3A_1162 = tpu.memref_slice %arg5[%multiple_of3A_1147, %dma_start3A_1161] : memref<1000000x16xf32, #tpu.memory_space<hbm>> -> memref<8x16xf32, #tpu.memory_space<hbm>>
    %dma_start3A_1163 = arith.constant 40 : i32
    %dma_start3A_1164 = arith.constant 0 : i32
    %dma_start3A_1165 = tpu.memref_slice %arg12[%dma_start3A_1163, %dma_start3A_1164] : memref<256x16xf32, #tpu.memory_space<vmem>> -> memref<8x16xf32, #tpu.memory_space<vmem>>
    %dma_start3A_1166 = arith.constant 0 : i32
    %dma_start3A_1167 = tpu.memref_slice %arg5[%multiple_of3A_1147, %dma_start3A_1166] : memref<1000000x16xf32, #tpu.memory_space<hbm>> -> memref<8x16xf32, #tpu.memory_space<hbm>>
    tpu.enqueue_dma source(%dma_start3A_1167 : memref<8x16xf32, #tpu.memory_space<hbm>>) target(%dma_start3A_1165 : memref<8x16xf32, #tpu.memory_space<vmem>>) target_semaphore(%arg16 : memref<!tpu.dma_semaphore, #tpu.memory_space<semaphore_mem>>)
    %slice3A_1168 = vector.extract_strided_slice %get3A_1009 {offsets = [6], sizes = [1], strides = [1]} : vector<16xi32> to vector<1xi32>
    %squeeze3A_1169 = vector.extract %slice3A_1168[0] : i32 from vector<1xi32>
    %slice3A_1170 = vector.extract_strided_slice %get3A_1014 {offsets = [6], sizes = [1], strides = [1]} : vector<16xi32> to vector<1xi32>
    %squeeze3A_1171 = vector.extract %slice3A_1170[0] : i32 from vector<1xi32>
    %multiple_of3A_1172 = tpu.assume_multiple %squeeze3A_1169, 8 : i32
    %multiple_of3A_1173 = tpu.assume_multiple %squeeze3A_1171, 8 : i32
    %dma_start3A_1174 = arith.constant 48 : i32
    %dma_start3A_1175 = arith.constant 0 : i32
    %dma_start3A_1176 = tpu.memref_slice %arg11[%dma_start3A_1174, %dma_start3A_1175] : memref<256x16xf32, #tpu.memory_space<vmem>> -> memref<8x16xf32, #tpu.memory_space<vmem>>
    %dma_start3A_1177 = arith.constant 0 : i32
    %dma_start3A_1178 = tpu.memref_slice %arg4[%multiple_of3A_1172, %dma_start3A_1177] : memref<1000000x16xf32, #tpu.memory_space<hbm>> -> memref<8x16xf32, #tpu.memory_space<hbm>>
    %dma_start3A_1179 = arith.constant 48 : i32
    %dma_start3A_1180 = arith.constant 0 : i32
    %dma_start3A_1181 = tpu.memref_slice %arg11[%dma_start3A_1179, %dma_start3A_1180] : memref<256x16xf32, #tpu.memory_space<vmem>> -> memref<8x16xf32, #tpu.memory_space<vmem>>
    %dma_start3A_1182 = arith.constant 0 : i32
    %dma_start3A_1183 = tpu.memref_slice %arg4[%multiple_of3A_1172, %dma_start3A_1182] : memref<1000000x16xf32, #tpu.memory_space<hbm>> -> memref<8x16xf32, #tpu.memory_space<hbm>>
    tpu.enqueue_dma source(%dma_start3A_1183 : memref<8x16xf32, #tpu.memory_space<hbm>>) target(%dma_start3A_1181 : memref<8x16xf32, #tpu.memory_space<vmem>>) target_semaphore(%arg14 : memref<!tpu.dma_semaphore, #tpu.memory_space<semaphore_mem>>)
    %dma_start3A_1184 = arith.constant 48 : i32
    %dma_start3A_1185 = arith.constant 0 : i32
    %dma_start3A_1186 = tpu.memref_slice %arg12[%dma_start3A_1184, %dma_start3A_1185] : memref<256x16xf32, #tpu.memory_space<vmem>> -> memref<8x16xf32, #tpu.memory_space<vmem>>
    %dma_start3A_1187 = arith.constant 0 : i32
    %dma_start3A_1188 = tpu.memref_slice %arg5[%multiple_of3A_1173, %dma_start3A_1187] : memref<1000000x16xf32, #tpu.memory_space<hbm>> -> memref<8x16xf32, #tpu.memory_space<hbm>>
    %dma_start3A_1189 = arith.constant 48 : i32
    %dma_start3A_1190 = arith.constant 0 : i32
    %dma_start3A_1191 = tpu.memref_slice %arg12[%dma_start3A_1189, %dma_start3A_1190] : memref<256x16xf32, #tpu.memory_space<vmem>> -> memref<8x16xf32, #tpu.memory_space<vmem>>
    %dma_start3A_1192 = arith.constant 0 : i32
    %dma_start3A_1193 = tpu.memref_slice %arg5[%multiple_of3A_1173, %dma_start3A_1192] : memref<1000000x16xf32, #tpu.memory_space<hbm>> -> memref<8x16xf32, #tpu.memory_space<hbm>>
    tpu.enqueue_dma source(%dma_start3A_1193 : memref<8x16xf32, #tpu.memory_space<hbm>>) target(%dma_start3A_1191 : memref<8x16xf32, #tpu.memory_space<vmem>>) target_semaphore(%arg16 : memref<!tpu.dma_semaphore, #tpu.memory_space<semaphore_mem>>)
    %slice3A_1194 = vector.extract_strided_slice %get3A_1009 {offsets = [7], sizes = [1], strides = [1]} : vector<16xi32> to vector<1xi32>
    %squeeze3A_1195 = vector.extract %slice3A_1194[0] : i32 from vector<1xi32>
    %slice3A_1196 = vector.extract_strided_slice %get3A_1014 {offsets = [7], sizes = [1], strides = [1]} : vector<16xi32> to vector<1xi32>
    %squeeze3A_1197 = vector.extract %slice3A_1196[0] : i32 from vector<1xi32>
    %multiple_of3A_1198 = tpu.assume_multiple %squeeze3A_1195, 8 : i32
    %multiple_of3A_1199 = tpu.assume_multiple %squeeze3A_1197, 8 : i32
    %dma_start3A_1200 = arith.constant 56 : i32
    %dma_start3A_1201 = arith.constant 0 : i32
    %dma_start3A_1202 = tpu.memref_slice %arg11[%dma_start3A_1200, %dma_start3A_1201] : memref<256x16xf32, #tpu.memory_space<vmem>> -> memref<8x16xf32, #tpu.memory_space<vmem>>
    %dma_start3A_1203 = arith.constant 0 : i32
    %dma_start3A_1204 = tpu.memref_slice %arg4[%multiple_of3A_1198, %dma_start3A_1203] : memref<1000000x16xf32, #tpu.memory_space<hbm>> -> memref<8x16xf32, #tpu.memory_space<hbm>>
    %dma_start3A_1205 = arith.constant 56 : i32
    %dma_start3A_1206 = arith.constant 0 : i32
    %dma_start3A_1207 = tpu.memref_slice %arg11[%dma_start3A_1205, %dma_start3A_1206] : memref<256x16xf32, #tpu.memory_space<vmem>> -> memref<8x16xf32, #tpu.memory_space<vmem>>
    %dma_start3A_1208 = arith.constant 0 : i32
    %dma_start3A_1209 = tpu.memref_slice %arg4[%multiple_of3A_1198, %dma_start3A_1208] : memref<1000000x16xf32, #tpu.memory_space<hbm>> -> memref<8x16xf32, #tpu.memory_space<hbm>>
    tpu.enqueue_dma source(%dma_start3A_1209 : memref<8x16xf32, #tpu.memory_space<hbm>>) target(%dma_start3A_1207 : memref<8x16xf32, #tpu.memory_space<vmem>>) target_semaphore(%arg14 : memref<!tpu.dma_semaphore, #tpu.memory_space<semaphore_mem>>)
    %dma_start3A_1210 = arith.constant 56 : i32
    %dma_start3A_1211 = arith.constant 0 : i32
    %dma_start3A_1212 = tpu.memref_slice %arg12[%dma_start3A_1210, %dma_start3A_1211] : memref<256x16xf32, #tpu.memory_space<vmem>> -> memref<8x16xf32, #tpu.memory_space<vmem>>
    %dma_start3A_1213 = arith.constant 0 : i32
    %dma_start3A_1214 = tpu.memref_slice %arg5[%multiple_of3A_1199, %dma_start3A_1213] : memref<1000000x16xf32, #tpu.memory_space<hbm>> -> memref<8x16xf32, #tpu.memory_space<hbm>>
    %dma_start3A_1215 = arith.constant 56 : i32
    %dma_start3A_1216 = arith.constant 0 : i32
    %dma_start3A_1217 = tpu.memref_slice %arg12[%dma_start3A_1215, %dma_start3A_1216] : memref<256x16xf32, #tpu.memory_space<vmem>> -> memref<8x16xf32, #tpu.memory_space<vmem>>
    %dma_start3A_1218 = arith.constant 0 : i32
    %dma_start3A_1219 = tpu.memref_slice %arg5[%multiple_of3A_1199, %dma_start3A_1218] : memref<1000000x16xf32, #tpu.memory_space<hbm>> -> memref<8x16xf32, #tpu.memory_space<hbm>>
    tpu.enqueue_dma source(%dma_start3A_1219 : memref<8x16xf32, #tpu.memory_space<hbm>>) target(%dma_start3A_1217 : memref<8x16xf32, #tpu.memory_space<vmem>>) target_semaphore(%arg16 : memref<!tpu.dma_semaphore, #tpu.memory_space<semaphore_mem>>)
    %slice3A_1220 = vector.extract_strided_slice %get3A_1009 {offsets = [8], sizes = [1], strides = [1]} : vector<16xi32> to vector<1xi32>
    %squeeze3A_1221 = vector.extract %slice3A_1220[0] : i32 from vector<1xi32>
    %slice3A_1222 = vector.extract_strided_slice %get3A_1014 {offsets = [8], sizes = [1], strides = [1]} : vector<16xi32> to vector<1xi32>
    %squeeze3A_1223 = vector.extract %slice3A_1222[0] : i32 from vector<1xi32>
    %multiple_of3A_1224 = tpu.assume_multiple %squeeze3A_1221, 8 : i32
    %multiple_of3A_1225 = tpu.assume_multiple %squeeze3A_1223, 8 : i32
    %dma_start3A_1226 = arith.constant 64 : i32
    %dma_start3A_1227 = arith.constant 0 : i32
    %dma_start3A_1228 = tpu.memref_slice %arg11[%dma_start3A_1226, %dma_start3A_1227] : memref<256x16xf32, #tpu.memory_space<vmem>> -> memref<8x16xf32, #tpu.memory_space<vmem>>
    %dma_start3A_1229 = arith.constant 0 : i32
    %dma_start3A_1230 = tpu.memref_slice %arg4[%multiple_of3A_1224, %dma_start3A_1229] : memref<1000000x16xf32, #tpu.memory_space<hbm>> -> memref<8x16xf32, #tpu.memory_space<hbm>>
    %dma_start3A_1231 = arith.constant 64 : i32
    %dma_start3A_1232 = arith.constant 0 : i32
    %dma_start3A_1233 = tpu.memref_slice %arg11[%dma_start3A_1231, %dma_start3A_1232] : memref<256x16xf32, #tpu.memory_space<vmem>> -> memref<8x16xf32, #tpu.memory_space<vmem>>
    %dma_start3A_1234 = arith.constant 0 : i32
    %dma_start3A_1235 = tpu.memref_slice %arg4[%multiple_of3A_1224, %dma_start3A_1234] : memref<1000000x16xf32, #tpu.memory_space<hbm>> -> memref<8x16xf32, #tpu.memory_space<hbm>>
    tpu.enqueue_dma source(%dma_start3A_1235 : memref<8x16xf32, #tpu.memory_space<hbm>>) target(%dma_start3A_1233 : memref<8x16xf32, #tpu.memory_space<vmem>>) target_semaphore(%arg14 : memref<!tpu.dma_semaphore, #tpu.memory_space<semaphore_mem>>)
    %dma_start3A_1236 = arith.constant 64 : i32
    %dma_start3A_1237 = arith.constant 0 : i32
    %dma_start3A_1238 = tpu.memref_slice %arg12[%dma_start3A_1236, %dma_start3A_1237] : memref<256x16xf32, #tpu.memory_space<vmem>> -> memref<8x16xf32, #tpu.memory_space<vmem>>
    %dma_start3A_1239 = arith.constant 0 : i32
    %dma_start3A_1240 = tpu.memref_slice %arg5[%multiple_of3A_1225, %dma_start3A_1239] : memref<1000000x16xf32, #tpu.memory_space<hbm>> -> memref<8x16xf32, #tpu.memory_space<hbm>>
    %dma_start3A_1241 = arith.constant 64 : i32
    %dma_start3A_1242 = arith.constant 0 : i32
    %dma_start3A_1243 = tpu.memref_slice %arg12[%dma_start3A_1241, %dma_start3A_1242] : memref<256x16xf32, #tpu.memory_space<vmem>> -> memref<8x16xf32, #tpu.memory_space<vmem>>
    %dma_start3A_1244 = arith.constant 0 : i32
    %dma_start3A_1245 = tpu.memref_slice %arg5[%multiple_of3A_1225, %dma_start3A_1244] : memref<1000000x16xf32, #tpu.memory_space<hbm>> -> memref<8x16xf32, #tpu.memory_space<hbm>>
    tpu.enqueue_dma source(%dma_start3A_1245 : memref<8x16xf32, #tpu.memory_space<hbm>>) target(%dma_start3A_1243 : memref<8x16xf32, #tpu.memory_space<vmem>>) target_semaphore(%arg16 : memref<!tpu.dma_semaphore, #tpu.memory_space<semaphore_mem>>)
    %slice3A_1246 = vector.extract_strided_slice %get3A_1009 {offsets = [9], sizes = [1], strides = [1]} : vector<16xi32> to vector<1xi32>
    %squeeze3A_1247 = vector.extract %slice3A_1246[0] : i32 from vector<1xi32>
    %slice3A_1248 = vector.extract_strided_slice %get3A_1014 {offsets = [9], sizes = [1], strides = [1]} : vector<16xi32> to vector<1xi32>
    %squeeze3A_1249 = vector.extract %slice3A_1248[0] : i32 from vector<1xi32>
    %multiple_of3A_1250 = tpu.assume_multiple %squeeze3A_1247, 8 : i32
    %multiple_of3A_1251 = tpu.assume_multiple %squeeze3A_1249, 8 : i32
    %dma_start3A_1252 = arith.constant 72 : i32
    %dma_start3A_1253 = arith.constant 0 : i32
    %dma_start3A_1254 = tpu.memref_slice %arg11[%dma_start3A_1252, %dma_start3A_1253] : memref<256x16xf32, #tpu.memory_space<vmem>> -> memref<8x16xf32, #tpu.memory_space<vmem>>
    %dma_start3A_1255 = arith.constant 0 : i32
    %dma_start3A_1256 = tpu.memref_slice %arg4[%multiple_of3A_1250, %dma_start3A_1255] : memref<1000000x16xf32, #tpu.memory_space<hbm>> -> memref<8x16xf32, #tpu.memory_space<hbm>>
    %dma_start3A_1257 = arith.constant 72 : i32
    %dma_start3A_1258 = arith.constant 0 : i32
    %dma_start3A_1259 = tpu.memref_slice %arg11[%dma_start3A_1257, %dma_start3A_1258] : memref<256x16xf32, #tpu.memory_space<vmem>> -> memref<8x16xf32, #tpu.memory_space<vmem>>
    %dma_start3A_1260 = arith.constant 0 : i32
    %dma_start3A_1261 = tpu.memref_slice %arg4[%multiple_of3A_1250, %dma_start3A_1260] : memref<1000000x16xf32, #tpu.memory_space<hbm>> -> memref<8x16xf32, #tpu.memory_space<hbm>>
    tpu.enqueue_dma source(%dma_start3A_1261 : memref<8x16xf32, #tpu.memory_space<hbm>>) target(%dma_start3A_1259 : memref<8x16xf32, #tpu.memory_space<vmem>>) target_semaphore(%arg14 : memref<!tpu.dma_semaphore, #tpu.memory_space<semaphore_mem>>)
    %dma_start3A_1262 = arith.constant 72 : i32
    %dma_start3A_1263 = arith.constant 0 : i32
    %dma_start3A_1264 = tpu.memref_slice %arg12[%dma_start3A_1262, %dma_start3A_1263] : memref<256x16xf32, #tpu.memory_space<vmem>> -> memref<8x16xf32, #tpu.memory_space<vmem>>
    %dma_start3A_1265 = arith.constant 0 : i32
    %dma_start3A_1266 = tpu.memref_slice %arg5[%multiple_of3A_1251, %dma_start3A_1265] : memref<1000000x16xf32, #tpu.memory_space<hbm>> -> memref<8x16xf32, #tpu.memory_space<hbm>>
    %dma_start3A_1267 = arith.constant 72 : i32
    %dma_start3A_1268 = arith.constant 0 : i32
    %dma_start3A_1269 = tpu.memref_slice %arg12[%dma_start3A_1267, %dma_start3A_1268] : memref<256x16xf32, #tpu.memory_space<vmem>> -> memref<8x16xf32, #tpu.memory_space<vmem>>
    %dma_start3A_1270 = arith.constant 0 : i32
    %dma_start3A_1271 = tpu.memref_slice %arg5[%multiple_of3A_1251, %dma_start3A_1270] : memref<1000000x16xf32, #tpu.memory_space<hbm>> -> memref<8x16xf32, #tpu.memory_space<hbm>>
    tpu.enqueue_dma source(%dma_start3A_1271 : memref<8x16xf32, #tpu.memory_space<hbm>>) target(%dma_start3A_1269 : memref<8x16xf32, #tpu.memory_space<vmem>>) target_semaphore(%arg16 : memref<!tpu.dma_semaphore, #tpu.memory_space<semaphore_mem>>)
    %slice3A_1272 = vector.extract_strided_slice %get3A_1009 {offsets = [10], sizes = [1], strides = [1]} : vector<16xi32> to vector<1xi32>
    %squeeze3A_1273 = vector.extract %slice3A_1272[0] : i32 from vector<1xi32>
    %slice3A_1274 = vector.extract_strided_slice %get3A_1014 {offsets = [10], sizes = [1], strides = [1]} : vector<16xi32> to vector<1xi32>
    %squeeze3A_1275 = vector.extract %slice3A_1274[0] : i32 from vector<1xi32>
    %multiple_of3A_1276 = tpu.assume_multiple %squeeze3A_1273, 8 : i32
    %multiple_of3A_1277 = tpu.assume_multiple %squeeze3A_1275, 8 : i32
    %dma_start3A_1278 = arith.constant 80 : i32
    %dma_start3A_1279 = arith.constant 0 : i32
    %dma_start3A_1280 = tpu.memref_slice %arg11[%dma_start3A_1278, %dma_start3A_1279] : memref<256x16xf32, #tpu.memory_space<vmem>> -> memref<8x16xf32, #tpu.memory_space<vmem>>
    %dma_start3A_1281 = arith.constant 0 : i32
    %dma_start3A_1282 = tpu.memref_slice %arg4[%multiple_of3A_1276, %dma_start3A_1281] : memref<1000000x16xf32, #tpu.memory_space<hbm>> -> memref<8x16xf32, #tpu.memory_space<hbm>>
    %dma_start3A_1283 = arith.constant 80 : i32
    %dma_start3A_1284 = arith.constant 0 : i32
    %dma_start3A_1285 = tpu.memref_slice %arg11[%dma_start3A_1283, %dma_start3A_1284] : memref<256x16xf32, #tpu.memory_space<vmem>> -> memref<8x16xf32, #tpu.memory_space<vmem>>
    %dma_start3A_1286 = arith.constant 0 : i32
    %dma_start3A_1287 = tpu.memref_slice %arg4[%multiple_of3A_1276, %dma_start3A_1286] : memref<1000000x16xf32, #tpu.memory_space<hbm>> -> memref<8x16xf32, #tpu.memory_space<hbm>>
    tpu.enqueue_dma source(%dma_start3A_1287 : memref<8x16xf32, #tpu.memory_space<hbm>>) target(%dma_start3A_1285 : memref<8x16xf32, #tpu.memory_space<vmem>>) target_semaphore(%arg14 : memref<!tpu.dma_semaphore, #tpu.memory_space<semaphore_mem>>)
    %dma_start3A_1288 = arith.constant 80 : i32
    %dma_start3A_1289 = arith.constant 0 : i32
    %dma_start3A_1290 = tpu.memref_slice %arg12[%dma_start3A_1288, %dma_start3A_1289] : memref<256x16xf32, #tpu.memory_space<vmem>> -> memref<8x16xf32, #tpu.memory_space<vmem>>
    %dma_start3A_1291 = arith.constant 0 : i32
    %dma_start3A_1292 = tpu.memref_slice %arg5[%multiple_of3A_1277, %dma_start3A_1291] : memref<1000000x16xf32, #tpu.memory_space<hbm>> -> memref<8x16xf32, #tpu.memory_space<hbm>>
    %dma_start3A_1293 = arith.constant 80 : i32
    %dma_start3A_1294 = arith.constant 0 : i32
    %dma_start3A_1295 = tpu.memref_slice %arg12[%dma_start3A_1293, %dma_start3A_1294] : memref<256x16xf32, #tpu.memory_space<vmem>> -> memref<8x16xf32, #tpu.memory_space<vmem>>
    %dma_start3A_1296 = arith.constant 0 : i32
    %dma_start3A_1297 = tpu.memref_slice %arg5[%multiple_of3A_1277, %dma_start3A_1296] : memref<1000000x16xf32, #tpu.memory_space<hbm>> -> memref<8x16xf32, #tpu.memory_space<hbm>>
    tpu.enqueue_dma source(%dma_start3A_1297 : memref<8x16xf32, #tpu.memory_space<hbm>>) target(%dma_start3A_1295 : memref<8x16xf32, #tpu.memory_space<vmem>>) target_semaphore(%arg16 : memref<!tpu.dma_semaphore, #tpu.memory_space<semaphore_mem>>)
    %slice3A_1298 = vector.extract_strided_slice %get3A_1009 {offsets = [11], sizes = [1], strides = [1]} : vector<16xi32> to vector<1xi32>
    %squeeze3A_1299 = vector.extract %slice3A_1298[0] : i32 from vector<1xi32>
    %slice3A_1300 = vector.extract_strided_slice %get3A_1014 {offsets = [11], sizes = [1], strides = [1]} : vector<16xi32> to vector<1xi32>
    %squeeze3A_1301 = vector.extract %slice3A_1300[0] : i32 from vector<1xi32>
    %multiple_of3A_1302 = tpu.assume_multiple %squeeze3A_1299, 8 : i32
    %multiple_of3A_1303 = tpu.assume_multiple %squeeze3A_1301, 8 : i32
    %dma_start3A_1304 = arith.constant 88 : i32
    %dma_start3A_1305 = arith.constant 0 : i32
    %dma_start3A_1306 = tpu.memref_slice %arg11[%dma_start3A_1304, %dma_start3A_1305] : memref<256x16xf32, #tpu.memory_space<vmem>> -> memref<8x16xf32, #tpu.memory_space<vmem>>
    %dma_start3A_1307 = arith.constant 0 : i32
    %dma_start3A_1308 = tpu.memref_slice %arg4[%multiple_of3A_1302, %dma_start3A_1307] : memref<1000000x16xf32, #tpu.memory_space<hbm>> -> memref<8x16xf32, #tpu.memory_space<hbm>>
    %dma_start3A_1309 = arith.constant 88 : i32
    %dma_start3A_1310 = arith.constant 0 : i32
    %dma_start3A_1311 = tpu.memref_slice %arg11[%dma_start3A_1309, %dma_start3A_1310] : memref<256x16xf32, #tpu.memory_space<vmem>> -> memref<8x16xf32, #tpu.memory_space<vmem>>
    %dma_start3A_1312 = arith.constant 0 : i32
    %dma_start3A_1313 = tpu.memref_slice %arg4[%multiple_of3A_1302, %dma_start3A_1312] : memref<1000000x16xf32, #tpu.memory_space<hbm>> -> memref<8x16xf32, #tpu.memory_space<hbm>>
    tpu.enqueue_dma source(%dma_start3A_1313 : memref<8x16xf32, #tpu.memory_space<hbm>>) target(%dma_start3A_1311 : memref<8x16xf32, #tpu.memory_space<vmem>>) target_semaphore(%arg14 : memref<!tpu.dma_semaphore, #tpu.memory_space<semaphore_mem>>)
    %dma_start3A_1314 = arith.constant 88 : i32
    %dma_start3A_1315 = arith.constant 0 : i32
    %dma_start3A_1316 = tpu.memref_slice %arg12[%dma_start3A_1314, %dma_start3A_1315] : memref<256x16xf32, #tpu.memory_space<vmem>> -> memref<8x16xf32, #tpu.memory_space<vmem>>
    %dma_start3A_1317 = arith.constant 0 : i32
    %dma_start3A_1318 = tpu.memref_slice %arg5[%multiple_of3A_1303, %dma_start3A_1317] : memref<1000000x16xf32, #tpu.memory_space<hbm>> -> memref<8x16xf32, #tpu.memory_space<hbm>>
    %dma_start3A_1319 = arith.constant 88 : i32
    %dma_start3A_1320 = arith.constant 0 : i32
    %dma_start3A_1321 = tpu.memref_slice %arg12[%dma_start3A_1319, %dma_start3A_1320] : memref<256x16xf32, #tpu.memory_space<vmem>> -> memref<8x16xf32, #tpu.memory_space<vmem>>
    %dma_start3A_1322 = arith.constant 0 : i32
    %dma_start3A_1323 = tpu.memref_slice %arg5[%multiple_of3A_1303, %dma_start3A_1322] : memref<1000000x16xf32, #tpu.memory_space<hbm>> -> memref<8x16xf32, #tpu.memory_space<hbm>>
    tpu.enqueue_dma source(%dma_start3A_1323 : memref<8x16xf32, #tpu.memory_space<hbm>>) target(%dma_start3A_1321 : memref<8x16xf32, #tpu.memory_space<vmem>>) target_semaphore(%arg16 : memref<!tpu.dma_semaphore, #tpu.memory_space<semaphore_mem>>)
    %slice3A_1324 = vector.extract_strided_slice %get3A_1009 {offsets = [12], sizes = [1], strides = [1]} : vector<16xi32> to vector<1xi32>
    %squeeze3A_1325 = vector.extract %slice3A_1324[0] : i32 from vector<1xi32>
    %slice3A_1326 = vector.extract_strided_slice %get3A_1014 {offsets = [12], sizes = [1], strides = [1]} : vector<16xi32> to vector<1xi32>
    %squeeze3A_1327 = vector.extract %slice3A_1326[0] : i32 from vector<1xi32>
    %multiple_of3A_1328 = tpu.assume_multiple %squeeze3A_1325, 8 : i32
    %multiple_of3A_1329 = tpu.assume_multiple %squeeze3A_1327, 8 : i32
    %dma_start3A_1330 = arith.constant 96 : i32
    %dma_start3A_1331 = arith.constant 0 : i32
    %dma_start3A_1332 = tpu.memref_slice %arg11[%dma_start3A_1330, %dma_start3A_1331] : memref<256x16xf32, #tpu.memory_space<vmem>> -> memref<8x16xf32, #tpu.memory_space<vmem>>
    %dma_start3A_1333 = arith.constant 0 : i32
    %dma_start3A_1334 = tpu.memref_slice %arg4[%multiple_of3A_1328, %dma_start3A_1333] : memref<1000000x16xf32, #tpu.memory_space<hbm>> -> memref<8x16xf32, #tpu.memory_space<hbm>>
    %dma_start3A_1335 = arith.constant 96 : i32
    %dma_start3A_1336 = arith.constant 0 : i32
    %dma_start3A_1337 = tpu.memref_slice %arg11[%dma_start3A_1335, %dma_start3A_1336] : memref<256x16xf32, #tpu.memory_space<vmem>> -> memref<8x16xf32, #tpu.memory_space<vmem>>
    %dma_start3A_1338 = arith.constant 0 : i32
    %dma_start3A_1339 = tpu.memref_slice %arg4[%multiple_of3A_1328, %dma_start3A_1338] : memref<1000000x16xf32, #tpu.memory_space<hbm>> -> memref<8x16xf32, #tpu.memory_space<hbm>>
    tpu.enqueue_dma source(%dma_start3A_1339 : memref<8x16xf32, #tpu.memory_space<hbm>>) target(%dma_start3A_1337 : memref<8x16xf32, #tpu.memory_space<vmem>>) target_semaphore(%arg14 : memref<!tpu.dma_semaphore, #tpu.memory_space<semaphore_mem>>)
    %dma_start3A_1340 = arith.constant 96 : i32
    %dma_start3A_1341 = arith.constant 0 : i32
    %dma_start3A_1342 = tpu.memref_slice %arg12[%dma_start3A_1340, %dma_start3A_1341] : memref<256x16xf32, #tpu.memory_space<vmem>> -> memref<8x16xf32, #tpu.memory_space<vmem>>
    %dma_start3A_1343 = arith.constant 0 : i32
    %dma_start3A_1344 = tpu.memref_slice %arg5[%multiple_of3A_1329, %dma_start3A_1343] : memref<1000000x16xf32, #tpu.memory_space<hbm>> -> memref<8x16xf32, #tpu.memory_space<hbm>>
    %dma_start3A_1345 = arith.constant 96 : i32
    %dma_start3A_1346 = arith.constant 0 : i32
    %dma_start3A_1347 = tpu.memref_slice %arg12[%dma_start3A_1345, %dma_start3A_1346] : memref<256x16xf32, #tpu.memory_space<vmem>> -> memref<8x16xf32, #tpu.memory_space<vmem>>
    %dma_start3A_1348 = arith.constant 0 : i32
    %dma_start3A_1349 = tpu.memref_slice %arg5[%multiple_of3A_1329, %dma_start3A_1348] : memref<1000000x16xf32, #tpu.memory_space<hbm>> -> memref<8x16xf32, #tpu.memory_space<hbm>>
    tpu.enqueue_dma source(%dma_start3A_1349 : memref<8x16xf32, #tpu.memory_space<hbm>>) target(%dma_start3A_1347 : memref<8x16xf32, #tpu.memory_space<vmem>>) target_semaphore(%arg16 : memref<!tpu.dma_semaphore, #tpu.memory_space<semaphore_mem>>)
    %slice3A_1350 = vector.extract_strided_slice %get3A_1009 {offsets = [13], sizes = [1], strides = [1]} : vector<16xi32> to vector<1xi32>
    %squeeze3A_1351 = vector.extract %slice3A_1350[0] : i32 from vector<1xi32>
    %slice3A_1352 = vector.extract_strided_slice %get3A_1014 {offsets = [13], sizes = [1], strides = [1]} : vector<16xi32> to vector<1xi32>
    %squeeze3A_1353 = vector.extract %slice3A_1352[0] : i32 from vector<1xi32>
    %multiple_of3A_1354 = tpu.assume_multiple %squeeze3A_1351, 8 : i32
    %multiple_of3A_1355 = tpu.assume_multiple %squeeze3A_1353, 8 : i32
    %dma_start3A_1356 = arith.constant 104 : i32
    %dma_start3A_1357 = arith.constant 0 : i32
    %dma_start3A_1358 = tpu.memref_slice %arg11[%dma_start3A_1356, %dma_start3A_1357] : memref<256x16xf32, #tpu.memory_space<vmem>> -> memref<8x16xf32, #tpu.memory_space<vmem>>
    %dma_start3A_1359 = arith.constant 0 : i32
    %dma_start3A_1360 = tpu.memref_slice %arg4[%multiple_of3A_1354, %dma_start3A_1359] : memref<1000000x16xf32, #tpu.memory_space<hbm>> -> memref<8x16xf32, #tpu.memory_space<hbm>>
    %dma_start3A_1361 = arith.constant 104 : i32
    %dma_start3A_1362 = arith.constant 0 : i32
    %dma_start3A_1363 = tpu.memref_slice %arg11[%dma_start3A_1361, %dma_start3A_1362] : memref<256x16xf32, #tpu.memory_space<vmem>> -> memref<8x16xf32, #tpu.memory_space<vmem>>
    %dma_start3A_1364 = arith.constant 0 : i32
    %dma_start3A_1365 = tpu.memref_slice %arg4[%multiple_of3A_1354, %dma_start3A_1364] : memref<1000000x16xf32, #tpu.memory_space<hbm>> -> memref<8x16xf32, #tpu.memory_space<hbm>>
    tpu.enqueue_dma source(%dma_start3A_1365 : memref<8x16xf32, #tpu.memory_space<hbm>>) target(%dma_start3A_1363 : memref<8x16xf32, #tpu.memory_space<vmem>>) target_semaphore(%arg14 : memref<!tpu.dma_semaphore, #tpu.memory_space<semaphore_mem>>)
    %dma_start3A_1366 = arith.constant 104 : i32
    %dma_start3A_1367 = arith.constant 0 : i32
    %dma_start3A_1368 = tpu.memref_slice %arg12[%dma_start3A_1366, %dma_start3A_1367] : memref<256x16xf32, #tpu.memory_space<vmem>> -> memref<8x16xf32, #tpu.memory_space<vmem>>
    %dma_start3A_1369 = arith.constant 0 : i32
    %dma_start3A_1370 = tpu.memref_slice %arg5[%multiple_of3A_1355, %dma_start3A_1369] : memref<1000000x16xf32, #tpu.memory_space<hbm>> -> memref<8x16xf32, #tpu.memory_space<hbm>>
    %dma_start3A_1371 = arith.constant 104 : i32
    %dma_start3A_1372 = arith.constant 0 : i32
    %dma_start3A_1373 = tpu.memref_slice %arg12[%dma_start3A_1371, %dma_start3A_1372] : memref<256x16xf32, #tpu.memory_space<vmem>> -> memref<8x16xf32, #tpu.memory_space<vmem>>
    %dma_start3A_1374 = arith.constant 0 : i32
    %dma_start3A_1375 = tpu.memref_slice %arg5[%multiple_of3A_1355, %dma_start3A_1374] : memref<1000000x16xf32, #tpu.memory_space<hbm>> -> memref<8x16xf32, #tpu.memory_space<hbm>>
    tpu.enqueue_dma source(%dma_start3A_1375 : memref<8x16xf32, #tpu.memory_space<hbm>>) target(%dma_start3A_1373 : memref<8x16xf32, #tpu.memory_space<vmem>>) target_semaphore(%arg16 : memref<!tpu.dma_semaphore, #tpu.memory_space<semaphore_mem>>)
    %slice3A_1376 = vector.extract_strided_slice %get3A_1009 {offsets = [14], sizes = [1], strides = [1]} : vector<16xi32> to vector<1xi32>
    %squeeze3A_1377 = vector.extract %slice3A_1376[0] : i32 from vector<1xi32>
    %slice3A_1378 = vector.extract_strided_slice %get3A_1014 {offsets = [14], sizes = [1], strides = [1]} : vector<16xi32> to vector<1xi32>
    %squeeze3A_1379 = vector.extract %slice3A_1378[0] : i32 from vector<1xi32>
    %multiple_of3A_1380 = tpu.assume_multiple %squeeze3A_1377, 8 : i32
    %multiple_of3A_1381 = tpu.assume_multiple %squeeze3A_1379, 8 : i32
    %dma_start3A_1382 = arith.constant 112 : i32
    %dma_start3A_1383 = arith.constant 0 : i32
    %dma_start3A_1384 = tpu.memref_slice %arg11[%dma_start3A_1382, %dma_start3A_1383] : memref<256x16xf32, #tpu.memory_space<vmem>> -> memref<8x16xf32, #tpu.memory_space<vmem>>
    %dma_start3A_1385 = arith.constant 0 : i32
    %dma_start3A_1386 = tpu.memref_slice %arg4[%multiple_of3A_1380, %dma_start3A_1385] : memref<1000000x16xf32, #tpu.memory_space<hbm>> -> memref<8x16xf32, #tpu.memory_space<hbm>>
    %dma_start3A_1387 = arith.constant 112 : i32
    %dma_start3A_1388 = arith.constant 0 : i32
    %dma_start3A_1389 = tpu.memref_slice %arg11[%dma_start3A_1387, %dma_start3A_1388] : memref<256x16xf32, #tpu.memory_space<vmem>> -> memref<8x16xf32, #tpu.memory_space<vmem>>
    %dma_start3A_1390 = arith.constant 0 : i32
    %dma_start3A_1391 = tpu.memref_slice %arg4[%multiple_of3A_1380, %dma_start3A_1390] : memref<1000000x16xf32, #tpu.memory_space<hbm>> -> memref<8x16xf32, #tpu.memory_space<hbm>>
    tpu.enqueue_dma source(%dma_start3A_1391 : memref<8x16xf32, #tpu.memory_space<hbm>>) target(%dma_start3A_1389 : memref<8x16xf32, #tpu.memory_space<vmem>>) target_semaphore(%arg14 : memref<!tpu.dma_semaphore, #tpu.memory_space<semaphore_mem>>)
    %dma_start3A_1392 = arith.constant 112 : i32
    %dma_start3A_1393 = arith.constant 0 : i32
    %dma_start3A_1394 = tpu.memref_slice %arg12[%dma_start3A_1392, %dma_start3A_1393] : memref<256x16xf32, #tpu.memory_space<vmem>> -> memref<8x16xf32, #tpu.memory_space<vmem>>
    %dma_start3A_1395 = arith.constant 0 : i32
    %dma_start3A_1396 = tpu.memref_slice %arg5[%multiple_of3A_1381, %dma_start3A_1395] : memref<1000000x16xf32, #tpu.memory_space<hbm>> -> memref<8x16xf32, #tpu.memory_space<hbm>>
    %dma_start3A_1397 = arith.constant 112 : i32
    %dma_start3A_1398 = arith.constant 0 : i32
    %dma_start3A_1399 = tpu.memref_slice %arg12[%dma_start3A_1397, %dma_start3A_1398] : memref<256x16xf32, #tpu.memory_space<vmem>> -> memref<8x16xf32, #tpu.memory_space<vmem>>
    %dma_start3A_1400 = arith.constant 0 : i32
    %dma_start3A_1401 = tpu.memref_slice %arg5[%multiple_of3A_1381, %dma_start3A_1400] : memref<1000000x16xf32, #tpu.memory_space<hbm>> -> memref<8x16xf32, #tpu.memory_space<hbm>>
    tpu.enqueue_dma source(%dma_start3A_1401 : memref<8x16xf32, #tpu.memory_space<hbm>>) target(%dma_start3A_1399 : memref<8x16xf32, #tpu.memory_space<vmem>>) target_semaphore(%arg16 : memref<!tpu.dma_semaphore, #tpu.memory_space<semaphore_mem>>)
    %slice3A_1402 = vector.extract_strided_slice %get3A_1009 {offsets = [15], sizes = [1], strides = [1]} : vector<16xi32> to vector<1xi32>
    %squeeze3A_1403 = vector.extract %slice3A_1402[0] : i32 from vector<1xi32>
    %slice3A_1404 = vector.extract_strided_slice %get3A_1014 {offsets = [15], sizes = [1], strides = [1]} : vector<16xi32> to vector<1xi32>
    %squeeze3A_1405 = vector.extract %slice3A_1404[0] : i32 from vector<1xi32>
    %multiple_of3A_1406 = tpu.assume_multiple %squeeze3A_1403, 8 : i32
    %multiple_of3A_1407 = tpu.assume_multiple %squeeze3A_1405, 8 : i32
    %dma_start3A_1408 = arith.constant 120 : i32
    %dma_start3A_1409 = arith.constant 0 : i32
    %dma_start3A_1410 = tpu.memref_slice %arg11[%dma_start3A_1408, %dma_start3A_1409] : memref<256x16xf32, #tpu.memory_space<vmem>> -> memref<8x16xf32, #tpu.memory_space<vmem>>
    %dma_start3A_1411 = arith.constant 0 : i32
    %dma_start3A_1412 = tpu.memref_slice %arg4[%multiple_of3A_1406, %dma_start3A_1411] : memref<1000000x16xf32, #tpu.memory_space<hbm>> -> memref<8x16xf32, #tpu.memory_space<hbm>>
    %dma_start3A_1413 = arith.constant 120 : i32
    %dma_start3A_1414 = arith.constant 0 : i32
    %dma_start3A_1415 = tpu.memref_slice %arg11[%dma_start3A_1413, %dma_start3A_1414] : memref<256x16xf32, #tpu.memory_space<vmem>> -> memref<8x16xf32, #tpu.memory_space<vmem>>
    %dma_start3A_1416 = arith.constant 0 : i32
    %dma_start3A_1417 = tpu.memref_slice %arg4[%multiple_of3A_1406, %dma_start3A_1416] : memref<1000000x16xf32, #tpu.memory_space<hbm>> -> memref<8x16xf32, #tpu.memory_space<hbm>>
    tpu.enqueue_dma source(%dma_start3A_1417 : memref<8x16xf32, #tpu.memory_space<hbm>>) target(%dma_start3A_1415 : memref<8x16xf32, #tpu.memory_space<vmem>>) target_semaphore(%arg14 : memref<!tpu.dma_semaphore, #tpu.memory_space<semaphore_mem>>)
    %dma_start3A_1418 = arith.constant 120 : i32
    %dma_start3A_1419 = arith.constant 0 : i32
    %dma_start3A_1420 = tpu.memref_slice %arg12[%dma_start3A_1418, %dma_start3A_1419] : memref<256x16xf32, #tpu.memory_space<vmem>> -> memref<8x16xf32, #tpu.memory_space<vmem>>
    %dma_start3A_1421 = arith.constant 0 : i32
    %dma_start3A_1422 = tpu.memref_slice %arg5[%multiple_of3A_1407, %dma_start3A_1421] : memref<1000000x16xf32, #tpu.memory_space<hbm>> -> memref<8x16xf32, #tpu.memory_space<hbm>>
    %dma_start3A_1423 = arith.constant 120 : i32
    %dma_start3A_1424 = arith.constant 0 : i32
    %dma_start3A_1425 = tpu.memref_slice %arg12[%dma_start3A_1423, %dma_start3A_1424] : memref<256x16xf32, #tpu.memory_space<vmem>> -> memref<8x16xf32, #tpu.memory_space<vmem>>
    %dma_start3A_1426 = arith.constant 0 : i32
    %dma_start3A_1427 = tpu.memref_slice %arg5[%multiple_of3A_1407, %dma_start3A_1426] : memref<1000000x16xf32, #tpu.memory_space<hbm>> -> memref<8x16xf32, #tpu.memory_space<hbm>>
    tpu.enqueue_dma source(%dma_start3A_1427 : memref<8x16xf32, #tpu.memory_space<hbm>>) target(%dma_start3A_1425 : memref<8x16xf32, #tpu.memory_space<vmem>>) target_semaphore(%arg16 : memref<!tpu.dma_semaphore, #tpu.memory_space<semaphore_mem>>)
    %mul3A_1428 = arith.constant 1 : i32
    %mul3A_1429 = arith.constant 16 : i32
    %mul3A_1430 = arith.muli %mul3A_1428, %mul3A_1429 : i32
    %get3A_1431 = arith.index_cast %mul3A_1430 : i32 to index
    %get3A_1432 = tpu.vector_load %arg9[%get3A_1431] {strides = array<i32>} : memref<512xi32, #tpu.memory_space<vmem>>, vector<16xi32>,
    %mul3A_1433 = arith.constant 1 : i32
    %mul3A_1434 = arith.constant 16 : i32
    %mul3A_1435 = arith.muli %mul3A_1433, %mul3A_1434 : i32
    %get3A_1436 = arith.index_cast %mul3A_1435 : i32 to index
    %get3A_1437 = tpu.vector_load %arg10[%get3A_1436] {strides = array<i32>} : memref<512xi32, #tpu.memory_space<vmem>>, vector<16xi32>,
    %slice3A_1438 = vector.extract_strided_slice %get3A_1432 {offsets = [0], sizes = [1], strides = [1]} : vector<16xi32> to vector<1xi32>
    %squeeze3A_1439 = vector.extract %slice3A_1438[0] : i32 from vector<1xi32>
    %slice3A_1440 = vector.extract_strided_slice %get3A_1437 {offsets = [0], sizes = [1], strides = [1]} : vector<16xi32> to vector<1xi32>
    %squeeze3A_1441 = vector.extract %slice3A_1440[0] : i32 from vector<1xi32>
    %multiple_of3A_1442 = tpu.assume_multiple %squeeze3A_1439, 8 : i32
    %multiple_of3A_1443 = tpu.assume_multiple %squeeze3A_1441, 8 : i32
    %dma_start3A_1444 = arith.constant 128 : i32
    %dma_start3A_1445 = arith.constant 0 : i32
    %dma_start3A_1446 = tpu.memref_slice %arg11[%dma_start3A_1444, %dma_start3A_1445] : memref<256x16xf32, #tpu.memory_space<vmem>> -> memref<8x16xf32, #tpu.memory_space<vmem>>
    %dma_start3A_1447 = arith.constant 0 : i32
    %dma_start3A_1448 = tpu.memref_slice %arg4[%multiple_of3A_1442, %dma_start3A_1447] : memref<1000000x16xf32, #tpu.memory_space<hbm>> -> memref<8x16xf32, #tpu.memory_space<hbm>>
    %dma_start3A_1449 = arith.constant 128 : i32
    %dma_start3A_1450 = arith.constant 0 : i32
    %dma_start3A_1451 = tpu.memref_slice %arg11[%dma_start3A_1449, %dma_start3A_1450] : memref<256x16xf32, #tpu.memory_space<vmem>> -> memref<8x16xf32, #tpu.memory_space<vmem>>
    %dma_start3A_1452 = arith.constant 0 : i32
    %dma_start3A_1453 = tpu.memref_slice %arg4[%multiple_of3A_1442, %dma_start3A_1452] : memref<1000000x16xf32, #tpu.memory_space<hbm>> -> memref<8x16xf32, #tpu.memory_space<hbm>>
    tpu.enqueue_dma source(%dma_start3A_1453 : memref<8x16xf32, #tpu.memory_space<hbm>>) target(%dma_start3A_1451 : memref<8x16xf32, #tpu.memory_space<vmem>>) target_semaphore(%arg15 : memref<!tpu.dma_semaphore, #tpu.memory_space<semaphore_mem>>)
    %dma_start3A_1454 = arith.constant 128 : i32
    %dma_start3A_1455 = arith.constant 0 : i32
    %dma_start3A_1456 = tpu.memref_slice %arg12[%dma_start3A_1454, %dma_start3A_1455] : memref<256x16xf32, #tpu.memory_space<vmem>> -> memref<8x16xf32, #tpu.memory_space<vmem>>
    %dma_start3A_1457 = arith.constant 0 : i32
    %dma_start3A_1458 = tpu.memref_slice %arg5[%multiple_of3A_1443, %dma_start3A_1457] : memref<1000000x16xf32, #tpu.memory_space<hbm>> -> memref<8x16xf32, #tpu.memory_space<hbm>>
    %dma_start3A_1459 = arith.constant 128 : i32
    %dma_start3A_1460 = arith.constant 0 : i32
    %dma_start3A_1461 = tpu.memref_slice %arg12[%dma_start3A_1459, %dma_start3A_1460] : memref<256x16xf32, #tpu.memory_space<vmem>> -> memref<8x16xf32, #tpu.memory_space<vmem>>
    %dma_start3A_1462 = arith.constant 0 : i32
    %dma_start3A_1463 = tpu.memref_slice %arg5[%multiple_of3A_1443, %dma_start3A_1462] : memref<1000000x16xf32, #tpu.memory_space<hbm>> -> memref<8x16xf32, #tpu.memory_space<hbm>>
    tpu.enqueue_dma source(%dma_start3A_1463 : memref<8x16xf32, #tpu.memory_space<hbm>>) target(%dma_start3A_1461 : memref<8x16xf32, #tpu.memory_space<vmem>>) target_semaphore(%arg17 : memref<!tpu.dma_semaphore, #tpu.memory_space<semaphore_mem>>)
    %slice3A_1464 = vector.extract_strided_slice %get3A_1432 {offsets = [1], sizes = [1], strides = [1]} : vector<16xi32> to vector<1xi32>
    %squeeze3A_1465 = vector.extract %slice3A_1464[0] : i32 from vector<1xi32>
    %slice3A_1466 = vector.extract_strided_slice %get3A_1437 {offsets = [1], sizes = [1], strides = [1]} : vector<16xi32> to vector<1xi32>
    %squeeze3A_1467 = vector.extract %slice3A_1466[0] : i32 from vector<1xi32>
    %multiple_of3A_1468 = tpu.assume_multiple %squeeze3A_1465, 8 : i32
    %multiple_of3A_1469 = tpu.assume_multiple %squeeze3A_1467, 8 : i32
    %dma_start3A_1470 = arith.constant 136 : i32
    %dma_start3A_1471 = arith.constant 0 : i32
    %dma_start3A_1472 = tpu.memref_slice %arg11[%dma_start3A_1470, %dma_start3A_1471] : memref<256x16xf32, #tpu.memory_space<vmem>> -> memref<8x16xf32, #tpu.memory_space<vmem>>
    %dma_start3A_1473 = arith.constant 0 : i32
    %dma_start3A_1474 = tpu.memref_slice %arg4[%multiple_of3A_1468, %dma_start3A_1473] : memref<1000000x16xf32, #tpu.memory_space<hbm>> -> memref<8x16xf32, #tpu.memory_space<hbm>>
    %dma_start3A_1475 = arith.constant 136 : i32
    %dma_start3A_1476 = arith.constant 0 : i32
    %dma_start3A_1477 = tpu.memref_slice %arg11[%dma_start3A_1475, %dma_start3A_1476] : memref<256x16xf32, #tpu.memory_space<vmem>> -> memref<8x16xf32, #tpu.memory_space<vmem>>
    %dma_start3A_1478 = arith.constant 0 : i32
    %dma_start3A_1479 = tpu.memref_slice %arg4[%multiple_of3A_1468, %dma_start3A_1478] : memref<1000000x16xf32, #tpu.memory_space<hbm>> -> memref<8x16xf32, #tpu.memory_space<hbm>>
    tpu.enqueue_dma source(%dma_start3A_1479 : memref<8x16xf32, #tpu.memory_space<hbm>>) target(%dma_start3A_1477 : memref<8x16xf32, #tpu.memory_space<vmem>>) target_semaphore(%arg15 : memref<!tpu.dma_semaphore, #tpu.memory_space<semaphore_mem>>)
    %dma_start3A_1480 = arith.constant 136 : i32
    %dma_start3A_1481 = arith.constant 0 : i32
    %dma_start3A_1482 = tpu.memref_slice %arg12[%dma_start3A_1480, %dma_start3A_1481] : memref<256x16xf32, #tpu.memory_space<vmem>> -> memref<8x16xf32, #tpu.memory_space<vmem>>
    %dma_start3A_1483 = arith.constant 0 : i32
    %dma_start3A_1484 = tpu.memref_slice %arg5[%multiple_of3A_1469, %dma_start3A_1483] : memref<1000000x16xf32, #tpu.memory_space<hbm>> -> memref<8x16xf32, #tpu.memory_space<hbm>>
    %dma_start3A_1485 = arith.constant 136 : i32
    %dma_start3A_1486 = arith.constant 0 : i32
    %dma_start3A_1487 = tpu.memref_slice %arg12[%dma_start3A_1485, %dma_start3A_1486] : memref<256x16xf32, #tpu.memory_space<vmem>> -> memref<8x16xf32, #tpu.memory_space<vmem>>
    %dma_start3A_1488 = arith.constant 0 : i32
    %dma_start3A_1489 = tpu.memref_slice %arg5[%multiple_of3A_1469, %dma_start3A_1488] : memref<1000000x16xf32, #tpu.memory_space<hbm>> -> memref<8x16xf32, #tpu.memory_space<hbm>>
    tpu.enqueue_dma source(%dma_start3A_1489 : memref<8x16xf32, #tpu.memory_space<hbm>>) target(%dma_start3A_1487 : memref<8x16xf32, #tpu.memory_space<vmem>>) target_semaphore(%arg17 : memref<!tpu.dma_semaphore, #tpu.memory_space<semaphore_mem>>)
    %slice3A_1490 = vector.extract_strided_slice %get3A_1432 {offsets = [2], sizes = [1], strides = [1]} : vector<16xi32> to vector<1xi32>
    %squeeze3A_1491 = vector.extract %slice3A_1490[0] : i32 from vector<1xi32>
    %slice3A_1492 = vector.extract_strided_slice %get3A_1437 {offsets = [2], sizes = [1], strides = [1]} : vector<16xi32> to vector<1xi32>
    %squeeze3A_1493 = vector.extract %slice3A_1492[0] : i32 from vector<1xi32>
    %multiple_of3A_1494 = tpu.assume_multiple %squeeze3A_1491, 8 : i32
    %multiple_of3A_1495 = tpu.assume_multiple %squeeze3A_1493, 8 : i32
    %dma_start3A_1496 = arith.constant 144 : i32
    %dma_start3A_1497 = arith.constant 0 : i32
    %dma_start3A_1498 = tpu.memref_slice %arg11[%dma_start3A_1496, %dma_start3A_1497] : memref<256x16xf32, #tpu.memory_space<vmem>> -> memref<8x16xf32, #tpu.memory_space<vmem>>
    %dma_start3A_1499 = arith.constant 0 : i32
    %dma_start3A_1500 = tpu.memref_slice %arg4[%multiple_of3A_1494, %dma_start3A_1499] : memref<1000000x16xf32, #tpu.memory_space<hbm>> -> memref<8x16xf32, #tpu.memory_space<hbm>>
    %dma_start3A_1501 = arith.constant 144 : i32
    %dma_start3A_1502 = arith.constant 0 : i32
    %dma_start3A_1503 = tpu.memref_slice %arg11[%dma_start3A_1501, %dma_start3A_1502] : memref<256x16xf32, #tpu.memory_space<vmem>> -> memref<8x16xf32, #tpu.memory_space<vmem>>
    %dma_start3A_1504 = arith.constant 0 : i32
    %dma_start3A_1505 = tpu.memref_slice %arg4[%multiple_of3A_1494, %dma_start3A_1504] : memref<1000000x16xf32, #tpu.memory_space<hbm>> -> memref<8x16xf32, #tpu.memory_space<hbm>>
    tpu.enqueue_dma source(%dma_start3A_1505 : memref<8x16xf32, #tpu.memory_space<hbm>>) target(%dma_start3A_1503 : memref<8x16xf32, #tpu.memory_space<vmem>>) target_semaphore(%arg15 : memref<!tpu.dma_semaphore, #tpu.memory_space<semaphore_mem>>)
    %dma_start3A_1506 = arith.constant 144 : i32
    %dma_start3A_1507 = arith.constant 0 : i32
    %dma_start3A_1508 = tpu.memref_slice %arg12[%dma_start3A_1506, %dma_start3A_1507] : memref<256x16xf32, #tpu.memory_space<vmem>> -> memref<8x16xf32, #tpu.memory_space<vmem>>
    %dma_start3A_1509 = arith.constant 0 : i32
    %dma_start3A_1510 = tpu.memref_slice %arg5[%multiple_of3A_1495, %dma_start3A_1509] : memref<1000000x16xf32, #tpu.memory_space<hbm>> -> memref<8x16xf32, #tpu.memory_space<hbm>>
    %dma_start3A_1511 = arith.constant 144 : i32
    %dma_start3A_1512 = arith.constant 0 : i32
    %dma_start3A_1513 = tpu.memref_slice %arg12[%dma_start3A_1511, %dma_start3A_1512] : memref<256x16xf32, #tpu.memory_space<vmem>> -> memref<8x16xf32, #tpu.memory_space<vmem>>
    %dma_start3A_1514 = arith.constant 0 : i32
    %dma_start3A_1515 = tpu.memref_slice %arg5[%multiple_of3A_1495, %dma_start3A_1514] : memref<1000000x16xf32, #tpu.memory_space<hbm>> -> memref<8x16xf32, #tpu.memory_space<hbm>>
    tpu.enqueue_dma source(%dma_start3A_1515 : memref<8x16xf32, #tpu.memory_space<hbm>>) target(%dma_start3A_1513 : memref<8x16xf32, #tpu.memory_space<vmem>>) target_semaphore(%arg17 : memref<!tpu.dma_semaphore, #tpu.memory_space<semaphore_mem>>)
    %slice3A_1516 = vector.extract_strided_slice %get3A_1432 {offsets = [3], sizes = [1], strides = [1]} : vector<16xi32> to vector<1xi32>
    %squeeze3A_1517 = vector.extract %slice3A_1516[0] : i32 from vector<1xi32>
    %slice3A_1518 = vector.extract_strided_slice %get3A_1437 {offsets = [3], sizes = [1], strides = [1]} : vector<16xi32> to vector<1xi32>
    %squeeze3A_1519 = vector.extract %slice3A_1518[0] : i32 from vector<1xi32>
    %multiple_of3A_1520 = tpu.assume_multiple %squeeze3A_1517, 8 : i32
    %multiple_of3A_1521 = tpu.assume_multiple %squeeze3A_1519, 8 : i32
    %dma_start3A_1522 = arith.constant 152 : i32
    %dma_start3A_1523 = arith.constant 0 : i32
    %dma_start3A_1524 = tpu.memref_slice %arg11[%dma_start3A_1522, %dma_start3A_1523] : memref<256x16xf32, #tpu.memory_space<vmem>> -> memref<8x16xf32, #tpu.memory_space<vmem>>
    %dma_start3A_1525 = arith.constant 0 : i32
    %dma_start3A_1526 = tpu.memref_slice %arg4[%multiple_of3A_1520, %dma_start3A_1525] : memref<1000000x16xf32, #tpu.memory_space<hbm>> -> memref<8x16xf32, #tpu.memory_space<hbm>>
    %dma_start3A_1527 = arith.constant 152 : i32
    %dma_start3A_1528 = arith.constant 0 : i32
    %dma_start3A_1529 = tpu.memref_slice %arg11[%dma_start3A_1527, %dma_start3A_1528] : memref<256x16xf32, #tpu.memory_space<vmem>> -> memref<8x16xf32, #tpu.memory_space<vmem>>
    %dma_start3A_1530 = arith.constant 0 : i32
    %dma_start3A_1531 = tpu.memref_slice %arg4[%multiple_of3A_1520, %dma_start3A_1530] : memref<1000000x16xf32, #tpu.memory_space<hbm>> -> memref<8x16xf32, #tpu.memory_space<hbm>>
    tpu.enqueue_dma source(%dma_start3A_1531 : memref<8x16xf32, #tpu.memory_space<hbm>>) target(%dma_start3A_1529 : memref<8x16xf32, #tpu.memory_space<vmem>>) target_semaphore(%arg15 : memref<!tpu.dma_semaphore, #tpu.memory_space<semaphore_mem>>)
    %dma_start3A_1532 = arith.constant 152 : i32
    %dma_start3A_1533 = arith.constant 0 : i32
    %dma_start3A_1534 = tpu.memref_slice %arg12[%dma_start3A_1532, %dma_start3A_1533] : memref<256x16xf32, #tpu.memory_space<vmem>> -> memref<8x16xf32, #tpu.memory_space<vmem>>
    %dma_start3A_1535 = arith.constant 0 : i32
    %dma_start3A_1536 = tpu.memref_slice %arg5[%multiple_of3A_1521, %dma_start3A_1535] : memref<1000000x16xf32, #tpu.memory_space<hbm>> -> memref<8x16xf32, #tpu.memory_space<hbm>>
    %dma_start3A_1537 = arith.constant 152 : i32
    %dma_start3A_1538 = arith.constant 0 : i32
    %dma_start3A_1539 = tpu.memref_slice %arg12[%dma_start3A_1537, %dma_start3A_1538] : memref<256x16xf32, #tpu.memory_space<vmem>> -> memref<8x16xf32, #tpu.memory_space<vmem>>
    %dma_start3A_1540 = arith.constant 0 : i32
    %dma_start3A_1541 = tpu.memref_slice %arg5[%multiple_of3A_1521, %dma_start3A_1540] : memref<1000000x16xf32, #tpu.memory_space<hbm>> -> memref<8x16xf32, #tpu.memory_space<hbm>>
    tpu.enqueue_dma source(%dma_start3A_1541 : memref<8x16xf32, #tpu.memory_space<hbm>>) target(%dma_start3A_1539 : memref<8x16xf32, #tpu.memory_space<vmem>>) target_semaphore(%arg17 : memref<!tpu.dma_semaphore, #tpu.memory_space<semaphore_mem>>)
    %slice3A_1542 = vector.extract_strided_slice %get3A_1432 {offsets = [4], sizes = [1], strides = [1]} : vector<16xi32> to vector<1xi32>
    %squeeze3A_1543 = vector.extract %slice3A_1542[0] : i32 from vector<1xi32>
    %slice3A_1544 = vector.extract_strided_slice %get3A_1437 {offsets = [4], sizes = [1], strides = [1]} : vector<16xi32> to vector<1xi32>
    %squeeze3A_1545 = vector.extract %slice3A_1544[0] : i32 from vector<1xi32>
    %multiple_of3A_1546 = tpu.assume_multiple %squeeze3A_1543, 8 : i32
    %multiple_of3A_1547 = tpu.assume_multiple %squeeze3A_1545, 8 : i32
    %dma_start3A_1548 = arith.constant 160 : i32
    %dma_start3A_1549 = arith.constant 0 : i32
    %dma_start3A_1550 = tpu.memref_slice %arg11[%dma_start3A_1548, %dma_start3A_1549] : memref<256x16xf32, #tpu.memory_space<vmem>> -> memref<8x16xf32, #tpu.memory_space<vmem>>
    %dma_start3A_1551 = arith.constant 0 : i32
    %dma_start3A_1552 = tpu.memref_slice %arg4[%multiple_of3A_1546, %dma_start3A_1551] : memref<1000000x16xf32, #tpu.memory_space<hbm>> -> memref<8x16xf32, #tpu.memory_space<hbm>>
    %dma_start3A_1553 = arith.constant 160 : i32
    %dma_start3A_1554 = arith.constant 0 : i32
    %dma_start3A_1555 = tpu.memref_slice %arg11[%dma_start3A_1553, %dma_start3A_1554] : memref<256x16xf32, #tpu.memory_space<vmem>> -> memref<8x16xf32, #tpu.memory_space<vmem>>
    %dma_start3A_1556 = arith.constant 0 : i32
    %dma_start3A_1557 = tpu.memref_slice %arg4[%multiple_of3A_1546, %dma_start3A_1556] : memref<1000000x16xf32, #tpu.memory_space<hbm>> -> memref<8x16xf32, #tpu.memory_space<hbm>>
    tpu.enqueue_dma source(%dma_start3A_1557 : memref<8x16xf32, #tpu.memory_space<hbm>>) target(%dma_start3A_1555 : memref<8x16xf32, #tpu.memory_space<vmem>>) target_semaphore(%arg15 : memref<!tpu.dma_semaphore, #tpu.memory_space<semaphore_mem>>)
    %dma_start3A_1558 = arith.constant 160 : i32
    %dma_start3A_1559 = arith.constant 0 : i32
    %dma_start3A_1560 = tpu.memref_slice %arg12[%dma_start3A_1558, %dma_start3A_1559] : memref<256x16xf32, #tpu.memory_space<vmem>> -> memref<8x16xf32, #tpu.memory_space<vmem>>
    %dma_start3A_1561 = arith.constant 0 : i32
    %dma_start3A_1562 = tpu.memref_slice %arg5[%multiple_of3A_1547, %dma_start3A_1561] : memref<1000000x16xf32, #tpu.memory_space<hbm>> -> memref<8x16xf32, #tpu.memory_space<hbm>>
    %dma_start3A_1563 = arith.constant 160 : i32
    %dma_start3A_1564 = arith.constant 0 : i32
    %dma_start3A_1565 = tpu.memref_slice %arg12[%dma_start3A_1563, %dma_start3A_1564] : memref<256x16xf32, #tpu.memory_space<vmem>> -> memref<8x16xf32, #tpu.memory_space<vmem>>
    %dma_start3A_1566 = arith.constant 0 : i32
    %dma_start3A_1567 = tpu.memref_slice %arg5[%multiple_of3A_1547, %dma_start3A_1566] : memref<1000000x16xf32, #tpu.memory_space<hbm>> -> memref<8x16xf32, #tpu.memory_space<hbm>>
    tpu.enqueue_dma source(%dma_start3A_1567 : memref<8x16xf32, #tpu.memory_space<hbm>>) target(%dma_start3A_1565 : memref<8x16xf32, #tpu.memory_space<vmem>>) target_semaphore(%arg17 : memref<!tpu.dma_semaphore, #tpu.memory_space<semaphore_mem>>)
    %slice3A_1568 = vector.extract_strided_slice %get3A_1432 {offsets = [5], sizes = [1], strides = [1]} : vector<16xi32> to vector<1xi32>
    %squeeze3A_1569 = vector.extract %slice3A_1568[0] : i32 from vector<1xi32>
    %slice3A_1570 = vector.extract_strided_slice %get3A_1437 {offsets = [5], sizes = [1], strides = [1]} : vector<16xi32> to vector<1xi32>
    %squeeze3A_1571 = vector.extract %slice3A_1570[0] : i32 from vector<1xi32>
    %multiple_of3A_1572 = tpu.assume_multiple %squeeze3A_1569, 8 : i32
    %multiple_of3A_1573 = tpu.assume_multiple %squeeze3A_1571, 8 : i32
    %dma_start3A_1574 = arith.constant 168 : i32
    %dma_start3A_1575 = arith.constant 0 : i32
    %dma_start3A_1576 = tpu.memref_slice %arg11[%dma_start3A_1574, %dma_start3A_1575] : memref<256x16xf32, #tpu.memory_space<vmem>> -> memref<8x16xf32, #tpu.memory_space<vmem>>
    %dma_start3A_1577 = arith.constant 0 : i32
    %dma_start3A_1578 = tpu.memref_slice %arg4[%multiple_of3A_1572, %dma_start3A_1577] : memref<1000000x16xf32, #tpu.memory_space<hbm>> -> memref<8x16xf32, #tpu.memory_space<hbm>>
    %dma_start3A_1579 = arith.constant 168 : i32
    %dma_start3A_1580 = arith.constant 0 : i32
    %dma_start3A_1581 = tpu.memref_slice %arg11[%dma_start3A_1579, %dma_start3A_1580] : memref<256x16xf32, #tpu.memory_space<vmem>> -> memref<8x16xf32, #tpu.memory_space<vmem>>
    %dma_start3A_1582 = arith.constant 0 : i32
    %dma_start3A_1583 = tpu.memref_slice %arg4[%multiple_of3A_1572, %dma_start3A_1582] : memref<1000000x16xf32, #tpu.memory_space<hbm>> -> memref<8x16xf32, #tpu.memory_space<hbm>>
    tpu.enqueue_dma source(%dma_start3A_1583 : memref<8x16xf32, #tpu.memory_space<hbm>>) target(%dma_start3A_1581 : memref<8x16xf32, #tpu.memory_space<vmem>>) target_semaphore(%arg15 : memref<!tpu.dma_semaphore, #tpu.memory_space<semaphore_mem>>)
    %dma_start3A_1584 = arith.constant 168 : i32
    %dma_start3A_1585 = arith.constant 0 : i32
    %dma_start3A_1586 = tpu.memref_slice %arg12[%dma_start3A_1584, %dma_start3A_1585] : memref<256x16xf32, #tpu.memory_space<vmem>> -> memref<8x16xf32, #tpu.memory_space<vmem>>
    %dma_start3A_1587 = arith.constant 0 : i32
    %dma_start3A_1588 = tpu.memref_slice %arg5[%multiple_of3A_1573, %dma_start3A_1587] : memref<1000000x16xf32, #tpu.memory_space<hbm>> -> memref<8x16xf32, #tpu.memory_space<hbm>>
    %dma_start3A_1589 = arith.constant 168 : i32
    %dma_start3A_1590 = arith.constant 0 : i32
    %dma_start3A_1591 = tpu.memref_slice %arg12[%dma_start3A_1589, %dma_start3A_1590] : memref<256x16xf32, #tpu.memory_space<vmem>> -> memref<8x16xf32, #tpu.memory_space<vmem>>
    %dma_start3A_1592 = arith.constant 0 : i32
    %dma_start3A_1593 = tpu.memref_slice %arg5[%multiple_of3A_1573, %dma_start3A_1592] : memref<1000000x16xf32, #tpu.memory_space<hbm>> -> memref<8x16xf32, #tpu.memory_space<hbm>>
    tpu.enqueue_dma source(%dma_start3A_1593 : memref<8x16xf32, #tpu.memory_space<hbm>>) target(%dma_start3A_1591 : memref<8x16xf32, #tpu.memory_space<vmem>>) target_semaphore(%arg17 : memref<!tpu.dma_semaphore, #tpu.memory_space<semaphore_mem>>)
    %slice3A_1594 = vector.extract_strided_slice %get3A_1432 {offsets = [6], sizes = [1], strides = [1]} : vector<16xi32> to vector<1xi32>
    %squeeze3A_1595 = vector.extract %slice3A_1594[0] : i32 from vector<1xi32>
    %slice3A_1596 = vector.extract_strided_slice %get3A_1437 {offsets = [6], sizes = [1], strides = [1]} : vector<16xi32> to vector<1xi32>
    %squeeze3A_1597 = vector.extract %slice3A_1596[0] : i32 from vector<1xi32>
    %multiple_of3A_1598 = tpu.assume_multiple %squeeze3A_1595, 8 : i32
    %multiple_of3A_1599 = tpu.assume_multiple %squeeze3A_1597, 8 : i32
    %dma_start3A_1600 = arith.constant 176 : i32
    %dma_start3A_1601 = arith.constant 0 : i32
    %dma_start3A_1602 = tpu.memref_slice %arg11[%dma_start3A_1600, %dma_start3A_1601] : memref<256x16xf32, #tpu.memory_space<vmem>> -> memref<8x16xf32, #tpu.memory_space<vmem>>
    %dma_start3A_1603 = arith.constant 0 : i32
    %dma_start3A_1604 = tpu.memref_slice %arg4[%multiple_of3A_1598, %dma_start3A_1603] : memref<1000000x16xf32, #tpu.memory_space<hbm>> -> memref<8x16xf32, #tpu.memory_space<hbm>>
    %dma_start3A_1605 = arith.constant 176 : i32
    %dma_start3A_1606 = arith.constant 0 : i32
    %dma_start3A_1607 = tpu.memref_slice %arg11[%dma_start3A_1605, %dma_start3A_1606] : memref<256x16xf32, #tpu.memory_space<vmem>> -> memref<8x16xf32, #tpu.memory_space<vmem>>
    %dma_start3A_1608 = arith.constant 0 : i32
    %dma_start3A_1609 = tpu.memref_slice %arg4[%multiple_of3A_1598, %dma_start3A_1608] : memref<1000000x16xf32, #tpu.memory_space<hbm>> -> memref<8x16xf32, #tpu.memory_space<hbm>>
    tpu.enqueue_dma source(%dma_start3A_1609 : memref<8x16xf32, #tpu.memory_space<hbm>>) target(%dma_start3A_1607 : memref<8x16xf32, #tpu.memory_space<vmem>>) target_semaphore(%arg15 : memref<!tpu.dma_semaphore, #tpu.memory_space<semaphore_mem>>)
    %dma_start3A_1610 = arith.constant 176 : i32
    %dma_start3A_1611 = arith.constant 0 : i32
    %dma_start3A_1612 = tpu.memref_slice %arg12[%dma_start3A_1610, %dma_start3A_1611] : memref<256x16xf32, #tpu.memory_space<vmem>> -> memref<8x16xf32, #tpu.memory_space<vmem>>
    %dma_start3A_1613 = arith.constant 0 : i32
    %dma_start3A_1614 = tpu.memref_slice %arg5[%multiple_of3A_1599, %dma_start3A_1613] : memref<1000000x16xf32, #tpu.memory_space<hbm>> -> memref<8x16xf32, #tpu.memory_space<hbm>>
    %dma_start3A_1615 = arith.constant 176 : i32
    %dma_start3A_1616 = arith.constant 0 : i32
    %dma_start3A_1617 = tpu.memref_slice %arg12[%dma_start3A_1615, %dma_start3A_1616] : memref<256x16xf32, #tpu.memory_space<vmem>> -> memref<8x16xf32, #tpu.memory_space<vmem>>
    %dma_start3A_1618 = arith.constant 0 : i32
    %dma_start3A_1619 = tpu.memref_slice %arg5[%multiple_of3A_1599, %dma_start3A_1618] : memref<1000000x16xf32, #tpu.memory_space<hbm>> -> memref<8x16xf32, #tpu.memory_space<hbm>>
    tpu.enqueue_dma source(%dma_start3A_1619 : memref<8x16xf32, #tpu.memory_space<hbm>>) target(%dma_start3A_1617 : memref<8x16xf32, #tpu.memory_space<vmem>>) target_semaphore(%arg17 : memref<!tpu.dma_semaphore, #tpu.memory_space<semaphore_mem>>)
    %slice3A_1620 = vector.extract_strided_slice %get3A_1432 {offsets = [7], sizes = [1], strides = [1]} : vector<16xi32> to vector<1xi32>
    %squeeze3A_1621 = vector.extract %slice3A_1620[0] : i32 from vector<1xi32>
    %slice3A_1622 = vector.extract_strided_slice %get3A_1437 {offsets = [7], sizes = [1], strides = [1]} : vector<16xi32> to vector<1xi32>
    %squeeze3A_1623 = vector.extract %slice3A_1622[0] : i32 from vector<1xi32>
    %multiple_of3A_1624 = tpu.assume_multiple %squeeze3A_1621, 8 : i32
    %multiple_of3A_1625 = tpu.assume_multiple %squeeze3A_1623, 8 : i32
    %dma_start3A_1626 = arith.constant 184 : i32
    %dma_start3A_1627 = arith.constant 0 : i32
    %dma_start3A_1628 = tpu.memref_slice %arg11[%dma_start3A_1626, %dma_start3A_1627] : memref<256x16xf32, #tpu.memory_space<vmem>> -> memref<8x16xf32, #tpu.memory_space<vmem>>
    %dma_start3A_1629 = arith.constant 0 : i32
    %dma_start3A_1630 = tpu.memref_slice %arg4[%multiple_of3A_1624, %dma_start3A_1629] : memref<1000000x16xf32, #tpu.memory_space<hbm>> -> memref<8x16xf32, #tpu.memory_space<hbm>>
    %dma_start3A_1631 = arith.constant 184 : i32
    %dma_start3A_1632 = arith.constant 0 : i32
    %dma_start3A_1633 = tpu.memref_slice %arg11[%dma_start3A_1631, %dma_start3A_1632] : memref<256x16xf32, #tpu.memory_space<vmem>> -> memref<8x16xf32, #tpu.memory_space<vmem>>
    %dma_start3A_1634 = arith.constant 0 : i32
    %dma_start3A_1635 = tpu.memref_slice %arg4[%multiple_of3A_1624, %dma_start3A_1634] : memref<1000000x16xf32, #tpu.memory_space<hbm>> -> memref<8x16xf32, #tpu.memory_space<hbm>>
    tpu.enqueue_dma source(%dma_start3A_1635 : memref<8x16xf32, #tpu.memory_space<hbm>>) target(%dma_start3A_1633 : memref<8x16xf32, #tpu.memory_space<vmem>>) target_semaphore(%arg15 : memref<!tpu.dma_semaphore, #tpu.memory_space<semaphore_mem>>)
    %dma_start3A_1636 = arith.constant 184 : i32
    %dma_start3A_1637 = arith.constant 0 : i32
    %dma_start3A_1638 = tpu.memref_slice %arg12[%dma_start3A_1636, %dma_start3A_1637] : memref<256x16xf32, #tpu.memory_space<vmem>> -> memref<8x16xf32, #tpu.memory_space<vmem>>
    %dma_start3A_1639 = arith.constant 0 : i32
    %dma_start3A_1640 = tpu.memref_slice %arg5[%multiple_of3A_1625, %dma_start3A_1639] : memref<1000000x16xf32, #tpu.memory_space<hbm>> -> memref<8x16xf32, #tpu.memory_space<hbm>>
    %dma_start3A_1641 = arith.constant 184 : i32
    %dma_start3A_1642 = arith.constant 0 : i32
    %dma_start3A_1643 = tpu.memref_slice %arg12[%dma_start3A_1641, %dma_start3A_1642] : memref<256x16xf32, #tpu.memory_space<vmem>> -> memref<8x16xf32, #tpu.memory_space<vmem>>
    %dma_start3A_1644 = arith.constant 0 : i32
    %dma_start3A_1645 = tpu.memref_slice %arg5[%multiple_of3A_1625, %dma_start3A_1644] : memref<1000000x16xf32, #tpu.memory_space<hbm>> -> memref<8x16xf32, #tpu.memory_space<hbm>>
    tpu.enqueue_dma source(%dma_start3A_1645 : memref<8x16xf32, #tpu.memory_space<hbm>>) target(%dma_start3A_1643 : memref<8x16xf32, #tpu.memory_space<vmem>>) target_semaphore(%arg17 : memref<!tpu.dma_semaphore, #tpu.memory_space<semaphore_mem>>)
    %slice3A_1646 = vector.extract_strided_slice %get3A_1432 {offsets = [8], sizes = [1], strides = [1]} : vector<16xi32> to vector<1xi32>
    %squeeze3A_1647 = vector.extract %slice3A_1646[0] : i32 from vector<1xi32>
    %slice3A_1648 = vector.extract_strided_slice %get3A_1437 {offsets = [8], sizes = [1], strides = [1]} : vector<16xi32> to vector<1xi32>
    %squeeze3A_1649 = vector.extract %slice3A_1648[0] : i32 from vector<1xi32>
    %multiple_of3A_1650 = tpu.assume_multiple %squeeze3A_1647, 8 : i32
    %multiple_of3A_1651 = tpu.assume_multiple %squeeze3A_1649, 8 : i32
    %dma_start3A_1652 = arith.constant 192 : i32
    %dma_start3A_1653 = arith.constant 0 : i32
    %dma_start3A_1654 = tpu.memref_slice %arg11[%dma_start3A_1652, %dma_start3A_1653] : memref<256x16xf32, #tpu.memory_space<vmem>> -> memref<8x16xf32, #tpu.memory_space<vmem>>
    %dma_start3A_1655 = arith.constant 0 : i32
    %dma_start3A_1656 = tpu.memref_slice %arg4[%multiple_of3A_1650, %dma_start3A_1655] : memref<1000000x16xf32, #tpu.memory_space<hbm>> -> memref<8x16xf32, #tpu.memory_space<hbm>>
    %dma_start3A_1657 = arith.constant 192 : i32
    %dma_start3A_1658 = arith.constant 0 : i32
    %dma_start3A_1659 = tpu.memref_slice %arg11[%dma_start3A_1657, %dma_start3A_1658] : memref<256x16xf32, #tpu.memory_space<vmem>> -> memref<8x16xf32, #tpu.memory_space<vmem>>
    %dma_start3A_1660 = arith.constant 0 : i32
    %dma_start3A_1661 = tpu.memref_slice %arg4[%multiple_of3A_1650, %dma_start3A_1660] : memref<1000000x16xf32, #tpu.memory_space<hbm>> -> memref<8x16xf32, #tpu.memory_space<hbm>>
    tpu.enqueue_dma source(%dma_start3A_1661 : memref<8x16xf32, #tpu.memory_space<hbm>>) target(%dma_start3A_1659 : memref<8x16xf32, #tpu.memory_space<vmem>>) target_semaphore(%arg15 : memref<!tpu.dma_semaphore, #tpu.memory_space<semaphore_mem>>)
    %dma_start3A_1662 = arith.constant 192 : i32
    %dma_start3A_1663 = arith.constant 0 : i32
    %dma_start3A_1664 = tpu.memref_slice %arg12[%dma_start3A_1662, %dma_start3A_1663] : memref<256x16xf32, #tpu.memory_space<vmem>> -> memref<8x16xf32, #tpu.memory_space<vmem>>
    %dma_start3A_1665 = arith.constant 0 : i32
    %dma_start3A_1666 = tpu.memref_slice %arg5[%multiple_of3A_1651, %dma_start3A_1665] : memref<1000000x16xf32, #tpu.memory_space<hbm>> -> memref<8x16xf32, #tpu.memory_space<hbm>>
    %dma_start3A_1667 = arith.constant 192 : i32
    %dma_start3A_1668 = arith.constant 0 : i32
    %dma_start3A_1669 = tpu.memref_slice %arg12[%dma_start3A_1667, %dma_start3A_1668] : memref<256x16xf32, #tpu.memory_space<vmem>> -> memref<8x16xf32, #tpu.memory_space<vmem>>
    %dma_start3A_1670 = arith.constant 0 : i32
    %dma_start3A_1671 = tpu.memref_slice %arg5[%multiple_of3A_1651, %dma_start3A_1670] : memref<1000000x16xf32, #tpu.memory_space<hbm>> -> memref<8x16xf32, #tpu.memory_space<hbm>>
    tpu.enqueue_dma source(%dma_start3A_1671 : memref<8x16xf32, #tpu.memory_space<hbm>>) target(%dma_start3A_1669 : memref<8x16xf32, #tpu.memory_space<vmem>>) target_semaphore(%arg17 : memref<!tpu.dma_semaphore, #tpu.memory_space<semaphore_mem>>)
    %slice3A_1672 = vector.extract_strided_slice %get3A_1432 {offsets = [9], sizes = [1], strides = [1]} : vector<16xi32> to vector<1xi32>
    %squeeze3A_1673 = vector.extract %slice3A_1672[0] : i32 from vector<1xi32>
    %slice3A_1674 = vector.extract_strided_slice %get3A_1437 {offsets = [9], sizes = [1], strides = [1]} : vector<16xi32> to vector<1xi32>
    %squeeze3A_1675 = vector.extract %slice3A_1674[0] : i32 from vector<1xi32>
    %multiple_of3A_1676 = tpu.assume_multiple %squeeze3A_1673, 8 : i32
    %multiple_of3A_1677 = tpu.assume_multiple %squeeze3A_1675, 8 : i32
    %dma_start3A_1678 = arith.constant 200 : i32
    %dma_start3A_1679 = arith.constant 0 : i32
    %dma_start3A_1680 = tpu.memref_slice %arg11[%dma_start3A_1678, %dma_start3A_1679] : memref<256x16xf32, #tpu.memory_space<vmem>> -> memref<8x16xf32, #tpu.memory_space<vmem>>
    %dma_start3A_1681 = arith.constant 0 : i32
    %dma_start3A_1682 = tpu.memref_slice %arg4[%multiple_of3A_1676, %dma_start3A_1681] : memref<1000000x16xf32, #tpu.memory_space<hbm>> -> memref<8x16xf32, #tpu.memory_space<hbm>>
    %dma_start3A_1683 = arith.constant 200 : i32
    %dma_start3A_1684 = arith.constant 0 : i32
    %dma_start3A_1685 = tpu.memref_slice %arg11[%dma_start3A_1683, %dma_start3A_1684] : memref<256x16xf32, #tpu.memory_space<vmem>> -> memref<8x16xf32, #tpu.memory_space<vmem>>
    %dma_start3A_1686 = arith.constant 0 : i32
    %dma_start3A_1687 = tpu.memref_slice %arg4[%multiple_of3A_1676, %dma_start3A_1686] : memref<1000000x16xf32, #tpu.memory_space<hbm>> -> memref<8x16xf32, #tpu.memory_space<hbm>>
    tpu.enqueue_dma source(%dma_start3A_1687 : memref<8x16xf32, #tpu.memory_space<hbm>>) target(%dma_start3A_1685 : memref<8x16xf32, #tpu.memory_space<vmem>>) target_semaphore(%arg15 : memref<!tpu.dma_semaphore, #tpu.memory_space<semaphore_mem>>)
    %dma_start3A_1688 = arith.constant 200 : i32
    %dma_start3A_1689 = arith.constant 0 : i32
    %dma_start3A_1690 = tpu.memref_slice %arg12[%dma_start3A_1688, %dma_start3A_1689] : memref<256x16xf32, #tpu.memory_space<vmem>> -> memref<8x16xf32, #tpu.memory_space<vmem>>
    %dma_start3A_1691 = arith.constant 0 : i32
    %dma_start3A_1692 = tpu.memref_slice %arg5[%multiple_of3A_1677, %dma_start3A_1691] : memref<1000000x16xf32, #tpu.memory_space<hbm>> -> memref<8x16xf32, #tpu.memory_space<hbm>>
    %dma_start3A_1693 = arith.constant 200 : i32
    %dma_start3A_1694 = arith.constant 0 : i32
    %dma_start3A_1695 = tpu.memref_slice %arg12[%dma_start3A_1693, %dma_start3A_1694] : memref<256x16xf32, #tpu.memory_space<vmem>> -> memref<8x16xf32, #tpu.memory_space<vmem>>
    %dma_start3A_1696 = arith.constant 0 : i32
    %dma_start3A_1697 = tpu.memref_slice %arg5[%multiple_of3A_1677, %dma_start3A_1696] : memref<1000000x16xf32, #tpu.memory_space<hbm>> -> memref<8x16xf32, #tpu.memory_space<hbm>>
    tpu.enqueue_dma source(%dma_start3A_1697 : memref<8x16xf32, #tpu.memory_space<hbm>>) target(%dma_start3A_1695 : memref<8x16xf32, #tpu.memory_space<vmem>>) target_semaphore(%arg17 : memref<!tpu.dma_semaphore, #tpu.memory_space<semaphore_mem>>)
    %slice3A_1698 = vector.extract_strided_slice %get3A_1432 {offsets = [10], sizes = [1], strides = [1]} : vector<16xi32> to vector<1xi32>
    %squeeze3A_1699 = vector.extract %slice3A_1698[0] : i32 from vector<1xi32>
    %slice3A_1700 = vector.extract_strided_slice %get3A_1437 {offsets = [10], sizes = [1], strides = [1]} : vector<16xi32> to vector<1xi32>
    %squeeze3A_1701 = vector.extract %slice3A_1700[0] : i32 from vector<1xi32>
    %multiple_of3A_1702 = tpu.assume_multiple %squeeze3A_1699, 8 : i32
    %multiple_of3A_1703 = tpu.assume_multiple %squeeze3A_1701, 8 : i32
    %dma_start3A_1704 = arith.constant 208 : i32
    %dma_start3A_1705 = arith.constant 0 : i32
    %dma_start3A_1706 = tpu.memref_slice %arg11[%dma_start3A_1704, %dma_start3A_1705] : memref<256x16xf32, #tpu.memory_space<vmem>> -> memref<8x16xf32, #tpu.memory_space<vmem>>
    %dma_start3A_1707 = arith.constant 0 : i32
    %dma_start3A_1708 = tpu.memref_slice %arg4[%multiple_of3A_1702, %dma_start3A_1707] : memref<1000000x16xf32, #tpu.memory_space<hbm>> -> memref<8x16xf32, #tpu.memory_space<hbm>>
    %dma_start3A_1709 = arith.constant 208 : i32
    %dma_start3A_1710 = arith.constant 0 : i32
    %dma_start3A_1711 = tpu.memref_slice %arg11[%dma_start3A_1709, %dma_start3A_1710] : memref<256x16xf32, #tpu.memory_space<vmem>> -> memref<8x16xf32, #tpu.memory_space<vmem>>
    %dma_start3A_1712 = arith.constant 0 : i32
    %dma_start3A_1713 = tpu.memref_slice %arg4[%multiple_of3A_1702, %dma_start3A_1712] : memref<1000000x16xf32, #tpu.memory_space<hbm>> -> memref<8x16xf32, #tpu.memory_space<hbm>>
    tpu.enqueue_dma source(%dma_start3A_1713 : memref<8x16xf32, #tpu.memory_space<hbm>>) target(%dma_start3A_1711 : memref<8x16xf32, #tpu.memory_space<vmem>>) target_semaphore(%arg15 : memref<!tpu.dma_semaphore, #tpu.memory_space<semaphore_mem>>)
    %dma_start3A_1714 = arith.constant 208 : i32
    %dma_start3A_1715 = arith.constant 0 : i32
    %dma_start3A_1716 = tpu.memref_slice %arg12[%dma_start3A_1714, %dma_start3A_1715] : memref<256x16xf32, #tpu.memory_space<vmem>> -> memref<8x16xf32, #tpu.memory_space<vmem>>
    %dma_start3A_1717 = arith.constant 0 : i32
    %dma_start3A_1718 = tpu.memref_slice %arg5[%multiple_of3A_1703, %dma_start3A_1717] : memref<1000000x16xf32, #tpu.memory_space<hbm>> -> memref<8x16xf32, #tpu.memory_space<hbm>>
    %dma_start3A_1719 = arith.constant 208 : i32
    %dma_start3A_1720 = arith.constant 0 : i32
    %dma_start3A_1721 = tpu.memref_slice %arg12[%dma_start3A_1719, %dma_start3A_1720] : memref<256x16xf32, #tpu.memory_space<vmem>> -> memref<8x16xf32, #tpu.memory_space<vmem>>
    %dma_start3A_1722 = arith.constant 0 : i32
    %dma_start3A_1723 = tpu.memref_slice %arg5[%multiple_of3A_1703, %dma_start3A_1722] : memref<1000000x16xf32, #tpu.memory_space<hbm>> -> memref<8x16xf32, #tpu.memory_space<hbm>>
    tpu.enqueue_dma source(%dma_start3A_1723 : memref<8x16xf32, #tpu.memory_space<hbm>>) target(%dma_start3A_1721 : memref<8x16xf32, #tpu.memory_space<vmem>>) target_semaphore(%arg17 : memref<!tpu.dma_semaphore, #tpu.memory_space<semaphore_mem>>)
    %slice3A_1724 = vector.extract_strided_slice %get3A_1432 {offsets = [11], sizes = [1], strides = [1]} : vector<16xi32> to vector<1xi32>
    %squeeze3A_1725 = vector.extract %slice3A_1724[0] : i32 from vector<1xi32>
    %slice3A_1726 = vector.extract_strided_slice %get3A_1437 {offsets = [11], sizes = [1], strides = [1]} : vector<16xi32> to vector<1xi32>
    %squeeze3A_1727 = vector.extract %slice3A_1726[0] : i32 from vector<1xi32>
    %multiple_of3A_1728 = tpu.assume_multiple %squeeze3A_1725, 8 : i32
    %multiple_of3A_1729 = tpu.assume_multiple %squeeze3A_1727, 8 : i32
    %dma_start3A_1730 = arith.constant 216 : i32
    %dma_start3A_1731 = arith.constant 0 : i32
    %dma_start3A_1732 = tpu.memref_slice %arg11[%dma_start3A_1730, %dma_start3A_1731] : memref<256x16xf32, #tpu.memory_space<vmem>> -> memref<8x16xf32, #tpu.memory_space<vmem>>
    %dma_start3A_1733 = arith.constant 0 : i32
    %dma_start3A_1734 = tpu.memref_slice %arg4[%multiple_of3A_1728, %dma_start3A_1733] : memref<1000000x16xf32, #tpu.memory_space<hbm>> -> memref<8x16xf32, #tpu.memory_space<hbm>>
    %dma_start3A_1735 = arith.constant 216 : i32
    %dma_start3A_1736 = arith.constant 0 : i32
    %dma_start3A_1737 = tpu.memref_slice %arg11[%dma_start3A_1735, %dma_start3A_1736] : memref<256x16xf32, #tpu.memory_space<vmem>> -> memref<8x16xf32, #tpu.memory_space<vmem>>
    %dma_start3A_1738 = arith.constant 0 : i32
    %dma_start3A_1739 = tpu.memref_slice %arg4[%multiple_of3A_1728, %dma_start3A_1738] : memref<1000000x16xf32, #tpu.memory_space<hbm>> -> memref<8x16xf32, #tpu.memory_space<hbm>>
    tpu.enqueue_dma source(%dma_start3A_1739 : memref<8x16xf32, #tpu.memory_space<hbm>>) target(%dma_start3A_1737 : memref<8x16xf32, #tpu.memory_space<vmem>>) target_semaphore(%arg15 : memref<!tpu.dma_semaphore, #tpu.memory_space<semaphore_mem>>)
    %dma_start3A_1740 = arith.constant 216 : i32
    %dma_start3A_1741 = arith.constant 0 : i32
    %dma_start3A_1742 = tpu.memref_slice %arg12[%dma_start3A_1740, %dma_start3A_1741] : memref<256x16xf32, #tpu.memory_space<vmem>> -> memref<8x16xf32, #tpu.memory_space<vmem>>
    %dma_start3A_1743 = arith.constant 0 : i32
    %dma_start3A_1744 = tpu.memref_slice %arg5[%multiple_of3A_1729, %dma_start3A_1743] : memref<1000000x16xf32, #tpu.memory_space<hbm>> -> memref<8x16xf32, #tpu.memory_space<hbm>>
    %dma_start3A_1745 = arith.constant 216 : i32
    %dma_start3A_1746 = arith.constant 0 : i32
    %dma_start3A_1747 = tpu.memref_slice %arg12[%dma_start3A_1745, %dma_start3A_1746] : memref<256x16xf32, #tpu.memory_space<vmem>> -> memref<8x16xf32, #tpu.memory_space<vmem>>
    %dma_start3A_1748 = arith.constant 0 : i32
    %dma_start3A_1749 = tpu.memref_slice %arg5[%multiple_of3A_1729, %dma_start3A_1748] : memref<1000000x16xf32, #tpu.memory_space<hbm>> -> memref<8x16xf32, #tpu.memory_space<hbm>>
    tpu.enqueue_dma source(%dma_start3A_1749 : memref<8x16xf32, #tpu.memory_space<hbm>>) target(%dma_start3A_1747 : memref<8x16xf32, #tpu.memory_space<vmem>>) target_semaphore(%arg17 : memref<!tpu.dma_semaphore, #tpu.memory_space<semaphore_mem>>)
    %slice3A_1750 = vector.extract_strided_slice %get3A_1432 {offsets = [12], sizes = [1], strides = [1]} : vector<16xi32> to vector<1xi32>
    %squeeze3A_1751 = vector.extract %slice3A_1750[0] : i32 from vector<1xi32>
    %slice3A_1752 = vector.extract_strided_slice %get3A_1437 {offsets = [12], sizes = [1], strides = [1]} : vector<16xi32> to vector<1xi32>
    %squeeze3A_1753 = vector.extract %slice3A_1752[0] : i32 from vector<1xi32>
    %multiple_of3A_1754 = tpu.assume_multiple %squeeze3A_1751, 8 : i32
    %multiple_of3A_1755 = tpu.assume_multiple %squeeze3A_1753, 8 : i32
    %dma_start3A_1756 = arith.constant 224 : i32
    %dma_start3A_1757 = arith.constant 0 : i32
    %dma_start3A_1758 = tpu.memref_slice %arg11[%dma_start3A_1756, %dma_start3A_1757] : memref<256x16xf32, #tpu.memory_space<vmem>> -> memref<8x16xf32, #tpu.memory_space<vmem>>
    %dma_start3A_1759 = arith.constant 0 : i32
    %dma_start3A_1760 = tpu.memref_slice %arg4[%multiple_of3A_1754, %dma_start3A_1759] : memref<1000000x16xf32, #tpu.memory_space<hbm>> -> memref<8x16xf32, #tpu.memory_space<hbm>>
    %dma_start3A_1761 = arith.constant 224 : i32
    %dma_start3A_1762 = arith.constant 0 : i32
    %dma_start3A_1763 = tpu.memref_slice %arg11[%dma_start3A_1761, %dma_start3A_1762] : memref<256x16xf32, #tpu.memory_space<vmem>> -> memref<8x16xf32, #tpu.memory_space<vmem>>
    %dma_start3A_1764 = arith.constant 0 : i32
    %dma_start3A_1765 = tpu.memref_slice %arg4[%multiple_of3A_1754, %dma_start3A_1764] : memref<1000000x16xf32, #tpu.memory_space<hbm>> -> memref<8x16xf32, #tpu.memory_space<hbm>>
    tpu.enqueue_dma source(%dma_start3A_1765 : memref<8x16xf32, #tpu.memory_space<hbm>>) target(%dma_start3A_1763 : memref<8x16xf32, #tpu.memory_space<vmem>>) target_semaphore(%arg15 : memref<!tpu.dma_semaphore, #tpu.memory_space<semaphore_mem>>)
    %dma_start3A_1766 = arith.constant 224 : i32
    %dma_start3A_1767 = arith.constant 0 : i32
    %dma_start3A_1768 = tpu.memref_slice %arg12[%dma_start3A_1766, %dma_start3A_1767] : memref<256x16xf32, #tpu.memory_space<vmem>> -> memref<8x16xf32, #tpu.memory_space<vmem>>
    %dma_start3A_1769 = arith.constant 0 : i32
    %dma_start3A_1770 = tpu.memref_slice %arg5[%multiple_of3A_1755, %dma_start3A_1769] : memref<1000000x16xf32, #tpu.memory_space<hbm>> -> memref<8x16xf32, #tpu.memory_space<hbm>>
    %dma_start3A_1771 = arith.constant 224 : i32
    %dma_start3A_1772 = arith.constant 0 : i32
    %dma_start3A_1773 = tpu.memref_slice %arg12[%dma_start3A_1771, %dma_start3A_1772] : memref<256x16xf32, #tpu.memory_space<vmem>> -> memref<8x16xf32, #tpu.memory_space<vmem>>
    %dma_start3A_1774 = arith.constant 0 : i32
    %dma_start3A_1775 = tpu.memref_slice %arg5[%multiple_of3A_1755, %dma_start3A_1774] : memref<1000000x16xf32, #tpu.memory_space<hbm>> -> memref<8x16xf32, #tpu.memory_space<hbm>>
    tpu.enqueue_dma source(%dma_start3A_1775 : memref<8x16xf32, #tpu.memory_space<hbm>>) target(%dma_start3A_1773 : memref<8x16xf32, #tpu.memory_space<vmem>>) target_semaphore(%arg17 : memref<!tpu.dma_semaphore, #tpu.memory_space<semaphore_mem>>)
    %slice3A_1776 = vector.extract_strided_slice %get3A_1432 {offsets = [13], sizes = [1], strides = [1]} : vector<16xi32> to vector<1xi32>
    %squeeze3A_1777 = vector.extract %slice3A_1776[0] : i32 from vector<1xi32>
    %slice3A_1778 = vector.extract_strided_slice %get3A_1437 {offsets = [13], sizes = [1], strides = [1]} : vector<16xi32> to vector<1xi32>
    %squeeze3A_1779 = vector.extract %slice3A_1778[0] : i32 from vector<1xi32>
    %multiple_of3A_1780 = tpu.assume_multiple %squeeze3A_1777, 8 : i32
    %multiple_of3A_1781 = tpu.assume_multiple %squeeze3A_1779, 8 : i32
    %dma_start3A_1782 = arith.constant 232 : i32
    %dma_start3A_1783 = arith.constant 0 : i32
    %dma_start3A_1784 = tpu.memref_slice %arg11[%dma_start3A_1782, %dma_start3A_1783] : memref<256x16xf32, #tpu.memory_space<vmem>> -> memref<8x16xf32, #tpu.memory_space<vmem>>
    %dma_start3A_1785 = arith.constant 0 : i32
    %dma_start3A_1786 = tpu.memref_slice %arg4[%multiple_of3A_1780, %dma_start3A_1785] : memref<1000000x16xf32, #tpu.memory_space<hbm>> -> memref<8x16xf32, #tpu.memory_space<hbm>>
    %dma_start3A_1787 = arith.constant 232 : i32
    %dma_start3A_1788 = arith.constant 0 : i32
    %dma_start3A_1789 = tpu.memref_slice %arg11[%dma_start3A_1787, %dma_start3A_1788] : memref<256x16xf32, #tpu.memory_space<vmem>> -> memref<8x16xf32, #tpu.memory_space<vmem>>
    %dma_start3A_1790 = arith.constant 0 : i32
    %dma_start3A_1791 = tpu.memref_slice %arg4[%multiple_of3A_1780, %dma_start3A_1790] : memref<1000000x16xf32, #tpu.memory_space<hbm>> -> memref<8x16xf32, #tpu.memory_space<hbm>>
    tpu.enqueue_dma source(%dma_start3A_1791 : memref<8x16xf32, #tpu.memory_space<hbm>>) target(%dma_start3A_1789 : memref<8x16xf32, #tpu.memory_space<vmem>>) target_semaphore(%arg15 : memref<!tpu.dma_semaphore, #tpu.memory_space<semaphore_mem>>)
    %dma_start3A_1792 = arith.constant 232 : i32
    %dma_start3A_1793 = arith.constant 0 : i32
    %dma_start3A_1794 = tpu.memref_slice %arg12[%dma_start3A_1792, %dma_start3A_1793] : memref<256x16xf32, #tpu.memory_space<vmem>> -> memref<8x16xf32, #tpu.memory_space<vmem>>
    %dma_start3A_1795 = arith.constant 0 : i32
    %dma_start3A_1796 = tpu.memref_slice %arg5[%multiple_of3A_1781, %dma_start3A_1795] : memref<1000000x16xf32, #tpu.memory_space<hbm>> -> memref<8x16xf32, #tpu.memory_space<hbm>>
    %dma_start3A_1797 = arith.constant 232 : i32
    %dma_start3A_1798 = arith.constant 0 : i32
    %dma_start3A_1799 = tpu.memref_slice %arg12[%dma_start3A_1797, %dma_start3A_1798] : memref<256x16xf32, #tpu.memory_space<vmem>> -> memref<8x16xf32, #tpu.memory_space<vmem>>
    %dma_start3A_1800 = arith.constant 0 : i32
    %dma_start3A_1801 = tpu.memref_slice %arg5[%multiple_of3A_1781, %dma_start3A_1800] : memref<1000000x16xf32, #tpu.memory_space<hbm>> -> memref<8x16xf32, #tpu.memory_space<hbm>>
    tpu.enqueue_dma source(%dma_start3A_1801 : memref<8x16xf32, #tpu.memory_space<hbm>>) target(%dma_start3A_1799 : memref<8x16xf32, #tpu.memory_space<vmem>>) target_semaphore(%arg17 : memref<!tpu.dma_semaphore, #tpu.memory_space<semaphore_mem>>)
    %slice3A_1802 = vector.extract_strided_slice %get3A_1432 {offsets = [14], sizes = [1], strides = [1]} : vector<16xi32> to vector<1xi32>
    %squeeze3A_1803 = vector.extract %slice3A_1802[0] : i32 from vector<1xi32>
    %slice3A_1804 = vector.extract_strided_slice %get3A_1437 {offsets = [14], sizes = [1], strides = [1]} : vector<16xi32> to vector<1xi32>
    %squeeze3A_1805 = vector.extract %slice3A_1804[0] : i32 from vector<1xi32>
    %multiple_of3A_1806 = tpu.assume_multiple %squeeze3A_1803, 8 : i32
    %multiple_of3A_1807 = tpu.assume_multiple %squeeze3A_1805, 8 : i32
    %dma_start3A_1808 = arith.constant 240 : i32
    %dma_start3A_1809 = arith.constant 0 : i32
    %dma_start3A_1810 = tpu.memref_slice %arg11[%dma_start3A_1808, %dma_start3A_1809] : memref<256x16xf32, #tpu.memory_space<vmem>> -> memref<8x16xf32, #tpu.memory_space<vmem>>
    %dma_start3A_1811 = arith.constant 0 : i32
    %dma_start3A_1812 = tpu.memref_slice %arg4[%multiple_of3A_1806, %dma_start3A_1811] : memref<1000000x16xf32, #tpu.memory_space<hbm>> -> memref<8x16xf32, #tpu.memory_space<hbm>>
    %dma_start3A_1813 = arith.constant 240 : i32
    %dma_start3A_1814 = arith.constant 0 : i32
    %dma_start3A_1815 = tpu.memref_slice %arg11[%dma_start3A_1813, %dma_start3A_1814] : memref<256x16xf32, #tpu.memory_space<vmem>> -> memref<8x16xf32, #tpu.memory_space<vmem>>
    %dma_start3A_1816 = arith.constant 0 : i32
    %dma_start3A_1817 = tpu.memref_slice %arg4[%multiple_of3A_1806, %dma_start3A_1816] : memref<1000000x16xf32, #tpu.memory_space<hbm>> -> memref<8x16xf32, #tpu.memory_space<hbm>>
    tpu.enqueue_dma source(%dma_start3A_1817 : memref<8x16xf32, #tpu.memory_space<hbm>>) target(%dma_start3A_1815 : memref<8x16xf32, #tpu.memory_space<vmem>>) target_semaphore(%arg15 : memref<!tpu.dma_semaphore, #tpu.memory_space<semaphore_mem>>)
    %dma_start3A_1818 = arith.constant 240 : i32
    %dma_start3A_1819 = arith.constant 0 : i32
    %dma_start3A_1820 = tpu.memref_slice %arg12[%dma_start3A_1818, %dma_start3A_1819] : memref<256x16xf32, #tpu.memory_space<vmem>> -> memref<8x16xf32, #tpu.memory_space<vmem>>
    %dma_start3A_1821 = arith.constant 0 : i32
    %dma_start3A_1822 = tpu.memref_slice %arg5[%multiple_of3A_1807, %dma_start3A_1821] : memref<1000000x16xf32, #tpu.memory_space<hbm>> -> memref<8x16xf32, #tpu.memory_space<hbm>>
    %dma_start3A_1823 = arith.constant 240 : i32
    %dma_start3A_1824 = arith.constant 0 : i32
    %dma_start3A_1825 = tpu.memref_slice %arg12[%dma_start3A_1823, %dma_start3A_1824] : memref<256x16xf32, #tpu.memory_space<vmem>> -> memref<8x16xf32, #tpu.memory_space<vmem>>
    %dma_start3A_1826 = arith.constant 0 : i32
    %dma_start3A_1827 = tpu.memref_slice %arg5[%multiple_of3A_1807, %dma_start3A_1826] : memref<1000000x16xf32, #tpu.memory_space<hbm>> -> memref<8x16xf32, #tpu.memory_space<hbm>>
    tpu.enqueue_dma source(%dma_start3A_1827 : memref<8x16xf32, #tpu.memory_space<hbm>>) target(%dma_start3A_1825 : memref<8x16xf32, #tpu.memory_space<vmem>>) target_semaphore(%arg17 : memref<!tpu.dma_semaphore, #tpu.memory_space<semaphore_mem>>)
    %slice3A_1828 = vector.extract_strided_slice %get3A_1432 {offsets = [15], sizes = [1], strides = [1]} : vector<16xi32> to vector<1xi32>
    %squeeze3A_1829 = vector.extract %slice3A_1828[0] : i32 from vector<1xi32>
    %slice3A_1830 = vector.extract_strided_slice %get3A_1437 {offsets = [15], sizes = [1], strides = [1]} : vector<16xi32> to vector<1xi32>
    %squeeze3A_1831 = vector.extract %slice3A_1830[0] : i32 from vector<1xi32>
    %multiple_of3A_1832 = tpu.assume_multiple %squeeze3A_1829, 8 : i32
    %multiple_of3A_1833 = tpu.assume_multiple %squeeze3A_1831, 8 : i32
    %dma_start3A_1834 = arith.constant 248 : i32
    %dma_start3A_1835 = arith.constant 0 : i32
    %dma_start3A_1836 = tpu.memref_slice %arg11[%dma_start3A_1834, %dma_start3A_1835] : memref<256x16xf32, #tpu.memory_space<vmem>> -> memref<8x16xf32, #tpu.memory_space<vmem>>
    %dma_start3A_1837 = arith.constant 0 : i32
    %dma_start3A_1838 = tpu.memref_slice %arg4[%multiple_of3A_1832, %dma_start3A_1837] : memref<1000000x16xf32, #tpu.memory_space<hbm>> -> memref<8x16xf32, #tpu.memory_space<hbm>>
    %dma_start3A_1839 = arith.constant 248 : i32
    %dma_start3A_1840 = arith.constant 0 : i32
    %dma_start3A_1841 = tpu.memref_slice %arg11[%dma_start3A_1839, %dma_start3A_1840] : memref<256x16xf32, #tpu.memory_space<vmem>> -> memref<8x16xf32, #tpu.memory_space<vmem>>
    %dma_start3A_1842 = arith.constant 0 : i32
    %dma_start3A_1843 = tpu.memref_slice %arg4[%multiple_of3A_1832, %dma_start3A_1842] : memref<1000000x16xf32, #tpu.memory_space<hbm>> -> memref<8x16xf32, #tpu.memory_space<hbm>>
    tpu.enqueue_dma source(%dma_start3A_1843 : memref<8x16xf32, #tpu.memory_space<hbm>>) target(%dma_start3A_1841 : memref<8x16xf32, #tpu.memory_space<vmem>>) target_semaphore(%arg15 : memref<!tpu.dma_semaphore, #tpu.memory_space<semaphore_mem>>)
    %dma_start3A_1844 = arith.constant 248 : i32
    %dma_start3A_1845 = arith.constant 0 : i32
    %dma_start3A_1846 = tpu.memref_slice %arg12[%dma_start3A_1844, %dma_start3A_1845] : memref<256x16xf32, #tpu.memory_space<vmem>> -> memref<8x16xf32, #tpu.memory_space<vmem>>
    %dma_start3A_1847 = arith.constant 0 : i32
    %dma_start3A_1848 = tpu.memref_slice %arg5[%multiple_of3A_1833, %dma_start3A_1847] : memref<1000000x16xf32, #tpu.memory_space<hbm>> -> memref<8x16xf32, #tpu.memory_space<hbm>>
    %dma_start3A_1849 = arith.constant 248 : i32
    %dma_start3A_1850 = arith.constant 0 : i32
    %dma_start3A_1851 = tpu.memref_slice %arg12[%dma_start3A_1849, %dma_start3A_1850] : memref<256x16xf32, #tpu.memory_space<vmem>> -> memref<8x16xf32, #tpu.memory_space<vmem>>
    %dma_start3A_1852 = arith.constant 0 : i32
    %dma_start3A_1853 = tpu.memref_slice %arg5[%multiple_of3A_1833, %dma_start3A_1852] : memref<1000000x16xf32, #tpu.memory_space<hbm>> -> memref<8x16xf32, #tpu.memory_space<hbm>>
    tpu.enqueue_dma source(%dma_start3A_1853 : memref<8x16xf32, #tpu.memory_space<hbm>>) target(%dma_start3A_1851 : memref<8x16xf32, #tpu.memory_space<vmem>>) target_semaphore(%arg17 : memref<!tpu.dma_semaphore, #tpu.memory_space<semaphore_mem>>)
    %scan3A = arith.constant 0 : i32
    %scan3A_1854 = arith.constant 0 : i32
    %scan3A_1855 = arith.constant 16 : i32
    %scan3A_1856 = arith.addi %scan3A_1854, %scan3A_1855 : i32
    %scan3A_1857 = arith.constant 1 : i32
    scf.for %scan3A_1859 = %scan3A_1854 to %scan3A_1856 step %scan3A_1857  : i32 {
      %mul3A_1860 = arith.constant 2 : i32
      %mul3A_1861 = arith.muli %mul3A_1860, %scan3A_1859 : i32
      %add3A_1862 = arith.constant 0 : i32
      %add3A_1863 = arith.addi %mul3A_1861, %add3A_1862 : i32
      %dma_wait3A_1864 = arith.constant 0 : i32
      %dma_wait3A_1865 = arith.constant 0 : i32
      %dma_wait3A_1866 = tpu.memref_slice %arg11[%dma_wait3A_1864, %dma_wait3A_1865] : memref<256x16xf32, #tpu.memory_space<vmem>> -> memref<128x16xf32, #tpu.memory_space<vmem>>
      %dma_wait3A_1867 = arith.constant 0 : i32
      %dma_wait3A_1868 = arith.constant 0 : i32
      %dma_wait3A_1869 = tpu.memref_slice %arg4[%dma_wait3A_1867, %dma_wait3A_1868] : memref<1000000x16xf32, #tpu.memory_space<hbm>> -> memref<128x16xf32, #tpu.memory_space<hbm>>
      %dma_wait3A_1870 = arith.constant 0 : i32
      %dma_wait3A_1871 = arith.constant 0 : i32
      %dma_wait3A_1872 = tpu.memref_slice %arg11[%dma_wait3A_1870, %dma_wait3A_1871] : memref<256x16xf32, #tpu.memory_space<vmem>> -> memref<128x16xf32, #tpu.memory_space<vmem>>
      %dma_wait3A_1873 = arith.constant 0 : i32
      %dma_wait3A_1874 = arith.constant 0 : i32
      %dma_wait3A_1875 = tpu.memref_slice %arg4[%dma_wait3A_1873, %dma_wait3A_1874] : memref<1000000x16xf32, #tpu.memory_space<hbm>> -> memref<128x16xf32, #tpu.memory_space<hbm>>
      tpu.wait_dma2 semaphore(%arg14 : memref<!tpu.dma_semaphore, #tpu.memory_space<semaphore_mem>>) src(%dma_wait3A_1875 : memref<128x16xf32, #tpu.memory_space<hbm>>) dst(%dma_wait3A_1872 : memref<128x16xf32, #tpu.memory_space<vmem>>)
      %dma_wait3A_1876 = arith.constant 0 : i32
      %dma_wait3A_1877 = arith.constant 0 : i32
      %dma_wait3A_1878 = tpu.memref_slice %arg12[%dma_wait3A_1876, %dma_wait3A_1877] : memref<256x16xf32, #tpu.memory_space<vmem>> -> memref<128x16xf32, #tpu.memory_space<vmem>>
      %dma_wait3A_1879 = arith.constant 0 : i32
      %dma_wait3A_1880 = arith.constant 0 : i32
      %dma_wait3A_1881 = tpu.memref_slice %arg5[%dma_wait3A_1879, %dma_wait3A_1880] : memref<1000000x16xf32, #tpu.memory_space<hbm>> -> memref<128x16xf32, #tpu.memory_space<hbm>>
      %dma_wait3A_1882 = arith.constant 0 : i32
      %dma_wait3A_1883 = arith.constant 0 : i32
      %dma_wait3A_1884 = tpu.memref_slice %arg12[%dma_wait3A_1882, %dma_wait3A_1883] : memref<256x16xf32, #tpu.memory_space<vmem>> -> memref<128x16xf32, #tpu.memory_space<vmem>>
      %dma_wait3A_1885 = arith.constant 0 : i32
      %dma_wait3A_1886 = arith.constant 0 : i32
      %dma_wait3A_1887 = tpu.memref_slice %arg5[%dma_wait3A_1885, %dma_wait3A_1886] : memref<1000000x16xf32, #tpu.memory_space<hbm>> -> memref<128x16xf32, #tpu.memory_space<hbm>>
      tpu.wait_dma2 semaphore(%arg16 : memref<!tpu.dma_semaphore, #tpu.memory_space<semaphore_mem>>) src(%dma_wait3A_1887 : memref<128x16xf32, #tpu.memory_space<hbm>>) dst(%dma_wait3A_1884 : memref<128x16xf32, #tpu.memory_space<vmem>>)
      %mul3A_1888 = arith.constant 16 : i32
      %mul3A_1889 = arith.muli %add3A_1863, %mul3A_1888 : i32
      %get3A_1890 = arith.index_cast %mul3A_1889 : i32 to index
      %get3A_1891 = tpu.vector_load %arg7[%get3A_1890] {strides = array<i32>} : memref<512xi32, #tpu.memory_space<vmem>>, vector<16xi32>,
      %get3A_1892 = arith.index_cast %mul3A_1889 : i32 to index
      %get3A_1893 = tpu.vector_load %arg8[%get3A_1892] {strides = array<i32>} : memref<512xi32, #tpu.memory_space<vmem>>, vector<16xi32>,
      %mul3A_1894 = arith.constant 8 : i32
      %mul3A_1895 = vector.broadcast %mul3A_1894 : i32 to vector<16xi32>
      %mul3A_1896 = arith.muli %iota3A, %mul3A_1895 : vector<16xi32>
      %add3A_1897 = arith.constant 0 : i32
      %add3A_1898 = vector.broadcast %add3A_1897 : i32 to vector<16xi32>
      %add3A_1899 = arith.addi %add3A_1898, %mul3A_1896 : vector<16xi32>
      %add3A_1900 = arith.addi %add3A_1899, %get3A_1891 : vector<16xi32>
      %mul3A_1901 = arith.constant 8 : i32
      %mul3A_1902 = vector.broadcast %mul3A_1901 : i32 to vector<16xi32>
      %mul3A_1903 = arith.muli %iota3A, %mul3A_1902 : vector<16xi32>
      %add3A_1904 = arith.constant 0 : i32
      %add3A_1905 = vector.broadcast %add3A_1904 : i32 to vector<16xi32>
      %add3A_1906 = arith.addi %add3A_1905, %mul3A_1903 : vector<16xi32>
      %add3A_1907 = arith.addi %add3A_1906, %get3A_1893 : vector<16xi32>
      %broadcast_in_dim3A = arith.constant 0.000000e+00 : f32
      %broadcast_in_dim3A_1908 = vector.broadcast %broadcast_in_dim3A : f32 to vector<16xf32>
      %broadcast_in_dim3A_1909 = arith.constant 0.000000e+00 : f32
      %broadcast_in_dim3A_1910 = vector.broadcast %broadcast_in_dim3A_1909 : f32 to vector<16xf32>
      %broadcast_in_dim3A_1911 = arith.constant 0.000000e+00 : f32
      %broadcast_in_dim3A_1912 = vector.broadcast %broadcast_in_dim3A_1911 : f32 to vector<16xf32>
      %broadcast_in_dim3A_1913 = arith.constant 0 : i32
      %broadcast_in_dim3A_1914 = vector.broadcast %broadcast_in_dim3A_1913 : i32 to vector<16xi32>
      %gather3A = tpu.vector_load_idx %arg11[%add3A_1900, %broadcast_in_dim3A_1914] : memref<256x16xf32, #tpu.memory_space<vmem>>[vector<16xi32>, vector<16xi32>], vector<16xf32>,
      %gather3A_1915 = tpu.vector_load_idx %arg12[%add3A_1907, %broadcast_in_dim3A_1914] : memref<256x16xf32, #tpu.memory_space<vmem>>[vector<16xi32>, vector<16xi32>], vector<16xf32>,
      %mul3A_1916 = arith.mulf %gather3A, %gather3A_1915 : vector<16xf32>
      %add3A_1917 = arith.addf %broadcast_in_dim3A_1908, %mul3A_1916 : vector<16xf32>
      %mul3A_1918 = arith.mulf %gather3A, %gather3A : vector<16xf32>
      %add3A_1919 = arith.addf %broadcast_in_dim3A_1910, %mul3A_1918 : vector<16xf32>
      %mul3A_1920 = arith.mulf %gather3A_1915, %gather3A_1915 : vector<16xf32>
      %add3A_1921 = arith.addf %broadcast_in_dim3A_1912, %mul3A_1920 : vector<16xf32>
      %broadcast_in_dim3A_1922 = arith.constant 1 : i32
      %broadcast_in_dim3A_1923 = vector.broadcast %broadcast_in_dim3A_1922 : i32 to vector<16xi32>
      %gather3A_1924 = tpu.vector_load_idx %arg11[%add3A_1900, %broadcast_in_dim3A_1923] : memref<256x16xf32, #tpu.memory_space<vmem>>[vector<16xi32>, vector<16xi32>], vector<16xf32>,
      %gather3A_1925 = tpu.vector_load_idx %arg12[%add3A_1907, %broadcast_in_dim3A_1923] : memref<256x16xf32, #tpu.memory_space<vmem>>[vector<16xi32>, vector<16xi32>], vector<16xf32>,
      %mul3A_1926 = arith.mulf %gather3A_1924, %gather3A_1925 : vector<16xf32>
      %add3A_1927 = arith.addf %add3A_1917, %mul3A_1926 : vector<16xf32>
      %mul3A_1928 = arith.mulf %gather3A_1924, %gather3A_1924 : vector<16xf32>
      %add3A_1929 = arith.addf %add3A_1919, %mul3A_1928 : vector<16xf32>
      %mul3A_1930 = arith.mulf %gather3A_1925, %gather3A_1925 : vector<16xf32>
      %add3A_1931 = arith.addf %add3A_1921, %mul3A_1930 : vector<16xf32>
      %broadcast_in_dim3A_1932 = arith.constant 2 : i32
      %broadcast_in_dim3A_1933 = vector.broadcast %broadcast_in_dim3A_1932 : i32 to vector<16xi32>
      %gather3A_1934 = tpu.vector_load_idx %arg11[%add3A_1900, %broadcast_in_dim3A_1933] : memref<256x16xf32, #tpu.memory_space<vmem>>[vector<16xi32>, vector<16xi32>], vector<16xf32>,
      %gather3A_1935 = tpu.vector_load_idx %arg12[%add3A_1907, %broadcast_in_dim3A_1933] : memref<256x16xf32, #tpu.memory_space<vmem>>[vector<16xi32>, vector<16xi32>], vector<16xf32>,
      %mul3A_1936 = arith.mulf %gather3A_1934, %gather3A_1935 : vector<16xf32>
      %add3A_1937 = arith.addf %add3A_1927, %mul3A_1936 : vector<16xf32>
      %mul3A_1938 = arith.mulf %gather3A_1934, %gather3A_1934 : vector<16xf32>
      %add3A_1939 = arith.addf %add3A_1929, %mul3A_1938 : vector<16xf32>
      %mul3A_1940 = arith.mulf %gather3A_1935, %gather3A_1935 : vector<16xf32>
      %add3A_1941 = arith.addf %add3A_1931, %mul3A_1940 : vector<16xf32>
      %broadcast_in_dim3A_1942 = arith.constant 3 : i32
      %broadcast_in_dim3A_1943 = vector.broadcast %broadcast_in_dim3A_1942 : i32 to vector<16xi32>
      %gather3A_1944 = tpu.vector_load_idx %arg11[%add3A_1900, %broadcast_in_dim3A_1943] : memref<256x16xf32, #tpu.memory_space<vmem>>[vector<16xi32>, vector<16xi32>], vector<16xf32>,
      %gather3A_1945 = tpu.vector_load_idx %arg12[%add3A_1907, %broadcast_in_dim3A_1943] : memref<256x16xf32, #tpu.memory_space<vmem>>[vector<16xi32>, vector<16xi32>], vector<16xf32>,
      %mul3A_1946 = arith.mulf %gather3A_1944, %gather3A_1945 : vector<16xf32>
      %add3A_1947 = arith.addf %add3A_1937, %mul3A_1946 : vector<16xf32>
      %mul3A_1948 = arith.mulf %gather3A_1944, %gather3A_1944 : vector<16xf32>
      %add3A_1949 = arith.addf %add3A_1939, %mul3A_1948 : vector<16xf32>
      %mul3A_1950 = arith.mulf %gather3A_1945, %gather3A_1945 : vector<16xf32>
      %add3A_1951 = arith.addf %add3A_1941, %mul3A_1950 : vector<16xf32>
      %broadcast_in_dim3A_1952 = arith.constant 4 : i32
      %broadcast_in_dim3A_1953 = vector.broadcast %broadcast_in_dim3A_1952 : i32 to vector<16xi32>
      %gather3A_1954 = tpu.vector_load_idx %arg11[%add3A_1900, %broadcast_in_dim3A_1953] : memref<256x16xf32, #tpu.memory_space<vmem>>[vector<16xi32>, vector<16xi32>], vector<16xf32>,
      %gather3A_1955 = tpu.vector_load_idx %arg12[%add3A_1907, %broadcast_in_dim3A_1953] : memref<256x16xf32, #tpu.memory_space<vmem>>[vector<16xi32>, vector<16xi32>], vector<16xf32>,
      %mul3A_1956 = arith.mulf %gather3A_1954, %gather3A_1955 : vector<16xf32>
      %add3A_1957 = arith.addf %add3A_1947, %mul3A_1956 : vector<16xf32>
      %mul3A_1958 = arith.mulf %gather3A_1954, %gather3A_1954 : vector<16xf32>
      %add3A_1959 = arith.addf %add3A_1949, %mul3A_1958 : vector<16xf32>
      %mul3A_1960 = arith.mulf %gather3A_1955, %gather3A_1955 : vector<16xf32>
      %add3A_1961 = arith.addf %add3A_1951, %mul3A_1960 : vector<16xf32>
      %broadcast_in_dim3A_1962 = arith.constant 5 : i32
      %broadcast_in_dim3A_1963 = vector.broadcast %broadcast_in_dim3A_1962 : i32 to vector<16xi32>
      %gather3A_1964 = tpu.vector_load_idx %arg11[%add3A_1900, %broadcast_in_dim3A_1963] : memref<256x16xf32, #tpu.memory_space<vmem>>[vector<16xi32>, vector<16xi32>], vector<16xf32>,
      %gather3A_1965 = tpu.vector_load_idx %arg12[%add3A_1907, %broadcast_in_dim3A_1963] : memref<256x16xf32, #tpu.memory_space<vmem>>[vector<16xi32>, vector<16xi32>], vector<16xf32>,
      %mul3A_1966 = arith.mulf %gather3A_1964, %gather3A_1965 : vector<16xf32>
      %add3A_1967 = arith.addf %add3A_1957, %mul3A_1966 : vector<16xf32>
      %mul3A_1968 = arith.mulf %gather3A_1964, %gather3A_1964 : vector<16xf32>
      %add3A_1969 = arith.addf %add3A_1959, %mul3A_1968 : vector<16xf32>
      %mul3A_1970 = arith.mulf %gather3A_1965, %gather3A_1965 : vector<16xf32>
      %add3A_1971 = arith.addf %add3A_1961, %mul3A_1970 : vector<16xf32>
      %broadcast_in_dim3A_1972 = arith.constant 6 : i32
      %broadcast_in_dim3A_1973 = vector.broadcast %broadcast_in_dim3A_1972 : i32 to vector<16xi32>
      %gather3A_1974 = tpu.vector_load_idx %arg11[%add3A_1900, %broadcast_in_dim3A_1973] : memref<256x16xf32, #tpu.memory_space<vmem>>[vector<16xi32>, vector<16xi32>], vector<16xf32>,
      %gather3A_1975 = tpu.vector_load_idx %arg12[%add3A_1907, %broadcast_in_dim3A_1973] : memref<256x16xf32, #tpu.memory_space<vmem>>[vector<16xi32>, vector<16xi32>], vector<16xf32>,
      %mul3A_1976 = arith.mulf %gather3A_1974, %gather3A_1975 : vector<16xf32>
      %add3A_1977 = arith.addf %add3A_1967, %mul3A_1976 : vector<16xf32>
      %mul3A_1978 = arith.mulf %gather3A_1974, %gather3A_1974 : vector<16xf32>
      %add3A_1979 = arith.addf %add3A_1969, %mul3A_1978 : vector<16xf32>
      %mul3A_1980 = arith.mulf %gather3A_1975, %gather3A_1975 : vector<16xf32>
      %add3A_1981 = arith.addf %add3A_1971, %mul3A_1980 : vector<16xf32>
      %broadcast_in_dim3A_1982 = arith.constant 7 : i32
      %broadcast_in_dim3A_1983 = vector.broadcast %broadcast_in_dim3A_1982 : i32 to vector<16xi32>
      %gather3A_1984 = tpu.vector_load_idx %arg11[%add3A_1900, %broadcast_in_dim3A_1983] : memref<256x16xf32, #tpu.memory_space<vmem>>[vector<16xi32>, vector<16xi32>], vector<16xf32>,
      %gather3A_1985 = tpu.vector_load_idx %arg12[%add3A_1907, %broadcast_in_dim3A_1983] : memref<256x16xf32, #tpu.memory_space<vmem>>[vector<16xi32>, vector<16xi32>], vector<16xf32>,
      %mul3A_1986 = arith.mulf %gather3A_1984, %gather3A_1985 : vector<16xf32>
      %add3A_1987 = arith.addf %add3A_1977, %mul3A_1986 : vector<16xf32>
      %mul3A_1988 = arith.mulf %gather3A_1984, %gather3A_1984 : vector<16xf32>
      %add3A_1989 = arith.addf %add3A_1979, %mul3A_1988 : vector<16xf32>
      %mul3A_1990 = arith.mulf %gather3A_1985, %gather3A_1985 : vector<16xf32>
      %add3A_1991 = arith.addf %add3A_1981, %mul3A_1990 : vector<16xf32>
      %broadcast_in_dim3A_1992 = arith.constant 8 : i32
      %broadcast_in_dim3A_1993 = vector.broadcast %broadcast_in_dim3A_1992 : i32 to vector<16xi32>
      %gather3A_1994 = tpu.vector_load_idx %arg11[%add3A_1900, %broadcast_in_dim3A_1993] : memref<256x16xf32, #tpu.memory_space<vmem>>[vector<16xi32>, vector<16xi32>], vector<16xf32>,
      %gather3A_1995 = tpu.vector_load_idx %arg12[%add3A_1907, %broadcast_in_dim3A_1993] : memref<256x16xf32, #tpu.memory_space<vmem>>[vector<16xi32>, vector<16xi32>], vector<16xf32>,
      %mul3A_1996 = arith.mulf %gather3A_1994, %gather3A_1995 : vector<16xf32>
      %add3A_1997 = arith.addf %add3A_1987, %mul3A_1996 : vector<16xf32>
      %mul3A_1998 = arith.mulf %gather3A_1994, %gather3A_1994 : vector<16xf32>
      %add3A_1999 = arith.addf %add3A_1989, %mul3A_1998 : vector<16xf32>
      %mul3A_2000 = arith.mulf %gather3A_1995, %gather3A_1995 : vector<16xf32>
      %add3A_2001 = arith.addf %add3A_1991, %mul3A_2000 : vector<16xf32>
      %broadcast_in_dim3A_2002 = arith.constant 9 : i32
      %broadcast_in_dim3A_2003 = vector.broadcast %broadcast_in_dim3A_2002 : i32 to vector<16xi32>
      %gather3A_2004 = tpu.vector_load_idx %arg11[%add3A_1900, %broadcast_in_dim3A_2003] : memref<256x16xf32, #tpu.memory_space<vmem>>[vector<16xi32>, vector<16xi32>], vector<16xf32>,
      %gather3A_2005 = tpu.vector_load_idx %arg12[%add3A_1907, %broadcast_in_dim3A_2003] : memref<256x16xf32, #tpu.memory_space<vmem>>[vector<16xi32>, vector<16xi32>], vector<16xf32>,
      %mul3A_2006 = arith.mulf %gather3A_2004, %gather3A_2005 : vector<16xf32>
      %add3A_2007 = arith.addf %add3A_1997, %mul3A_2006 : vector<16xf32>
      %mul3A_2008 = arith.mulf %gather3A_2004, %gather3A_2004 : vector<16xf32>
      %add3A_2009 = arith.addf %add3A_1999, %mul3A_2008 : vector<16xf32>
      %mul3A_2010 = arith.mulf %gather3A_2005, %gather3A_2005 : vector<16xf32>
      %add3A_2011 = arith.addf %add3A_2001, %mul3A_2010 : vector<16xf32>
      %broadcast_in_dim3A_2012 = arith.constant 10 : i32
      %broadcast_in_dim3A_2013 = vector.broadcast %broadcast_in_dim3A_2012 : i32 to vector<16xi32>
      %gather3A_2014 = tpu.vector_load_idx %arg11[%add3A_1900, %broadcast_in_dim3A_2013] : memref<256x16xf32, #tpu.memory_space<vmem>>[vector<16xi32>, vector<16xi32>], vector<16xf32>,
      %gather3A_2015 = tpu.vector_load_idx %arg12[%add3A_1907, %broadcast_in_dim3A_2013] : memref<256x16xf32, #tpu.memory_space<vmem>>[vector<16xi32>, vector<16xi32>], vector<16xf32>,
      %mul3A_2016 = arith.mulf %gather3A_2014, %gather3A_2015 : vector<16xf32>
      %add3A_2017 = arith.addf %add3A_2007, %mul3A_2016 : vector<16xf32>
      %mul3A_2018 = arith.mulf %gather3A_2014, %gather3A_2014 : vector<16xf32>
      %add3A_2019 = arith.addf %add3A_2009, %mul3A_2018 : vector<16xf32>
      %mul3A_2020 = arith.mulf %gather3A_2015, %gather3A_2015 : vector<16xf32>
      %add3A_2021 = arith.addf %add3A_2011, %mul3A_2020 : vector<16xf32>
      %broadcast_in_dim3A_2022 = arith.constant 11 : i32
      %broadcast_in_dim3A_2023 = vector.broadcast %broadcast_in_dim3A_2022 : i32 to vector<16xi32>
      %gather3A_2024 = tpu.vector_load_idx %arg11[%add3A_1900, %broadcast_in_dim3A_2023] : memref<256x16xf32, #tpu.memory_space<vmem>>[vector<16xi32>, vector<16xi32>], vector<16xf32>,
      %gather3A_2025 = tpu.vector_load_idx %arg12[%add3A_1907, %broadcast_in_dim3A_2023] : memref<256x16xf32, #tpu.memory_space<vmem>>[vector<16xi32>, vector<16xi32>], vector<16xf32>,
      %mul3A_2026 = arith.mulf %gather3A_2024, %gather3A_2025 : vector<16xf32>
      %add3A_2027 = arith.addf %add3A_2017, %mul3A_2026 : vector<16xf32>
      %mul3A_2028 = arith.mulf %gather3A_2024, %gather3A_2024 : vector<16xf32>
      %add3A_2029 = arith.addf %add3A_2019, %mul3A_2028 : vector<16xf32>
      %mul3A_2030 = arith.mulf %gather3A_2025, %gather3A_2025 : vector<16xf32>
      %add3A_2031 = arith.addf %add3A_2021, %mul3A_2030 : vector<16xf32>
      %broadcast_in_dim3A_2032 = arith.constant 12 : i32
      %broadcast_in_dim3A_2033 = vector.broadcast %broadcast_in_dim3A_2032 : i32 to vector<16xi32>
      %gather3A_2034 = tpu.vector_load_idx %arg11[%add3A_1900, %broadcast_in_dim3A_2033] : memref<256x16xf32, #tpu.memory_space<vmem>>[vector<16xi32>, vector<16xi32>], vector<16xf32>,
      %gather3A_2035 = tpu.vector_load_idx %arg12[%add3A_1907, %broadcast_in_dim3A_2033] : memref<256x16xf32, #tpu.memory_space<vmem>>[vector<16xi32>, vector<16xi32>], vector<16xf32>,
      %mul3A_2036 = arith.mulf %gather3A_2034, %gather3A_2035 : vector<16xf32>
      %add3A_2037 = arith.addf %add3A_2027, %mul3A_2036 : vector<16xf32>
      %mul3A_2038 = arith.mulf %gather3A_2034, %gather3A_2034 : vector<16xf32>
      %add3A_2039 = arith.addf %add3A_2029, %mul3A_2038 : vector<16xf32>
      %mul3A_2040 = arith.mulf %gather3A_2035, %gather3A_2035 : vector<16xf32>
      %add3A_2041 = arith.addf %add3A_2031, %mul3A_2040 : vector<16xf32>
      %broadcast_in_dim3A_2042 = arith.constant 13 : i32
      %broadcast_in_dim3A_2043 = vector.broadcast %broadcast_in_dim3A_2042 : i32 to vector<16xi32>
      %gather3A_2044 = tpu.vector_load_idx %arg11[%add3A_1900, %broadcast_in_dim3A_2043] : memref<256x16xf32, #tpu.memory_space<vmem>>[vector<16xi32>, vector<16xi32>], vector<16xf32>,
      %gather3A_2045 = tpu.vector_load_idx %arg12[%add3A_1907, %broadcast_in_dim3A_2043] : memref<256x16xf32, #tpu.memory_space<vmem>>[vector<16xi32>, vector<16xi32>], vector<16xf32>,
      %mul3A_2046 = arith.mulf %gather3A_2044, %gather3A_2045 : vector<16xf32>
      %add3A_2047 = arith.addf %add3A_2037, %mul3A_2046 : vector<16xf32>
      %mul3A_2048 = arith.mulf %gather3A_2044, %gather3A_2044 : vector<16xf32>
      %add3A_2049 = arith.addf %add3A_2039, %mul3A_2048 : vector<16xf32>
      %mul3A_2050 = arith.mulf %gather3A_2045, %gather3A_2045 : vector<16xf32>
      %add3A_2051 = arith.addf %add3A_2041, %mul3A_2050 : vector<16xf32>
      %broadcast_in_dim3A_2052 = arith.constant 14 : i32
      %broadcast_in_dim3A_2053 = vector.broadcast %broadcast_in_dim3A_2052 : i32 to vector<16xi32>
      %gather3A_2054 = tpu.vector_load_idx %arg11[%add3A_1900, %broadcast_in_dim3A_2053] : memref<256x16xf32, #tpu.memory_space<vmem>>[vector<16xi32>, vector<16xi32>], vector<16xf32>,
      %gather3A_2055 = tpu.vector_load_idx %arg12[%add3A_1907, %broadcast_in_dim3A_2053] : memref<256x16xf32, #tpu.memory_space<vmem>>[vector<16xi32>, vector<16xi32>], vector<16xf32>,
      %mul3A_2056 = arith.mulf %gather3A_2054, %gather3A_2055 : vector<16xf32>
      %add3A_2057 = arith.addf %add3A_2047, %mul3A_2056 : vector<16xf32>
      %mul3A_2058 = arith.mulf %gather3A_2054, %gather3A_2054 : vector<16xf32>
      %add3A_2059 = arith.addf %add3A_2049, %mul3A_2058 : vector<16xf32>
      %mul3A_2060 = arith.mulf %gather3A_2055, %gather3A_2055 : vector<16xf32>
      %add3A_2061 = arith.addf %add3A_2051, %mul3A_2060 : vector<16xf32>
      %broadcast_in_dim3A_2062 = arith.constant 15 : i32
      %broadcast_in_dim3A_2063 = vector.broadcast %broadcast_in_dim3A_2062 : i32 to vector<16xi32>
      %gather3A_2064 = tpu.vector_load_idx %arg11[%add3A_1900, %broadcast_in_dim3A_2063] : memref<256x16xf32, #tpu.memory_space<vmem>>[vector<16xi32>, vector<16xi32>], vector<16xf32>,
      %gather3A_2065 = tpu.vector_load_idx %arg12[%add3A_1907, %broadcast_in_dim3A_2063] : memref<256x16xf32, #tpu.memory_space<vmem>>[vector<16xi32>, vector<16xi32>], vector<16xf32>,
      %mul3A_2066 = arith.mulf %gather3A_2064, %gather3A_2065 : vector<16xf32>
      %add3A_2067 = arith.addf %add3A_2057, %mul3A_2066 : vector<16xf32>
      %mul3A_2068 = arith.mulf %gather3A_2064, %gather3A_2064 : vector<16xf32>
      %add3A_2069 = arith.addf %add3A_2059, %mul3A_2068 : vector<16xf32>
      %mul3A_2070 = arith.mulf %gather3A_2065, %gather3A_2065 : vector<16xf32>
      %add3A_2071 = arith.addf %add3A_2061, %mul3A_2070 : vector<16xf32>
      %max3A = arith.constant 1.000000e-16 : f32
      %max3A_2072 = vector.broadcast %max3A : f32 to vector<16xf32>
      %max3A_2073 = arith.maximumf %add3A_2069, %max3A_2072 : vector<16xf32>
      %max3A_2074 = arith.constant 1.000000e-16 : f32
      %max3A_2075 = vector.broadcast %max3A_2074 : f32 to vector<16xf32>
      %max3A_2076 = arith.maximumf %add3A_2071, %max3A_2075 : vector<16xf32>
      %mul3A_2077 = arith.mulf %max3A_2073, %max3A_2076 : vector<16xf32>
      %bitcast_convert_type3A = tpu.bitcast %mul3A_2077 : vector<16xf32> -> vector<16xi32>
      %shift_right_logical3A = arith.constant 1 : i32
      %shift_right_logical3A_2078 = vector.broadcast %shift_right_logical3A : i32 to vector<16xi32>
      %shift_right_logical3A_2079 = arith.shrui %bitcast_convert_type3A, %shift_right_logical3A_2078 : vector<16xi32>
      %sub3A = arith.constant 1597463007 : i32
      %sub3A_2080 = vector.broadcast %sub3A : i32 to vector<16xi32>
      %sub3A_2081 = arith.subi %sub3A_2080, %shift_right_logical3A_2079 : vector<16xi32>
      %bitcast_convert_type3A_2082 = tpu.bitcast %sub3A_2081 : vector<16xi32> -> vector<16xf32>
      %mul3A_2083 = arith.constant 5.000000e-01 : f32
      %mul3A_2084 = vector.broadcast %mul3A_2083 : f32 to vector<16xf32>
      %mul3A_2085 = arith.mulf %mul3A_2084, %mul3A_2077 : vector<16xf32>
      %mul3A_2086 = arith.mulf %mul3A_2085, %bitcast_convert_type3A_2082 : vector<16xf32>
      %mul3A_2087 = arith.mulf %mul3A_2086, %bitcast_convert_type3A_2082 : vector<16xf32>
      %sub3A_2088 = arith.constant 1.500000e+00 : f32
      %sub3A_2089 = vector.broadcast %sub3A_2088 : f32 to vector<16xf32>
      %sub3A_2090 = arith.subf %sub3A_2089, %mul3A_2087 : vector<16xf32>
      %mul3A_2091 = arith.mulf %bitcast_convert_type3A_2082, %sub3A_2090 : vector<16xf32>
      %mul3A_2092 = arith.constant 5.000000e-01 : f32
      %mul3A_2093 = vector.broadcast %mul3A_2092 : f32 to vector<16xf32>
      %mul3A_2094 = arith.mulf %mul3A_2093, %mul3A_2077 : vector<16xf32>
      %mul3A_2095 = arith.mulf %mul3A_2094, %mul3A_2091 : vector<16xf32>
      %mul3A_2096 = arith.mulf %mul3A_2095, %mul3A_2091 : vector<16xf32>
      %sub3A_2097 = arith.constant 1.500000e+00 : f32
      %sub3A_2098 = vector.broadcast %sub3A_2097 : f32 to vector<16xf32>
      %sub3A_2099 = arith.subf %sub3A_2098, %mul3A_2096 : vector<16xf32>
      %mul3A_2100 = arith.mulf %mul3A_2091, %sub3A_2099 : vector<16xf32>
      %mul3A_2101 = arith.constant 5.000000e-01 : f32
      %mul3A_2102 = vector.broadcast %mul3A_2101 : f32 to vector<16xf32>
      %mul3A_2103 = arith.mulf %mul3A_2102, %mul3A_2077 : vector<16xf32>
      %mul3A_2104 = arith.mulf %mul3A_2103, %mul3A_2100 : vector<16xf32>
      %mul3A_2105 = arith.mulf %mul3A_2104, %mul3A_2100 : vector<16xf32>
      %sub3A_2106 = arith.constant 1.500000e+00 : f32
      %sub3A_2107 = vector.broadcast %sub3A_2106 : f32 to vector<16xf32>
      %sub3A_2108 = arith.subf %sub3A_2107, %mul3A_2105 : vector<16xf32>
      %mul3A_2109 = arith.mulf %mul3A_2100, %sub3A_2108 : vector<16xf32>
      %mul3A_2110 = arith.mulf %add3A_2067, %mul3A_2109 : vector<16xf32>
      %mul3A_2111 = arith.constant 2.500000e+00 : f32
      %mul3A_2112 = vector.broadcast %mul3A_2111 : f32 to vector<16xf32>
      %mul3A_2113 = arith.mulf %mul3A_2110, %mul3A_2112 : vector<16xf32>
      %add3A_2114 = arith.constant 2.750000e+00 : f32
      %add3A_2115 = vector.broadcast %add3A_2114 : f32 to vector<16xf32>
      %add3A_2116 = arith.addf %mul3A_2113, %add3A_2115 : vector<16xf32>
      %mul3A_2117 = arith.constant 16 : i32
      %mul3A_2118 = arith.muli %add3A_1863, %mul3A_2117 : i32
      %swap3A_2119 = arith.index_cast %mul3A_2118 : i32 to index
      %swap3A_2120 = tpu.vector_load %arg13[%swap3A_2119] {strides = array<i32>} : memref<512xf32, #tpu.memory_space<vmem>>, vector<16xf32>,
      tpu.vector_store %arg13[%swap3A_2119], %add3A_2116 {strides = array<i32>} : memref<512xf32, #tpu.memory_space<vmem>>, vector<16xf32>,
      %add3A_2121 = arith.constant 2 : i32
      %add3A_2122 = arith.addi %add3A_1863, %add3A_2121 : i32
      %lt3A = arith.constant 32 : i32
      %lt3A_2123 = arith.cmpi slt, %add3A_2122, %lt3A : i32
      %convert_element_type3A = arith.extui %lt3A_2123 : i1 to i32
      %cond3A = arith.constant 0 : i32
      %cond3A_2124 = arith.cmpi ne, %convert_element_type3A, %cond3A : i32
      scf.if %cond3A_2124 {
        %add3A_2397 = arith.constant 2 : i32
        %add3A_2398 = arith.addi %add3A_1863, %add3A_2397 : i32
        %mul3A_2399 = arith.constant 16 : i32
        %mul3A_2400 = arith.muli %add3A_2398, %mul3A_2399 : i32
        %get3A_2401 = arith.index_cast %mul3A_2400 : i32 to index
        %get3A_2402 = tpu.vector_load %arg9[%get3A_2401] {strides = array<i32>} : memref<512xi32, #tpu.memory_space<vmem>>, vector<16xi32>,
        %mul3A_2403 = arith.constant 16 : i32
        %mul3A_2404 = arith.muli %add3A_2398, %mul3A_2403 : i32
        %get3A_2405 = arith.index_cast %mul3A_2404 : i32 to index
        %get3A_2406 = tpu.vector_load %arg10[%get3A_2405] {strides = array<i32>} : memref<512xi32, #tpu.memory_space<vmem>>, vector<16xi32>,
        %slice3A_2407 = vector.extract_strided_slice %get3A_2402 {offsets = [0], sizes = [1], strides = [1]} : vector<16xi32> to vector<1xi32>
        %squeeze3A_2408 = vector.extract %slice3A_2407[0] : i32 from vector<1xi32>
        %slice3A_2409 = vector.extract_strided_slice %get3A_2406 {offsets = [0], sizes = [1], strides = [1]} : vector<16xi32> to vector<1xi32>
        %squeeze3A_2410 = vector.extract %slice3A_2409[0] : i32 from vector<1xi32>
        %multiple_of3A_2411 = tpu.assume_multiple %squeeze3A_2408, 8 : i32
        %multiple_of3A_2412 = tpu.assume_multiple %squeeze3A_2410, 8 : i32
        %dma_start3A_2413 = arith.constant 0 : i32
        %dma_start3A_2414 = arith.constant 0 : i32
        %dma_start3A_2415 = tpu.memref_slice %arg11[%dma_start3A_2413, %dma_start3A_2414] : memref<256x16xf32, #tpu.memory_space<vmem>> -> memref<8x16xf32, #tpu.memory_space<vmem>>
        %dma_start3A_2416 = arith.constant 0 : i32
        %dma_start3A_2417 = tpu.memref_slice %arg4[%multiple_of3A_2411, %dma_start3A_2416] : memref<1000000x16xf32, #tpu.memory_space<hbm>> -> memref<8x16xf32, #tpu.memory_space<hbm>>
        %dma_start3A_2418 = arith.constant 0 : i32
        %dma_start3A_2419 = arith.constant 0 : i32
        %dma_start3A_2420 = tpu.memref_slice %arg11[%dma_start3A_2418, %dma_start3A_2419] : memref<256x16xf32, #tpu.memory_space<vmem>> -> memref<8x16xf32, #tpu.memory_space<vmem>>
        %dma_start3A_2421 = arith.constant 0 : i32
        %dma_start3A_2422 = tpu.memref_slice %arg4[%multiple_of3A_2411, %dma_start3A_2421] : memref<1000000x16xf32, #tpu.memory_space<hbm>> -> memref<8x16xf32, #tpu.memory_space<hbm>>
        tpu.enqueue_dma source(%dma_start3A_2422 : memref<8x16xf32, #tpu.memory_space<hbm>>) target(%dma_start3A_2420 : memref<8x16xf32, #tpu.memory_space<vmem>>) target_semaphore(%arg14 : memref<!tpu.dma_semaphore, #tpu.memory_space<semaphore_mem>>)
        %dma_start3A_2423 = arith.constant 0 : i32
        %dma_start3A_2424 = arith.constant 0 : i32
        %dma_start3A_2425 = tpu.memref_slice %arg12[%dma_start3A_2423, %dma_start3A_2424] : memref<256x16xf32, #tpu.memory_space<vmem>> -> memref<8x16xf32, #tpu.memory_space<vmem>>
        %dma_start3A_2426 = arith.constant 0 : i32
        %dma_start3A_2427 = tpu.memref_slice %arg5[%multiple_of3A_2412, %dma_start3A_2426] : memref<1000000x16xf32, #tpu.memory_space<hbm>> -> memref<8x16xf32, #tpu.memory_space<hbm>>
        %dma_start3A_2428 = arith.constant 0 : i32
        %dma_start3A_2429 = arith.constant 0 : i32
        %dma_start3A_2430 = tpu.memref_slice %arg12[%dma_start3A_2428, %dma_start3A_2429] : memref<256x16xf32, #tpu.memory_space<vmem>> -> memref<8x16xf32, #tpu.memory_space<vmem>>
        %dma_start3A_2431 = arith.constant 0 : i32
        %dma_start3A_2432 = tpu.memref_slice %arg5[%multiple_of3A_2412, %dma_start3A_2431] : memref<1000000x16xf32, #tpu.memory_space<hbm>> -> memref<8x16xf32, #tpu.memory_space<hbm>>
        tpu.enqueue_dma source(%dma_start3A_2432 : memref<8x16xf32, #tpu.memory_space<hbm>>) target(%dma_start3A_2430 : memref<8x16xf32, #tpu.memory_space<vmem>>) target_semaphore(%arg16 : memref<!tpu.dma_semaphore, #tpu.memory_space<semaphore_mem>>)
        %slice3A_2433 = vector.extract_strided_slice %get3A_2402 {offsets = [1], sizes = [1], strides = [1]} : vector<16xi32> to vector<1xi32>
        %squeeze3A_2434 = vector.extract %slice3A_2433[0] : i32 from vector<1xi32>
        %slice3A_2435 = vector.extract_strided_slice %get3A_2406 {offsets = [1], sizes = [1], strides = [1]} : vector<16xi32> to vector<1xi32>
        %squeeze3A_2436 = vector.extract %slice3A_2435[0] : i32 from vector<1xi32>
        %multiple_of3A_2437 = tpu.assume_multiple %squeeze3A_2434, 8 : i32
        %multiple_of3A_2438 = tpu.assume_multiple %squeeze3A_2436, 8 : i32
        %dma_start3A_2439 = arith.constant 8 : i32
        %dma_start3A_2440 = arith.constant 0 : i32
        %dma_start3A_2441 = tpu.memref_slice %arg11[%dma_start3A_2439, %dma_start3A_2440] : memref<256x16xf32, #tpu.memory_space<vmem>> -> memref<8x16xf32, #tpu.memory_space<vmem>>
        %dma_start3A_2442 = arith.constant 0 : i32
        %dma_start3A_2443 = tpu.memref_slice %arg4[%multiple_of3A_2437, %dma_start3A_2442] : memref<1000000x16xf32, #tpu.memory_space<hbm>> -> memref<8x16xf32, #tpu.memory_space<hbm>>
        %dma_start3A_2444 = arith.constant 8 : i32
        %dma_start3A_2445 = arith.constant 0 : i32
        %dma_start3A_2446 = tpu.memref_slice %arg11[%dma_start3A_2444, %dma_start3A_2445] : memref<256x16xf32, #tpu.memory_space<vmem>> -> memref<8x16xf32, #tpu.memory_space<vmem>>
        %dma_start3A_2447 = arith.constant 0 : i32
        %dma_start3A_2448 = tpu.memref_slice %arg4[%multiple_of3A_2437, %dma_start3A_2447] : memref<1000000x16xf32, #tpu.memory_space<hbm>> -> memref<8x16xf32, #tpu.memory_space<hbm>>
        tpu.enqueue_dma source(%dma_start3A_2448 : memref<8x16xf32, #tpu.memory_space<hbm>>) target(%dma_start3A_2446 : memref<8x16xf32, #tpu.memory_space<vmem>>) target_semaphore(%arg14 : memref<!tpu.dma_semaphore, #tpu.memory_space<semaphore_mem>>)
        %dma_start3A_2449 = arith.constant 8 : i32
        %dma_start3A_2450 = arith.constant 0 : i32
        %dma_start3A_2451 = tpu.memref_slice %arg12[%dma_start3A_2449, %dma_start3A_2450] : memref<256x16xf32, #tpu.memory_space<vmem>> -> memref<8x16xf32, #tpu.memory_space<vmem>>
        %dma_start3A_2452 = arith.constant 0 : i32
        %dma_start3A_2453 = tpu.memref_slice %arg5[%multiple_of3A_2438, %dma_start3A_2452] : memref<1000000x16xf32, #tpu.memory_space<hbm>> -> memref<8x16xf32, #tpu.memory_space<hbm>>
        %dma_start3A_2454 = arith.constant 8 : i32
        %dma_start3A_2455 = arith.constant 0 : i32
        %dma_start3A_2456 = tpu.memref_slice %arg12[%dma_start3A_2454, %dma_start3A_2455] : memref<256x16xf32, #tpu.memory_space<vmem>> -> memref<8x16xf32, #tpu.memory_space<vmem>>
        %dma_start3A_2457 = arith.constant 0 : i32
        %dma_start3A_2458 = tpu.memref_slice %arg5[%multiple_of3A_2438, %dma_start3A_2457] : memref<1000000x16xf32, #tpu.memory_space<hbm>> -> memref<8x16xf32, #tpu.memory_space<hbm>>
        tpu.enqueue_dma source(%dma_start3A_2458 : memref<8x16xf32, #tpu.memory_space<hbm>>) target(%dma_start3A_2456 : memref<8x16xf32, #tpu.memory_space<vmem>>) target_semaphore(%arg16 : memref<!tpu.dma_semaphore, #tpu.memory_space<semaphore_mem>>)
        %slice3A_2459 = vector.extract_strided_slice %get3A_2402 {offsets = [2], sizes = [1], strides = [1]} : vector<16xi32> to vector<1xi32>
        %squeeze3A_2460 = vector.extract %slice3A_2459[0] : i32 from vector<1xi32>
        %slice3A_2461 = vector.extract_strided_slice %get3A_2406 {offsets = [2], sizes = [1], strides = [1]} : vector<16xi32> to vector<1xi32>
        %squeeze3A_2462 = vector.extract %slice3A_2461[0] : i32 from vector<1xi32>
        %multiple_of3A_2463 = tpu.assume_multiple %squeeze3A_2460, 8 : i32
        %multiple_of3A_2464 = tpu.assume_multiple %squeeze3A_2462, 8 : i32
        %dma_start3A_2465 = arith.constant 16 : i32
        %dma_start3A_2466 = arith.constant 0 : i32
        %dma_start3A_2467 = tpu.memref_slice %arg11[%dma_start3A_2465, %dma_start3A_2466] : memref<256x16xf32, #tpu.memory_space<vmem>> -> memref<8x16xf32, #tpu.memory_space<vmem>>
        %dma_start3A_2468 = arith.constant 0 : i32
        %dma_start3A_2469 = tpu.memref_slice %arg4[%multiple_of3A_2463, %dma_start3A_2468] : memref<1000000x16xf32, #tpu.memory_space<hbm>> -> memref<8x16xf32, #tpu.memory_space<hbm>>
        %dma_start3A_2470 = arith.constant 16 : i32
        %dma_start3A_2471 = arith.constant 0 : i32
        %dma_start3A_2472 = tpu.memref_slice %arg11[%dma_start3A_2470, %dma_start3A_2471] : memref<256x16xf32, #tpu.memory_space<vmem>> -> memref<8x16xf32, #tpu.memory_space<vmem>>
        %dma_start3A_2473 = arith.constant 0 : i32
        %dma_start3A_2474 = tpu.memref_slice %arg4[%multiple_of3A_2463, %dma_start3A_2473] : memref<1000000x16xf32, #tpu.memory_space<hbm>> -> memref<8x16xf32, #tpu.memory_space<hbm>>
        tpu.enqueue_dma source(%dma_start3A_2474 : memref<8x16xf32, #tpu.memory_space<hbm>>) target(%dma_start3A_2472 : memref<8x16xf32, #tpu.memory_space<vmem>>) target_semaphore(%arg14 : memref<!tpu.dma_semaphore, #tpu.memory_space<semaphore_mem>>)
        %dma_start3A_2475 = arith.constant 16 : i32
        %dma_start3A_2476 = arith.constant 0 : i32
        %dma_start3A_2477 = tpu.memref_slice %arg12[%dma_start3A_2475, %dma_start3A_2476] : memref<256x16xf32, #tpu.memory_space<vmem>> -> memref<8x16xf32, #tpu.memory_space<vmem>>
        %dma_start3A_2478 = arith.constant 0 : i32
        %dma_start3A_2479 = tpu.memref_slice %arg5[%multiple_of3A_2464, %dma_start3A_2478] : memref<1000000x16xf32, #tpu.memory_space<hbm>> -> memref<8x16xf32, #tpu.memory_space<hbm>>
        %dma_start3A_2480 = arith.constant 16 : i32
        %dma_start3A_2481 = arith.constant 0 : i32
        %dma_start3A_2482 = tpu.memref_slice %arg12[%dma_start3A_2480, %dma_start3A_2481] : memref<256x16xf32, #tpu.memory_space<vmem>> -> memref<8x16xf32, #tpu.memory_space<vmem>>
        %dma_start3A_2483 = arith.constant 0 : i32
        %dma_start3A_2484 = tpu.memref_slice %arg5[%multiple_of3A_2464, %dma_start3A_2483] : memref<1000000x16xf32, #tpu.memory_space<hbm>> -> memref<8x16xf32, #tpu.memory_space<hbm>>
        tpu.enqueue_dma source(%dma_start3A_2484 : memref<8x16xf32, #tpu.memory_space<hbm>>) target(%dma_start3A_2482 : memref<8x16xf32, #tpu.memory_space<vmem>>) target_semaphore(%arg16 : memref<!tpu.dma_semaphore, #tpu.memory_space<semaphore_mem>>)
        %slice3A_2485 = vector.extract_strided_slice %get3A_2402 {offsets = [3], sizes = [1], strides = [1]} : vector<16xi32> to vector<1xi32>
        %squeeze3A_2486 = vector.extract %slice3A_2485[0] : i32 from vector<1xi32>
        %slice3A_2487 = vector.extract_strided_slice %get3A_2406 {offsets = [3], sizes = [1], strides = [1]} : vector<16xi32> to vector<1xi32>
        %squeeze3A_2488 = vector.extract %slice3A_2487[0] : i32 from vector<1xi32>
        %multiple_of3A_2489 = tpu.assume_multiple %squeeze3A_2486, 8 : i32
        %multiple_of3A_2490 = tpu.assume_multiple %squeeze3A_2488, 8 : i32
        %dma_start3A_2491 = arith.constant 24 : i32
        %dma_start3A_2492 = arith.constant 0 : i32
        %dma_start3A_2493 = tpu.memref_slice %arg11[%dma_start3A_2491, %dma_start3A_2492] : memref<256x16xf32, #tpu.memory_space<vmem>> -> memref<8x16xf32, #tpu.memory_space<vmem>>
        %dma_start3A_2494 = arith.constant 0 : i32
        %dma_start3A_2495 = tpu.memref_slice %arg4[%multiple_of3A_2489, %dma_start3A_2494] : memref<1000000x16xf32, #tpu.memory_space<hbm>> -> memref<8x16xf32, #tpu.memory_space<hbm>>
        %dma_start3A_2496 = arith.constant 24 : i32
        %dma_start3A_2497 = arith.constant 0 : i32
        %dma_start3A_2498 = tpu.memref_slice %arg11[%dma_start3A_2496, %dma_start3A_2497] : memref<256x16xf32, #tpu.memory_space<vmem>> -> memref<8x16xf32, #tpu.memory_space<vmem>>
        %dma_start3A_2499 = arith.constant 0 : i32
        %dma_start3A_2500 = tpu.memref_slice %arg4[%multiple_of3A_2489, %dma_start3A_2499] : memref<1000000x16xf32, #tpu.memory_space<hbm>> -> memref<8x16xf32, #tpu.memory_space<hbm>>
        tpu.enqueue_dma source(%dma_start3A_2500 : memref<8x16xf32, #tpu.memory_space<hbm>>) target(%dma_start3A_2498 : memref<8x16xf32, #tpu.memory_space<vmem>>) target_semaphore(%arg14 : memref<!tpu.dma_semaphore, #tpu.memory_space<semaphore_mem>>)
        %dma_start3A_2501 = arith.constant 24 : i32
        %dma_start3A_2502 = arith.constant 0 : i32
        %dma_start3A_2503 = tpu.memref_slice %arg12[%dma_start3A_2501, %dma_start3A_2502] : memref<256x16xf32, #tpu.memory_space<vmem>> -> memref<8x16xf32, #tpu.memory_space<vmem>>
        %dma_start3A_2504 = arith.constant 0 : i32
        %dma_start3A_2505 = tpu.memref_slice %arg5[%multiple_of3A_2490, %dma_start3A_2504] : memref<1000000x16xf32, #tpu.memory_space<hbm>> -> memref<8x16xf32, #tpu.memory_space<hbm>>
        %dma_start3A_2506 = arith.constant 24 : i32
        %dma_start3A_2507 = arith.constant 0 : i32
        %dma_start3A_2508 = tpu.memref_slice %arg12[%dma_start3A_2506, %dma_start3A_2507] : memref<256x16xf32, #tpu.memory_space<vmem>> -> memref<8x16xf32, #tpu.memory_space<vmem>>
        %dma_start3A_2509 = arith.constant 0 : i32
        %dma_start3A_2510 = tpu.memref_slice %arg5[%multiple_of3A_2490, %dma_start3A_2509] : memref<1000000x16xf32, #tpu.memory_space<hbm>> -> memref<8x16xf32, #tpu.memory_space<hbm>>
        tpu.enqueue_dma source(%dma_start3A_2510 : memref<8x16xf32, #tpu.memory_space<hbm>>) target(%dma_start3A_2508 : memref<8x16xf32, #tpu.memory_space<vmem>>) target_semaphore(%arg16 : memref<!tpu.dma_semaphore, #tpu.memory_space<semaphore_mem>>)
        %slice3A_2511 = vector.extract_strided_slice %get3A_2402 {offsets = [4], sizes = [1], strides = [1]} : vector<16xi32> to vector<1xi32>
        %squeeze3A_2512 = vector.extract %slice3A_2511[0] : i32 from vector<1xi32>
        %slice3A_2513 = vector.extract_strided_slice %get3A_2406 {offsets = [4], sizes = [1], strides = [1]} : vector<16xi32> to vector<1xi32>
        %squeeze3A_2514 = vector.extract %slice3A_2513[0] : i32 from vector<1xi32>
        %multiple_of3A_2515 = tpu.assume_multiple %squeeze3A_2512, 8 : i32
        %multiple_of3A_2516 = tpu.assume_multiple %squeeze3A_2514, 8 : i32
        %dma_start3A_2517 = arith.constant 32 : i32
        %dma_start3A_2518 = arith.constant 0 : i32
        %dma_start3A_2519 = tpu.memref_slice %arg11[%dma_start3A_2517, %dma_start3A_2518] : memref<256x16xf32, #tpu.memory_space<vmem>> -> memref<8x16xf32, #tpu.memory_space<vmem>>
        %dma_start3A_2520 = arith.constant 0 : i32
        %dma_start3A_2521 = tpu.memref_slice %arg4[%multiple_of3A_2515, %dma_start3A_2520] : memref<1000000x16xf32, #tpu.memory_space<hbm>> -> memref<8x16xf32, #tpu.memory_space<hbm>>
        %dma_start3A_2522 = arith.constant 32 : i32
        %dma_start3A_2523 = arith.constant 0 : i32
        %dma_start3A_2524 = tpu.memref_slice %arg11[%dma_start3A_2522, %dma_start3A_2523] : memref<256x16xf32, #tpu.memory_space<vmem>> -> memref<8x16xf32, #tpu.memory_space<vmem>>
        %dma_start3A_2525 = arith.constant 0 : i32
        %dma_start3A_2526 = tpu.memref_slice %arg4[%multiple_of3A_2515, %dma_start3A_2525] : memref<1000000x16xf32, #tpu.memory_space<hbm>> -> memref<8x16xf32, #tpu.memory_space<hbm>>
        tpu.enqueue_dma source(%dma_start3A_2526 : memref<8x16xf32, #tpu.memory_space<hbm>>) target(%dma_start3A_2524 : memref<8x16xf32, #tpu.memory_space<vmem>>) target_semaphore(%arg14 : memref<!tpu.dma_semaphore, #tpu.memory_space<semaphore_mem>>)
        %dma_start3A_2527 = arith.constant 32 : i32
        %dma_start3A_2528 = arith.constant 0 : i32
        %dma_start3A_2529 = tpu.memref_slice %arg12[%dma_start3A_2527, %dma_start3A_2528] : memref<256x16xf32, #tpu.memory_space<vmem>> -> memref<8x16xf32, #tpu.memory_space<vmem>>
        %dma_start3A_2530 = arith.constant 0 : i32
        %dma_start3A_2531 = tpu.memref_slice %arg5[%multiple_of3A_2516, %dma_start3A_2530] : memref<1000000x16xf32, #tpu.memory_space<hbm>> -> memref<8x16xf32, #tpu.memory_space<hbm>>
        %dma_start3A_2532 = arith.constant 32 : i32
        %dma_start3A_2533 = arith.constant 0 : i32
        %dma_start3A_2534 = tpu.memref_slice %arg12[%dma_start3A_2532, %dma_start3A_2533] : memref<256x16xf32, #tpu.memory_space<vmem>> -> memref<8x16xf32, #tpu.memory_space<vmem>>
        %dma_start3A_2535 = arith.constant 0 : i32
        %dma_start3A_2536 = tpu.memref_slice %arg5[%multiple_of3A_2516, %dma_start3A_2535] : memref<1000000x16xf32, #tpu.memory_space<hbm>> -> memref<8x16xf32, #tpu.memory_space<hbm>>
        tpu.enqueue_dma source(%dma_start3A_2536 : memref<8x16xf32, #tpu.memory_space<hbm>>) target(%dma_start3A_2534 : memref<8x16xf32, #tpu.memory_space<vmem>>) target_semaphore(%arg16 : memref<!tpu.dma_semaphore, #tpu.memory_space<semaphore_mem>>)
        %slice3A_2537 = vector.extract_strided_slice %get3A_2402 {offsets = [5], sizes = [1], strides = [1]} : vector<16xi32> to vector<1xi32>
        %squeeze3A_2538 = vector.extract %slice3A_2537[0] : i32 from vector<1xi32>
        %slice3A_2539 = vector.extract_strided_slice %get3A_2406 {offsets = [5], sizes = [1], strides = [1]} : vector<16xi32> to vector<1xi32>
        %squeeze3A_2540 = vector.extract %slice3A_2539[0] : i32 from vector<1xi32>
        %multiple_of3A_2541 = tpu.assume_multiple %squeeze3A_2538, 8 : i32
        %multiple_of3A_2542 = tpu.assume_multiple %squeeze3A_2540, 8 : i32
        %dma_start3A_2543 = arith.constant 40 : i32
        %dma_start3A_2544 = arith.constant 0 : i32
        %dma_start3A_2545 = tpu.memref_slice %arg11[%dma_start3A_2543, %dma_start3A_2544] : memref<256x16xf32, #tpu.memory_space<vmem>> -> memref<8x16xf32, #tpu.memory_space<vmem>>
        %dma_start3A_2546 = arith.constant 0 : i32
        %dma_start3A_2547 = tpu.memref_slice %arg4[%multiple_of3A_2541, %dma_start3A_2546] : memref<1000000x16xf32, #tpu.memory_space<hbm>> -> memref<8x16xf32, #tpu.memory_space<hbm>>
        %dma_start3A_2548 = arith.constant 40 : i32
        %dma_start3A_2549 = arith.constant 0 : i32
        %dma_start3A_2550 = tpu.memref_slice %arg11[%dma_start3A_2548, %dma_start3A_2549] : memref<256x16xf32, #tpu.memory_space<vmem>> -> memref<8x16xf32, #tpu.memory_space<vmem>>
        %dma_start3A_2551 = arith.constant 0 : i32
        %dma_start3A_2552 = tpu.memref_slice %arg4[%multiple_of3A_2541, %dma_start3A_2551] : memref<1000000x16xf32, #tpu.memory_space<hbm>> -> memref<8x16xf32, #tpu.memory_space<hbm>>
        tpu.enqueue_dma source(%dma_start3A_2552 : memref<8x16xf32, #tpu.memory_space<hbm>>) target(%dma_start3A_2550 : memref<8x16xf32, #tpu.memory_space<vmem>>) target_semaphore(%arg14 : memref<!tpu.dma_semaphore, #tpu.memory_space<semaphore_mem>>)
        %dma_start3A_2553 = arith.constant 40 : i32
        %dma_start3A_2554 = arith.constant 0 : i32
        %dma_start3A_2555 = tpu.memref_slice %arg12[%dma_start3A_2553, %dma_start3A_2554] : memref<256x16xf32, #tpu.memory_space<vmem>> -> memref<8x16xf32, #tpu.memory_space<vmem>>
        %dma_start3A_2556 = arith.constant 0 : i32
        %dma_start3A_2557 = tpu.memref_slice %arg5[%multiple_of3A_2542, %dma_start3A_2556] : memref<1000000x16xf32, #tpu.memory_space<hbm>> -> memref<8x16xf32, #tpu.memory_space<hbm>>
        %dma_start3A_2558 = arith.constant 40 : i32
        %dma_start3A_2559 = arith.constant 0 : i32
        %dma_start3A_2560 = tpu.memref_slice %arg12[%dma_start3A_2558, %dma_start3A_2559] : memref<256x16xf32, #tpu.memory_space<vmem>> -> memref<8x16xf32, #tpu.memory_space<vmem>>
        %dma_start3A_2561 = arith.constant 0 : i32
        %dma_start3A_2562 = tpu.memref_slice %arg5[%multiple_of3A_2542, %dma_start3A_2561] : memref<1000000x16xf32, #tpu.memory_space<hbm>> -> memref<8x16xf32, #tpu.memory_space<hbm>>
        tpu.enqueue_dma source(%dma_start3A_2562 : memref<8x16xf32, #tpu.memory_space<hbm>>) target(%dma_start3A_2560 : memref<8x16xf32, #tpu.memory_space<vmem>>) target_semaphore(%arg16 : memref<!tpu.dma_semaphore, #tpu.memory_space<semaphore_mem>>)
        %slice3A_2563 = vector.extract_strided_slice %get3A_2402 {offsets = [6], sizes = [1], strides = [1]} : vector<16xi32> to vector<1xi32>
        %squeeze3A_2564 = vector.extract %slice3A_2563[0] : i32 from vector<1xi32>
        %slice3A_2565 = vector.extract_strided_slice %get3A_2406 {offsets = [6], sizes = [1], strides = [1]} : vector<16xi32> to vector<1xi32>
        %squeeze3A_2566 = vector.extract %slice3A_2565[0] : i32 from vector<1xi32>
        %multiple_of3A_2567 = tpu.assume_multiple %squeeze3A_2564, 8 : i32
        %multiple_of3A_2568 = tpu.assume_multiple %squeeze3A_2566, 8 : i32
        %dma_start3A_2569 = arith.constant 48 : i32
        %dma_start3A_2570 = arith.constant 0 : i32
        %dma_start3A_2571 = tpu.memref_slice %arg11[%dma_start3A_2569, %dma_start3A_2570] : memref<256x16xf32, #tpu.memory_space<vmem>> -> memref<8x16xf32, #tpu.memory_space<vmem>>
        %dma_start3A_2572 = arith.constant 0 : i32
        %dma_start3A_2573 = tpu.memref_slice %arg4[%multiple_of3A_2567, %dma_start3A_2572] : memref<1000000x16xf32, #tpu.memory_space<hbm>> -> memref<8x16xf32, #tpu.memory_space<hbm>>
        %dma_start3A_2574 = arith.constant 48 : i32
        %dma_start3A_2575 = arith.constant 0 : i32
        %dma_start3A_2576 = tpu.memref_slice %arg11[%dma_start3A_2574, %dma_start3A_2575] : memref<256x16xf32, #tpu.memory_space<vmem>> -> memref<8x16xf32, #tpu.memory_space<vmem>>
        %dma_start3A_2577 = arith.constant 0 : i32
        %dma_start3A_2578 = tpu.memref_slice %arg4[%multiple_of3A_2567, %dma_start3A_2577] : memref<1000000x16xf32, #tpu.memory_space<hbm>> -> memref<8x16xf32, #tpu.memory_space<hbm>>
        tpu.enqueue_dma source(%dma_start3A_2578 : memref<8x16xf32, #tpu.memory_space<hbm>>) target(%dma_start3A_2576 : memref<8x16xf32, #tpu.memory_space<vmem>>) target_semaphore(%arg14 : memref<!tpu.dma_semaphore, #tpu.memory_space<semaphore_mem>>)
        %dma_start3A_2579 = arith.constant 48 : i32
        %dma_start3A_2580 = arith.constant 0 : i32
        %dma_start3A_2581 = tpu.memref_slice %arg12[%dma_start3A_2579, %dma_start3A_2580] : memref<256x16xf32, #tpu.memory_space<vmem>> -> memref<8x16xf32, #tpu.memory_space<vmem>>
        %dma_start3A_2582 = arith.constant 0 : i32
        %dma_start3A_2583 = tpu.memref_slice %arg5[%multiple_of3A_2568, %dma_start3A_2582] : memref<1000000x16xf32, #tpu.memory_space<hbm>> -> memref<8x16xf32, #tpu.memory_space<hbm>>
        %dma_start3A_2584 = arith.constant 48 : i32
        %dma_start3A_2585 = arith.constant 0 : i32
        %dma_start3A_2586 = tpu.memref_slice %arg12[%dma_start3A_2584, %dma_start3A_2585] : memref<256x16xf32, #tpu.memory_space<vmem>> -> memref<8x16xf32, #tpu.memory_space<vmem>>
        %dma_start3A_2587 = arith.constant 0 : i32
        %dma_start3A_2588 = tpu.memref_slice %arg5[%multiple_of3A_2568, %dma_start3A_2587] : memref<1000000x16xf32, #tpu.memory_space<hbm>> -> memref<8x16xf32, #tpu.memory_space<hbm>>
        tpu.enqueue_dma source(%dma_start3A_2588 : memref<8x16xf32, #tpu.memory_space<hbm>>) target(%dma_start3A_2586 : memref<8x16xf32, #tpu.memory_space<vmem>>) target_semaphore(%arg16 : memref<!tpu.dma_semaphore, #tpu.memory_space<semaphore_mem>>)
        %slice3A_2589 = vector.extract_strided_slice %get3A_2402 {offsets = [7], sizes = [1], strides = [1]} : vector<16xi32> to vector<1xi32>
        %squeeze3A_2590 = vector.extract %slice3A_2589[0] : i32 from vector<1xi32>
        %slice3A_2591 = vector.extract_strided_slice %get3A_2406 {offsets = [7], sizes = [1], strides = [1]} : vector<16xi32> to vector<1xi32>
        %squeeze3A_2592 = vector.extract %slice3A_2591[0] : i32 from vector<1xi32>
        %multiple_of3A_2593 = tpu.assume_multiple %squeeze3A_2590, 8 : i32
        %multiple_of3A_2594 = tpu.assume_multiple %squeeze3A_2592, 8 : i32
        %dma_start3A_2595 = arith.constant 56 : i32
        %dma_start3A_2596 = arith.constant 0 : i32
        %dma_start3A_2597 = tpu.memref_slice %arg11[%dma_start3A_2595, %dma_start3A_2596] : memref<256x16xf32, #tpu.memory_space<vmem>> -> memref<8x16xf32, #tpu.memory_space<vmem>>
        %dma_start3A_2598 = arith.constant 0 : i32
        %dma_start3A_2599 = tpu.memref_slice %arg4[%multiple_of3A_2593, %dma_start3A_2598] : memref<1000000x16xf32, #tpu.memory_space<hbm>> -> memref<8x16xf32, #tpu.memory_space<hbm>>
        %dma_start3A_2600 = arith.constant 56 : i32
        %dma_start3A_2601 = arith.constant 0 : i32
        %dma_start3A_2602 = tpu.memref_slice %arg11[%dma_start3A_2600, %dma_start3A_2601] : memref<256x16xf32, #tpu.memory_space<vmem>> -> memref<8x16xf32, #tpu.memory_space<vmem>>
        %dma_start3A_2603 = arith.constant 0 : i32
        %dma_start3A_2604 = tpu.memref_slice %arg4[%multiple_of3A_2593, %dma_start3A_2603] : memref<1000000x16xf32, #tpu.memory_space<hbm>> -> memref<8x16xf32, #tpu.memory_space<hbm>>
        tpu.enqueue_dma source(%dma_start3A_2604 : memref<8x16xf32, #tpu.memory_space<hbm>>) target(%dma_start3A_2602 : memref<8x16xf32, #tpu.memory_space<vmem>>) target_semaphore(%arg14 : memref<!tpu.dma_semaphore, #tpu.memory_space<semaphore_mem>>)
        %dma_start3A_2605 = arith.constant 56 : i32
        %dma_start3A_2606 = arith.constant 0 : i32
        %dma_start3A_2607 = tpu.memref_slice %arg12[%dma_start3A_2605, %dma_start3A_2606] : memref<256x16xf32, #tpu.memory_space<vmem>> -> memref<8x16xf32, #tpu.memory_space<vmem>>
        %dma_start3A_2608 = arith.constant 0 : i32
        %dma_start3A_2609 = tpu.memref_slice %arg5[%multiple_of3A_2594, %dma_start3A_2608] : memref<1000000x16xf32, #tpu.memory_space<hbm>> -> memref<8x16xf32, #tpu.memory_space<hbm>>
        %dma_start3A_2610 = arith.constant 56 : i32
        %dma_start3A_2611 = arith.constant 0 : i32
        %dma_start3A_2612 = tpu.memref_slice %arg12[%dma_start3A_2610, %dma_start3A_2611] : memref<256x16xf32, #tpu.memory_space<vmem>> -> memref<8x16xf32, #tpu.memory_space<vmem>>
        %dma_start3A_2613 = arith.constant 0 : i32
        %dma_start3A_2614 = tpu.memref_slice %arg5[%multiple_of3A_2594, %dma_start3A_2613] : memref<1000000x16xf32, #tpu.memory_space<hbm>> -> memref<8x16xf32, #tpu.memory_space<hbm>>
        tpu.enqueue_dma source(%dma_start3A_2614 : memref<8x16xf32, #tpu.memory_space<hbm>>) target(%dma_start3A_2612 : memref<8x16xf32, #tpu.memory_space<vmem>>) target_semaphore(%arg16 : memref<!tpu.dma_semaphore, #tpu.memory_space<semaphore_mem>>)
        %slice3A_2615 = vector.extract_strided_slice %get3A_2402 {offsets = [8], sizes = [1], strides = [1]} : vector<16xi32> to vector<1xi32>
        %squeeze3A_2616 = vector.extract %slice3A_2615[0] : i32 from vector<1xi32>
        %slice3A_2617 = vector.extract_strided_slice %get3A_2406 {offsets = [8], sizes = [1], strides = [1]} : vector<16xi32> to vector<1xi32>
        %squeeze3A_2618 = vector.extract %slice3A_2617[0] : i32 from vector<1xi32>
        %multiple_of3A_2619 = tpu.assume_multiple %squeeze3A_2616, 8 : i32
        %multiple_of3A_2620 = tpu.assume_multiple %squeeze3A_2618, 8 : i32
        %dma_start3A_2621 = arith.constant 64 : i32
        %dma_start3A_2622 = arith.constant 0 : i32
        %dma_start3A_2623 = tpu.memref_slice %arg11[%dma_start3A_2621, %dma_start3A_2622] : memref<256x16xf32, #tpu.memory_space<vmem>> -> memref<8x16xf32, #tpu.memory_space<vmem>>
        %dma_start3A_2624 = arith.constant 0 : i32
        %dma_start3A_2625 = tpu.memref_slice %arg4[%multiple_of3A_2619, %dma_start3A_2624] : memref<1000000x16xf32, #tpu.memory_space<hbm>> -> memref<8x16xf32, #tpu.memory_space<hbm>>
        %dma_start3A_2626 = arith.constant 64 : i32
        %dma_start3A_2627 = arith.constant 0 : i32
        %dma_start3A_2628 = tpu.memref_slice %arg11[%dma_start3A_2626, %dma_start3A_2627] : memref<256x16xf32, #tpu.memory_space<vmem>> -> memref<8x16xf32, #tpu.memory_space<vmem>>
        %dma_start3A_2629 = arith.constant 0 : i32
        %dma_start3A_2630 = tpu.memref_slice %arg4[%multiple_of3A_2619, %dma_start3A_2629] : memref<1000000x16xf32, #tpu.memory_space<hbm>> -> memref<8x16xf32, #tpu.memory_space<hbm>>
        tpu.enqueue_dma source(%dma_start3A_2630 : memref<8x16xf32, #tpu.memory_space<hbm>>) target(%dma_start3A_2628 : memref<8x16xf32, #tpu.memory_space<vmem>>) target_semaphore(%arg14 : memref<!tpu.dma_semaphore, #tpu.memory_space<semaphore_mem>>)
        %dma_start3A_2631 = arith.constant 64 : i32
        %dma_start3A_2632 = arith.constant 0 : i32
        %dma_start3A_2633 = tpu.memref_slice %arg12[%dma_start3A_2631, %dma_start3A_2632] : memref<256x16xf32, #tpu.memory_space<vmem>> -> memref<8x16xf32, #tpu.memory_space<vmem>>
        %dma_start3A_2634 = arith.constant 0 : i32
        %dma_start3A_2635 = tpu.memref_slice %arg5[%multiple_of3A_2620, %dma_start3A_2634] : memref<1000000x16xf32, #tpu.memory_space<hbm>> -> memref<8x16xf32, #tpu.memory_space<hbm>>
        %dma_start3A_2636 = arith.constant 64 : i32
        %dma_start3A_2637 = arith.constant 0 : i32
        %dma_start3A_2638 = tpu.memref_slice %arg12[%dma_start3A_2636, %dma_start3A_2637] : memref<256x16xf32, #tpu.memory_space<vmem>> -> memref<8x16xf32, #tpu.memory_space<vmem>>
        %dma_start3A_2639 = arith.constant 0 : i32
        %dma_start3A_2640 = tpu.memref_slice %arg5[%multiple_of3A_2620, %dma_start3A_2639] : memref<1000000x16xf32, #tpu.memory_space<hbm>> -> memref<8x16xf32, #tpu.memory_space<hbm>>
        tpu.enqueue_dma source(%dma_start3A_2640 : memref<8x16xf32, #tpu.memory_space<hbm>>) target(%dma_start3A_2638 : memref<8x16xf32, #tpu.memory_space<vmem>>) target_semaphore(%arg16 : memref<!tpu.dma_semaphore, #tpu.memory_space<semaphore_mem>>)
        %slice3A_2641 = vector.extract_strided_slice %get3A_2402 {offsets = [9], sizes = [1], strides = [1]} : vector<16xi32> to vector<1xi32>
        %squeeze3A_2642 = vector.extract %slice3A_2641[0] : i32 from vector<1xi32>
        %slice3A_2643 = vector.extract_strided_slice %get3A_2406 {offsets = [9], sizes = [1], strides = [1]} : vector<16xi32> to vector<1xi32>
        %squeeze3A_2644 = vector.extract %slice3A_2643[0] : i32 from vector<1xi32>
        %multiple_of3A_2645 = tpu.assume_multiple %squeeze3A_2642, 8 : i32
        %multiple_of3A_2646 = tpu.assume_multiple %squeeze3A_2644, 8 : i32
        %dma_start3A_2647 = arith.constant 72 : i32
        %dma_start3A_2648 = arith.constant 0 : i32
        %dma_start3A_2649 = tpu.memref_slice %arg11[%dma_start3A_2647, %dma_start3A_2648] : memref<256x16xf32, #tpu.memory_space<vmem>> -> memref<8x16xf32, #tpu.memory_space<vmem>>
        %dma_start3A_2650 = arith.constant 0 : i32
        %dma_start3A_2651 = tpu.memref_slice %arg4[%multiple_of3A_2645, %dma_start3A_2650] : memref<1000000x16xf32, #tpu.memory_space<hbm>> -> memref<8x16xf32, #tpu.memory_space<hbm>>
        %dma_start3A_2652 = arith.constant 72 : i32
        %dma_start3A_2653 = arith.constant 0 : i32
        %dma_start3A_2654 = tpu.memref_slice %arg11[%dma_start3A_2652, %dma_start3A_2653] : memref<256x16xf32, #tpu.memory_space<vmem>> -> memref<8x16xf32, #tpu.memory_space<vmem>>
        %dma_start3A_2655 = arith.constant 0 : i32
        %dma_start3A_2656 = tpu.memref_slice %arg4[%multiple_of3A_2645, %dma_start3A_2655] : memref<1000000x16xf32, #tpu.memory_space<hbm>> -> memref<8x16xf32, #tpu.memory_space<hbm>>
        tpu.enqueue_dma source(%dma_start3A_2656 : memref<8x16xf32, #tpu.memory_space<hbm>>) target(%dma_start3A_2654 : memref<8x16xf32, #tpu.memory_space<vmem>>) target_semaphore(%arg14 : memref<!tpu.dma_semaphore, #tpu.memory_space<semaphore_mem>>)
        %dma_start3A_2657 = arith.constant 72 : i32
        %dma_start3A_2658 = arith.constant 0 : i32
        %dma_start3A_2659 = tpu.memref_slice %arg12[%dma_start3A_2657, %dma_start3A_2658] : memref<256x16xf32, #tpu.memory_space<vmem>> -> memref<8x16xf32, #tpu.memory_space<vmem>>
        %dma_start3A_2660 = arith.constant 0 : i32
        %dma_start3A_2661 = tpu.memref_slice %arg5[%multiple_of3A_2646, %dma_start3A_2660] : memref<1000000x16xf32, #tpu.memory_space<hbm>> -> memref<8x16xf32, #tpu.memory_space<hbm>>
        %dma_start3A_2662 = arith.constant 72 : i32
        %dma_start3A_2663 = arith.constant 0 : i32
        %dma_start3A_2664 = tpu.memref_slice %arg12[%dma_start3A_2662, %dma_start3A_2663] : memref<256x16xf32, #tpu.memory_space<vmem>> -> memref<8x16xf32, #tpu.memory_space<vmem>>
        %dma_start3A_2665 = arith.constant 0 : i32
        %dma_start3A_2666 = tpu.memref_slice %arg5[%multiple_of3A_2646, %dma_start3A_2665] : memref<1000000x16xf32, #tpu.memory_space<hbm>> -> memref<8x16xf32, #tpu.memory_space<hbm>>
        tpu.enqueue_dma source(%dma_start3A_2666 : memref<8x16xf32, #tpu.memory_space<hbm>>) target(%dma_start3A_2664 : memref<8x16xf32, #tpu.memory_space<vmem>>) target_semaphore(%arg16 : memref<!tpu.dma_semaphore, #tpu.memory_space<semaphore_mem>>)
        %slice3A_2667 = vector.extract_strided_slice %get3A_2402 {offsets = [10], sizes = [1], strides = [1]} : vector<16xi32> to vector<1xi32>
        %squeeze3A_2668 = vector.extract %slice3A_2667[0] : i32 from vector<1xi32>
        %slice3A_2669 = vector.extract_strided_slice %get3A_2406 {offsets = [10], sizes = [1], strides = [1]} : vector<16xi32> to vector<1xi32>
        %squeeze3A_2670 = vector.extract %slice3A_2669[0] : i32 from vector<1xi32>
        %multiple_of3A_2671 = tpu.assume_multiple %squeeze3A_2668, 8 : i32
        %multiple_of3A_2672 = tpu.assume_multiple %squeeze3A_2670, 8 : i32
        %dma_start3A_2673 = arith.constant 80 : i32
        %dma_start3A_2674 = arith.constant 0 : i32
        %dma_start3A_2675 = tpu.memref_slice %arg11[%dma_start3A_2673, %dma_start3A_2674] : memref<256x16xf32, #tpu.memory_space<vmem>> -> memref<8x16xf32, #tpu.memory_space<vmem>>
        %dma_start3A_2676 = arith.constant 0 : i32
        %dma_start3A_2677 = tpu.memref_slice %arg4[%multiple_of3A_2671, %dma_start3A_2676] : memref<1000000x16xf32, #tpu.memory_space<hbm>> -> memref<8x16xf32, #tpu.memory_space<hbm>>
        %dma_start3A_2678 = arith.constant 80 : i32
        %dma_start3A_2679 = arith.constant 0 : i32
        %dma_start3A_2680 = tpu.memref_slice %arg11[%dma_start3A_2678, %dma_start3A_2679] : memref<256x16xf32, #tpu.memory_space<vmem>> -> memref<8x16xf32, #tpu.memory_space<vmem>>
        %dma_start3A_2681 = arith.constant 0 : i32
        %dma_start3A_2682 = tpu.memref_slice %arg4[%multiple_of3A_2671, %dma_start3A_2681] : memref<1000000x16xf32, #tpu.memory_space<hbm>> -> memref<8x16xf32, #tpu.memory_space<hbm>>
        tpu.enqueue_dma source(%dma_start3A_2682 : memref<8x16xf32, #tpu.memory_space<hbm>>) target(%dma_start3A_2680 : memref<8x16xf32, #tpu.memory_space<vmem>>) target_semaphore(%arg14 : memref<!tpu.dma_semaphore, #tpu.memory_space<semaphore_mem>>)
        %dma_start3A_2683 = arith.constant 80 : i32
        %dma_start3A_2684 = arith.constant 0 : i32
        %dma_start3A_2685 = tpu.memref_slice %arg12[%dma_start3A_2683, %dma_start3A_2684] : memref<256x16xf32, #tpu.memory_space<vmem>> -> memref<8x16xf32, #tpu.memory_space<vmem>>
        %dma_start3A_2686 = arith.constant 0 : i32
        %dma_start3A_2687 = tpu.memref_slice %arg5[%multiple_of3A_2672, %dma_start3A_2686] : memref<1000000x16xf32, #tpu.memory_space<hbm>> -> memref<8x16xf32, #tpu.memory_space<hbm>>
        %dma_start3A_2688 = arith.constant 80 : i32
        %dma_start3A_2689 = arith.constant 0 : i32
        %dma_start3A_2690 = tpu.memref_slice %arg12[%dma_start3A_2688, %dma_start3A_2689] : memref<256x16xf32, #tpu.memory_space<vmem>> -> memref<8x16xf32, #tpu.memory_space<vmem>>
        %dma_start3A_2691 = arith.constant 0 : i32
        %dma_start3A_2692 = tpu.memref_slice %arg5[%multiple_of3A_2672, %dma_start3A_2691] : memref<1000000x16xf32, #tpu.memory_space<hbm>> -> memref<8x16xf32, #tpu.memory_space<hbm>>
        tpu.enqueue_dma source(%dma_start3A_2692 : memref<8x16xf32, #tpu.memory_space<hbm>>) target(%dma_start3A_2690 : memref<8x16xf32, #tpu.memory_space<vmem>>) target_semaphore(%arg16 : memref<!tpu.dma_semaphore, #tpu.memory_space<semaphore_mem>>)
        %slice3A_2693 = vector.extract_strided_slice %get3A_2402 {offsets = [11], sizes = [1], strides = [1]} : vector<16xi32> to vector<1xi32>
        %squeeze3A_2694 = vector.extract %slice3A_2693[0] : i32 from vector<1xi32>
        %slice3A_2695 = vector.extract_strided_slice %get3A_2406 {offsets = [11], sizes = [1], strides = [1]} : vector<16xi32> to vector<1xi32>
        %squeeze3A_2696 = vector.extract %slice3A_2695[0] : i32 from vector<1xi32>
        %multiple_of3A_2697 = tpu.assume_multiple %squeeze3A_2694, 8 : i32
        %multiple_of3A_2698 = tpu.assume_multiple %squeeze3A_2696, 8 : i32
        %dma_start3A_2699 = arith.constant 88 : i32
        %dma_start3A_2700 = arith.constant 0 : i32
        %dma_start3A_2701 = tpu.memref_slice %arg11[%dma_start3A_2699, %dma_start3A_2700] : memref<256x16xf32, #tpu.memory_space<vmem>> -> memref<8x16xf32, #tpu.memory_space<vmem>>
        %dma_start3A_2702 = arith.constant 0 : i32
        %dma_start3A_2703 = tpu.memref_slice %arg4[%multiple_of3A_2697, %dma_start3A_2702] : memref<1000000x16xf32, #tpu.memory_space<hbm>> -> memref<8x16xf32, #tpu.memory_space<hbm>>
        %dma_start3A_2704 = arith.constant 88 : i32
        %dma_start3A_2705 = arith.constant 0 : i32
        %dma_start3A_2706 = tpu.memref_slice %arg11[%dma_start3A_2704, %dma_start3A_2705] : memref<256x16xf32, #tpu.memory_space<vmem>> -> memref<8x16xf32, #tpu.memory_space<vmem>>
        %dma_start3A_2707 = arith.constant 0 : i32
        %dma_start3A_2708 = tpu.memref_slice %arg4[%multiple_of3A_2697, %dma_start3A_2707] : memref<1000000x16xf32, #tpu.memory_space<hbm>> -> memref<8x16xf32, #tpu.memory_space<hbm>>
        tpu.enqueue_dma source(%dma_start3A_2708 : memref<8x16xf32, #tpu.memory_space<hbm>>) target(%dma_start3A_2706 : memref<8x16xf32, #tpu.memory_space<vmem>>) target_semaphore(%arg14 : memref<!tpu.dma_semaphore, #tpu.memory_space<semaphore_mem>>)
        %dma_start3A_2709 = arith.constant 88 : i32
        %dma_start3A_2710 = arith.constant 0 : i32
        %dma_start3A_2711 = tpu.memref_slice %arg12[%dma_start3A_2709, %dma_start3A_2710] : memref<256x16xf32, #tpu.memory_space<vmem>> -> memref<8x16xf32, #tpu.memory_space<vmem>>
        %dma_start3A_2712 = arith.constant 0 : i32
        %dma_start3A_2713 = tpu.memref_slice %arg5[%multiple_of3A_2698, %dma_start3A_2712] : memref<1000000x16xf32, #tpu.memory_space<hbm>> -> memref<8x16xf32, #tpu.memory_space<hbm>>
        %dma_start3A_2714 = arith.constant 88 : i32
        %dma_start3A_2715 = arith.constant 0 : i32
        %dma_start3A_2716 = tpu.memref_slice %arg12[%dma_start3A_2714, %dma_start3A_2715] : memref<256x16xf32, #tpu.memory_space<vmem>> -> memref<8x16xf32, #tpu.memory_space<vmem>>
        %dma_start3A_2717 = arith.constant 0 : i32
        %dma_start3A_2718 = tpu.memref_slice %arg5[%multiple_of3A_2698, %dma_start3A_2717] : memref<1000000x16xf32, #tpu.memory_space<hbm>> -> memref<8x16xf32, #tpu.memory_space<hbm>>
        tpu.enqueue_dma source(%dma_start3A_2718 : memref<8x16xf32, #tpu.memory_space<hbm>>) target(%dma_start3A_2716 : memref<8x16xf32, #tpu.memory_space<vmem>>) target_semaphore(%arg16 : memref<!tpu.dma_semaphore, #tpu.memory_space<semaphore_mem>>)
        %slice3A_2719 = vector.extract_strided_slice %get3A_2402 {offsets = [12], sizes = [1], strides = [1]} : vector<16xi32> to vector<1xi32>
        %squeeze3A_2720 = vector.extract %slice3A_2719[0] : i32 from vector<1xi32>
        %slice3A_2721 = vector.extract_strided_slice %get3A_2406 {offsets = [12], sizes = [1], strides = [1]} : vector<16xi32> to vector<1xi32>
        %squeeze3A_2722 = vector.extract %slice3A_2721[0] : i32 from vector<1xi32>
        %multiple_of3A_2723 = tpu.assume_multiple %squeeze3A_2720, 8 : i32
        %multiple_of3A_2724 = tpu.assume_multiple %squeeze3A_2722, 8 : i32
        %dma_start3A_2725 = arith.constant 96 : i32
        %dma_start3A_2726 = arith.constant 0 : i32
        %dma_start3A_2727 = tpu.memref_slice %arg11[%dma_start3A_2725, %dma_start3A_2726] : memref<256x16xf32, #tpu.memory_space<vmem>> -> memref<8x16xf32, #tpu.memory_space<vmem>>
        %dma_start3A_2728 = arith.constant 0 : i32
        %dma_start3A_2729 = tpu.memref_slice %arg4[%multiple_of3A_2723, %dma_start3A_2728] : memref<1000000x16xf32, #tpu.memory_space<hbm>> -> memref<8x16xf32, #tpu.memory_space<hbm>>
        %dma_start3A_2730 = arith.constant 96 : i32
        %dma_start3A_2731 = arith.constant 0 : i32
        %dma_start3A_2732 = tpu.memref_slice %arg11[%dma_start3A_2730, %dma_start3A_2731] : memref<256x16xf32, #tpu.memory_space<vmem>> -> memref<8x16xf32, #tpu.memory_space<vmem>>
        %dma_start3A_2733 = arith.constant 0 : i32
        %dma_start3A_2734 = tpu.memref_slice %arg4[%multiple_of3A_2723, %dma_start3A_2733] : memref<1000000x16xf32, #tpu.memory_space<hbm>> -> memref<8x16xf32, #tpu.memory_space<hbm>>
        tpu.enqueue_dma source(%dma_start3A_2734 : memref<8x16xf32, #tpu.memory_space<hbm>>) target(%dma_start3A_2732 : memref<8x16xf32, #tpu.memory_space<vmem>>) target_semaphore(%arg14 : memref<!tpu.dma_semaphore, #tpu.memory_space<semaphore_mem>>)
        %dma_start3A_2735 = arith.constant 96 : i32
        %dma_start3A_2736 = arith.constant 0 : i32
        %dma_start3A_2737 = tpu.memref_slice %arg12[%dma_start3A_2735, %dma_start3A_2736] : memref<256x16xf32, #tpu.memory_space<vmem>> -> memref<8x16xf32, #tpu.memory_space<vmem>>
        %dma_start3A_2738 = arith.constant 0 : i32
        %dma_start3A_2739 = tpu.memref_slice %arg5[%multiple_of3A_2724, %dma_start3A_2738] : memref<1000000x16xf32, #tpu.memory_space<hbm>> -> memref<8x16xf32, #tpu.memory_space<hbm>>
        %dma_start3A_2740 = arith.constant 96 : i32
        %dma_start3A_2741 = arith.constant 0 : i32
        %dma_start3A_2742 = tpu.memref_slice %arg12[%dma_start3A_2740, %dma_start3A_2741] : memref<256x16xf32, #tpu.memory_space<vmem>> -> memref<8x16xf32, #tpu.memory_space<vmem>>
        %dma_start3A_2743 = arith.constant 0 : i32
        %dma_start3A_2744 = tpu.memref_slice %arg5[%multiple_of3A_2724, %dma_start3A_2743] : memref<1000000x16xf32, #tpu.memory_space<hbm>> -> memref<8x16xf32, #tpu.memory_space<hbm>>
        tpu.enqueue_dma source(%dma_start3A_2744 : memref<8x16xf32, #tpu.memory_space<hbm>>) target(%dma_start3A_2742 : memref<8x16xf32, #tpu.memory_space<vmem>>) target_semaphore(%arg16 : memref<!tpu.dma_semaphore, #tpu.memory_space<semaphore_mem>>)
        %slice3A_2745 = vector.extract_strided_slice %get3A_2402 {offsets = [13], sizes = [1], strides = [1]} : vector<16xi32> to vector<1xi32>
        %squeeze3A_2746 = vector.extract %slice3A_2745[0] : i32 from vector<1xi32>
        %slice3A_2747 = vector.extract_strided_slice %get3A_2406 {offsets = [13], sizes = [1], strides = [1]} : vector<16xi32> to vector<1xi32>
        %squeeze3A_2748 = vector.extract %slice3A_2747[0] : i32 from vector<1xi32>
        %multiple_of3A_2749 = tpu.assume_multiple %squeeze3A_2746, 8 : i32
        %multiple_of3A_2750 = tpu.assume_multiple %squeeze3A_2748, 8 : i32
        %dma_start3A_2751 = arith.constant 104 : i32
        %dma_start3A_2752 = arith.constant 0 : i32
        %dma_start3A_2753 = tpu.memref_slice %arg11[%dma_start3A_2751, %dma_start3A_2752] : memref<256x16xf32, #tpu.memory_space<vmem>> -> memref<8x16xf32, #tpu.memory_space<vmem>>
        %dma_start3A_2754 = arith.constant 0 : i32
        %dma_start3A_2755 = tpu.memref_slice %arg4[%multiple_of3A_2749, %dma_start3A_2754] : memref<1000000x16xf32, #tpu.memory_space<hbm>> -> memref<8x16xf32, #tpu.memory_space<hbm>>
        %dma_start3A_2756 = arith.constant 104 : i32
        %dma_start3A_2757 = arith.constant 0 : i32
        %dma_start3A_2758 = tpu.memref_slice %arg11[%dma_start3A_2756, %dma_start3A_2757] : memref<256x16xf32, #tpu.memory_space<vmem>> -> memref<8x16xf32, #tpu.memory_space<vmem>>
        %dma_start3A_2759 = arith.constant 0 : i32
        %dma_start3A_2760 = tpu.memref_slice %arg4[%multiple_of3A_2749, %dma_start3A_2759] : memref<1000000x16xf32, #tpu.memory_space<hbm>> -> memref<8x16xf32, #tpu.memory_space<hbm>>
        tpu.enqueue_dma source(%dma_start3A_2760 : memref<8x16xf32, #tpu.memory_space<hbm>>) target(%dma_start3A_2758 : memref<8x16xf32, #tpu.memory_space<vmem>>) target_semaphore(%arg14 : memref<!tpu.dma_semaphore, #tpu.memory_space<semaphore_mem>>)
        %dma_start3A_2761 = arith.constant 104 : i32
        %dma_start3A_2762 = arith.constant 0 : i32
        %dma_start3A_2763 = tpu.memref_slice %arg12[%dma_start3A_2761, %dma_start3A_2762] : memref<256x16xf32, #tpu.memory_space<vmem>> -> memref<8x16xf32, #tpu.memory_space<vmem>>
        %dma_start3A_2764 = arith.constant 0 : i32
        %dma_start3A_2765 = tpu.memref_slice %arg5[%multiple_of3A_2750, %dma_start3A_2764] : memref<1000000x16xf32, #tpu.memory_space<hbm>> -> memref<8x16xf32, #tpu.memory_space<hbm>>
        %dma_start3A_2766 = arith.constant 104 : i32
        %dma_start3A_2767 = arith.constant 0 : i32
        %dma_start3A_2768 = tpu.memref_slice %arg12[%dma_start3A_2766, %dma_start3A_2767] : memref<256x16xf32, #tpu.memory_space<vmem>> -> memref<8x16xf32, #tpu.memory_space<vmem>>
        %dma_start3A_2769 = arith.constant 0 : i32
        %dma_start3A_2770 = tpu.memref_slice %arg5[%multiple_of3A_2750, %dma_start3A_2769] : memref<1000000x16xf32, #tpu.memory_space<hbm>> -> memref<8x16xf32, #tpu.memory_space<hbm>>
        tpu.enqueue_dma source(%dma_start3A_2770 : memref<8x16xf32, #tpu.memory_space<hbm>>) target(%dma_start3A_2768 : memref<8x16xf32, #tpu.memory_space<vmem>>) target_semaphore(%arg16 : memref<!tpu.dma_semaphore, #tpu.memory_space<semaphore_mem>>)
        %slice3A_2771 = vector.extract_strided_slice %get3A_2402 {offsets = [14], sizes = [1], strides = [1]} : vector<16xi32> to vector<1xi32>
        %squeeze3A_2772 = vector.extract %slice3A_2771[0] : i32 from vector<1xi32>
        %slice3A_2773 = vector.extract_strided_slice %get3A_2406 {offsets = [14], sizes = [1], strides = [1]} : vector<16xi32> to vector<1xi32>
        %squeeze3A_2774 = vector.extract %slice3A_2773[0] : i32 from vector<1xi32>
        %multiple_of3A_2775 = tpu.assume_multiple %squeeze3A_2772, 8 : i32
        %multiple_of3A_2776 = tpu.assume_multiple %squeeze3A_2774, 8 : i32
        %dma_start3A_2777 = arith.constant 112 : i32
        %dma_start3A_2778 = arith.constant 0 : i32
        %dma_start3A_2779 = tpu.memref_slice %arg11[%dma_start3A_2777, %dma_start3A_2778] : memref<256x16xf32, #tpu.memory_space<vmem>> -> memref<8x16xf32, #tpu.memory_space<vmem>>
        %dma_start3A_2780 = arith.constant 0 : i32
        %dma_start3A_2781 = tpu.memref_slice %arg4[%multiple_of3A_2775, %dma_start3A_2780] : memref<1000000x16xf32, #tpu.memory_space<hbm>> -> memref<8x16xf32, #tpu.memory_space<hbm>>
        %dma_start3A_2782 = arith.constant 112 : i32
        %dma_start3A_2783 = arith.constant 0 : i32
        %dma_start3A_2784 = tpu.memref_slice %arg11[%dma_start3A_2782, %dma_start3A_2783] : memref<256x16xf32, #tpu.memory_space<vmem>> -> memref<8x16xf32, #tpu.memory_space<vmem>>
        %dma_start3A_2785 = arith.constant 0 : i32
        %dma_start3A_2786 = tpu.memref_slice %arg4[%multiple_of3A_2775, %dma_start3A_2785] : memref<1000000x16xf32, #tpu.memory_space<hbm>> -> memref<8x16xf32, #tpu.memory_space<hbm>>
        tpu.enqueue_dma source(%dma_start3A_2786 : memref<8x16xf32, #tpu.memory_space<hbm>>) target(%dma_start3A_2784 : memref<8x16xf32, #tpu.memory_space<vmem>>) target_semaphore(%arg14 : memref<!tpu.dma_semaphore, #tpu.memory_space<semaphore_mem>>)
        %dma_start3A_2787 = arith.constant 112 : i32
        %dma_start3A_2788 = arith.constant 0 : i32
        %dma_start3A_2789 = tpu.memref_slice %arg12[%dma_start3A_2787, %dma_start3A_2788] : memref<256x16xf32, #tpu.memory_space<vmem>> -> memref<8x16xf32, #tpu.memory_space<vmem>>
        %dma_start3A_2790 = arith.constant 0 : i32
        %dma_start3A_2791 = tpu.memref_slice %arg5[%multiple_of3A_2776, %dma_start3A_2790] : memref<1000000x16xf32, #tpu.memory_space<hbm>> -> memref<8x16xf32, #tpu.memory_space<hbm>>
        %dma_start3A_2792 = arith.constant 112 : i32
        %dma_start3A_2793 = arith.constant 0 : i32
        %dma_start3A_2794 = tpu.memref_slice %arg12[%dma_start3A_2792, %dma_start3A_2793] : memref<256x16xf32, #tpu.memory_space<vmem>> -> memref<8x16xf32, #tpu.memory_space<vmem>>
        %dma_start3A_2795 = arith.constant 0 : i32
        %dma_start3A_2796 = tpu.memref_slice %arg5[%multiple_of3A_2776, %dma_start3A_2795] : memref<1000000x16xf32, #tpu.memory_space<hbm>> -> memref<8x16xf32, #tpu.memory_space<hbm>>
        tpu.enqueue_dma source(%dma_start3A_2796 : memref<8x16xf32, #tpu.memory_space<hbm>>) target(%dma_start3A_2794 : memref<8x16xf32, #tpu.memory_space<vmem>>) target_semaphore(%arg16 : memref<!tpu.dma_semaphore, #tpu.memory_space<semaphore_mem>>)
        %slice3A_2797 = vector.extract_strided_slice %get3A_2402 {offsets = [15], sizes = [1], strides = [1]} : vector<16xi32> to vector<1xi32>
        %squeeze3A_2798 = vector.extract %slice3A_2797[0] : i32 from vector<1xi32>
        %slice3A_2799 = vector.extract_strided_slice %get3A_2406 {offsets = [15], sizes = [1], strides = [1]} : vector<16xi32> to vector<1xi32>
        %squeeze3A_2800 = vector.extract %slice3A_2799[0] : i32 from vector<1xi32>
        %multiple_of3A_2801 = tpu.assume_multiple %squeeze3A_2798, 8 : i32
        %multiple_of3A_2802 = tpu.assume_multiple %squeeze3A_2800, 8 : i32
        %dma_start3A_2803 = arith.constant 120 : i32
        %dma_start3A_2804 = arith.constant 0 : i32
        %dma_start3A_2805 = tpu.memref_slice %arg11[%dma_start3A_2803, %dma_start3A_2804] : memref<256x16xf32, #tpu.memory_space<vmem>> -> memref<8x16xf32, #tpu.memory_space<vmem>>
        %dma_start3A_2806 = arith.constant 0 : i32
        %dma_start3A_2807 = tpu.memref_slice %arg4[%multiple_of3A_2801, %dma_start3A_2806] : memref<1000000x16xf32, #tpu.memory_space<hbm>> -> memref<8x16xf32, #tpu.memory_space<hbm>>
        %dma_start3A_2808 = arith.constant 120 : i32
        %dma_start3A_2809 = arith.constant 0 : i32
        %dma_start3A_2810 = tpu.memref_slice %arg11[%dma_start3A_2808, %dma_start3A_2809] : memref<256x16xf32, #tpu.memory_space<vmem>> -> memref<8x16xf32, #tpu.memory_space<vmem>>
        %dma_start3A_2811 = arith.constant 0 : i32
        %dma_start3A_2812 = tpu.memref_slice %arg4[%multiple_of3A_2801, %dma_start3A_2811] : memref<1000000x16xf32, #tpu.memory_space<hbm>> -> memref<8x16xf32, #tpu.memory_space<hbm>>
        tpu.enqueue_dma source(%dma_start3A_2812 : memref<8x16xf32, #tpu.memory_space<hbm>>) target(%dma_start3A_2810 : memref<8x16xf32, #tpu.memory_space<vmem>>) target_semaphore(%arg14 : memref<!tpu.dma_semaphore, #tpu.memory_space<semaphore_mem>>)
        %dma_start3A_2813 = arith.constant 120 : i32
        %dma_start3A_2814 = arith.constant 0 : i32
        %dma_start3A_2815 = tpu.memref_slice %arg12[%dma_start3A_2813, %dma_start3A_2814] : memref<256x16xf32, #tpu.memory_space<vmem>> -> memref<8x16xf32, #tpu.memory_space<vmem>>
        %dma_start3A_2816 = arith.constant 0 : i32
        %dma_start3A_2817 = tpu.memref_slice %arg5[%multiple_of3A_2802, %dma_start3A_2816] : memref<1000000x16xf32, #tpu.memory_space<hbm>> -> memref<8x16xf32, #tpu.memory_space<hbm>>
        %dma_start3A_2818 = arith.constant 120 : i32
        %dma_start3A_2819 = arith.constant 0 : i32
        %dma_start3A_2820 = tpu.memref_slice %arg12[%dma_start3A_2818, %dma_start3A_2819] : memref<256x16xf32, #tpu.memory_space<vmem>> -> memref<8x16xf32, #tpu.memory_space<vmem>>
        %dma_start3A_2821 = arith.constant 0 : i32
        %dma_start3A_2822 = tpu.memref_slice %arg5[%multiple_of3A_2802, %dma_start3A_2821] : memref<1000000x16xf32, #tpu.memory_space<hbm>> -> memref<8x16xf32, #tpu.memory_space<hbm>>
        tpu.enqueue_dma source(%dma_start3A_2822 : memref<8x16xf32, #tpu.memory_space<hbm>>) target(%dma_start3A_2820 : memref<8x16xf32, #tpu.memory_space<vmem>>) target_semaphore(%arg16 : memref<!tpu.dma_semaphore, #tpu.memory_space<semaphore_mem>>)
      } else {
      }
      %add3A_2125 = arith.constant 1 : i32
      %add3A_2126 = arith.addi %mul3A_1861, %add3A_2125 : i32
      %dma_wait3A_2127 = arith.constant 128 : i32
      %dma_wait3A_2128 = arith.constant 0 : i32
      %dma_wait3A_2129 = tpu.memref_slice %arg11[%dma_wait3A_2127, %dma_wait3A_2128] : memref<256x16xf32, #tpu.memory_space<vmem>> -> memref<128x16xf32, #tpu.memory_space<vmem>>
      %dma_wait3A_2130 = arith.constant 0 : i32
      %dma_wait3A_2131 = arith.constant 0 : i32
      %dma_wait3A_2132 = tpu.memref_slice %arg4[%dma_wait3A_2130, %dma_wait3A_2131] : memref<1000000x16xf32, #tpu.memory_space<hbm>> -> memref<128x16xf32, #tpu.memory_space<hbm>>
      %dma_wait3A_2133 = arith.constant 128 : i32
      %dma_wait3A_2134 = arith.constant 0 : i32
      %dma_wait3A_2135 = tpu.memref_slice %arg11[%dma_wait3A_2133, %dma_wait3A_2134] : memref<256x16xf32, #tpu.memory_space<vmem>> -> memref<128x16xf32, #tpu.memory_space<vmem>>
      %dma_wait3A_2136 = arith.constant 0 : i32
      %dma_wait3A_2137 = arith.constant 0 : i32
      %dma_wait3A_2138 = tpu.memref_slice %arg4[%dma_wait3A_2136, %dma_wait3A_2137] : memref<1000000x16xf32, #tpu.memory_space<hbm>> -> memref<128x16xf32, #tpu.memory_space<hbm>>
      tpu.wait_dma2 semaphore(%arg15 : memref<!tpu.dma_semaphore, #tpu.memory_space<semaphore_mem>>) src(%dma_wait3A_2138 : memref<128x16xf32, #tpu.memory_space<hbm>>) dst(%dma_wait3A_2135 : memref<128x16xf32, #tpu.memory_space<vmem>>)
      %dma_wait3A_2139 = arith.constant 128 : i32
      %dma_wait3A_2140 = arith.constant 0 : i32
      %dma_wait3A_2141 = tpu.memref_slice %arg12[%dma_wait3A_2139, %dma_wait3A_2140] : memref<256x16xf32, #tpu.memory_space<vmem>> -> memref<128x16xf32, #tpu.memory_space<vmem>>
      %dma_wait3A_2142 = arith.constant 0 : i32
      %dma_wait3A_2143 = arith.constant 0 : i32
      %dma_wait3A_2144 = tpu.memref_slice %arg5[%dma_wait3A_2142, %dma_wait3A_2143] : memref<1000000x16xf32, #tpu.memory_space<hbm>> -> memref<128x16xf32, #tpu.memory_space<hbm>>
      %dma_wait3A_2145 = arith.constant 128 : i32
      %dma_wait3A_2146 = arith.constant 0 : i32
      %dma_wait3A_2147 = tpu.memref_slice %arg12[%dma_wait3A_2145, %dma_wait3A_2146] : memref<256x16xf32, #tpu.memory_space<vmem>> -> memref<128x16xf32, #tpu.memory_space<vmem>>
      %dma_wait3A_2148 = arith.constant 0 : i32
      %dma_wait3A_2149 = arith.constant 0 : i32
      %dma_wait3A_2150 = tpu.memref_slice %arg5[%dma_wait3A_2148, %dma_wait3A_2149] : memref<1000000x16xf32, #tpu.memory_space<hbm>> -> memref<128x16xf32, #tpu.memory_space<hbm>>
      tpu.wait_dma2 semaphore(%arg17 : memref<!tpu.dma_semaphore, #tpu.memory_space<semaphore_mem>>) src(%dma_wait3A_2150 : memref<128x16xf32, #tpu.memory_space<hbm>>) dst(%dma_wait3A_2147 : memref<128x16xf32, #tpu.memory_space<vmem>>)
      %mul3A_2151 = arith.constant 16 : i32
      %mul3A_2152 = arith.muli %add3A_2126, %mul3A_2151 : i32
      %get3A_2153 = arith.index_cast %mul3A_2152 : i32 to index
      %get3A_2154 = tpu.vector_load %arg7[%get3A_2153] {strides = array<i32>} : memref<512xi32, #tpu.memory_space<vmem>>, vector<16xi32>,
      %get3A_2155 = arith.index_cast %mul3A_2152 : i32 to index
      %get3A_2156 = tpu.vector_load %arg8[%get3A_2155] {strides = array<i32>} : memref<512xi32, #tpu.memory_space<vmem>>, vector<16xi32>,
      %mul3A_2157 = arith.constant 8 : i32
      %mul3A_2158 = vector.broadcast %mul3A_2157 : i32 to vector<16xi32>
      %mul3A_2159 = arith.muli %iota3A, %mul3A_2158 : vector<16xi32>
      %add3A_2160 = arith.constant 128 : i32
      %add3A_2161 = vector.broadcast %add3A_2160 : i32 to vector<16xi32>
      %add3A_2162 = arith.addi %add3A_2161, %mul3A_2159 : vector<16xi32>
      %add3A_2163 = arith.addi %add3A_2162, %get3A_2154 : vector<16xi32>
      %mul3A_2164 = arith.constant 8 : i32
      %mul3A_2165 = vector.broadcast %mul3A_2164 : i32 to vector<16xi32>
      %mul3A_2166 = arith.muli %iota3A, %mul3A_2165 : vector<16xi32>
      %add3A_2167 = arith.constant 128 : i32
      %add3A_2168 = vector.broadcast %add3A_2167 : i32 to vector<16xi32>
      %add3A_2169 = arith.addi %add3A_2168, %mul3A_2166 : vector<16xi32>
      %add3A_2170 = arith.addi %add3A_2169, %get3A_2156 : vector<16xi32>
      %broadcast_in_dim3A_2171 = arith.constant 0.000000e+00 : f32
      %broadcast_in_dim3A_2172 = vector.broadcast %broadcast_in_dim3A_2171 : f32 to vector<16xf32>
      %broadcast_in_dim3A_2173 = arith.constant 0.000000e+00 : f32
      %broadcast_in_dim3A_2174 = vector.broadcast %broadcast_in_dim3A_2173 : f32 to vector<16xf32>
      %broadcast_in_dim3A_2175 = arith.constant 0.000000e+00 : f32
      %broadcast_in_dim3A_2176 = vector.broadcast %broadcast_in_dim3A_2175 : f32 to vector<16xf32>
      %broadcast_in_dim3A_2177 = arith.constant 0 : i32
      %broadcast_in_dim3A_2178 = vector.broadcast %broadcast_in_dim3A_2177 : i32 to vector<16xi32>
      %gather3A_2179 = tpu.vector_load_idx %arg11[%add3A_2163, %broadcast_in_dim3A_2178] : memref<256x16xf32, #tpu.memory_space<vmem>>[vector<16xi32>, vector<16xi32>], vector<16xf32>,
      %gather3A_2180 = tpu.vector_load_idx %arg12[%add3A_2170, %broadcast_in_dim3A_2178] : memref<256x16xf32, #tpu.memory_space<vmem>>[vector<16xi32>, vector<16xi32>], vector<16xf32>,
      %mul3A_2181 = arith.mulf %gather3A_2179, %gather3A_2180 : vector<16xf32>
      %add3A_2182 = arith.addf %broadcast_in_dim3A_2172, %mul3A_2181 : vector<16xf32>
      %mul3A_2183 = arith.mulf %gather3A_2179, %gather3A_2179 : vector<16xf32>
      %add3A_2184 = arith.addf %broadcast_in_dim3A_2174, %mul3A_2183 : vector<16xf32>
      %mul3A_2185 = arith.mulf %gather3A_2180, %gather3A_2180 : vector<16xf32>
      %add3A_2186 = arith.addf %broadcast_in_dim3A_2176, %mul3A_2185 : vector<16xf32>
      %broadcast_in_dim3A_2187 = arith.constant 1 : i32
      %broadcast_in_dim3A_2188 = vector.broadcast %broadcast_in_dim3A_2187 : i32 to vector<16xi32>
      %gather3A_2189 = tpu.vector_load_idx %arg11[%add3A_2163, %broadcast_in_dim3A_2188] : memref<256x16xf32, #tpu.memory_space<vmem>>[vector<16xi32>, vector<16xi32>], vector<16xf32>,
      %gather3A_2190 = tpu.vector_load_idx %arg12[%add3A_2170, %broadcast_in_dim3A_2188] : memref<256x16xf32, #tpu.memory_space<vmem>>[vector<16xi32>, vector<16xi32>], vector<16xf32>,
      %mul3A_2191 = arith.mulf %gather3A_2189, %gather3A_2190 : vector<16xf32>
      %add3A_2192 = arith.addf %add3A_2182, %mul3A_2191 : vector<16xf32>
      %mul3A_2193 = arith.mulf %gather3A_2189, %gather3A_2189 : vector<16xf32>
      %add3A_2194 = arith.addf %add3A_2184, %mul3A_2193 : vector<16xf32>
      %mul3A_2195 = arith.mulf %gather3A_2190, %gather3A_2190 : vector<16xf32>
      %add3A_2196 = arith.addf %add3A_2186, %mul3A_2195 : vector<16xf32>
      %broadcast_in_dim3A_2197 = arith.constant 2 : i32
      %broadcast_in_dim3A_2198 = vector.broadcast %broadcast_in_dim3A_2197 : i32 to vector<16xi32>
      %gather3A_2199 = tpu.vector_load_idx %arg11[%add3A_2163, %broadcast_in_dim3A_2198] : memref<256x16xf32, #tpu.memory_space<vmem>>[vector<16xi32>, vector<16xi32>], vector<16xf32>,
      %gather3A_2200 = tpu.vector_load_idx %arg12[%add3A_2170, %broadcast_in_dim3A_2198] : memref<256x16xf32, #tpu.memory_space<vmem>>[vector<16xi32>, vector<16xi32>], vector<16xf32>,
      %mul3A_2201 = arith.mulf %gather3A_2199, %gather3A_2200 : vector<16xf32>
      %add3A_2202 = arith.addf %add3A_2192, %mul3A_2201 : vector<16xf32>
      %mul3A_2203 = arith.mulf %gather3A_2199, %gather3A_2199 : vector<16xf32>
      %add3A_2204 = arith.addf %add3A_2194, %mul3A_2203 : vector<16xf32>
      %mul3A_2205 = arith.mulf %gather3A_2200, %gather3A_2200 : vector<16xf32>
      %add3A_2206 = arith.addf %add3A_2196, %mul3A_2205 : vector<16xf32>
      %broadcast_in_dim3A_2207 = arith.constant 3 : i32
      %broadcast_in_dim3A_2208 = vector.broadcast %broadcast_in_dim3A_2207 : i32 to vector<16xi32>
      %gather3A_2209 = tpu.vector_load_idx %arg11[%add3A_2163, %broadcast_in_dim3A_2208] : memref<256x16xf32, #tpu.memory_space<vmem>>[vector<16xi32>, vector<16xi32>], vector<16xf32>,
      %gather3A_2210 = tpu.vector_load_idx %arg12[%add3A_2170, %broadcast_in_dim3A_2208] : memref<256x16xf32, #tpu.memory_space<vmem>>[vector<16xi32>, vector<16xi32>], vector<16xf32>,
      %mul3A_2211 = arith.mulf %gather3A_2209, %gather3A_2210 : vector<16xf32>
      %add3A_2212 = arith.addf %add3A_2202, %mul3A_2211 : vector<16xf32>
      %mul3A_2213 = arith.mulf %gather3A_2209, %gather3A_2209 : vector<16xf32>
      %add3A_2214 = arith.addf %add3A_2204, %mul3A_2213 : vector<16xf32>
      %mul3A_2215 = arith.mulf %gather3A_2210, %gather3A_2210 : vector<16xf32>
      %add3A_2216 = arith.addf %add3A_2206, %mul3A_2215 : vector<16xf32>
      %broadcast_in_dim3A_2217 = arith.constant 4 : i32
      %broadcast_in_dim3A_2218 = vector.broadcast %broadcast_in_dim3A_2217 : i32 to vector<16xi32>
      %gather3A_2219 = tpu.vector_load_idx %arg11[%add3A_2163, %broadcast_in_dim3A_2218] : memref<256x16xf32, #tpu.memory_space<vmem>>[vector<16xi32>, vector<16xi32>], vector<16xf32>,
      %gather3A_2220 = tpu.vector_load_idx %arg12[%add3A_2170, %broadcast_in_dim3A_2218] : memref<256x16xf32, #tpu.memory_space<vmem>>[vector<16xi32>, vector<16xi32>], vector<16xf32>,
      %mul3A_2221 = arith.mulf %gather3A_2219, %gather3A_2220 : vector<16xf32>
      %add3A_2222 = arith.addf %add3A_2212, %mul3A_2221 : vector<16xf32>
      %mul3A_2223 = arith.mulf %gather3A_2219, %gather3A_2219 : vector<16xf32>
      %add3A_2224 = arith.addf %add3A_2214, %mul3A_2223 : vector<16xf32>
      %mul3A_2225 = arith.mulf %gather3A_2220, %gather3A_2220 : vector<16xf32>
      %add3A_2226 = arith.addf %add3A_2216, %mul3A_2225 : vector<16xf32>
      %broadcast_in_dim3A_2227 = arith.constant 5 : i32
      %broadcast_in_dim3A_2228 = vector.broadcast %broadcast_in_dim3A_2227 : i32 to vector<16xi32>
      %gather3A_2229 = tpu.vector_load_idx %arg11[%add3A_2163, %broadcast_in_dim3A_2228] : memref<256x16xf32, #tpu.memory_space<vmem>>[vector<16xi32>, vector<16xi32>], vector<16xf32>,
      %gather3A_2230 = tpu.vector_load_idx %arg12[%add3A_2170, %broadcast_in_dim3A_2228] : memref<256x16xf32, #tpu.memory_space<vmem>>[vector<16xi32>, vector<16xi32>], vector<16xf32>,
      %mul3A_2231 = arith.mulf %gather3A_2229, %gather3A_2230 : vector<16xf32>
      %add3A_2232 = arith.addf %add3A_2222, %mul3A_2231 : vector<16xf32>
      %mul3A_2233 = arith.mulf %gather3A_2229, %gather3A_2229 : vector<16xf32>
      %add3A_2234 = arith.addf %add3A_2224, %mul3A_2233 : vector<16xf32>
      %mul3A_2235 = arith.mulf %gather3A_2230, %gather3A_2230 : vector<16xf32>
      %add3A_2236 = arith.addf %add3A_2226, %mul3A_2235 : vector<16xf32>
      %broadcast_in_dim3A_2237 = arith.constant 6 : i32
      %broadcast_in_dim3A_2238 = vector.broadcast %broadcast_in_dim3A_2237 : i32 to vector<16xi32>
      %gather3A_2239 = tpu.vector_load_idx %arg11[%add3A_2163, %broadcast_in_dim3A_2238] : memref<256x16xf32, #tpu.memory_space<vmem>>[vector<16xi32>, vector<16xi32>], vector<16xf32>,
      %gather3A_2240 = tpu.vector_load_idx %arg12[%add3A_2170, %broadcast_in_dim3A_2238] : memref<256x16xf32, #tpu.memory_space<vmem>>[vector<16xi32>, vector<16xi32>], vector<16xf32>,
      %mul3A_2241 = arith.mulf %gather3A_2239, %gather3A_2240 : vector<16xf32>
      %add3A_2242 = arith.addf %add3A_2232, %mul3A_2241 : vector<16xf32>
      %mul3A_2243 = arith.mulf %gather3A_2239, %gather3A_2239 : vector<16xf32>
      %add3A_2244 = arith.addf %add3A_2234, %mul3A_2243 : vector<16xf32>
      %mul3A_2245 = arith.mulf %gather3A_2240, %gather3A_2240 : vector<16xf32>
      %add3A_2246 = arith.addf %add3A_2236, %mul3A_2245 : vector<16xf32>
      %broadcast_in_dim3A_2247 = arith.constant 7 : i32
      %broadcast_in_dim3A_2248 = vector.broadcast %broadcast_in_dim3A_2247 : i32 to vector<16xi32>
      %gather3A_2249 = tpu.vector_load_idx %arg11[%add3A_2163, %broadcast_in_dim3A_2248] : memref<256x16xf32, #tpu.memory_space<vmem>>[vector<16xi32>, vector<16xi32>], vector<16xf32>,
      %gather3A_2250 = tpu.vector_load_idx %arg12[%add3A_2170, %broadcast_in_dim3A_2248] : memref<256x16xf32, #tpu.memory_space<vmem>>[vector<16xi32>, vector<16xi32>], vector<16xf32>,
      %mul3A_2251 = arith.mulf %gather3A_2249, %gather3A_2250 : vector<16xf32>
      %add3A_2252 = arith.addf %add3A_2242, %mul3A_2251 : vector<16xf32>
      %mul3A_2253 = arith.mulf %gather3A_2249, %gather3A_2249 : vector<16xf32>
      %add3A_2254 = arith.addf %add3A_2244, %mul3A_2253 : vector<16xf32>
      %mul3A_2255 = arith.mulf %gather3A_2250, %gather3A_2250 : vector<16xf32>
      %add3A_2256 = arith.addf %add3A_2246, %mul3A_2255 : vector<16xf32>
      %broadcast_in_dim3A_2257 = arith.constant 8 : i32
      %broadcast_in_dim3A_2258 = vector.broadcast %broadcast_in_dim3A_2257 : i32 to vector<16xi32>
      %gather3A_2259 = tpu.vector_load_idx %arg11[%add3A_2163, %broadcast_in_dim3A_2258] : memref<256x16xf32, #tpu.memory_space<vmem>>[vector<16xi32>, vector<16xi32>], vector<16xf32>,
      %gather3A_2260 = tpu.vector_load_idx %arg12[%add3A_2170, %broadcast_in_dim3A_2258] : memref<256x16xf32, #tpu.memory_space<vmem>>[vector<16xi32>, vector<16xi32>], vector<16xf32>,
      %mul3A_2261 = arith.mulf %gather3A_2259, %gather3A_2260 : vector<16xf32>
      %add3A_2262 = arith.addf %add3A_2252, %mul3A_2261 : vector<16xf32>
      %mul3A_2263 = arith.mulf %gather3A_2259, %gather3A_2259 : vector<16xf32>
      %add3A_2264 = arith.addf %add3A_2254, %mul3A_2263 : vector<16xf32>
      %mul3A_2265 = arith.mulf %gather3A_2260, %gather3A_2260 : vector<16xf32>
      %add3A_2266 = arith.addf %add3A_2256, %mul3A_2265 : vector<16xf32>
      %broadcast_in_dim3A_2267 = arith.constant 9 : i32
      %broadcast_in_dim3A_2268 = vector.broadcast %broadcast_in_dim3A_2267 : i32 to vector<16xi32>
      %gather3A_2269 = tpu.vector_load_idx %arg11[%add3A_2163, %broadcast_in_dim3A_2268] : memref<256x16xf32, #tpu.memory_space<vmem>>[vector<16xi32>, vector<16xi32>], vector<16xf32>,
      %gather3A_2270 = tpu.vector_load_idx %arg12[%add3A_2170, %broadcast_in_dim3A_2268] : memref<256x16xf32, #tpu.memory_space<vmem>>[vector<16xi32>, vector<16xi32>], vector<16xf32>,
      %mul3A_2271 = arith.mulf %gather3A_2269, %gather3A_2270 : vector<16xf32>
      %add3A_2272 = arith.addf %add3A_2262, %mul3A_2271 : vector<16xf32>
      %mul3A_2273 = arith.mulf %gather3A_2269, %gather3A_2269 : vector<16xf32>
      %add3A_2274 = arith.addf %add3A_2264, %mul3A_2273 : vector<16xf32>
      %mul3A_2275 = arith.mulf %gather3A_2270, %gather3A_2270 : vector<16xf32>
      %add3A_2276 = arith.addf %add3A_2266, %mul3A_2275 : vector<16xf32>
      %broadcast_in_dim3A_2277 = arith.constant 10 : i32
      %broadcast_in_dim3A_2278 = vector.broadcast %broadcast_in_dim3A_2277 : i32 to vector<16xi32>
      %gather3A_2279 = tpu.vector_load_idx %arg11[%add3A_2163, %broadcast_in_dim3A_2278] : memref<256x16xf32, #tpu.memory_space<vmem>>[vector<16xi32>, vector<16xi32>], vector<16xf32>,
      %gather3A_2280 = tpu.vector_load_idx %arg12[%add3A_2170, %broadcast_in_dim3A_2278] : memref<256x16xf32, #tpu.memory_space<vmem>>[vector<16xi32>, vector<16xi32>], vector<16xf32>,
      %mul3A_2281 = arith.mulf %gather3A_2279, %gather3A_2280 : vector<16xf32>
      %add3A_2282 = arith.addf %add3A_2272, %mul3A_2281 : vector<16xf32>
      %mul3A_2283 = arith.mulf %gather3A_2279, %gather3A_2279 : vector<16xf32>
      %add3A_2284 = arith.addf %add3A_2274, %mul3A_2283 : vector<16xf32>
      %mul3A_2285 = arith.mulf %gather3A_2280, %gather3A_2280 : vector<16xf32>
      %add3A_2286 = arith.addf %add3A_2276, %mul3A_2285 : vector<16xf32>
      %broadcast_in_dim3A_2287 = arith.constant 11 : i32
      %broadcast_in_dim3A_2288 = vector.broadcast %broadcast_in_dim3A_2287 : i32 to vector<16xi32>
      %gather3A_2289 = tpu.vector_load_idx %arg11[%add3A_2163, %broadcast_in_dim3A_2288] : memref<256x16xf32, #tpu.memory_space<vmem>>[vector<16xi32>, vector<16xi32>], vector<16xf32>,
      %gather3A_2290 = tpu.vector_load_idx %arg12[%add3A_2170, %broadcast_in_dim3A_2288] : memref<256x16xf32, #tpu.memory_space<vmem>>[vector<16xi32>, vector<16xi32>], vector<16xf32>,
      %mul3A_2291 = arith.mulf %gather3A_2289, %gather3A_2290 : vector<16xf32>
      %add3A_2292 = arith.addf %add3A_2282, %mul3A_2291 : vector<16xf32>
      %mul3A_2293 = arith.mulf %gather3A_2289, %gather3A_2289 : vector<16xf32>
      %add3A_2294 = arith.addf %add3A_2284, %mul3A_2293 : vector<16xf32>
      %mul3A_2295 = arith.mulf %gather3A_2290, %gather3A_2290 : vector<16xf32>
      %add3A_2296 = arith.addf %add3A_2286, %mul3A_2295 : vector<16xf32>
      %broadcast_in_dim3A_2297 = arith.constant 12 : i32
      %broadcast_in_dim3A_2298 = vector.broadcast %broadcast_in_dim3A_2297 : i32 to vector<16xi32>
      %gather3A_2299 = tpu.vector_load_idx %arg11[%add3A_2163, %broadcast_in_dim3A_2298] : memref<256x16xf32, #tpu.memory_space<vmem>>[vector<16xi32>, vector<16xi32>], vector<16xf32>,
      %gather3A_2300 = tpu.vector_load_idx %arg12[%add3A_2170, %broadcast_in_dim3A_2298] : memref<256x16xf32, #tpu.memory_space<vmem>>[vector<16xi32>, vector<16xi32>], vector<16xf32>,
      %mul3A_2301 = arith.mulf %gather3A_2299, %gather3A_2300 : vector<16xf32>
      %add3A_2302 = arith.addf %add3A_2292, %mul3A_2301 : vector<16xf32>
      %mul3A_2303 = arith.mulf %gather3A_2299, %gather3A_2299 : vector<16xf32>
      %add3A_2304 = arith.addf %add3A_2294, %mul3A_2303 : vector<16xf32>
      %mul3A_2305 = arith.mulf %gather3A_2300, %gather3A_2300 : vector<16xf32>
      %add3A_2306 = arith.addf %add3A_2296, %mul3A_2305 : vector<16xf32>
      %broadcast_in_dim3A_2307 = arith.constant 13 : i32
      %broadcast_in_dim3A_2308 = vector.broadcast %broadcast_in_dim3A_2307 : i32 to vector<16xi32>
      %gather3A_2309 = tpu.vector_load_idx %arg11[%add3A_2163, %broadcast_in_dim3A_2308] : memref<256x16xf32, #tpu.memory_space<vmem>>[vector<16xi32>, vector<16xi32>], vector<16xf32>,
      %gather3A_2310 = tpu.vector_load_idx %arg12[%add3A_2170, %broadcast_in_dim3A_2308] : memref<256x16xf32, #tpu.memory_space<vmem>>[vector<16xi32>, vector<16xi32>], vector<16xf32>,
      %mul3A_2311 = arith.mulf %gather3A_2309, %gather3A_2310 : vector<16xf32>
      %add3A_2312 = arith.addf %add3A_2302, %mul3A_2311 : vector<16xf32>
      %mul3A_2313 = arith.mulf %gather3A_2309, %gather3A_2309 : vector<16xf32>
      %add3A_2314 = arith.addf %add3A_2304, %mul3A_2313 : vector<16xf32>
      %mul3A_2315 = arith.mulf %gather3A_2310, %gather3A_2310 : vector<16xf32>
      %add3A_2316 = arith.addf %add3A_2306, %mul3A_2315 : vector<16xf32>
      %broadcast_in_dim3A_2317 = arith.constant 14 : i32
      %broadcast_in_dim3A_2318 = vector.broadcast %broadcast_in_dim3A_2317 : i32 to vector<16xi32>
      %gather3A_2319 = tpu.vector_load_idx %arg11[%add3A_2163, %broadcast_in_dim3A_2318] : memref<256x16xf32, #tpu.memory_space<vmem>>[vector<16xi32>, vector<16xi32>], vector<16xf32>,
      %gather3A_2320 = tpu.vector_load_idx %arg12[%add3A_2170, %broadcast_in_dim3A_2318] : memref<256x16xf32, #tpu.memory_space<vmem>>[vector<16xi32>, vector<16xi32>], vector<16xf32>,
      %mul3A_2321 = arith.mulf %gather3A_2319, %gather3A_2320 : vector<16xf32>
      %add3A_2322 = arith.addf %add3A_2312, %mul3A_2321 : vector<16xf32>
      %mul3A_2323 = arith.mulf %gather3A_2319, %gather3A_2319 : vector<16xf32>
      %add3A_2324 = arith.addf %add3A_2314, %mul3A_2323 : vector<16xf32>
      %mul3A_2325 = arith.mulf %gather3A_2320, %gather3A_2320 : vector<16xf32>
      %add3A_2326 = arith.addf %add3A_2316, %mul3A_2325 : vector<16xf32>
      %broadcast_in_dim3A_2327 = arith.constant 15 : i32
      %broadcast_in_dim3A_2328 = vector.broadcast %broadcast_in_dim3A_2327 : i32 to vector<16xi32>
      %gather3A_2329 = tpu.vector_load_idx %arg11[%add3A_2163, %broadcast_in_dim3A_2328] : memref<256x16xf32, #tpu.memory_space<vmem>>[vector<16xi32>, vector<16xi32>], vector<16xf32>,
      %gather3A_2330 = tpu.vector_load_idx %arg12[%add3A_2170, %broadcast_in_dim3A_2328] : memref<256x16xf32, #tpu.memory_space<vmem>>[vector<16xi32>, vector<16xi32>], vector<16xf32>,
      %mul3A_2331 = arith.mulf %gather3A_2329, %gather3A_2330 : vector<16xf32>
      %add3A_2332 = arith.addf %add3A_2322, %mul3A_2331 : vector<16xf32>
      %mul3A_2333 = arith.mulf %gather3A_2329, %gather3A_2329 : vector<16xf32>
      %add3A_2334 = arith.addf %add3A_2324, %mul3A_2333 : vector<16xf32>
      %mul3A_2335 = arith.mulf %gather3A_2330, %gather3A_2330 : vector<16xf32>
      %add3A_2336 = arith.addf %add3A_2326, %mul3A_2335 : vector<16xf32>
      %max3A_2337 = arith.constant 1.000000e-16 : f32
      %max3A_2338 = vector.broadcast %max3A_2337 : f32 to vector<16xf32>
      %max3A_2339 = arith.maximumf %add3A_2334, %max3A_2338 : vector<16xf32>
      %max3A_2340 = arith.constant 1.000000e-16 : f32
      %max3A_2341 = vector.broadcast %max3A_2340 : f32 to vector<16xf32>
      %max3A_2342 = arith.maximumf %add3A_2336, %max3A_2341 : vector<16xf32>
      %mul3A_2343 = arith.mulf %max3A_2339, %max3A_2342 : vector<16xf32>
      %bitcast_convert_type3A_2344 = tpu.bitcast %mul3A_2343 : vector<16xf32> -> vector<16xi32>
      %shift_right_logical3A_2345 = arith.constant 1 : i32
      %shift_right_logical3A_2346 = vector.broadcast %shift_right_logical3A_2345 : i32 to vector<16xi32>
      %shift_right_logical3A_2347 = arith.shrui %bitcast_convert_type3A_2344, %shift_right_logical3A_2346 : vector<16xi32>
      %sub3A_2348 = arith.constant 1597463007 : i32
      %sub3A_2349 = vector.broadcast %sub3A_2348 : i32 to vector<16xi32>
      %sub3A_2350 = arith.subi %sub3A_2349, %shift_right_logical3A_2347 : vector<16xi32>
      %bitcast_convert_type3A_2351 = tpu.bitcast %sub3A_2350 : vector<16xi32> -> vector<16xf32>
      %mul3A_2352 = arith.constant 5.000000e-01 : f32
      %mul3A_2353 = vector.broadcast %mul3A_2352 : f32 to vector<16xf32>
      %mul3A_2354 = arith.mulf %mul3A_2353, %mul3A_2343 : vector<16xf32>
      %mul3A_2355 = arith.mulf %mul3A_2354, %bitcast_convert_type3A_2351 : vector<16xf32>
      %mul3A_2356 = arith.mulf %mul3A_2355, %bitcast_convert_type3A_2351 : vector<16xf32>
      %sub3A_2357 = arith.constant 1.500000e+00 : f32
      %sub3A_2358 = vector.broadcast %sub3A_2357 : f32 to vector<16xf32>
      %sub3A_2359 = arith.subf %sub3A_2358, %mul3A_2356 : vector<16xf32>
      %mul3A_2360 = arith.mulf %bitcast_convert_type3A_2351, %sub3A_2359 : vector<16xf32>
      %mul3A_2361 = arith.constant 5.000000e-01 : f32
      %mul3A_2362 = vector.broadcast %mul3A_2361 : f32 to vector<16xf32>
      %mul3A_2363 = arith.mulf %mul3A_2362, %mul3A_2343 : vector<16xf32>
      %mul3A_2364 = arith.mulf %mul3A_2363, %mul3A_2360 : vector<16xf32>
      %mul3A_2365 = arith.mulf %mul3A_2364, %mul3A_2360 : vector<16xf32>
      %sub3A_2366 = arith.constant 1.500000e+00 : f32
      %sub3A_2367 = vector.broadcast %sub3A_2366 : f32 to vector<16xf32>
      %sub3A_2368 = arith.subf %sub3A_2367, %mul3A_2365 : vector<16xf32>
      %mul3A_2369 = arith.mulf %mul3A_2360, %sub3A_2368 : vector<16xf32>
      %mul3A_2370 = arith.constant 5.000000e-01 : f32
      %mul3A_2371 = vector.broadcast %mul3A_2370 : f32 to vector<16xf32>
      %mul3A_2372 = arith.mulf %mul3A_2371, %mul3A_2343 : vector<16xf32>
      %mul3A_2373 = arith.mulf %mul3A_2372, %mul3A_2369 : vector<16xf32>
      %mul3A_2374 = arith.mulf %mul3A_2373, %mul3A_2369 : vector<16xf32>
      %sub3A_2375 = arith.constant 1.500000e+00 : f32
      %sub3A_2376 = vector.broadcast %sub3A_2375 : f32 to vector<16xf32>
      %sub3A_2377 = arith.subf %sub3A_2376, %mul3A_2374 : vector<16xf32>
      %mul3A_2378 = arith.mulf %mul3A_2369, %sub3A_2377 : vector<16xf32>
      %mul3A_2379 = arith.mulf %add3A_2332, %mul3A_2378 : vector<16xf32>
      %mul3A_2380 = arith.constant 2.500000e+00 : f32
      %mul3A_2381 = vector.broadcast %mul3A_2380 : f32 to vector<16xf32>
      %mul3A_2382 = arith.mulf %mul3A_2379, %mul3A_2381 : vector<16xf32>
      %add3A_2383 = arith.constant 2.750000e+00 : f32
      %add3A_2384 = vector.broadcast %add3A_2383 : f32 to vector<16xf32>
      %add3A_2385 = arith.addf %mul3A_2382, %add3A_2384 : vector<16xf32>
      %mul3A_2386 = arith.constant 16 : i32
      %mul3A_2387 = arith.muli %add3A_2126, %mul3A_2386 : i32
      %swap3A_2388 = arith.index_cast %mul3A_2387 : i32 to index
      %swap3A_2389 = tpu.vector_load %arg13[%swap3A_2388] {strides = array<i32>} : memref<512xf32, #tpu.memory_space<vmem>>, vector<16xf32>,
      tpu.vector_store %arg13[%swap3A_2388], %add3A_2385 {strides = array<i32>} : memref<512xf32, #tpu.memory_space<vmem>>, vector<16xf32>,
      %add3A_2390 = arith.constant 2 : i32
      %add3A_2391 = arith.addi %add3A_2126, %add3A_2390 : i32
      %lt3A_2392 = arith.constant 32 : i32
      %lt3A_2393 = arith.cmpi slt, %add3A_2391, %lt3A_2392 : i32
      %convert_element_type3A_2394 = arith.extui %lt3A_2393 : i1 to i32
      %cond3A_2395 = arith.constant 0 : i32
      %cond3A_2396 = arith.cmpi ne, %convert_element_type3A_2394, %cond3A_2395 : i32
      scf.if %cond3A_2396 {
        %add3A_2397 = arith.constant 2 : i32
        %add3A_2398 = arith.addi %add3A_2126, %add3A_2397 : i32
        %mul3A_2399 = arith.constant 16 : i32
        %mul3A_2400 = arith.muli %add3A_2398, %mul3A_2399 : i32
        %get3A_2401 = arith.index_cast %mul3A_2400 : i32 to index
        %get3A_2402 = tpu.vector_load %arg9[%get3A_2401] {strides = array<i32>} : memref<512xi32, #tpu.memory_space<vmem>>, vector<16xi32>,
        %mul3A_2403 = arith.constant 16 : i32
        %mul3A_2404 = arith.muli %add3A_2398, %mul3A_2403 : i32
        %get3A_2405 = arith.index_cast %mul3A_2404 : i32 to index
        %get3A_2406 = tpu.vector_load %arg10[%get3A_2405] {strides = array<i32>} : memref<512xi32, #tpu.memory_space<vmem>>, vector<16xi32>,
        %slice3A_2407 = vector.extract_strided_slice %get3A_2402 {offsets = [0], sizes = [1], strides = [1]} : vector<16xi32> to vector<1xi32>
        %squeeze3A_2408 = vector.extract %slice3A_2407[0] : i32 from vector<1xi32>
        %slice3A_2409 = vector.extract_strided_slice %get3A_2406 {offsets = [0], sizes = [1], strides = [1]} : vector<16xi32> to vector<1xi32>
        %squeeze3A_2410 = vector.extract %slice3A_2409[0] : i32 from vector<1xi32>
        %multiple_of3A_2411 = tpu.assume_multiple %squeeze3A_2408, 8 : i32
        %multiple_of3A_2412 = tpu.assume_multiple %squeeze3A_2410, 8 : i32
        %dma_start3A_2413 = arith.constant 128 : i32
        %dma_start3A_2414 = arith.constant 0 : i32
        %dma_start3A_2415 = tpu.memref_slice %arg11[%dma_start3A_2413, %dma_start3A_2414] : memref<256x16xf32, #tpu.memory_space<vmem>> -> memref<8x16xf32, #tpu.memory_space<vmem>>
        %dma_start3A_2416 = arith.constant 0 : i32
        %dma_start3A_2417 = tpu.memref_slice %arg4[%multiple_of3A_2411, %dma_start3A_2416] : memref<1000000x16xf32, #tpu.memory_space<hbm>> -> memref<8x16xf32, #tpu.memory_space<hbm>>
        %dma_start3A_2418 = arith.constant 128 : i32
        %dma_start3A_2419 = arith.constant 0 : i32
        %dma_start3A_2420 = tpu.memref_slice %arg11[%dma_start3A_2418, %dma_start3A_2419] : memref<256x16xf32, #tpu.memory_space<vmem>> -> memref<8x16xf32, #tpu.memory_space<vmem>>
        %dma_start3A_2421 = arith.constant 0 : i32
        %dma_start3A_2422 = tpu.memref_slice %arg4[%multiple_of3A_2411, %dma_start3A_2421] : memref<1000000x16xf32, #tpu.memory_space<hbm>> -> memref<8x16xf32, #tpu.memory_space<hbm>>
        tpu.enqueue_dma source(%dma_start3A_2422 : memref<8x16xf32, #tpu.memory_space<hbm>>) target(%dma_start3A_2420 : memref<8x16xf32, #tpu.memory_space<vmem>>) target_semaphore(%arg15 : memref<!tpu.dma_semaphore, #tpu.memory_space<semaphore_mem>>)
        %dma_start3A_2423 = arith.constant 128 : i32
        %dma_start3A_2424 = arith.constant 0 : i32
        %dma_start3A_2425 = tpu.memref_slice %arg12[%dma_start3A_2423, %dma_start3A_2424] : memref<256x16xf32, #tpu.memory_space<vmem>> -> memref<8x16xf32, #tpu.memory_space<vmem>>
        %dma_start3A_2426 = arith.constant 0 : i32
        %dma_start3A_2427 = tpu.memref_slice %arg5[%multiple_of3A_2412, %dma_start3A_2426] : memref<1000000x16xf32, #tpu.memory_space<hbm>> -> memref<8x16xf32, #tpu.memory_space<hbm>>
        %dma_start3A_2428 = arith.constant 128 : i32
        %dma_start3A_2429 = arith.constant 0 : i32
        %dma_start3A_2430 = tpu.memref_slice %arg12[%dma_start3A_2428, %dma_start3A_2429] : memref<256x16xf32, #tpu.memory_space<vmem>> -> memref<8x16xf32, #tpu.memory_space<vmem>>
        %dma_start3A_2431 = arith.constant 0 : i32
        %dma_start3A_2432 = tpu.memref_slice %arg5[%multiple_of3A_2412, %dma_start3A_2431] : memref<1000000x16xf32, #tpu.memory_space<hbm>> -> memref<8x16xf32, #tpu.memory_space<hbm>>
        tpu.enqueue_dma source(%dma_start3A_2432 : memref<8x16xf32, #tpu.memory_space<hbm>>) target(%dma_start3A_2430 : memref<8x16xf32, #tpu.memory_space<vmem>>) target_semaphore(%arg17 : memref<!tpu.dma_semaphore, #tpu.memory_space<semaphore_mem>>)
        %slice3A_2433 = vector.extract_strided_slice %get3A_2402 {offsets = [1], sizes = [1], strides = [1]} : vector<16xi32> to vector<1xi32>
        %squeeze3A_2434 = vector.extract %slice3A_2433[0] : i32 from vector<1xi32>
        %slice3A_2435 = vector.extract_strided_slice %get3A_2406 {offsets = [1], sizes = [1], strides = [1]} : vector<16xi32> to vector<1xi32>
        %squeeze3A_2436 = vector.extract %slice3A_2435[0] : i32 from vector<1xi32>
        %multiple_of3A_2437 = tpu.assume_multiple %squeeze3A_2434, 8 : i32
        %multiple_of3A_2438 = tpu.assume_multiple %squeeze3A_2436, 8 : i32
        %dma_start3A_2439 = arith.constant 136 : i32
        %dma_start3A_2440 = arith.constant 0 : i32
        %dma_start3A_2441 = tpu.memref_slice %arg11[%dma_start3A_2439, %dma_start3A_2440] : memref<256x16xf32, #tpu.memory_space<vmem>> -> memref<8x16xf32, #tpu.memory_space<vmem>>
        %dma_start3A_2442 = arith.constant 0 : i32
        %dma_start3A_2443 = tpu.memref_slice %arg4[%multiple_of3A_2437, %dma_start3A_2442] : memref<1000000x16xf32, #tpu.memory_space<hbm>> -> memref<8x16xf32, #tpu.memory_space<hbm>>
        %dma_start3A_2444 = arith.constant 136 : i32
        %dma_start3A_2445 = arith.constant 0 : i32
        %dma_start3A_2446 = tpu.memref_slice %arg11[%dma_start3A_2444, %dma_start3A_2445] : memref<256x16xf32, #tpu.memory_space<vmem>> -> memref<8x16xf32, #tpu.memory_space<vmem>>
        %dma_start3A_2447 = arith.constant 0 : i32
        %dma_start3A_2448 = tpu.memref_slice %arg4[%multiple_of3A_2437, %dma_start3A_2447] : memref<1000000x16xf32, #tpu.memory_space<hbm>> -> memref<8x16xf32, #tpu.memory_space<hbm>>
        tpu.enqueue_dma source(%dma_start3A_2448 : memref<8x16xf32, #tpu.memory_space<hbm>>) target(%dma_start3A_2446 : memref<8x16xf32, #tpu.memory_space<vmem>>) target_semaphore(%arg15 : memref<!tpu.dma_semaphore, #tpu.memory_space<semaphore_mem>>)
        %dma_start3A_2449 = arith.constant 136 : i32
        %dma_start3A_2450 = arith.constant 0 : i32
        %dma_start3A_2451 = tpu.memref_slice %arg12[%dma_start3A_2449, %dma_start3A_2450] : memref<256x16xf32, #tpu.memory_space<vmem>> -> memref<8x16xf32, #tpu.memory_space<vmem>>
        %dma_start3A_2452 = arith.constant 0 : i32
        %dma_start3A_2453 = tpu.memref_slice %arg5[%multiple_of3A_2438, %dma_start3A_2452] : memref<1000000x16xf32, #tpu.memory_space<hbm>> -> memref<8x16xf32, #tpu.memory_space<hbm>>
        %dma_start3A_2454 = arith.constant 136 : i32
        %dma_start3A_2455 = arith.constant 0 : i32
        %dma_start3A_2456 = tpu.memref_slice %arg12[%dma_start3A_2454, %dma_start3A_2455] : memref<256x16xf32, #tpu.memory_space<vmem>> -> memref<8x16xf32, #tpu.memory_space<vmem>>
        %dma_start3A_2457 = arith.constant 0 : i32
        %dma_start3A_2458 = tpu.memref_slice %arg5[%multiple_of3A_2438, %dma_start3A_2457] : memref<1000000x16xf32, #tpu.memory_space<hbm>> -> memref<8x16xf32, #tpu.memory_space<hbm>>
        tpu.enqueue_dma source(%dma_start3A_2458 : memref<8x16xf32, #tpu.memory_space<hbm>>) target(%dma_start3A_2456 : memref<8x16xf32, #tpu.memory_space<vmem>>) target_semaphore(%arg17 : memref<!tpu.dma_semaphore, #tpu.memory_space<semaphore_mem>>)
        %slice3A_2459 = vector.extract_strided_slice %get3A_2402 {offsets = [2], sizes = [1], strides = [1]} : vector<16xi32> to vector<1xi32>
        %squeeze3A_2460 = vector.extract %slice3A_2459[0] : i32 from vector<1xi32>
        %slice3A_2461 = vector.extract_strided_slice %get3A_2406 {offsets = [2], sizes = [1], strides = [1]} : vector<16xi32> to vector<1xi32>
        %squeeze3A_2462 = vector.extract %slice3A_2461[0] : i32 from vector<1xi32>
        %multiple_of3A_2463 = tpu.assume_multiple %squeeze3A_2460, 8 : i32
        %multiple_of3A_2464 = tpu.assume_multiple %squeeze3A_2462, 8 : i32
        %dma_start3A_2465 = arith.constant 144 : i32
        %dma_start3A_2466 = arith.constant 0 : i32
        %dma_start3A_2467 = tpu.memref_slice %arg11[%dma_start3A_2465, %dma_start3A_2466] : memref<256x16xf32, #tpu.memory_space<vmem>> -> memref<8x16xf32, #tpu.memory_space<vmem>>
        %dma_start3A_2468 = arith.constant 0 : i32
        %dma_start3A_2469 = tpu.memref_slice %arg4[%multiple_of3A_2463, %dma_start3A_2468] : memref<1000000x16xf32, #tpu.memory_space<hbm>> -> memref<8x16xf32, #tpu.memory_space<hbm>>
        %dma_start3A_2470 = arith.constant 144 : i32
        %dma_start3A_2471 = arith.constant 0 : i32
        %dma_start3A_2472 = tpu.memref_slice %arg11[%dma_start3A_2470, %dma_start3A_2471] : memref<256x16xf32, #tpu.memory_space<vmem>> -> memref<8x16xf32, #tpu.memory_space<vmem>>
        %dma_start3A_2473 = arith.constant 0 : i32
        %dma_start3A_2474 = tpu.memref_slice %arg4[%multiple_of3A_2463, %dma_start3A_2473] : memref<1000000x16xf32, #tpu.memory_space<hbm>> -> memref<8x16xf32, #tpu.memory_space<hbm>>
        tpu.enqueue_dma source(%dma_start3A_2474 : memref<8x16xf32, #tpu.memory_space<hbm>>) target(%dma_start3A_2472 : memref<8x16xf32, #tpu.memory_space<vmem>>) target_semaphore(%arg15 : memref<!tpu.dma_semaphore, #tpu.memory_space<semaphore_mem>>)
        %dma_start3A_2475 = arith.constant 144 : i32
        %dma_start3A_2476 = arith.constant 0 : i32
        %dma_start3A_2477 = tpu.memref_slice %arg12[%dma_start3A_2475, %dma_start3A_2476] : memref<256x16xf32, #tpu.memory_space<vmem>> -> memref<8x16xf32, #tpu.memory_space<vmem>>
        %dma_start3A_2478 = arith.constant 0 : i32
        %dma_start3A_2479 = tpu.memref_slice %arg5[%multiple_of3A_2464, %dma_start3A_2478] : memref<1000000x16xf32, #tpu.memory_space<hbm>> -> memref<8x16xf32, #tpu.memory_space<hbm>>
        %dma_start3A_2480 = arith.constant 144 : i32
        %dma_start3A_2481 = arith.constant 0 : i32
        %dma_start3A_2482 = tpu.memref_slice %arg12[%dma_start3A_2480, %dma_start3A_2481] : memref<256x16xf32, #tpu.memory_space<vmem>> -> memref<8x16xf32, #tpu.memory_space<vmem>>
        %dma_start3A_2483 = arith.constant 0 : i32
        %dma_start3A_2484 = tpu.memref_slice %arg5[%multiple_of3A_2464, %dma_start3A_2483] : memref<1000000x16xf32, #tpu.memory_space<hbm>> -> memref<8x16xf32, #tpu.memory_space<hbm>>
        tpu.enqueue_dma source(%dma_start3A_2484 : memref<8x16xf32, #tpu.memory_space<hbm>>) target(%dma_start3A_2482 : memref<8x16xf32, #tpu.memory_space<vmem>>) target_semaphore(%arg17 : memref<!tpu.dma_semaphore, #tpu.memory_space<semaphore_mem>>)
        %slice3A_2485 = vector.extract_strided_slice %get3A_2402 {offsets = [3], sizes = [1], strides = [1]} : vector<16xi32> to vector<1xi32>
        %squeeze3A_2486 = vector.extract %slice3A_2485[0] : i32 from vector<1xi32>
        %slice3A_2487 = vector.extract_strided_slice %get3A_2406 {offsets = [3], sizes = [1], strides = [1]} : vector<16xi32> to vector<1xi32>
        %squeeze3A_2488 = vector.extract %slice3A_2487[0] : i32 from vector<1xi32>
        %multiple_of3A_2489 = tpu.assume_multiple %squeeze3A_2486, 8 : i32
        %multiple_of3A_2490 = tpu.assume_multiple %squeeze3A_2488, 8 : i32
        %dma_start3A_2491 = arith.constant 152 : i32
        %dma_start3A_2492 = arith.constant 0 : i32
        %dma_start3A_2493 = tpu.memref_slice %arg11[%dma_start3A_2491, %dma_start3A_2492] : memref<256x16xf32, #tpu.memory_space<vmem>> -> memref<8x16xf32, #tpu.memory_space<vmem>>
        %dma_start3A_2494 = arith.constant 0 : i32
        %dma_start3A_2495 = tpu.memref_slice %arg4[%multiple_of3A_2489, %dma_start3A_2494] : memref<1000000x16xf32, #tpu.memory_space<hbm>> -> memref<8x16xf32, #tpu.memory_space<hbm>>
        %dma_start3A_2496 = arith.constant 152 : i32
        %dma_start3A_2497 = arith.constant 0 : i32
        %dma_start3A_2498 = tpu.memref_slice %arg11[%dma_start3A_2496, %dma_start3A_2497] : memref<256x16xf32, #tpu.memory_space<vmem>> -> memref<8x16xf32, #tpu.memory_space<vmem>>
        %dma_start3A_2499 = arith.constant 0 : i32
        %dma_start3A_2500 = tpu.memref_slice %arg4[%multiple_of3A_2489, %dma_start3A_2499] : memref<1000000x16xf32, #tpu.memory_space<hbm>> -> memref<8x16xf32, #tpu.memory_space<hbm>>
        tpu.enqueue_dma source(%dma_start3A_2500 : memref<8x16xf32, #tpu.memory_space<hbm>>) target(%dma_start3A_2498 : memref<8x16xf32, #tpu.memory_space<vmem>>) target_semaphore(%arg15 : memref<!tpu.dma_semaphore, #tpu.memory_space<semaphore_mem>>)
        %dma_start3A_2501 = arith.constant 152 : i32
        %dma_start3A_2502 = arith.constant 0 : i32
        %dma_start3A_2503 = tpu.memref_slice %arg12[%dma_start3A_2501, %dma_start3A_2502] : memref<256x16xf32, #tpu.memory_space<vmem>> -> memref<8x16xf32, #tpu.memory_space<vmem>>
        %dma_start3A_2504 = arith.constant 0 : i32
        %dma_start3A_2505 = tpu.memref_slice %arg5[%multiple_of3A_2490, %dma_start3A_2504] : memref<1000000x16xf32, #tpu.memory_space<hbm>> -> memref<8x16xf32, #tpu.memory_space<hbm>>
        %dma_start3A_2506 = arith.constant 152 : i32
        %dma_start3A_2507 = arith.constant 0 : i32
        %dma_start3A_2508 = tpu.memref_slice %arg12[%dma_start3A_2506, %dma_start3A_2507] : memref<256x16xf32, #tpu.memory_space<vmem>> -> memref<8x16xf32, #tpu.memory_space<vmem>>
        %dma_start3A_2509 = arith.constant 0 : i32
        %dma_start3A_2510 = tpu.memref_slice %arg5[%multiple_of3A_2490, %dma_start3A_2509] : memref<1000000x16xf32, #tpu.memory_space<hbm>> -> memref<8x16xf32, #tpu.memory_space<hbm>>
        tpu.enqueue_dma source(%dma_start3A_2510 : memref<8x16xf32, #tpu.memory_space<hbm>>) target(%dma_start3A_2508 : memref<8x16xf32, #tpu.memory_space<vmem>>) target_semaphore(%arg17 : memref<!tpu.dma_semaphore, #tpu.memory_space<semaphore_mem>>)
        %slice3A_2511 = vector.extract_strided_slice %get3A_2402 {offsets = [4], sizes = [1], strides = [1]} : vector<16xi32> to vector<1xi32>
        %squeeze3A_2512 = vector.extract %slice3A_2511[0] : i32 from vector<1xi32>
        %slice3A_2513 = vector.extract_strided_slice %get3A_2406 {offsets = [4], sizes = [1], strides = [1]} : vector<16xi32> to vector<1xi32>
        %squeeze3A_2514 = vector.extract %slice3A_2513[0] : i32 from vector<1xi32>
        %multiple_of3A_2515 = tpu.assume_multiple %squeeze3A_2512, 8 : i32
        %multiple_of3A_2516 = tpu.assume_multiple %squeeze3A_2514, 8 : i32
        %dma_start3A_2517 = arith.constant 160 : i32
        %dma_start3A_2518 = arith.constant 0 : i32
        %dma_start3A_2519 = tpu.memref_slice %arg11[%dma_start3A_2517, %dma_start3A_2518] : memref<256x16xf32, #tpu.memory_space<vmem>> -> memref<8x16xf32, #tpu.memory_space<vmem>>
        %dma_start3A_2520 = arith.constant 0 : i32
        %dma_start3A_2521 = tpu.memref_slice %arg4[%multiple_of3A_2515, %dma_start3A_2520] : memref<1000000x16xf32, #tpu.memory_space<hbm>> -> memref<8x16xf32, #tpu.memory_space<hbm>>
        %dma_start3A_2522 = arith.constant 160 : i32
        %dma_start3A_2523 = arith.constant 0 : i32
        %dma_start3A_2524 = tpu.memref_slice %arg11[%dma_start3A_2522, %dma_start3A_2523] : memref<256x16xf32, #tpu.memory_space<vmem>> -> memref<8x16xf32, #tpu.memory_space<vmem>>
        %dma_start3A_2525 = arith.constant 0 : i32
        %dma_start3A_2526 = tpu.memref_slice %arg4[%multiple_of3A_2515, %dma_start3A_2525] : memref<1000000x16xf32, #tpu.memory_space<hbm>> -> memref<8x16xf32, #tpu.memory_space<hbm>>
        tpu.enqueue_dma source(%dma_start3A_2526 : memref<8x16xf32, #tpu.memory_space<hbm>>) target(%dma_start3A_2524 : memref<8x16xf32, #tpu.memory_space<vmem>>) target_semaphore(%arg15 : memref<!tpu.dma_semaphore, #tpu.memory_space<semaphore_mem>>)
        %dma_start3A_2527 = arith.constant 160 : i32
        %dma_start3A_2528 = arith.constant 0 : i32
        %dma_start3A_2529 = tpu.memref_slice %arg12[%dma_start3A_2527, %dma_start3A_2528] : memref<256x16xf32, #tpu.memory_space<vmem>> -> memref<8x16xf32, #tpu.memory_space<vmem>>
        %dma_start3A_2530 = arith.constant 0 : i32
        %dma_start3A_2531 = tpu.memref_slice %arg5[%multiple_of3A_2516, %dma_start3A_2530] : memref<1000000x16xf32, #tpu.memory_space<hbm>> -> memref<8x16xf32, #tpu.memory_space<hbm>>
        %dma_start3A_2532 = arith.constant 160 : i32
        %dma_start3A_2533 = arith.constant 0 : i32
        %dma_start3A_2534 = tpu.memref_slice %arg12[%dma_start3A_2532, %dma_start3A_2533] : memref<256x16xf32, #tpu.memory_space<vmem>> -> memref<8x16xf32, #tpu.memory_space<vmem>>
        %dma_start3A_2535 = arith.constant 0 : i32
        %dma_start3A_2536 = tpu.memref_slice %arg5[%multiple_of3A_2516, %dma_start3A_2535] : memref<1000000x16xf32, #tpu.memory_space<hbm>> -> memref<8x16xf32, #tpu.memory_space<hbm>>
        tpu.enqueue_dma source(%dma_start3A_2536 : memref<8x16xf32, #tpu.memory_space<hbm>>) target(%dma_start3A_2534 : memref<8x16xf32, #tpu.memory_space<vmem>>) target_semaphore(%arg17 : memref<!tpu.dma_semaphore, #tpu.memory_space<semaphore_mem>>)
        %slice3A_2537 = vector.extract_strided_slice %get3A_2402 {offsets = [5], sizes = [1], strides = [1]} : vector<16xi32> to vector<1xi32>
        %squeeze3A_2538 = vector.extract %slice3A_2537[0] : i32 from vector<1xi32>
        %slice3A_2539 = vector.extract_strided_slice %get3A_2406 {offsets = [5], sizes = [1], strides = [1]} : vector<16xi32> to vector<1xi32>
        %squeeze3A_2540 = vector.extract %slice3A_2539[0] : i32 from vector<1xi32>
        %multiple_of3A_2541 = tpu.assume_multiple %squeeze3A_2538, 8 : i32
        %multiple_of3A_2542 = tpu.assume_multiple %squeeze3A_2540, 8 : i32
        %dma_start3A_2543 = arith.constant 168 : i32
        %dma_start3A_2544 = arith.constant 0 : i32
        %dma_start3A_2545 = tpu.memref_slice %arg11[%dma_start3A_2543, %dma_start3A_2544] : memref<256x16xf32, #tpu.memory_space<vmem>> -> memref<8x16xf32, #tpu.memory_space<vmem>>
        %dma_start3A_2546 = arith.constant 0 : i32
        %dma_start3A_2547 = tpu.memref_slice %arg4[%multiple_of3A_2541, %dma_start3A_2546] : memref<1000000x16xf32, #tpu.memory_space<hbm>> -> memref<8x16xf32, #tpu.memory_space<hbm>>
        %dma_start3A_2548 = arith.constant 168 : i32
        %dma_start3A_2549 = arith.constant 0 : i32
        %dma_start3A_2550 = tpu.memref_slice %arg11[%dma_start3A_2548, %dma_start3A_2549] : memref<256x16xf32, #tpu.memory_space<vmem>> -> memref<8x16xf32, #tpu.memory_space<vmem>>
        %dma_start3A_2551 = arith.constant 0 : i32
        %dma_start3A_2552 = tpu.memref_slice %arg4[%multiple_of3A_2541, %dma_start3A_2551] : memref<1000000x16xf32, #tpu.memory_space<hbm>> -> memref<8x16xf32, #tpu.memory_space<hbm>>
        tpu.enqueue_dma source(%dma_start3A_2552 : memref<8x16xf32, #tpu.memory_space<hbm>>) target(%dma_start3A_2550 : memref<8x16xf32, #tpu.memory_space<vmem>>) target_semaphore(%arg15 : memref<!tpu.dma_semaphore, #tpu.memory_space<semaphore_mem>>)
        %dma_start3A_2553 = arith.constant 168 : i32
        %dma_start3A_2554 = arith.constant 0 : i32
        %dma_start3A_2555 = tpu.memref_slice %arg12[%dma_start3A_2553, %dma_start3A_2554] : memref<256x16xf32, #tpu.memory_space<vmem>> -> memref<8x16xf32, #tpu.memory_space<vmem>>
        %dma_start3A_2556 = arith.constant 0 : i32
        %dma_start3A_2557 = tpu.memref_slice %arg5[%multiple_of3A_2542, %dma_start3A_2556] : memref<1000000x16xf32, #tpu.memory_space<hbm>> -> memref<8x16xf32, #tpu.memory_space<hbm>>
        %dma_start3A_2558 = arith.constant 168 : i32
        %dma_start3A_2559 = arith.constant 0 : i32
        %dma_start3A_2560 = tpu.memref_slice %arg12[%dma_start3A_2558, %dma_start3A_2559] : memref<256x16xf32, #tpu.memory_space<vmem>> -> memref<8x16xf32, #tpu.memory_space<vmem>>
        %dma_start3A_2561 = arith.constant 0 : i32
        %dma_start3A_2562 = tpu.memref_slice %arg5[%multiple_of3A_2542, %dma_start3A_2561] : memref<1000000x16xf32, #tpu.memory_space<hbm>> -> memref<8x16xf32, #tpu.memory_space<hbm>>
        tpu.enqueue_dma source(%dma_start3A_2562 : memref<8x16xf32, #tpu.memory_space<hbm>>) target(%dma_start3A_2560 : memref<8x16xf32, #tpu.memory_space<vmem>>) target_semaphore(%arg17 : memref<!tpu.dma_semaphore, #tpu.memory_space<semaphore_mem>>)
        %slice3A_2563 = vector.extract_strided_slice %get3A_2402 {offsets = [6], sizes = [1], strides = [1]} : vector<16xi32> to vector<1xi32>
        %squeeze3A_2564 = vector.extract %slice3A_2563[0] : i32 from vector<1xi32>
        %slice3A_2565 = vector.extract_strided_slice %get3A_2406 {offsets = [6], sizes = [1], strides = [1]} : vector<16xi32> to vector<1xi32>
        %squeeze3A_2566 = vector.extract %slice3A_2565[0] : i32 from vector<1xi32>
        %multiple_of3A_2567 = tpu.assume_multiple %squeeze3A_2564, 8 : i32
        %multiple_of3A_2568 = tpu.assume_multiple %squeeze3A_2566, 8 : i32
        %dma_start3A_2569 = arith.constant 176 : i32
        %dma_start3A_2570 = arith.constant 0 : i32
        %dma_start3A_2571 = tpu.memref_slice %arg11[%dma_start3A_2569, %dma_start3A_2570] : memref<256x16xf32, #tpu.memory_space<vmem>> -> memref<8x16xf32, #tpu.memory_space<vmem>>
        %dma_start3A_2572 = arith.constant 0 : i32
        %dma_start3A_2573 = tpu.memref_slice %arg4[%multiple_of3A_2567, %dma_start3A_2572] : memref<1000000x16xf32, #tpu.memory_space<hbm>> -> memref<8x16xf32, #tpu.memory_space<hbm>>
        %dma_start3A_2574 = arith.constant 176 : i32
        %dma_start3A_2575 = arith.constant 0 : i32
        %dma_start3A_2576 = tpu.memref_slice %arg11[%dma_start3A_2574, %dma_start3A_2575] : memref<256x16xf32, #tpu.memory_space<vmem>> -> memref<8x16xf32, #tpu.memory_space<vmem>>
        %dma_start3A_2577 = arith.constant 0 : i32
        %dma_start3A_2578 = tpu.memref_slice %arg4[%multiple_of3A_2567, %dma_start3A_2577] : memref<1000000x16xf32, #tpu.memory_space<hbm>> -> memref<8x16xf32, #tpu.memory_space<hbm>>
        tpu.enqueue_dma source(%dma_start3A_2578 : memref<8x16xf32, #tpu.memory_space<hbm>>) target(%dma_start3A_2576 : memref<8x16xf32, #tpu.memory_space<vmem>>) target_semaphore(%arg15 : memref<!tpu.dma_semaphore, #tpu.memory_space<semaphore_mem>>)
        %dma_start3A_2579 = arith.constant 176 : i32
        %dma_start3A_2580 = arith.constant 0 : i32
        %dma_start3A_2581 = tpu.memref_slice %arg12[%dma_start3A_2579, %dma_start3A_2580] : memref<256x16xf32, #tpu.memory_space<vmem>> -> memref<8x16xf32, #tpu.memory_space<vmem>>
        %dma_start3A_2582 = arith.constant 0 : i32
        %dma_start3A_2583 = tpu.memref_slice %arg5[%multiple_of3A_2568, %dma_start3A_2582] : memref<1000000x16xf32, #tpu.memory_space<hbm>> -> memref<8x16xf32, #tpu.memory_space<hbm>>
        %dma_start3A_2584 = arith.constant 176 : i32
        %dma_start3A_2585 = arith.constant 0 : i32
        %dma_start3A_2586 = tpu.memref_slice %arg12[%dma_start3A_2584, %dma_start3A_2585] : memref<256x16xf32, #tpu.memory_space<vmem>> -> memref<8x16xf32, #tpu.memory_space<vmem>>
        %dma_start3A_2587 = arith.constant 0 : i32
        %dma_start3A_2588 = tpu.memref_slice %arg5[%multiple_of3A_2568, %dma_start3A_2587] : memref<1000000x16xf32, #tpu.memory_space<hbm>> -> memref<8x16xf32, #tpu.memory_space<hbm>>
        tpu.enqueue_dma source(%dma_start3A_2588 : memref<8x16xf32, #tpu.memory_space<hbm>>) target(%dma_start3A_2586 : memref<8x16xf32, #tpu.memory_space<vmem>>) target_semaphore(%arg17 : memref<!tpu.dma_semaphore, #tpu.memory_space<semaphore_mem>>)
        %slice3A_2589 = vector.extract_strided_slice %get3A_2402 {offsets = [7], sizes = [1], strides = [1]} : vector<16xi32> to vector<1xi32>
        %squeeze3A_2590 = vector.extract %slice3A_2589[0] : i32 from vector<1xi32>
        %slice3A_2591 = vector.extract_strided_slice %get3A_2406 {offsets = [7], sizes = [1], strides = [1]} : vector<16xi32> to vector<1xi32>
        %squeeze3A_2592 = vector.extract %slice3A_2591[0] : i32 from vector<1xi32>
        %multiple_of3A_2593 = tpu.assume_multiple %squeeze3A_2590, 8 : i32
        %multiple_of3A_2594 = tpu.assume_multiple %squeeze3A_2592, 8 : i32
        %dma_start3A_2595 = arith.constant 184 : i32
        %dma_start3A_2596 = arith.constant 0 : i32
        %dma_start3A_2597 = tpu.memref_slice %arg11[%dma_start3A_2595, %dma_start3A_2596] : memref<256x16xf32, #tpu.memory_space<vmem>> -> memref<8x16xf32, #tpu.memory_space<vmem>>
        %dma_start3A_2598 = arith.constant 0 : i32
        %dma_start3A_2599 = tpu.memref_slice %arg4[%multiple_of3A_2593, %dma_start3A_2598] : memref<1000000x16xf32, #tpu.memory_space<hbm>> -> memref<8x16xf32, #tpu.memory_space<hbm>>
        %dma_start3A_2600 = arith.constant 184 : i32
        %dma_start3A_2601 = arith.constant 0 : i32
        %dma_start3A_2602 = tpu.memref_slice %arg11[%dma_start3A_2600, %dma_start3A_2601] : memref<256x16xf32, #tpu.memory_space<vmem>> -> memref<8x16xf32, #tpu.memory_space<vmem>>
        %dma_start3A_2603 = arith.constant 0 : i32
        %dma_start3A_2604 = tpu.memref_slice %arg4[%multiple_of3A_2593, %dma_start3A_2603] : memref<1000000x16xf32, #tpu.memory_space<hbm>> -> memref<8x16xf32, #tpu.memory_space<hbm>>
        tpu.enqueue_dma source(%dma_start3A_2604 : memref<8x16xf32, #tpu.memory_space<hbm>>) target(%dma_start3A_2602 : memref<8x16xf32, #tpu.memory_space<vmem>>) target_semaphore(%arg15 : memref<!tpu.dma_semaphore, #tpu.memory_space<semaphore_mem>>)
        %dma_start3A_2605 = arith.constant 184 : i32
        %dma_start3A_2606 = arith.constant 0 : i32
        %dma_start3A_2607 = tpu.memref_slice %arg12[%dma_start3A_2605, %dma_start3A_2606] : memref<256x16xf32, #tpu.memory_space<vmem>> -> memref<8x16xf32, #tpu.memory_space<vmem>>
        %dma_start3A_2608 = arith.constant 0 : i32
        %dma_start3A_2609 = tpu.memref_slice %arg5[%multiple_of3A_2594, %dma_start3A_2608] : memref<1000000x16xf32, #tpu.memory_space<hbm>> -> memref<8x16xf32, #tpu.memory_space<hbm>>
        %dma_start3A_2610 = arith.constant 184 : i32
        %dma_start3A_2611 = arith.constant 0 : i32
        %dma_start3A_2612 = tpu.memref_slice %arg12[%dma_start3A_2610, %dma_start3A_2611] : memref<256x16xf32, #tpu.memory_space<vmem>> -> memref<8x16xf32, #tpu.memory_space<vmem>>
        %dma_start3A_2613 = arith.constant 0 : i32
        %dma_start3A_2614 = tpu.memref_slice %arg5[%multiple_of3A_2594, %dma_start3A_2613] : memref<1000000x16xf32, #tpu.memory_space<hbm>> -> memref<8x16xf32, #tpu.memory_space<hbm>>
        tpu.enqueue_dma source(%dma_start3A_2614 : memref<8x16xf32, #tpu.memory_space<hbm>>) target(%dma_start3A_2612 : memref<8x16xf32, #tpu.memory_space<vmem>>) target_semaphore(%arg17 : memref<!tpu.dma_semaphore, #tpu.memory_space<semaphore_mem>>)
        %slice3A_2615 = vector.extract_strided_slice %get3A_2402 {offsets = [8], sizes = [1], strides = [1]} : vector<16xi32> to vector<1xi32>
        %squeeze3A_2616 = vector.extract %slice3A_2615[0] : i32 from vector<1xi32>
        %slice3A_2617 = vector.extract_strided_slice %get3A_2406 {offsets = [8], sizes = [1], strides = [1]} : vector<16xi32> to vector<1xi32>
        %squeeze3A_2618 = vector.extract %slice3A_2617[0] : i32 from vector<1xi32>
        %multiple_of3A_2619 = tpu.assume_multiple %squeeze3A_2616, 8 : i32
        %multiple_of3A_2620 = tpu.assume_multiple %squeeze3A_2618, 8 : i32
        %dma_start3A_2621 = arith.constant 192 : i32
        %dma_start3A_2622 = arith.constant 0 : i32
        %dma_start3A_2623 = tpu.memref_slice %arg11[%dma_start3A_2621, %dma_start3A_2622] : memref<256x16xf32, #tpu.memory_space<vmem>> -> memref<8x16xf32, #tpu.memory_space<vmem>>
        %dma_start3A_2624 = arith.constant 0 : i32
        %dma_start3A_2625 = tpu.memref_slice %arg4[%multiple_of3A_2619, %dma_start3A_2624] : memref<1000000x16xf32, #tpu.memory_space<hbm>> -> memref<8x16xf32, #tpu.memory_space<hbm>>
        %dma_start3A_2626 = arith.constant 192 : i32
        %dma_start3A_2627 = arith.constant 0 : i32
        %dma_start3A_2628 = tpu.memref_slice %arg11[%dma_start3A_2626, %dma_start3A_2627] : memref<256x16xf32, #tpu.memory_space<vmem>> -> memref<8x16xf32, #tpu.memory_space<vmem>>
        %dma_start3A_2629 = arith.constant 0 : i32
        %dma_start3A_2630 = tpu.memref_slice %arg4[%multiple_of3A_2619, %dma_start3A_2629] : memref<1000000x16xf32, #tpu.memory_space<hbm>> -> memref<8x16xf32, #tpu.memory_space<hbm>>
        tpu.enqueue_dma source(%dma_start3A_2630 : memref<8x16xf32, #tpu.memory_space<hbm>>) target(%dma_start3A_2628 : memref<8x16xf32, #tpu.memory_space<vmem>>) target_semaphore(%arg15 : memref<!tpu.dma_semaphore, #tpu.memory_space<semaphore_mem>>)
        %dma_start3A_2631 = arith.constant 192 : i32
        %dma_start3A_2632 = arith.constant 0 : i32
        %dma_start3A_2633 = tpu.memref_slice %arg12[%dma_start3A_2631, %dma_start3A_2632] : memref<256x16xf32, #tpu.memory_space<vmem>> -> memref<8x16xf32, #tpu.memory_space<vmem>>
        %dma_start3A_2634 = arith.constant 0 : i32
        %dma_start3A_2635 = tpu.memref_slice %arg5[%multiple_of3A_2620, %dma_start3A_2634] : memref<1000000x16xf32, #tpu.memory_space<hbm>> -> memref<8x16xf32, #tpu.memory_space<hbm>>
        %dma_start3A_2636 = arith.constant 192 : i32
        %dma_start3A_2637 = arith.constant 0 : i32
        %dma_start3A_2638 = tpu.memref_slice %arg12[%dma_start3A_2636, %dma_start3A_2637] : memref<256x16xf32, #tpu.memory_space<vmem>> -> memref<8x16xf32, #tpu.memory_space<vmem>>
        %dma_start3A_2639 = arith.constant 0 : i32
        %dma_start3A_2640 = tpu.memref_slice %arg5[%multiple_of3A_2620, %dma_start3A_2639] : memref<1000000x16xf32, #tpu.memory_space<hbm>> -> memref<8x16xf32, #tpu.memory_space<hbm>>
        tpu.enqueue_dma source(%dma_start3A_2640 : memref<8x16xf32, #tpu.memory_space<hbm>>) target(%dma_start3A_2638 : memref<8x16xf32, #tpu.memory_space<vmem>>) target_semaphore(%arg17 : memref<!tpu.dma_semaphore, #tpu.memory_space<semaphore_mem>>)
        %slice3A_2641 = vector.extract_strided_slice %get3A_2402 {offsets = [9], sizes = [1], strides = [1]} : vector<16xi32> to vector<1xi32>
        %squeeze3A_2642 = vector.extract %slice3A_2641[0] : i32 from vector<1xi32>
        %slice3A_2643 = vector.extract_strided_slice %get3A_2406 {offsets = [9], sizes = [1], strides = [1]} : vector<16xi32> to vector<1xi32>
        %squeeze3A_2644 = vector.extract %slice3A_2643[0] : i32 from vector<1xi32>
        %multiple_of3A_2645 = tpu.assume_multiple %squeeze3A_2642, 8 : i32
        %multiple_of3A_2646 = tpu.assume_multiple %squeeze3A_2644, 8 : i32
        %dma_start3A_2647 = arith.constant 200 : i32
        %dma_start3A_2648 = arith.constant 0 : i32
        %dma_start3A_2649 = tpu.memref_slice %arg11[%dma_start3A_2647, %dma_start3A_2648] : memref<256x16xf32, #tpu.memory_space<vmem>> -> memref<8x16xf32, #tpu.memory_space<vmem>>
        %dma_start3A_2650 = arith.constant 0 : i32
        %dma_start3A_2651 = tpu.memref_slice %arg4[%multiple_of3A_2645, %dma_start3A_2650] : memref<1000000x16xf32, #tpu.memory_space<hbm>> -> memref<8x16xf32, #tpu.memory_space<hbm>>
        %dma_start3A_2652 = arith.constant 200 : i32
        %dma_start3A_2653 = arith.constant 0 : i32
        %dma_start3A_2654 = tpu.memref_slice %arg11[%dma_start3A_2652, %dma_start3A_2653] : memref<256x16xf32, #tpu.memory_space<vmem>> -> memref<8x16xf32, #tpu.memory_space<vmem>>
        %dma_start3A_2655 = arith.constant 0 : i32
        %dma_start3A_2656 = tpu.memref_slice %arg4[%multiple_of3A_2645, %dma_start3A_2655] : memref<1000000x16xf32, #tpu.memory_space<hbm>> -> memref<8x16xf32, #tpu.memory_space<hbm>>
        tpu.enqueue_dma source(%dma_start3A_2656 : memref<8x16xf32, #tpu.memory_space<hbm>>) target(%dma_start3A_2654 : memref<8x16xf32, #tpu.memory_space<vmem>>) target_semaphore(%arg15 : memref<!tpu.dma_semaphore, #tpu.memory_space<semaphore_mem>>)
        %dma_start3A_2657 = arith.constant 200 : i32
        %dma_start3A_2658 = arith.constant 0 : i32
        %dma_start3A_2659 = tpu.memref_slice %arg12[%dma_start3A_2657, %dma_start3A_2658] : memref<256x16xf32, #tpu.memory_space<vmem>> -> memref<8x16xf32, #tpu.memory_space<vmem>>
        %dma_start3A_2660 = arith.constant 0 : i32
        %dma_start3A_2661 = tpu.memref_slice %arg5[%multiple_of3A_2646, %dma_start3A_2660] : memref<1000000x16xf32, #tpu.memory_space<hbm>> -> memref<8x16xf32, #tpu.memory_space<hbm>>
        %dma_start3A_2662 = arith.constant 200 : i32
        %dma_start3A_2663 = arith.constant 0 : i32
        %dma_start3A_2664 = tpu.memref_slice %arg12[%dma_start3A_2662, %dma_start3A_2663] : memref<256x16xf32, #tpu.memory_space<vmem>> -> memref<8x16xf32, #tpu.memory_space<vmem>>
        %dma_start3A_2665 = arith.constant 0 : i32
        %dma_start3A_2666 = tpu.memref_slice %arg5[%multiple_of3A_2646, %dma_start3A_2665] : memref<1000000x16xf32, #tpu.memory_space<hbm>> -> memref<8x16xf32, #tpu.memory_space<hbm>>
        tpu.enqueue_dma source(%dma_start3A_2666 : memref<8x16xf32, #tpu.memory_space<hbm>>) target(%dma_start3A_2664 : memref<8x16xf32, #tpu.memory_space<vmem>>) target_semaphore(%arg17 : memref<!tpu.dma_semaphore, #tpu.memory_space<semaphore_mem>>)
        %slice3A_2667 = vector.extract_strided_slice %get3A_2402 {offsets = [10], sizes = [1], strides = [1]} : vector<16xi32> to vector<1xi32>
        %squeeze3A_2668 = vector.extract %slice3A_2667[0] : i32 from vector<1xi32>
        %slice3A_2669 = vector.extract_strided_slice %get3A_2406 {offsets = [10], sizes = [1], strides = [1]} : vector<16xi32> to vector<1xi32>
        %squeeze3A_2670 = vector.extract %slice3A_2669[0] : i32 from vector<1xi32>
        %multiple_of3A_2671 = tpu.assume_multiple %squeeze3A_2668, 8 : i32
        %multiple_of3A_2672 = tpu.assume_multiple %squeeze3A_2670, 8 : i32
        %dma_start3A_2673 = arith.constant 208 : i32
        %dma_start3A_2674 = arith.constant 0 : i32
        %dma_start3A_2675 = tpu.memref_slice %arg11[%dma_start3A_2673, %dma_start3A_2674] : memref<256x16xf32, #tpu.memory_space<vmem>> -> memref<8x16xf32, #tpu.memory_space<vmem>>
        %dma_start3A_2676 = arith.constant 0 : i32
        %dma_start3A_2677 = tpu.memref_slice %arg4[%multiple_of3A_2671, %dma_start3A_2676] : memref<1000000x16xf32, #tpu.memory_space<hbm>> -> memref<8x16xf32, #tpu.memory_space<hbm>>
        %dma_start3A_2678 = arith.constant 208 : i32
        %dma_start3A_2679 = arith.constant 0 : i32
        %dma_start3A_2680 = tpu.memref_slice %arg11[%dma_start3A_2678, %dma_start3A_2679] : memref<256x16xf32, #tpu.memory_space<vmem>> -> memref<8x16xf32, #tpu.memory_space<vmem>>
        %dma_start3A_2681 = arith.constant 0 : i32
        %dma_start3A_2682 = tpu.memref_slice %arg4[%multiple_of3A_2671, %dma_start3A_2681] : memref<1000000x16xf32, #tpu.memory_space<hbm>> -> memref<8x16xf32, #tpu.memory_space<hbm>>
        tpu.enqueue_dma source(%dma_start3A_2682 : memref<8x16xf32, #tpu.memory_space<hbm>>) target(%dma_start3A_2680 : memref<8x16xf32, #tpu.memory_space<vmem>>) target_semaphore(%arg15 : memref<!tpu.dma_semaphore, #tpu.memory_space<semaphore_mem>>)
        %dma_start3A_2683 = arith.constant 208 : i32
        %dma_start3A_2684 = arith.constant 0 : i32
        %dma_start3A_2685 = tpu.memref_slice %arg12[%dma_start3A_2683, %dma_start3A_2684] : memref<256x16xf32, #tpu.memory_space<vmem>> -> memref<8x16xf32, #tpu.memory_space<vmem>>
        %dma_start3A_2686 = arith.constant 0 : i32
        %dma_start3A_2687 = tpu.memref_slice %arg5[%multiple_of3A_2672, %dma_start3A_2686] : memref<1000000x16xf32, #tpu.memory_space<hbm>> -> memref<8x16xf32, #tpu.memory_space<hbm>>
        %dma_start3A_2688 = arith.constant 208 : i32
        %dma_start3A_2689 = arith.constant 0 : i32
        %dma_start3A_2690 = tpu.memref_slice %arg12[%dma_start3A_2688, %dma_start3A_2689] : memref<256x16xf32, #tpu.memory_space<vmem>> -> memref<8x16xf32, #tpu.memory_space<vmem>>
        %dma_start3A_2691 = arith.constant 0 : i32
        %dma_start3A_2692 = tpu.memref_slice %arg5[%multiple_of3A_2672, %dma_start3A_2691] : memref<1000000x16xf32, #tpu.memory_space<hbm>> -> memref<8x16xf32, #tpu.memory_space<hbm>>
        tpu.enqueue_dma source(%dma_start3A_2692 : memref<8x16xf32, #tpu.memory_space<hbm>>) target(%dma_start3A_2690 : memref<8x16xf32, #tpu.memory_space<vmem>>) target_semaphore(%arg17 : memref<!tpu.dma_semaphore, #tpu.memory_space<semaphore_mem>>)
        %slice3A_2693 = vector.extract_strided_slice %get3A_2402 {offsets = [11], sizes = [1], strides = [1]} : vector<16xi32> to vector<1xi32>
        %squeeze3A_2694 = vector.extract %slice3A_2693[0] : i32 from vector<1xi32>
        %slice3A_2695 = vector.extract_strided_slice %get3A_2406 {offsets = [11], sizes = [1], strides = [1]} : vector<16xi32> to vector<1xi32>
        %squeeze3A_2696 = vector.extract %slice3A_2695[0] : i32 from vector<1xi32>
        %multiple_of3A_2697 = tpu.assume_multiple %squeeze3A_2694, 8 : i32
        %multiple_of3A_2698 = tpu.assume_multiple %squeeze3A_2696, 8 : i32
        %dma_start3A_2699 = arith.constant 216 : i32
        %dma_start3A_2700 = arith.constant 0 : i32
        %dma_start3A_2701 = tpu.memref_slice %arg11[%dma_start3A_2699, %dma_start3A_2700] : memref<256x16xf32, #tpu.memory_space<vmem>> -> memref<8x16xf32, #tpu.memory_space<vmem>>
        %dma_start3A_2702 = arith.constant 0 : i32
        %dma_start3A_2703 = tpu.memref_slice %arg4[%multiple_of3A_2697, %dma_start3A_2702] : memref<1000000x16xf32, #tpu.memory_space<hbm>> -> memref<8x16xf32, #tpu.memory_space<hbm>>
        %dma_start3A_2704 = arith.constant 216 : i32
        %dma_start3A_2705 = arith.constant 0 : i32
        %dma_start3A_2706 = tpu.memref_slice %arg11[%dma_start3A_2704, %dma_start3A_2705] : memref<256x16xf32, #tpu.memory_space<vmem>> -> memref<8x16xf32, #tpu.memory_space<vmem>>
        %dma_start3A_2707 = arith.constant 0 : i32
        %dma_start3A_2708 = tpu.memref_slice %arg4[%multiple_of3A_2697, %dma_start3A_2707] : memref<1000000x16xf32, #tpu.memory_space<hbm>> -> memref<8x16xf32, #tpu.memory_space<hbm>>
        tpu.enqueue_dma source(%dma_start3A_2708 : memref<8x16xf32, #tpu.memory_space<hbm>>) target(%dma_start3A_2706 : memref<8x16xf32, #tpu.memory_space<vmem>>) target_semaphore(%arg15 : memref<!tpu.dma_semaphore, #tpu.memory_space<semaphore_mem>>)
        %dma_start3A_2709 = arith.constant 216 : i32
        %dma_start3A_2710 = arith.constant 0 : i32
        %dma_start3A_2711 = tpu.memref_slice %arg12[%dma_start3A_2709, %dma_start3A_2710] : memref<256x16xf32, #tpu.memory_space<vmem>> -> memref<8x16xf32, #tpu.memory_space<vmem>>
        %dma_start3A_2712 = arith.constant 0 : i32
        %dma_start3A_2713 = tpu.memref_slice %arg5[%multiple_of3A_2698, %dma_start3A_2712] : memref<1000000x16xf32, #tpu.memory_space<hbm>> -> memref<8x16xf32, #tpu.memory_space<hbm>>
        %dma_start3A_2714 = arith.constant 216 : i32
        %dma_start3A_2715 = arith.constant 0 : i32
        %dma_start3A_2716 = tpu.memref_slice %arg12[%dma_start3A_2714, %dma_start3A_2715] : memref<256x16xf32, #tpu.memory_space<vmem>> -> memref<8x16xf32, #tpu.memory_space<vmem>>
        %dma_start3A_2717 = arith.constant 0 : i32
        %dma_start3A_2718 = tpu.memref_slice %arg5[%multiple_of3A_2698, %dma_start3A_2717] : memref<1000000x16xf32, #tpu.memory_space<hbm>> -> memref<8x16xf32, #tpu.memory_space<hbm>>
        tpu.enqueue_dma source(%dma_start3A_2718 : memref<8x16xf32, #tpu.memory_space<hbm>>) target(%dma_start3A_2716 : memref<8x16xf32, #tpu.memory_space<vmem>>) target_semaphore(%arg17 : memref<!tpu.dma_semaphore, #tpu.memory_space<semaphore_mem>>)
        %slice3A_2719 = vector.extract_strided_slice %get3A_2402 {offsets = [12], sizes = [1], strides = [1]} : vector<16xi32> to vector<1xi32>
        %squeeze3A_2720 = vector.extract %slice3A_2719[0] : i32 from vector<1xi32>
        %slice3A_2721 = vector.extract_strided_slice %get3A_2406 {offsets = [12], sizes = [1], strides = [1]} : vector<16xi32> to vector<1xi32>
        %squeeze3A_2722 = vector.extract %slice3A_2721[0] : i32 from vector<1xi32>
        %multiple_of3A_2723 = tpu.assume_multiple %squeeze3A_2720, 8 : i32
        %multiple_of3A_2724 = tpu.assume_multiple %squeeze3A_2722, 8 : i32
        %dma_start3A_2725 = arith.constant 224 : i32
        %dma_start3A_2726 = arith.constant 0 : i32
        %dma_start3A_2727 = tpu.memref_slice %arg11[%dma_start3A_2725, %dma_start3A_2726] : memref<256x16xf32, #tpu.memory_space<vmem>> -> memref<8x16xf32, #tpu.memory_space<vmem>>
        %dma_start3A_2728 = arith.constant 0 : i32
        %dma_start3A_2729 = tpu.memref_slice %arg4[%multiple_of3A_2723, %dma_start3A_2728] : memref<1000000x16xf32, #tpu.memory_space<hbm>> -> memref<8x16xf32, #tpu.memory_space<hbm>>
        %dma_start3A_2730 = arith.constant 224 : i32
        %dma_start3A_2731 = arith.constant 0 : i32
        %dma_start3A_2732 = tpu.memref_slice %arg11[%dma_start3A_2730, %dma_start3A_2731] : memref<256x16xf32, #tpu.memory_space<vmem>> -> memref<8x16xf32, #tpu.memory_space<vmem>>
        %dma_start3A_2733 = arith.constant 0 : i32
        %dma_start3A_2734 = tpu.memref_slice %arg4[%multiple_of3A_2723, %dma_start3A_2733] : memref<1000000x16xf32, #tpu.memory_space<hbm>> -> memref<8x16xf32, #tpu.memory_space<hbm>>
        tpu.enqueue_dma source(%dma_start3A_2734 : memref<8x16xf32, #tpu.memory_space<hbm>>) target(%dma_start3A_2732 : memref<8x16xf32, #tpu.memory_space<vmem>>) target_semaphore(%arg15 : memref<!tpu.dma_semaphore, #tpu.memory_space<semaphore_mem>>)
        %dma_start3A_2735 = arith.constant 224 : i32
        %dma_start3A_2736 = arith.constant 0 : i32
        %dma_start3A_2737 = tpu.memref_slice %arg12[%dma_start3A_2735, %dma_start3A_2736] : memref<256x16xf32, #tpu.memory_space<vmem>> -> memref<8x16xf32, #tpu.memory_space<vmem>>
        %dma_start3A_2738 = arith.constant 0 : i32
        %dma_start3A_2739 = tpu.memref_slice %arg5[%multiple_of3A_2724, %dma_start3A_2738] : memref<1000000x16xf32, #tpu.memory_space<hbm>> -> memref<8x16xf32, #tpu.memory_space<hbm>>
        %dma_start3A_2740 = arith.constant 224 : i32
        %dma_start3A_2741 = arith.constant 0 : i32
        %dma_start3A_2742 = tpu.memref_slice %arg12[%dma_start3A_2740, %dma_start3A_2741] : memref<256x16xf32, #tpu.memory_space<vmem>> -> memref<8x16xf32, #tpu.memory_space<vmem>>
        %dma_start3A_2743 = arith.constant 0 : i32
        %dma_start3A_2744 = tpu.memref_slice %arg5[%multiple_of3A_2724, %dma_start3A_2743] : memref<1000000x16xf32, #tpu.memory_space<hbm>> -> memref<8x16xf32, #tpu.memory_space<hbm>>
        tpu.enqueue_dma source(%dma_start3A_2744 : memref<8x16xf32, #tpu.memory_space<hbm>>) target(%dma_start3A_2742 : memref<8x16xf32, #tpu.memory_space<vmem>>) target_semaphore(%arg17 : memref<!tpu.dma_semaphore, #tpu.memory_space<semaphore_mem>>)
        %slice3A_2745 = vector.extract_strided_slice %get3A_2402 {offsets = [13], sizes = [1], strides = [1]} : vector<16xi32> to vector<1xi32>
        %squeeze3A_2746 = vector.extract %slice3A_2745[0] : i32 from vector<1xi32>
        %slice3A_2747 = vector.extract_strided_slice %get3A_2406 {offsets = [13], sizes = [1], strides = [1]} : vector<16xi32> to vector<1xi32>
        %squeeze3A_2748 = vector.extract %slice3A_2747[0] : i32 from vector<1xi32>
        %multiple_of3A_2749 = tpu.assume_multiple %squeeze3A_2746, 8 : i32
        %multiple_of3A_2750 = tpu.assume_multiple %squeeze3A_2748, 8 : i32
        %dma_start3A_2751 = arith.constant 232 : i32
        %dma_start3A_2752 = arith.constant 0 : i32
        %dma_start3A_2753 = tpu.memref_slice %arg11[%dma_start3A_2751, %dma_start3A_2752] : memref<256x16xf32, #tpu.memory_space<vmem>> -> memref<8x16xf32, #tpu.memory_space<vmem>>
        %dma_start3A_2754 = arith.constant 0 : i32
        %dma_start3A_2755 = tpu.memref_slice %arg4[%multiple_of3A_2749, %dma_start3A_2754] : memref<1000000x16xf32, #tpu.memory_space<hbm>> -> memref<8x16xf32, #tpu.memory_space<hbm>>
        %dma_start3A_2756 = arith.constant 232 : i32
        %dma_start3A_2757 = arith.constant 0 : i32
        %dma_start3A_2758 = tpu.memref_slice %arg11[%dma_start3A_2756, %dma_start3A_2757] : memref<256x16xf32, #tpu.memory_space<vmem>> -> memref<8x16xf32, #tpu.memory_space<vmem>>
        %dma_start3A_2759 = arith.constant 0 : i32
        %dma_start3A_2760 = tpu.memref_slice %arg4[%multiple_of3A_2749, %dma_start3A_2759] : memref<1000000x16xf32, #tpu.memory_space<hbm>> -> memref<8x16xf32, #tpu.memory_space<hbm>>
        tpu.enqueue_dma source(%dma_start3A_2760 : memref<8x16xf32, #tpu.memory_space<hbm>>) target(%dma_start3A_2758 : memref<8x16xf32, #tpu.memory_space<vmem>>) target_semaphore(%arg15 : memref<!tpu.dma_semaphore, #tpu.memory_space<semaphore_mem>>)
        %dma_start3A_2761 = arith.constant 232 : i32
        %dma_start3A_2762 = arith.constant 0 : i32
        %dma_start3A_2763 = tpu.memref_slice %arg12[%dma_start3A_2761, %dma_start3A_2762] : memref<256x16xf32, #tpu.memory_space<vmem>> -> memref<8x16xf32, #tpu.memory_space<vmem>>
        %dma_start3A_2764 = arith.constant 0 : i32
        %dma_start3A_2765 = tpu.memref_slice %arg5[%multiple_of3A_2750, %dma_start3A_2764] : memref<1000000x16xf32, #tpu.memory_space<hbm>> -> memref<8x16xf32, #tpu.memory_space<hbm>>
        %dma_start3A_2766 = arith.constant 232 : i32
        %dma_start3A_2767 = arith.constant 0 : i32
        %dma_start3A_2768 = tpu.memref_slice %arg12[%dma_start3A_2766, %dma_start3A_2767] : memref<256x16xf32, #tpu.memory_space<vmem>> -> memref<8x16xf32, #tpu.memory_space<vmem>>
        %dma_start3A_2769 = arith.constant 0 : i32
        %dma_start3A_2770 = tpu.memref_slice %arg5[%multiple_of3A_2750, %dma_start3A_2769] : memref<1000000x16xf32, #tpu.memory_space<hbm>> -> memref<8x16xf32, #tpu.memory_space<hbm>>
        tpu.enqueue_dma source(%dma_start3A_2770 : memref<8x16xf32, #tpu.memory_space<hbm>>) target(%dma_start3A_2768 : memref<8x16xf32, #tpu.memory_space<vmem>>) target_semaphore(%arg17 : memref<!tpu.dma_semaphore, #tpu.memory_space<semaphore_mem>>)
        %slice3A_2771 = vector.extract_strided_slice %get3A_2402 {offsets = [14], sizes = [1], strides = [1]} : vector<16xi32> to vector<1xi32>
        %squeeze3A_2772 = vector.extract %slice3A_2771[0] : i32 from vector<1xi32>
        %slice3A_2773 = vector.extract_strided_slice %get3A_2406 {offsets = [14], sizes = [1], strides = [1]} : vector<16xi32> to vector<1xi32>
        %squeeze3A_2774 = vector.extract %slice3A_2773[0] : i32 from vector<1xi32>
        %multiple_of3A_2775 = tpu.assume_multiple %squeeze3A_2772, 8 : i32
        %multiple_of3A_2776 = tpu.assume_multiple %squeeze3A_2774, 8 : i32
        %dma_start3A_2777 = arith.constant 240 : i32
        %dma_start3A_2778 = arith.constant 0 : i32
        %dma_start3A_2779 = tpu.memref_slice %arg11[%dma_start3A_2777, %dma_start3A_2778] : memref<256x16xf32, #tpu.memory_space<vmem>> -> memref<8x16xf32, #tpu.memory_space<vmem>>
        %dma_start3A_2780 = arith.constant 0 : i32
        %dma_start3A_2781 = tpu.memref_slice %arg4[%multiple_of3A_2775, %dma_start3A_2780] : memref<1000000x16xf32, #tpu.memory_space<hbm>> -> memref<8x16xf32, #tpu.memory_space<hbm>>
        %dma_start3A_2782 = arith.constant 240 : i32
        %dma_start3A_2783 = arith.constant 0 : i32
        %dma_start3A_2784 = tpu.memref_slice %arg11[%dma_start3A_2782, %dma_start3A_2783] : memref<256x16xf32, #tpu.memory_space<vmem>> -> memref<8x16xf32, #tpu.memory_space<vmem>>
        %dma_start3A_2785 = arith.constant 0 : i32
        %dma_start3A_2786 = tpu.memref_slice %arg4[%multiple_of3A_2775, %dma_start3A_2785] : memref<1000000x16xf32, #tpu.memory_space<hbm>> -> memref<8x16xf32, #tpu.memory_space<hbm>>
        tpu.enqueue_dma source(%dma_start3A_2786 : memref<8x16xf32, #tpu.memory_space<hbm>>) target(%dma_start3A_2784 : memref<8x16xf32, #tpu.memory_space<vmem>>) target_semaphore(%arg15 : memref<!tpu.dma_semaphore, #tpu.memory_space<semaphore_mem>>)
        %dma_start3A_2787 = arith.constant 240 : i32
        %dma_start3A_2788 = arith.constant 0 : i32
        %dma_start3A_2789 = tpu.memref_slice %arg12[%dma_start3A_2787, %dma_start3A_2788] : memref<256x16xf32, #tpu.memory_space<vmem>> -> memref<8x16xf32, #tpu.memory_space<vmem>>
        %dma_start3A_2790 = arith.constant 0 : i32
        %dma_start3A_2791 = tpu.memref_slice %arg5[%multiple_of3A_2776, %dma_start3A_2790] : memref<1000000x16xf32, #tpu.memory_space<hbm>> -> memref<8x16xf32, #tpu.memory_space<hbm>>
        %dma_start3A_2792 = arith.constant 240 : i32
        %dma_start3A_2793 = arith.constant 0 : i32
        %dma_start3A_2794 = tpu.memref_slice %arg12[%dma_start3A_2792, %dma_start3A_2793] : memref<256x16xf32, #tpu.memory_space<vmem>> -> memref<8x16xf32, #tpu.memory_space<vmem>>
        %dma_start3A_2795 = arith.constant 0 : i32
        %dma_start3A_2796 = tpu.memref_slice %arg5[%multiple_of3A_2776, %dma_start3A_2795] : memref<1000000x16xf32, #tpu.memory_space<hbm>> -> memref<8x16xf32, #tpu.memory_space<hbm>>
        tpu.enqueue_dma source(%dma_start3A_2796 : memref<8x16xf32, #tpu.memory_space<hbm>>) target(%dma_start3A_2794 : memref<8x16xf32, #tpu.memory_space<vmem>>) target_semaphore(%arg17 : memref<!tpu.dma_semaphore, #tpu.memory_space<semaphore_mem>>)
        %slice3A_2797 = vector.extract_strided_slice %get3A_2402 {offsets = [15], sizes = [1], strides = [1]} : vector<16xi32> to vector<1xi32>
        %squeeze3A_2798 = vector.extract %slice3A_2797[0] : i32 from vector<1xi32>
        %slice3A_2799 = vector.extract_strided_slice %get3A_2406 {offsets = [15], sizes = [1], strides = [1]} : vector<16xi32> to vector<1xi32>
        %squeeze3A_2800 = vector.extract %slice3A_2799[0] : i32 from vector<1xi32>
        %multiple_of3A_2801 = tpu.assume_multiple %squeeze3A_2798, 8 : i32
        %multiple_of3A_2802 = tpu.assume_multiple %squeeze3A_2800, 8 : i32
        %dma_start3A_2803 = arith.constant 248 : i32
        %dma_start3A_2804 = arith.constant 0 : i32
        %dma_start3A_2805 = tpu.memref_slice %arg11[%dma_start3A_2803, %dma_start3A_2804] : memref<256x16xf32, #tpu.memory_space<vmem>> -> memref<8x16xf32, #tpu.memory_space<vmem>>
        %dma_start3A_2806 = arith.constant 0 : i32
        %dma_start3A_2807 = tpu.memref_slice %arg4[%multiple_of3A_2801, %dma_start3A_2806] : memref<1000000x16xf32, #tpu.memory_space<hbm>> -> memref<8x16xf32, #tpu.memory_space<hbm>>
        %dma_start3A_2808 = arith.constant 248 : i32
        %dma_start3A_2809 = arith.constant 0 : i32
        %dma_start3A_2810 = tpu.memref_slice %arg11[%dma_start3A_2808, %dma_start3A_2809] : memref<256x16xf32, #tpu.memory_space<vmem>> -> memref<8x16xf32, #tpu.memory_space<vmem>>
        %dma_start3A_2811 = arith.constant 0 : i32
        %dma_start3A_2812 = tpu.memref_slice %arg4[%multiple_of3A_2801, %dma_start3A_2811] : memref<1000000x16xf32, #tpu.memory_space<hbm>> -> memref<8x16xf32, #tpu.memory_space<hbm>>
        tpu.enqueue_dma source(%dma_start3A_2812 : memref<8x16xf32, #tpu.memory_space<hbm>>) target(%dma_start3A_2810 : memref<8x16xf32, #tpu.memory_space<vmem>>) target_semaphore(%arg15 : memref<!tpu.dma_semaphore, #tpu.memory_space<semaphore_mem>>)
        %dma_start3A_2813 = arith.constant 248 : i32
        %dma_start3A_2814 = arith.constant 0 : i32
        %dma_start3A_2815 = tpu.memref_slice %arg12[%dma_start3A_2813, %dma_start3A_2814] : memref<256x16xf32, #tpu.memory_space<vmem>> -> memref<8x16xf32, #tpu.memory_space<vmem>>
        %dma_start3A_2816 = arith.constant 0 : i32
        %dma_start3A_2817 = tpu.memref_slice %arg5[%multiple_of3A_2802, %dma_start3A_2816] : memref<1000000x16xf32, #tpu.memory_space<hbm>> -> memref<8x16xf32, #tpu.memory_space<hbm>>
        %dma_start3A_2818 = arith.constant 248 : i32
        %dma_start3A_2819 = arith.constant 0 : i32
        %dma_start3A_2820 = tpu.memref_slice %arg12[%dma_start3A_2818, %dma_start3A_2819] : memref<256x16xf32, #tpu.memory_space<vmem>> -> memref<8x16xf32, #tpu.memory_space<vmem>>
        %dma_start3A_2821 = arith.constant 0 : i32
        %dma_start3A_2822 = tpu.memref_slice %arg5[%multiple_of3A_2802, %dma_start3A_2821] : memref<1000000x16xf32, #tpu.memory_space<hbm>> -> memref<8x16xf32, #tpu.memory_space<hbm>>
        tpu.enqueue_dma source(%dma_start3A_2822 : memref<8x16xf32, #tpu.memory_space<hbm>>) target(%dma_start3A_2820 : memref<8x16xf32, #tpu.memory_space<vmem>>) target_semaphore(%arg17 : memref<!tpu.dma_semaphore, #tpu.memory_space<semaphore_mem>>)
      } else {
      }
    }
    %scan3A_1858 = arith.constant 16 : i32
    "tpu.region"() ({
      %run_scoped3A = tpu.sem_alloc : memref<!tpu.dma_semaphore, #tpu.memory_space<semaphore_mem>>
      %dma_start3A_1859 = tpu.memref_slice %arg6[%mul3A_2] : memref<16384xf32, #tpu.memory_space<hbm>> -> memref<512xf32, #tpu.memory_space<hbm>>
      %dma_start3A_1860 = tpu.memref_slice %arg6[%mul3A_2] : memref<16384xf32, #tpu.memory_space<hbm>> -> memref<512xf32, #tpu.memory_space<hbm>>
      tpu.enqueue_dma source(%arg13 : memref<512xf32, #tpu.memory_space<vmem>>) target(%dma_start3A_1860 : memref<512xf32, #tpu.memory_space<hbm>>) target_semaphore(%run_scoped3A : memref<!tpu.dma_semaphore, #tpu.memory_space<semaphore_mem>>)
      %dma_wait3A_1861 = tpu.memref_slice %arg6[%mul3A_2] : memref<16384xf32, #tpu.memory_space<hbm>> -> memref<512xf32, #tpu.memory_space<hbm>>
      %dma_wait3A_1862 = tpu.memref_slice %arg6[%mul3A_2] : memref<16384xf32, #tpu.memory_space<hbm>> -> memref<512xf32, #tpu.memory_space<hbm>>
      tpu.wait_dma2 semaphore(%run_scoped3A : memref<!tpu.dma_semaphore, #tpu.memory_space<semaphore_mem>>) src(%arg13 : memref<512xf32, #tpu.memory_space<vmem>>) dst(%dma_wait3A_1862 : memref<512xf32, #tpu.memory_space<hbm>>)
      tpu.yield
    }) : () -> ()
    return
  }
}

</mosaic_0001>

<sc_bundles>
// kernel: kernel.3.cloned.1.call-start
scs
__scs_entry_jumppad:
0x0: {  	(pc) =	sbr.rel $0x88, $3  }
0x1: {  	(tag) =	ssettag $0x0;
	lr =	simm.s32 $0x1  }
0x2: {  	[smem:$0x3F9D] =	sst lr;
	_ =	strace $0xD0000000  }
0x3: {  	_ = 	snop  }
0x4: {  	_ = 	snop  }
0x5: {  	_ = 	snop  }
0x6: {  	_ = 	snop  }
0x7: {  	_ = 	snop  }
__scs_overlays_trampoline_lowered:
0x8: {  	[smem:$0x3FAC] =	sst s0  }
0x9: {  	[smem:$0x3FAD] =	sst s1  }
0xa: {  	[smem:$0x3FAE] =	sst s2  }
0xb: {  	[smem:$0x3FAF] =	sst s3  }
0xc: {  	[smem:$0x3FB0] =	sst s4  }
0xd: {  	[smem:$0x3FB1] =	sst s5  }
0xe: {  	[smem:$0x3FB2] =	sst s6  }
0xf: {  	[smem:$0x3FB3] =	sst s7  }
0x10: {  	[smem:$0x3FB4] =	sst s8  }
0x11: {  	[smem:$0x3FB5] =	sst s9;
	s0 =	simm.s32 @!p0 $0x0  }
0x12: {  	s1 =	sld [smem:$0x3F9B];
	s0 =	simm.s32 @p0 $0x1  }
0x13: {  	[smem:$0x3FB6] =	sst s0;
	s0 =	simm.s32 @!p1 $0x0  }
0x14: {  	s2 =	sld [smem:$0x3F9A];
	s0 =	simm.s32 @p1 $0x1  }
0x15: {  	[smem:$0x3FB7] =	sst s0;
	s0 =	simm.s32 @!p2 $0x0  }
0x16: {  	s3 =	sld [smem:$0x3FDB];
	s0 =	simm.s32 @p2 $0x1  }
0x17: {  	s4 =	simm.s32 $0x1BF5;
	[smem:$0x3FB9] =	sst s0  }
0x18: {  	s0 =	sld [smem:$0x3F9C];
	_ =	swait.ge [sflag:s4], $0x0  }
0x19: {  	s7 =	sld [smem:$0x3F9D]  }
0x1a: {  	s8 =	sadd.s32 $0xFFFFE003, lr  }
0x1b: {  	s9 =	sadd.s32 $0xFFFFFEF7, lr;
	s5 =	simm.s32 $0xFFFFFFFF;
	p2 =	slt.u32 s8, $0xFFFFF086  }
0x1c: {  	p1 =	slt.u32 s9, $0xF7A;
	s5 =	simm.s32 @!p2 $0x0  }
0x1d: {  	s5 =	simm.s32 @p1 $0x1;
	p0 =	seq.s32 s7, s2  }
0x1e: {  	s7 =	smul.u32 @!p0 $0xF7A, s2;
	p2 =	seq.s32 @!p0 s5, $0x0  }
0x1f: {  	s9 =	smul.u32 $0xF7A, s1;
	s8 =	simm.s32 @!p0 $0x1BF5;
	p2 =	por !p2, p0  }
0x20: {  	[sflag:s8] =	ssyncset.s32 @!p0 $0xFFFFF086;
	s6 =	sadd.s32 @!p0 s3, s7;
	s7 =	simm.s32 @!p0 $0x108  }
0x21: {  	s3 =	sadd.s32 s3, s9;
	s6 =	sadd.s32 @!p0 $0x88, s6;
	s7 =	simm.s32 @p2 $0x1082  }
0x22: {  	[simem:s7], [sflag:s8] =	dma.local @!p0 [hbm:s6], $0xF7A  }
0x23: {  	s9 =	sor.u32 $0xD0000000, s2;
	s6 =	simm.s32 $0x108;
	_ =	swait.ge @!p0 [sflag:s8], $0x0  }
0x24: {  	s3 =	sadd.s32 $0x88, s3;
	s6 =	simm.s32 @!p1 $0x1082;
	[sflag:s4] =	ssyncset.s32 $0xFFFFF086  }
0x25: {  	[simem:s6], [sflag:s4] =	dma.local [hbm:s3], $0xF7A  }
0x26: {  	[smem:$0x3F9D] =	sst s1;
	(tag) =	ssettag s2;
	_ =	strace s9  }
0x27: {  	s1 =	sld [smem:$0x3FAD]  }
0x28: {  	s2 =	sld [smem:$0x3FAE]  }
0x29: {  	s4 =	sld [smem:$0x3FB0]  }
0x2a: {  	p0 =	seq.s32 s5, $0x0;
	s5 =	sld [smem:$0x3FB1]  }
0x2b: {  	s6 =	sld [smem:$0x3FB2]  }
0x2c: {  	s7 =	sld [smem:$0x3FB3]  }
0x2d: {  	s3 =	simm.s32 $0x108;
	s8 =	sld [smem:$0x3FB4]  }
0x2e: {  	s3 =	simm.s32 @!p0 $0x1082;
	s9 =	sld [smem:$0x3FB5]  }
0x2f: {  	lr =	sadd.s32 s0, s3;
	s0 =	sld [smem:$0x3FAC]  }
0x30: {  	s3 =	sld [smem:$0x3FAF]  }
0x31: {  	[smem:$0x3FB8] =	sst s10  }
0x32: {  	s10 =	sld [smem:$0x3FB6];
	_ =	sdelay $0x3  }
0x33: {  	p0 =	seq.s32 s10, $0x1;
	s10 =	sld [smem:$0x3FB8];
	_ =	sdelay $0x3  }
0x34: {  	[smem:$0x3FB8] =	sst s10  }
0x35: {  	s10 =	sld [smem:$0x3FB7];
	_ =	sdelay $0x3  }
0x36: {  	p1 =	seq.s32 s10, $0x1;
	s10 =	sld [smem:$0x3FB8];
	_ =	sdelay $0x3  }
0x37: {  	[smem:$0x3FB8] =	sst s10  }
0x38: {  	s10 =	sld [smem:$0x3FB9]  }
0x39: {  	_ = 	snop;
	(pc) =	sbr.ind lr, $3  }
0x3a: {  	_ = 	snop  }
0x3b: {  	_ = 	snop  }
0x3c: {  	p2 =	seq.s32 s10, $0x1;
	s10 =	sld [smem:$0x3FB8]  }
0x3d: {  	_ =	shalt  }
0x3e: {  	_ =	shalt  }
0x3f: {  	_ =	shalt  }
0x40: {  	_ =	shalt  }
0x41: {  	_ =	shalt  }
0x42: {  	_ =	shalt  }
0x43: {  	_ =	shalt  }
0x44: {  	_ =	shalt  }
0x45: {  	_ =	shalt  }
0x46: {  	_ =	shalt  }
0x47: {  	_ =	shalt  }
0x48: {  	_ =	shalt  }
0x49: {  	_ =	shalt  }
0x4a: {  	_ =	shalt  }
0x4b: {  	_ =	shalt  }
0x4c: {  	_ =	shalt  }
0x4d: {  	_ =	shalt  }
0x4e: {  	_ =	shalt  }
0x4f: {  	_ =	shalt  }
0x50: {  	_ =	shalt  }
0x51: {  	_ =	shalt  }
0x52: {  	_ =	shalt  }
0x53: {  	_ =	shalt  }
0x54: {  	_ =	shalt  }
0x55: {  	_ =	shalt  }
0x56: {  	_ =	shalt  }
0x57: {  	_ =	shalt  }
0x58: {  	_ =	shalt  }
0x59: {  	_ =	shalt  }
0x5a: {  	_ =	shalt  }
0x5b: {  	_ =	shalt  }
0x5c: {  	_ =	shalt  }
0x5d: {  	_ =	shalt  }
0x5e: {  	_ =	shalt  }
0x5f: {  	_ =	shalt  }
0x60: {  	_ =	shalt  }
0x61: {  	_ =	shalt  }
0x62: {  	_ =	shalt  }
0x63: {  	_ =	shalt  }
0x64: {  	_ =	shalt  }
0x65: {  	_ =	shalt  }
0x66: {  	_ =	shalt  }
0x67: {  	_ =	shalt  }
0x68: {  	_ =	shalt  }
0x69: {  	_ =	shalt  }
0x6a: {  	_ =	shalt  }
0x6b: {  	_ =	shalt  }
0x6c: {  	_ =	shalt  }
0x6d: {  	_ =	shalt  }
0x6e: {  	_ =	shalt  }
0x6f: {  	_ =	shalt  }
0x70: {  	_ =	shalt  }
0x71: {  	_ =	shalt  }
0x72: {  	_ =	shalt  }
0x73: {  	_ =	shalt  }
0x74: {  	_ =	shalt  }
0x75: {  	_ =	shalt  }
0x76: {  	_ =	shalt  }
0x77: {  	_ =	shalt  }
0x78: {  	_ =	shalt  }
0x79: {  	_ =	shalt  }
0x7a: {  	_ =	shalt  }
0x7b: {  	_ =	shalt  }
0x7c: {  	_ =	shalt  }
0x7d: {  	_ =	shalt  }
0x7e: {  	_ =	shalt  }
0x7f: {  	_ =	shalt  }
0x80: {  	_ =	shalt  }
0x81: {  	_ =	shalt  }
0x82: {  	_ =	shalt  }
0x83: {  	_ =	shalt  }
0x84: {  	_ =	shalt  }
0x85: {  	_ =	shalt  }
0x86: {  	_ =	shalt  }
0x87: {  	_ =	shalt  }
.Lfunc_end0:
.L_simem_size_0:
called_computation_lowered:
.L_overlay_start_0:
0x88: {  	s2 =	sld [smem:$0x3FD9]  }
0x89: {  	s3 =	sld [smem:$0x3FFE];
	_ =	sdelay $0x1  }
0x8a: {  	s1 =	srdreg.scid  }
0x8b: {  	s0 =	sand.u32 $0x1, s1  }
0x8c: {  	s17 =	sshll.u32 s0, $0xA;
	s2 =	sadd.s32 s3, s2  }
0x8d: {  	s2 =	sadd.s32 s2, s17  }
0x8e: {  	[smem:$0x3FC4] =	sst s2  }
0x8f: {  	_ = 	snop  }
0x90: {  	s2 =	sld [smem:$0x3FC9]  }
0x91: {  	s18 =	sld [smem:$0x3FC8]  }
0x92: {  	s4 =	sld [smem:$0x3FD0];
	(tm) =	ssettm $0x1  }
0x93: {  	s5 =	sld [smem:$0x3FFB];
	_ =	sdelay $0x3  }
0x94: {  	_ =	strace s5  }
0x95: {  	s5 =	sld [smem:$0x3FFC];
	_ =	sdelay $0x3  }
0x96: {  	_ =	strace s5  }
0x97: {  	s5 =	sld [smem:$0x3FFD];
	_ =	sdelay $0x3  }
0x98: {  	_ =	strace s5  }
0x99: {  	_ =	strace $0x8FFFFFFF  }
0x9a: {  	s19 =	sld [smem:$0x3FDB];
	_ =	sdelay $0x1  }
0x9b: {  	s6 =	simm.s32 $_scs_section_size  }
0x9c: {  	s7 =	simm.s32 $_size__tile_overlayer_lowered;
	s8 =	simm.s32 $_tile_overlayer_lowered  }
0x9d: {  	s22 =	simm.s32 $0x1BFF;
	s21 =	sshll.u32 s8, $0x1;
	s5 =	sadd.s32 s6, s19  }
0x9e: {  	s9 =	simm.s32 $0x0;
	s20 =	sshll.u32 s7, $0x1;
	s7 =	sadd.s32 s21, s5  }
0x9f: {  	[timem:s9], [sflag:s22] =	dma.local [hbm:s7], s20  }
0xa0: {  	_ =	swait.ge [sflag:s22], s20  }
0xa1: {  	s6 =	ssub.s32 $0x0, s20;
	[sflag:s22] =	ssyncset.done $0x0  }
0xa2: {  	[sflag:s22] =	ssyncadd.s32 s6;
	_ =	sdelay $0x1  }
0xa3: {  	s23 =	simm.s32 $0x1B8B  }
0xa4: {  	_ =	swait.ge [sflag:s23], $0x1  }
0xa5: {  	[sflag:s23] =	ssyncset.done $0x0  }
0xa6: {  	s25 =	simm.s32 $0x1B8E;
	s24 =	sld [smem:$0x3FFE];
	[sflag:s23] =	ssyncadd.s32 $0xFFFFFFFF  }
0xa7: {  	s26 =	simm.s32 $execute0_lowered;
	[smem:$0x3FD2] =	sst s25  }
0xa8: {  	s7 =	sshll.u32 s26, $0x1;
	_ =	strace $0x80000046;
	[dreg:$0x1] =	wrdreg $0xFFFFFFFF  }
0xa9: {  	s28 =	simm.s32 $_size_execute0_lowered;
	s5 =	sadd.s32 s5, s7;
	[dreg:$0x0] =	wrdreg $0x0  }
0xaa: {  	s7 =	sshll.u32 s28, $0x1;
	[dreg:$0x2] =	wrdreg s5  }
0xab: {  	[dreg:$0x3] =	wrdreg s7  }
0xac: {  	[dreg:$0x4] =	wrdreg $0xC0  }
0xad: {  	_ =	task [dreg:s9], $0x5FFFF  }
0xae: {  	[dreg:$0x1] =	wrdreg $0xFFFFFFFF  }
0xaf: {  	[dreg:$0x0] =	wrdreg $0x60  }
0xb0: {  	[dreg:$0x2] =	wrdreg s2  }
0xb1: {  	[dreg:$0x3] =	wrdreg s18  }
0xb2: {  	[dreg:$0x4] =	wrdreg s24  }
0xb3: {  	[dreg:$0x5] =	wrdreg s4  }
0xb4: {  	[dreg:$0x6] =	wrdreg $0x9  }
0xb5: {  	_ =	task.clear_ibuf [dreg:s9], $0x7FFFF;
	_ =	strace $0x90000046  }
0xb6: {  	s29 =	simm.s32 $0x9;
	_ =	strace $0x80000048  }
0xb7: {  	_ =	swait.ge [sflag:s29], $0x1  }
0xb8: {  	[sflag:s29] =	ssyncadd.s32 $0xFFFFFFFF  }
0xb9: {  	_ =	strace $0x90000048  }
0xba: {  	_ =	sfence  }
0xbb: {  	s30 =	sld [smem:$0x0];
	_ =	sdelay $0x2  }
0xbc: {  	s31 =	sshll.u32 s1, $0xD;
	s1 =	sshrl.u32 s1, $0x2  }
0xbd: {  	s3 =	sand.u32 $0x4000, s31;
	s1 =	sadd.s32 s1, s30  }
0xbe: {  	s0 =	sor.u32 s3, s0;
	s1 =	sshll.u32 s1, $0x11  }
0xbf: {  	s0 =	sor.u32 s1, s0  }
0xc0: {  	s0 =	sadd.s32 $0x8F2B, s0  }
0xc1: {  	[sflag:s0] =	ssyncadd.remote.s32 $0x1  }
0xc2: {  	_ =	sfence.sel $0xFFFF  }
0xc3: {  	[dreg:$0x0] =	wrdreg $0xFFFFFFFF;
	(pc) =	sbr.abs _section_cstart, $3  }
0xc4: {  	[dreg:$0x1] =	wrdreg $0xFFFFFFFF  }
0xc5: {  	_ =	task.clear_ibuf [dreg:s9], $0x2FFFF;
	_ =	strace $0x9FFFFFFF  }
0xc6: {  	(tm) =	ssettm $0x7FFFFFFF  }
0xc7: {  	_ =	shalt  }
tec
execute0_lowered:
.L_overlay_start_1:
0x0: {  	(tag) =	ssettag $0x1  }
0x1: {  	s0 =	rddreg [dreg:$0x0]  }
0x2: {  	s2 =	rddreg [dreg:$0x1]  }
0x3: {  	s4 =	rddreg [dreg:$0x2]  }
0x4: {  	s5 =	rddreg [dreg:$0x3];
	s1 =	simm.s32 $0x0  }
0x5: {  	s6 =	srdreg.scid;
	s8 =	stileid.u32;
	s10 =	simm.s32 $0xE400  }
0x6: {  	s11 =	simm.s32 $0x6800;
	s12 =	simm.s32 $0xE800;
	s13 =	simm.s32 $0x6C00  }
0x7: {  	s14 =	simm.s32 $0xEC00;
	s28 =	simm.s32 $0x7400;
	s29 =	simm.s32 $0xF400  }
0x8: {  	s30 =	simm.s32 $0x7800;
	s31 =	simm.s32 $0x7C00;
	s15 =	simm.s32 $0x10000  }
0x9: {  	s16 =	simm.s32 $0x8400;
	s17 =	simm.s32 $0x10400;
	[smem:$0x7FF] =	sst s1  }
0xa: {  	s3 =	sadd.s32 $0x400, s4;
	s6 =	sand.u32 $0x1, s6;
	s8 =	sshll.u32 s8, $0x7  }
0xb: {  	s4 =	sadd.s32 $0xF42800, s4;
	s7 =	ssub.s32 $0x2, s6;
	s6 =	sshll.u32 s6, $0x6  }
0xc: {  	_ =	strace $0x80000047;
	s9 =	sshrl.u32 s7, $0x1;
	s6 =	sor.u32 s6, s8  }
0xd: {  	s7 =	ssub.s32 s7, s9;
	s8 =	sadd.s32 s0, s6;
	s18 =	sor.u32 $0x10, s6  }
0xe: {  	s19 =	sadd.s32 s2, s6;
	s21 =	sor.u32 $0x20, s6;
	[dreg:$0x5] =	wrdreg s8  }
0xf: {  	s23 =	sor.u32 $0x30, s6;
	s25 =	sadd.s32 s5, s6;
	[dreg:$0x6] =	wrdreg s19  }
0x10: {  	s20 =	sadd.s32 s0, s18;
	s8 =	sadd.s32 s2, s18;
	[dreg:$0xd] =	wrdreg s25  }
0x11: {  	s22 =	sadd.s32 s0, s21;
	s9 =	sadd.s32 s2, s21;
	[dreg:$0x7] =	wrdreg s20  }
0x12: {  	s0 =	sadd.s32 s0, s23;
	s24 =	sadd.s32 s2, s23;
	[dreg:$0x8] =	wrdreg s8  }
0x13: {  	s26 =	smax.u32 s7, $0x1;
	s23 =	simm.s32 $0x800;
	[dreg:$0x9] =	wrdreg s22  }
0x14: {  	s7 =	simm.s32 $0x4800;
	s25 =	simm.s32 $0x7000;
	[dreg:$0xa] =	wrdreg s9  }
.Ltmp0:
0x15: {  	s2 =	simm.s32 $0x8000;
	[dreg:$0xb] =	wrdreg s0;
	(pc) =	sbr.rel .LBB2_1-.Ltmp0, $4  }
0x16: {  	s18 =	simm.s32 $0x1;
	s19 =	simm.s32 $0x3;
	[dreg:$0xc] =	wrdreg s24  }
0x17: {  	s21 =	simm.s32 $0x4;
	[dreg:$0xe] =	wrdreg s26;
	s24 =	simm.s32 $0x8800  }
0x18: {  	v0 =	vlaneseq.u32;
	s8 =	simm.s32 $0xC800;
	s26 =	simm.s32 $0xF000;
	s22 =	simm.s32 $0xF800  }
0x19: {  	v0 =	vmul.u32 $0x400, v0;
	s0 =	simm.s32 $0xFC00;
	s20 =	simm.s32 $0x2;
	s9 =	simm.s32 $0x0  }
.LBB2_6:
0x1a: {  	s5 =	rddreg [dreg:$0xd];
	s6 =	simm.s32 $0x10800  }
0x1b: {  	[hbm4b:s5+s1] =	stream.linear.scatter [tilespmem:s6], [sflag:$0x6], $0x200, $0x38;
	[tilespmem:$0x10A00] =	vst v63  }
0x1c: {  	s6 =	simm.s32 $0x6  }
0x1d: {  	_ =	swait.ge [sflag:s6], $0x200  }
0x1e: {  	s9 =	rddreg [dreg:$0xf]  }
0x1f: {  	s5 =	rddreg [dreg:$0xe];
	s9 =	sadd.s32 $0x1, s9  }
0x20: {  	p0 =	sne.s32 s9, s5  }
.Ltmp1:
0x21: {  	_ = 	snop;
	(pc) =	sbr.rel @!p0 .LBB2_7-.Ltmp1, $3  }
0x22: {  	_ =	sdelay $0x1  }
0x23: {  	[sflag:s6] =	ssyncset.done $0x0  }
0x24: {  	[sflag:s6] =	ssyncadd.s32 $0xFFFFFE00  }
.LBB2_1:
0x25: {  	[dreg:$0xf] =	wrdreg s9  }
0x26: {  	s5 =	rddreg [dreg:$0x5]  }
0x27: {  	[tilespmem:s1], [sflag:$0x5] =	stream.linear.gather [hbm4b:s5+s1], $0x80, $0x38;
	[tilespmem:$0x10A00] =	vst v63  }
0x28: {  	s9 =	rddreg [dreg:$0x6];
	s6 =	simm.s32 $0x200  }
0x29: {  	[tilespmem:s6], [sflag:$0x5] =	stream.linear.gather [hbm4b:s9+s1], $0x80, $0x38;
	[tilespmem:$0x10A00] =	vst v63  }
0x2a: {  	s6 =	rddreg [dreg:$0x7];
	s9 =	simm.s32 $0x80  }
0x2b: {  	[tilespmem:s9], [sflag:$0x5] =	stream.linear.gather [hbm4b:s6+s1], $0x80, $0x38;
	[tilespmem:$0x10A00] =	vst v63  }
0x2c: {  	s6 =	rddreg [dreg:$0x8];
	s9 =	simm.s32 $0x280  }
0x2d: {  	[tilespmem:s9], [sflag:$0x5] =	stream.linear.gather [hbm4b:s6+s1], $0x80, $0x38;
	[tilespmem:$0x10A00] =	vst v63  }
0x2e: {  	s6 =	rddreg [dreg:$0x9];
	s9 =	simm.s32 $0x100  }
0x2f: {  	[tilespmem:s9], [sflag:$0x5] =	stream.linear.gather [hbm4b:s6+s1], $0x80, $0x38;
	[tilespmem:$0x10A00] =	vst v63  }
0x30: {  	s6 =	rddreg [dreg:$0xa];
	s9 =	simm.s32 $0x300  }
0x31: {  	[tilespmem:s9], [sflag:$0x5] =	stream.linear.gather [hbm4b:s6+s1], $0x80, $0x38;
	[tilespmem:$0x10A00] =	vst v63  }
0x32: {  	s6 =	rddreg [dreg:$0xb];
	s9 =	simm.s32 $0x180  }
0x33: {  	[tilespmem:s9], [sflag:$0x5] =	stream.linear.gather [hbm4b:s6+s1], $0x80, $0x38;
	[tilespmem:$0x10A00] =	vst v63  }
0x34: {  	s6 =	rddreg [dreg:$0xc];
	s9 =	simm.s32 $0x380  }
0x35: {  	[tilespmem:s9], [sflag:$0x5] =	stream.linear.gather [hbm4b:s6+s1], $0x80, $0x38;
	[tilespmem:$0x10A00] =	vst v63  }
0x36: {  	s9 =	simm.s32 $0x5  }
0x37: {  	_ =	swait.ge [sflag:s9], $0x80  }
0x38: {  	[sflag:s9] =	ssyncset.done $0x0  }
0x39: {  	[sflag:s9] =	ssyncadd.s32 $0xFFFFFF80  }
0x3a: {  	_ =	swait.ge [sflag:s9], $0x80  }
0x3b: {  	[sflag:s9] =	ssyncset.done $0x0  }
0x3c: {  	[sflag:s9] =	ssyncadd.s32 $0xFFFFFF80  }
0x3d: {  	_ =	swait.ge [sflag:s9], $0x80  }
0x3e: {  	[sflag:s9] =	ssyncset.done $0x0  }
0x3f: {  	[sflag:s9] =	ssyncadd.s32 $0xFFFFFF80  }
0x40: {  	_ =	swait.ge [sflag:s9], $0x80  }
0x41: {  	[sflag:s9] =	ssyncset.done $0x0  }
0x42: {  	[sflag:s9] =	ssyncadd.s32 $0xFFFFFF80  }
0x43: {  	_ =	swait.ge [sflag:s9], $0x80  }
0x44: {  	[sflag:s9] =	ssyncset.done $0x0  }
0x45: {  	[sflag:s9] =	ssyncadd.s32 $0xFFFFFF80  }
0x46: {  	_ =	swait.ge [sflag:s9], $0x80  }
0x47: {  	[sflag:s9] =	ssyncset.done $0x0  }
0x48: {  	[sflag:s9] =	ssyncadd.s32 $0xFFFFFF80  }
0x49: {  	_ =	swait.ge [sflag:s9], $0x80  }
0x4a: {  	[sflag:s9] =	ssyncset.done $0x0  }
0x4b: {  	[sflag:s9] =	ssyncadd.s32 $0xFFFFFF80  }
0x4c: {  	_ =	swait.ge [sflag:s9], $0x80  }
0x4d: {  	[sflag:s9] =	ssyncset.done $0x0  }
0x4e: {  	[sflag:s9] =	ssyncadd.s32 $0xFFFFFF80  }
0x4f: {  	v1 =	vld [tilespmem:$0x0]  }
0x50: {  	v2 =	vld [tilespmem:$0x200];
	_ =	sdelay $0x2  }
0x51: {  	v3 =	vld [tilespmem:$0x10]  }
0x52: {  	v5 =	vld [tilespmem:$0x210];
	v4 =	vand.u32 $0xFFFFFFF8, v1  }
0x53: {  	v30 =	vand.u32 $0xFFFFFFF8, v2;
	[tilespmem:$0x400] =	vst v4  }
0x54: {  	v1 =	vand.u32 $0x7, v1;
	[tilespmem:$0x600] =	vst v30  }
0x55: {  	[tilespmem:$0x0] =	vst v1;
	v1 =	vand.u32 $0x7, v2;
	v2 =	vld [tilespmem:$0x20]  }
0x56: {  	v31 =	vld [tilespmem:$0x220];
	[tilespmem:$0x200] =	vst v1;
	v1 =	vand.u32 $0xFFFFFFF8, v3  }
0x57: {  	[tilespmem:$0x410] =	vst v1;
	v1 =	vand.u32 $0xFFFFFFF8, v5  }
0x58: {  	[tilespmem:$0x610] =	vst v1;
	v1 =	vand.u32 $0x7, v3  }
0x59: {  	v3 =	vld [tilespmem:$0x30];
	[tilespmem:$0x10] =	vst v1;
	v1 =	vand.u32 $0x7, v5  }
0x5a: {  	v32 =	vld [tilespmem:$0x230];
	[tilespmem:$0x210] =	vst v1;
	v1 =	vand.u32 $0xFFFFFFF8, v2  }
0x5b: {  	[tilespmem:$0x420] =	vst v1;
	v1 =	vand.u32 $0xFFFFFFF8, v31  }
0x5c: {  	[tilespmem:$0x620] =	vst v1;
	v1 =	vand.u32 $0x7, v2  }
0x5d: {  	v2 =	vld [tilespmem:$0x40];
	[tilespmem:$0x20] =	vst v1;
	v1 =	vand.u32 $0x7, v31  }
0x5e: {  	v33 =	vld [tilespmem:$0x240];
	[tilespmem:$0x220] =	vst v1;
	v1 =	vand.u32 $0xFFFFFFF8, v3  }
0x5f: {  	[tilespmem:$0x430] =	vst v1;
	v1 =	vand.u32 $0xFFFFFFF8, v32  }
0x60: {  	[tilespmem:$0x630] =	vst v1;
	v1 =	vand.u32 $0x7, v3  }
0x61: {  	v3 =	vld [tilespmem:$0x50];
	[tilespmem:$0x30] =	vst v1;
	v1 =	vand.u32 $0x7, v32  }
0x62: {  	v34 =	vld [tilespmem:$0x250];
	[tilespmem:$0x230] =	vst v1;
	v1 =	vand.u32 $0xFFFFFFF8, v2  }
0x63: {  	[tilespmem:$0x440] =	vst v1;
	v1 =	vand.u32 $0xFFFFFFF8, v33  }
0x64: {  	[tilespmem:$0x640] =	vst v1;
	v1 =	vand.u32 $0x7, v2  }
0x65: {  	v2 =	vld [tilespmem:$0x60];
	[tilespmem:$0x40] =	vst v1;
	v1 =	vand.u32 $0x7, v33  }
0x66: {  	v35 =	vld [tilespmem:$0x260];
	[tilespmem:$0x240] =	vst v1;
	v1 =	vand.u32 $0xFFFFFFF8, v3  }
0x67: {  	[tilespmem:$0x450] =	vst v1;
	v1 =	vand.u32 $0xFFFFFFF8, v34  }
0x68: {  	[tilespmem:$0x650] =	vst v1;
	v1 =	vand.u32 $0x7, v3  }
0x69: {  	v3 =	vld [tilespmem:$0x70];
	[tilespmem:$0x50] =	vst v1;
	v1 =	vand.u32 $0x7, v34  }
0x6a: {  	v36 =	vld [tilespmem:$0x270];
	[tilespmem:$0x250] =	vst v1;
	v1 =	vand.u32 $0xFFFFFFF8, v2  }
0x6b: {  	[tilespmem:$0x460] =	vst v1;
	v1 =	vand.u32 $0xFFFFFFF8, v35  }
0x6c: {  	[tilespmem:$0x660] =	vst v1;
	v1 =	vand.u32 $0x7, v2  }
0x6d: {  	v2 =	vld [tilespmem:$0x80];
	[tilespmem:$0x60] =	vst v1;
	v1 =	vand.u32 $0x7, v35  }
0x6e: {  	v37 =	vld [tilespmem:$0x280];
	[tilespmem:$0x260] =	vst v1;
	v1 =	vand.u32 $0xFFFFFFF8, v3  }
0x6f: {  	[tilespmem:$0x470] =	vst v1;
	v1 =	vand.u32 $0xFFFFFFF8, v36  }
0x70: {  	[tilespmem:$0x670] =	vst v1;
	v1 =	vand.u32 $0x7, v3  }
0x71: {  	v3 =	vld [tilespmem:$0x90];
	[tilespmem:$0x70] =	vst v1;
	v1 =	vand.u32 $0x7, v36  }
0x72: {  	v38 =	vld [tilespmem:$0x290];
	[tilespmem:$0x270] =	vst v1;
	v1 =	vand.u32 $0xFFFFFFF8, v2  }
0x73: {  	[tilespmem:$0x480] =	vst v1;
	v1 =	vand.u32 $0xFFFFFFF8, v37  }
0x74: {  	[tilespmem:$0x680] =	vst v1;
	v1 =	vand.u32 $0x7, v2  }
0x75: {  	v2 =	vld [tilespmem:$0xA0];
	[tilespmem:$0x80] =	vst v1;
	v1 =	vand.u32 $0x7, v37  }
0x76: {  	v39 =	vld [tilespmem:$0x2A0];
	[tilespmem:$0x280] =	vst v1;
	v1 =	vand.u32 $0xFFFFFFF8, v3  }
0x77: {  	[tilespmem:$0x490] =	vst v1;
	v1 =	vand.u32 $0xFFFFFFF8, v38  }
0x78: {  	[tilespmem:$0x690] =	vst v1;
	v1 =	vand.u32 $0x7, v3  }
0x79: {  	v3 =	vld [tilespmem:$0xB0];
	[tilespmem:$0x90] =	vst v1;
	v1 =	vand.u32 $0x7, v38  }
0x7a: {  	v40 =	vld [tilespmem:$0x2B0];
	[tilespmem:$0x290] =	vst v1;
	v1 =	vand.u32 $0xFFFFFFF8, v2  }
0x7b: {  	[tilespmem:$0x4A0] =	vst v1;
	v1 =	vand.u32 $0xFFFFFFF8, v39  }
0x7c: {  	[tilespmem:$0x6A0] =	vst v1;
	v1 =	vand.u32 $0x7, v2  }
0x7d: {  	v2 =	vld [tilespmem:$0xC0];
	[tilespmem:$0xA0] =	vst v1;
	v1 =	vand.u32 $0x7, v39  }
0x7e: {  	v41 =	vld [tilespmem:$0x2C0];
	[tilespmem:$0x2A0] =	vst v1;
	v1 =	vand.u32 $0xFFFFFFF8, v3  }
0x7f: {  	[tilespmem:$0x4B0] =	vst v1;
	v1 =	vand.u32 $0xFFFFFFF8, v40  }
0x80: {  	[tilespmem:$0x6B0] =	vst v1;
	v1 =	vand.u32 $0x7, v3  }
0x81: {  	v3 =	vld [tilespmem:$0xD0];
	[tilespmem:$0xB0] =	vst v1;
	v1 =	vand.u32 $0x7, v40  }
0x82: {  	v42 =	vld [tilespmem:$0x2D0];
	[tilespmem:$0x2B0] =	vst v1;
	v1 =	vand.u32 $0xFFFFFFF8, v2  }
0x83: {  	[tilespmem:$0x4C0] =	vst v1;
	v1 =	vand.u32 $0xFFFFFFF8, v41  }
0x84: {  	[tilespmem:$0x6C0] =	vst v1;
	v1 =	vand.u32 $0x7, v2  }
0x85: {  	v2 =	vld [tilespmem:$0xE0];
	[tilespmem:$0xC0] =	vst v1;
	v1 =	vand.u32 $0x7, v41  }
0x86: {  	v43 =	vld [tilespmem:$0x2E0];
	[tilespmem:$0x2C0] =	vst v1;
	v1 =	vand.u32 $0xFFFFFFF8, v3  }
0x87: {  	[tilespmem:$0x4D0] =	vst v1;
	v1 =	vand.u32 $0xFFFFFFF8, v42  }
0x88: {  	[tilespmem:$0x6D0] =	vst v1;
	v1 =	vand.u32 $0x7, v3  }
0x89: {  	v3 =	vld [tilespmem:$0xF0];
	[tilespmem:$0xD0] =	vst v1;
	v1 =	vand.u32 $0x7, v42  }
0x8a: {  	v44 =	vld [tilespmem:$0x2F0];
	[tilespmem:$0x2D0] =	vst v1;
	v1 =	vand.u32 $0xFFFFFFF8, v2  }
0x8b: {  	[tilespmem:$0x4E0] =	vst v1;
	v1 =	vand.u32 $0xFFFFFFF8, v43  }
0x8c: {  	[tilespmem:$0x6E0] =	vst v1;
	v1 =	vand.u32 $0x7, v2  }
0x8d: {  	v2 =	vld [tilespmem:$0x100];
	[tilespmem:$0xE0] =	vst v1;
	v1 =	vand.u32 $0x7, v43  }
0x8e: {  	v45 =	vld [tilespmem:$0x300];
	[tilespmem:$0x2E0] =	vst v1;
	v1 =	vand.u32 $0xFFFFFFF8, v3  }
0x8f: {  	[tilespmem:$0x4F0] =	vst v1;
	v1 =	vand.u32 $0xFFFFFFF8, v44  }
0x90: {  	[tilespmem:$0x6F0] =	vst v1;
	v1 =	vand.u32 $0x7, v3  }
0x91: {  	v3 =	vld [tilespmem:$0x110];
	[tilespmem:$0xF0] =	vst v1;
	v1 =	vand.u32 $0x7, v44  }
0x92: {  	v46 =	vld [tilespmem:$0x310];
	[tilespmem:$0x2F0] =	vst v1;
	v1 =	vand.u32 $0xFFFFFFF8, v2  }
0x93: {  	[tilespmem:$0x500] =	vst v1;
	v1 =	vand.u32 $0xFFFFFFF8, v45  }
0x94: {  	[tilespmem:$0x700] =	vst v1;
	v1 =	vand.u32 $0x7, v2  }
0x95: {  	v2 =	vld [tilespmem:$0x120];
	[tilespmem:$0x100] =	vst v1;
	v1 =	vand.u32 $0x7, v45  }
0x96: {  	v47 =	vld [tilespmem:$0x320];
	[tilespmem:$0x300] =	vst v1;
	v1 =	vand.u32 $0xFFFFFFF8, v3  }
0x97: {  	[tilespmem:$0x510] =	vst v1;
	v1 =	vand.u32 $0xFFFFFFF8, v46  }
0x98: {  	[tilespmem:$0x710] =	vst v1;
	v1 =	vand.u32 $0x7, v3  }
0x99: {  	v3 =	vld [tilespmem:$0x130];
	[tilespmem:$0x110] =	vst v1;
	v1 =	vand.u32 $0x7, v46  }
0x9a: {  	v48 =	vld [tilespmem:$0x330];
	[tilespmem:$0x310] =	vst v1;
	v1 =	vand.u32 $0xFFFFFFF8, v2  }
0x9b: {  	[tilespmem:$0x520] =	vst v1;
	v1 =	vand.u32 $0xFFFFFFF8, v47  }
0x9c: {  	[tilespmem:$0x720] =	vst v1;
	v1 =	vand.u32 $0x7, v2  }
0x9d: {  	v2 =	vld [tilespmem:$0x140];
	[tilespmem:$0x120] =	vst v1;
	v1 =	vand.u32 $0x7, v47  }
0x9e: {  	v49 =	vld [tilespmem:$0x340];
	[tilespmem:$0x320] =	vst v1;
	v1 =	vand.u32 $0xFFFFFFF8, v3  }
0x9f: {  	[tilespmem:$0x530] =	vst v1;
	v1 =	vand.u32 $0xFFFFFFF8, v48  }
0xa0: {  	[tilespmem:$0x730] =	vst v1;
	v1 =	vand.u32 $0x7, v3  }
0xa1: {  	v3 =	vld [tilespmem:$0x150];
	[tilespmem:$0x130] =	vst v1;
	v1 =	vand.u32 $0x7, v48  }
0xa2: {  	v50 =	vld [tilespmem:$0x350];
	[tilespmem:$0x330] =	vst v1;
	v1 =	vand.u32 $0xFFFFFFF8, v2  }
0xa3: {  	[tilespmem:$0x540] =	vst v1;
	v1 =	vand.u32 $0xFFFFFFF8, v49  }
0xa4: {  	[tilespmem:$0x740] =	vst v1;
	v1 =	vand.u32 $0x7, v2  }
0xa5: {  	v2 =	vld [tilespmem:$0x160];
	[tilespmem:$0x140] =	vst v1;
	v1 =	vand.u32 $0x7, v49  }
0xa6: {  	v51 =	vld [tilespmem:$0x360];
	[tilespmem:$0x340] =	vst v1;
	v1 =	vand.u32 $0xFFFFFFF8, v3  }
0xa7: {  	[tilespmem:$0x550] =	vst v1;
	v1 =	vand.u32 $0xFFFFFFF8, v50  }
0xa8: {  	[tilespmem:$0x750] =	vst v1;
	v1 =	vand.u32 $0x7, v3  }
0xa9: {  	v3 =	vld [tilespmem:$0x170];
	[tilespmem:$0x150] =	vst v1;
	v1 =	vand.u32 $0x7, v50  }
0xaa: {  	v52 =	vld [tilespmem:$0x370];
	[tilespmem:$0x350] =	vst v1;
	v1 =	vand.u32 $0xFFFFFFF8, v2  }
0xab: {  	[tilespmem:$0x560] =	vst v1;
	v1 =	vand.u32 $0xFFFFFFF8, v51  }
0xac: {  	[tilespmem:$0x760] =	vst v1;
	v1 =	vand.u32 $0x7, v2  }
0xad: {  	v2 =	vld [tilespmem:$0x180];
	[tilespmem:$0x160] =	vst v1;
	v1 =	vand.u32 $0x7, v51  }
0xae: {  	v53 =	vld [tilespmem:$0x380];
	[tilespmem:$0x360] =	vst v1;
	v1 =	vand.u32 $0xFFFFFFF8, v3  }
0xaf: {  	[tilespmem:$0x570] =	vst v1;
	v1 =	vand.u32 $0xFFFFFFF8, v52  }
0xb0: {  	[tilespmem:$0x770] =	vst v1;
	v1 =	vand.u32 $0x7, v3  }
0xb1: {  	v3 =	vld [tilespmem:$0x190];
	[tilespmem:$0x170] =	vst v1;
	v1 =	vand.u32 $0x7, v52  }
0xb2: {  	v54 =	vld [tilespmem:$0x390];
	[tilespmem:$0x370] =	vst v1;
	v1 =	vand.u32 $0xFFFFFFF8, v2  }
0xb3: {  	[tilespmem:$0x580] =	vst v1;
	v1 =	vand.u32 $0xFFFFFFF8, v53  }
0xb4: {  	[tilespmem:$0x780] =	vst v1;
	v1 =	vand.u32 $0x7, v2  }
0xb5: {  	v2 =	vld [tilespmem:$0x1A0];
	[tilespmem:$0x180] =	vst v1;
	v1 =	vand.u32 $0x7, v53  }
0xb6: {  	v55 =	vld [tilespmem:$0x3A0];
	[tilespmem:$0x380] =	vst v1;
	v1 =	vand.u32 $0xFFFFFFF8, v3  }
0xb7: {  	[tilespmem:$0x590] =	vst v1;
	v1 =	vand.u32 $0xFFFFFFF8, v54  }
0xb8: {  	[tilespmem:$0x790] =	vst v1;
	v1 =	vand.u32 $0x7, v3  }
0xb9: {  	v3 =	vld [tilespmem:$0x1B0];
	[tilespmem:$0x190] =	vst v1;
	v1 =	vand.u32 $0x7, v54  }
0xba: {  	v56 =	vld [tilespmem:$0x3B0];
	[tilespmem:$0x390] =	vst v1;
	v1 =	vand.u32 $0xFFFFFFF8, v2  }
0xbb: {  	v6 =	vld [tilespmem:$0x400];
	[tilespmem:$0x5A0] =	vst v1;
	v1 =	vand.u32 $0xFFFFFFF8, v55  }
0xbc: {  	[tilespmem:$0x7A0] =	vst v1;
	v1 =	vand.u32 $0x7, v2  }
0xbd: {  	v2 =	vld [tilespmem:$0x1C0];
	[tilespmem:$0x1A0] =	vst v1;
	v1 =	vand.u32 $0x7, v55  }
0xbe: {  	v57 =	vld [tilespmem:$0x3C0];
	[tilespmem:$0x3A0] =	vst v1;
	v1 =	vand.u32 $0xFFFFFFF8, v3  }
0xbf: {  	v7 =	vld [tilespmem:$0x600];
	[tilespmem:$0x5B0] =	vst v1;
	v1 =	vand.u32 $0xFFFFFFF8, v56  }
0xc0: {  	v3 =	vand.u32 $0x7, v3;
	[tilespmem:$0x7B0] =	vst v1;
	v1 =	vshll.u32 v6, $0x4  }
0xc1: {  	[tilespmem:$0x1B0] =	vst v3;
	v3 =	vand.u32 $0x7, v56;
	(v2sf) =	vpush v1, $0x0  }
0xc2: {  	[tilespmem:$0x3B0] =	vst v3;
	v3 =	vand.u32 $0xFFFFFFF8, v2  }
0xc3: {  	v58 =	vld [tilespmem:$0x1D0];
	[tilespmem:$0x5C0] =	vst v3;
	v3 =	vand.u32 $0xFFFFFFF8, v57  }
0xc4: {  	v59 =	vld [tilespmem:$0x3D0];
	[tilespmem:$0x7C0] =	vst v3;
	v3 =	vand.u32 $0x7, v2;
	v2 =	vshll.u32 v7, $0x4  }
0xc5: {  	(v2sf) =	vpush v2, $0x0;
	_ =	sdelay $0x1  }
0xc6: {  	v60 =	vld [tilespmem:$0x1E0];
	[tilespmem:$0x1C0] =	vst v3;
	v3 =	vand.u32 $0x7, v57;
	(v2sf) =	vpush v1, $0x1  }
0xc7: {  	v61 =	vld [tilespmem:$0x3E0];
	[tilespmem:$0x3C0] =	vst v3;
	v3 =	vand.u32 $0xFFFFFFF8, v58  }
0xc8: {  	[tilespmem:$0x5D0] =	vst v3;
	v3 =	vand.u32 $0xFFFFFFF8, v59  }
0xc9: {  	(v2sf) =	vpush v2, $0x1;
	[tilespmem:$0x7D0] =	vst v3;
	v3 =	vand.u32 $0x7, v58  }
0xca: {  	v62 =	vld [tilespmem:$0x1F0];
	[tilespmem:$0x1D0] =	vst v3;
	v3 =	vand.u32 $0x7, v59  }
0xcb: {  	v63 =	vld [tilespmem:$0x3F0];
	[tilespmem:$0x3D0] =	vst v3;
	v3 =	vand.u32 $0xFFFFFFF8, v60  }
0xcc: {  	[tilespmem:$0x5E0] =	vst v3;
	v3 =	vand.u32 $0xFFFFFFF8, v61  }
0xcd: {  	[tilespmem:$0x7E0] =	vst v3;
	v3 =	vand.u32 $0x7, v60  }
0xce: {  	[tilespmem:$0x1E0] =	vst v3;
	v3 =	vand.u32 $0x7, v61  }
0xcf: {  	[tilespmem:$0x3E0] =	vst v3;
	v3 =	vand.u32 $0xFFFFFFF8, v62;
	s6 =	spop (v2sf);
	(v2sf) =	vpush v1, $0x2  }
0xd0: {  	[tilespmem:$0x5F0] =	vst v3;
	v3 =	vand.u32 $0xFFFFFFF8, v63  }
0xd1: {  	[tilespmem:$0x7F0] =	vst v3;
	v3 =	vand.u32 $0x7, v62  }
0xd2: {  	[tilespmem:$0x1F0] =	vst v3;
	v3 =	vand.u32 $0x7, v63;
	s5 =	sand.u32 $0xFFFFF80, s6  }
0xd3: {  	[tilespmem:$0x3F0] =	vst v3;
	s5 =	sadd.s32 s3, s5;
	s9 =	spop (v2sf);
	(v2sf) =	vpush v2, $0x2  }
0xd4: {  	[tilespmem:s23], [sflag:$0x1] =	stream.linear.gather [hbm4b:s5+s1], $0x400, $0x38;
	[tilespmem:$0x10A00] =	vst v63  }
0xd5: {  	s5 =	sand.u32 $0xFFFFF80, s9;
	s6 =	spop (v2sf);
	(v2sf) =	vpush v1, $0x3  }
0xd6: {  	s5 =	sadd.s32 s4, s5  }
0xd7: {  	[tilespmem:s24], [sflag:$0x3] =	stream.linear.gather [hbm4b:s5+s1], $0x400, $0x38;
	[tilespmem:$0x10A00] =	vst v63  }
0xd8: {  	s5 =	sand.u32 $0xFFFFF80, s6;
	s6 =	spop (v2sf);
	(v2sf) =	vpush v2, $0x3;
	_ =	sdelay $0x3  }
0xd9: {  	s9 =	simm.s32 $0xC00;
	s5 =	sadd.s32 s3, s5  }
0xda: {  	[tilespmem:s9], [sflag:$0x1] =	stream.linear.gather [hbm4b:s5+s1], $0x400, $0x38;
	[tilespmem:$0x10A00] =	vst v63  }
0xdb: {  	s5 =	sand.u32 $0xFFFFF80, s6;
	s6 =	spop (v2sf);
	(v2sf) =	vpush v1, $0x4  }
0xdc: {  	s9 =	simm.s32 $0x8C00;
	s5 =	sadd.s32 s4, s5  }
0xdd: {  	[tilespmem:s9], [sflag:$0x3] =	stream.linear.gather [hbm4b:s5+s1], $0x400, $0x38;
	[tilespmem:$0x10A00] =	vst v63  }
0xde: {  	s5 =	sand.u32 $0xFFFFF80, s6  }
0xdf: {  	s9 =	simm.s32 $0x1000;
	s5 =	sadd.s32 s3, s5;
	s6 =	spop (v2sf);
	(v2sf) =	vpush v2, $0x4  }
0xe0: {  	[tilespmem:s9], [sflag:$0x1] =	stream.linear.gather [hbm4b:s5+s1], $0x400, $0x38;
	[tilespmem:$0x10A00] =	vst v63  }
0xe1: {  	s5 =	sand.u32 $0xFFFFF80, s6;
	s6 =	spop (v2sf);
	(v2sf) =	vpush v1, $0x5  }
0xe2: {  	s9 =	simm.s32 $0x9000;
	s5 =	sadd.s32 s4, s5  }
0xe3: {  	[tilespmem:s9], [sflag:$0x3] =	stream.linear.gather [hbm4b:s5+s1], $0x400, $0x38;
	[tilespmem:$0x10A00] =	vst v63  }
0xe4: {  	s5 =	sand.u32 $0xFFFFF80, s6;
	s6 =	spop (v2sf);
	(v2sf) =	vpush v2, $0x5;
	_ =	sdelay $0x3  }
0xe5: {  	s9 =	simm.s32 $0x1400;
	s5 =	sadd.s32 s3, s5  }
0xe6: {  	[tilespmem:s9], [sflag:$0x1] =	stream.linear.gather [hbm4b:s5+s1], $0x400, $0x38;
	[tilespmem:$0x10A00] =	vst v63  }
0xe7: {  	s5 =	sand.u32 $0xFFFFF80, s6;
	s6 =	spop (v2sf);
	(v2sf) =	vpush v1, $0x6  }
0xe8: {  	s9 =	simm.s32 $0x9400;
	s5 =	sadd.s32 s4, s5  }
0xe9: {  	[tilespmem:s9], [sflag:$0x3] =	stream.linear.gather [hbm4b:s5+s1], $0x400, $0x38;
	[tilespmem:$0x10A00] =	vst v63  }
0xea: {  	s5 =	sand.u32 $0xFFFFF80, s6  }
0xeb: {  	s9 =	simm.s32 $0x1800;
	s5 =	sadd.s32 s3, s5;
	s6 =	spop (v2sf);
	(v2sf) =	vpush v2, $0x6  }
0xec: {  	[tilespmem:s9], [sflag:$0x1] =	stream.linear.gather [hbm4b:s5+s1], $0x400, $0x38;
	[tilespmem:$0x10A00] =	vst v63  }
0xed: {  	s5 =	sand.u32 $0xFFFFF80, s6;
	s6 =	spop (v2sf);
	(v2sf) =	vpush v1, $0x7  }
0xee: {  	s9 =	simm.s32 $0x9800;
	s5 =	sadd.s32 s4, s5  }
0xef: {  	[tilespmem:s9], [sflag:$0x3] =	stream.linear.gather [hbm4b:s5+s1], $0x400, $0x38;
	[tilespmem:$0x10A00] =	vst v63  }
0xf0: {  	s5 =	sand.u32 $0xFFFFF80, s6;
	s6 =	spop (v2sf);
	(v2sf) =	vpush v2, $0x7;
	_ =	sdelay $0x3  }
0xf1: {  	s9 =	simm.s32 $0x1C00;
	s5 =	sadd.s32 s3, s5  }
0xf2: {  	[tilespmem:s9], [sflag:$0x1] =	stream.linear.gather [hbm4b:s5+s1], $0x400, $0x38;
	[tilespmem:$0x10A00] =	vst v63  }
0xf3: {  	s5 =	sand.u32 $0xFFFFF80, s6;
	s6 =	spop (v2sf);
	(v2sf) =	vpush v1, $0x8  }
0xf4: {  	s9 =	simm.s32 $0x9C00;
	s5 =	sadd.s32 s4, s5  }
0xf5: {  	[tilespmem:s9], [sflag:$0x3] =	stream.linear.gather [hbm4b:s5+s1], $0x400, $0x38;
	[tilespmem:$0x10A00] =	vst v63  }
0xf6: {  	s5 =	sand.u32 $0xFFFFF80, s6  }
0xf7: {  	s9 =	simm.s32 $0x2000;
	s5 =	sadd.s32 s3, s5;
	s6 =	spop (v2sf);
	(v2sf) =	vpush v2, $0x8  }
0xf8: {  	[tilespmem:s9], [sflag:$0x1] =	stream.linear.gather [hbm4b:s5+s1], $0x400, $0x38;
	[tilespmem:$0x10A00] =	vst v63  }
0xf9: {  	s5 =	sand.u32 $0xFFFFF80, s6;
	s6 =	spop (v2sf);
	(v2sf) =	vpush v1, $0x9  }
0xfa: {  	s9 =	simm.s32 $0xA000;
	s5 =	sadd.s32 s4, s5  }
0xfb: {  	[tilespmem:s9], [sflag:$0x3] =	stream.linear.gather [hbm4b:s5+s1], $0x400, $0x38;
	[tilespmem:$0x10A00] =	vst v63  }
0xfc: {  	s5 =	sand.u32 $0xFFFFF80, s6;
	s6 =	spop (v2sf);
	(v2sf) =	vpush v2, $0x9;
	_ =	sdelay $0x3  }
0xfd: {  	s9 =	simm.s32 $0x2400;
	s5 =	sadd.s32 s3, s5  }
0xfe: {  	[tilespmem:s9], [sflag:$0x1] =	stream.linear.gather [hbm4b:s5+s1], $0x400, $0x38;
	[tilespmem:$0x10A00] =	vst v63  }
0xff: {  	s5 =	sand.u32 $0xFFFFF80, s6;
	s6 =	spop (v2sf);
	(v2sf) =	vpush v1, $0xA  }
0x100: {  	s9 =	simm.s32 $0xA400;
	s5 =	sadd.s32 s4, s5  }
0x101: {  	[tilespmem:s9], [sflag:$0x3] =	stream.linear.gather [hbm4b:s5+s1], $0x400, $0x38;
	[tilespmem:$0x10A00] =	vst v63  }
0x102: {  	s5 =	sand.u32 $0xFFFFF80, s6  }
0x103: {  	s9 =	simm.s32 $0x2800;
	s5 =	sadd.s32 s3, s5;
	s6 =	spop (v2sf);
	(v2sf) =	vpush v2, $0xA  }
0x104: {  	[tilespmem:s9], [sflag:$0x1] =	stream.linear.gather [hbm4b:s5+s1], $0x400, $0x38;
	[tilespmem:$0x10A00] =	vst v63  }
0x105: {  	s5 =	sand.u32 $0xFFFFF80, s6;
	s6 =	spop (v2sf);
	(v2sf) =	vpush v1, $0xB  }
0x106: {  	s9 =	simm.s32 $0xA800;
	s5 =	sadd.s32 s4, s5  }
0x107: {  	[tilespmem:s9], [sflag:$0x3] =	stream.linear.gather [hbm4b:s5+s1], $0x400, $0x38;
	[tilespmem:$0x10A00] =	vst v63  }
0x108: {  	s5 =	sand.u32 $0xFFFFF80, s6;
	s6 =	spop (v2sf);
	(v2sf) =	vpush v2, $0xB;
	_ =	sdelay $0x3  }
0x109: {  	s9 =	simm.s32 $0x2C00;
	s5 =	sadd.s32 s3, s5  }
0x10a: {  	[tilespmem:s9], [sflag:$0x1] =	stream.linear.gather [hbm4b:s5+s1], $0x400, $0x38;
	[tilespmem:$0x10A00] =	vst v63  }
0x10b: {  	s5 =	sand.u32 $0xFFFFF80, s6;
	s6 =	spop (v2sf);
	(v2sf) =	vpush v1, $0xC  }
0x10c: {  	s9 =	simm.s32 $0xAC00;
	s5 =	sadd.s32 s4, s5  }
0x10d: {  	[tilespmem:s9], [sflag:$0x3] =	stream.linear.gather [hbm4b:s5+s1], $0x400, $0x38;
	[tilespmem:$0x10A00] =	vst v63  }
0x10e: {  	s5 =	sand.u32 $0xFFFFF80, s6  }
0x10f: {  	s9 =	simm.s32 $0x3000;
	s5 =	sadd.s32 s3, s5;
	s6 =	spop (v2sf);
	(v2sf) =	vpush v2, $0xC  }
0x110: {  	[tilespmem:s9], [sflag:$0x1] =	stream.linear.gather [hbm4b:s5+s1], $0x400, $0x38;
	[tilespmem:$0x10A00] =	vst v63  }
0x111: {  	s5 =	sand.u32 $0xFFFFF80, s6;
	s6 =	spop (v2sf);
	(v2sf) =	vpush v1, $0xD  }
0x112: {  	s9 =	simm.s32 $0xB000;
	s5 =	sadd.s32 s4, s5  }
0x113: {  	[tilespmem:s9], [sflag:$0x3] =	stream.linear.gather [hbm4b:s5+s1], $0x400, $0x38;
	[tilespmem:$0x10A00] =	vst v63  }
0x114: {  	s5 =	sand.u32 $0xFFFFF80, s6;
	s6 =	spop (v2sf);
	(v2sf) =	vpush v2, $0xD;
	_ =	sdelay $0x3  }
0x115: {  	s9 =	simm.s32 $0x3400;
	s5 =	sadd.s32 s3, s5  }
0x116: {  	[tilespmem:s9], [sflag:$0x1] =	stream.linear.gather [hbm4b:s5+s1], $0x400, $0x38;
	[tilespmem:$0x10A00] =	vst v63  }
0x117: {  	s5 =	sand.u32 $0xFFFFF80, s6;
	s6 =	spop (v2sf);
	(v2sf) =	vpush v1, $0xE  }
0x118: {  	s9 =	simm.s32 $0xB400;
	s5 =	sadd.s32 s4, s5  }
0x119: {  	[tilespmem:s9], [sflag:$0x3] =	stream.linear.gather [hbm4b:s5+s1], $0x400, $0x38;
	[tilespmem:$0x10A00] =	vst v63  }
0x11a: {  	s5 =	sand.u32 $0xFFFFF80, s6  }
0x11b: {  	s9 =	simm.s32 $0x3800;
	s5 =	sadd.s32 s3, s5;
	s6 =	spop (v2sf);
	(v2sf) =	vpush v2, $0xE  }
0x11c: {  	[tilespmem:s9], [sflag:$0x1] =	stream.linear.gather [hbm4b:s5+s1], $0x400, $0x38;
	[tilespmem:$0x10A00] =	vst v63  }
0x11d: {  	s5 =	sand.u32 $0xFFFFF80, s6;
	s6 =	spop (v2sf);
	(v2sf) =	vpush v1, $0xF  }
0x11e: {  	s9 =	simm.s32 $0xB800;
	s5 =	sadd.s32 s4, s5  }
0x11f: {  	[tilespmem:s9], [sflag:$0x3] =	stream.linear.gather [hbm4b:s5+s1], $0x400, $0x38;
	[tilespmem:$0x10A00] =	vst v63  }
0x120: {  	s5 =	sand.u32 $0xFFFFF80, s6;
	s6 =	spop (v2sf);
	(v2sf) =	vpush v2, $0xF  }
0x121: {  	s9 =	simm.s32 $0x3C00;
	s5 =	sadd.s32 s3, s5  }
0x122: {  	[tilespmem:s9], [sflag:$0x1] =	stream.linear.gather [hbm4b:s5+s1], $0x400, $0x38;
	[tilespmem:$0x10A00] =	vst v63  }
0x123: {  	s5 =	sand.u32 $0xFFFFF80, s6  }
0x124: {  	s9 =	simm.s32 $0xBC00;
	s5 =	sadd.s32 s4, s5  }
0x125: {  	[tilespmem:s9], [sflag:$0x3] =	stream.linear.gather [hbm4b:s5+s1], $0x400, $0x38;
	[tilespmem:$0x10A00] =	vst v63  }
0x126: {  	s6 =	spop (v2sf)  }
0x127: {  	s5 =	sand.u32 $0xFFFFF80, s6  }
0x128: {  	s9 =	simm.s32 $0x4000;
	s5 =	sadd.s32 s3, s5  }
0x129: {  	[tilespmem:s9], [sflag:$0x1] =	stream.linear.gather [hbm4b:s5+s1], $0x400, $0x38;
	[tilespmem:$0x10A00] =	vst v63  }
0x12a: {  	s6 =	spop (v2sf)  }
0x12b: {  	s5 =	sand.u32 $0xFFFFF80, s6  }
0x12c: {  	s9 =	simm.s32 $0xC000;
	s6 =	spop (v2sf);
	s5 =	sadd.s32 s4, s5  }
0x12d: {  	[tilespmem:s9], [sflag:$0x3] =	stream.linear.gather [hbm4b:s5+s1], $0x400, $0x38;
	[tilespmem:$0x10A00] =	vst v63  }
0x12e: {  	s5 =	sand.u32 $0xFFFFF80, s6  }
0x12f: {  	s9 =	simm.s32 $0x4400;
	s6 =	spop (v2sf);
	s5 =	sadd.s32 s3, s5  }
0x130: {  	[tilespmem:s9], [sflag:$0x1] =	stream.linear.gather [hbm4b:s5+s1], $0x400, $0x38;
	[tilespmem:$0x10A00] =	vst v63  }
0x131: {  	s5 =	sand.u32 $0xFFFFF80, s6  }
0x132: {  	s9 =	simm.s32 $0xC400;
	s5 =	sadd.s32 s4, s5  }
0x133: {  	[tilespmem:s9], [sflag:$0x3] =	stream.linear.gather [hbm4b:s5+s1], $0x400, $0x38;
	[tilespmem:$0x10A00] =	vst v63  }
0x134: {  	v1 =	vld [tilespmem:$0x410];
	_ =	sdelay $0x1  }
0x135: {  	v3 =	vld [tilespmem:$0x610];
	_ =	sdelay $0x2  }
0x136: {  	v2 =	vshll.u32 v1, $0x4  }
0x137: {  	(v2sf) =	vpush v2, $0x0  }
0x138: {  	v1 =	vshll.u32 v3, $0x4  }
0x139: {  	(v2sf) =	vpush v1, $0x0;
	_ =	sdelay $0x2  }
0x13a: {  	(v2sf) =	vpush v2, $0x1;
	_ =	sdelay $0x4  }
0x13b: {  	(v2sf) =	vpush v1, $0x1;
	_ =	sdelay $0x4  }
0x13c: {  	s6 =	spop (v2sf);
	(v2sf) =	vpush v2, $0x2;
	_ =	sdelay $0x1  }
0x13d: {  	s9 =	spop (v2sf);
	(v2sf) =	vpush v1, $0x2;
	_ =	sdelay $0x1  }
0x13e: {  	s5 =	sand.u32 $0xFFFFF80, s6  }
0x13f: {  	s5 =	sadd.s32 s3, s5;
	s6 =	spop (v2sf);
	(v2sf) =	vpush v2, $0x3  }
0x140: {  	[tilespmem:s7], [sflag:$0x2] =	stream.linear.gather [hbm4b:s5+s1], $0x400, $0x38;
	[tilespmem:$0x10A00] =	vst v63  }
0x141: {  	s5 =	sand.u32 $0xFFFFF80, s9  }
0x142: {  	s5 =	sadd.s32 s4, s5  }
0x143: {  	[tilespmem:s8], [sflag:$0x4] =	stream.linear.gather [hbm4b:s5+s1], $0x400, $0x38;
	[tilespmem:$0x10A00] =	vst v63  }
0x144: {  	s5 =	sand.u32 $0xFFFFF80, s6;
	s6 =	spop (v2sf);
	(v2sf) =	vpush v1, $0x3;
	_ =	sdelay $0x1  }
0x145: {  	s9 =	simm.s32 $0x4C00;
	s5 =	sadd.s32 s3, s5  }
0x146: {  	[tilespmem:s9], [sflag:$0x2] =	stream.linear.gather [hbm4b:s5+s1], $0x400, $0x38;
	[tilespmem:$0x10A00] =	vst v63  }
0x147: {  	s5 =	sand.u32 $0xFFFFF80, s6  }
0x148: {  	s9 =	simm.s32 $0xCC00;
	s5 =	sadd.s32 s4, s5;
	s6 =	spop (v2sf);
	(v2sf) =	vpush v2, $0x4  }
0x149: {  	[tilespmem:s9], [sflag:$0x4] =	stream.linear.gather [hbm4b:s5+s1], $0x400, $0x38;
	[tilespmem:$0x10A00] =	vst v63  }
0x14a: {  	s5 =	sand.u32 $0xFFFFF80, s6;
	s6 =	spop (v2sf);
	(v2sf) =	vpush v1, $0x4  }
0x14b: {  	s9 =	simm.s32 $0x5000;
	s5 =	sadd.s32 s3, s5  }
0x14c: {  	[tilespmem:s9], [sflag:$0x2] =	stream.linear.gather [hbm4b:s5+s1], $0x400, $0x38;
	[tilespmem:$0x10A00] =	vst v63  }
0x14d: {  	s5 =	sand.u32 $0xFFFFF80, s6;
	s6 =	spop (v2sf);
	(v2sf) =	vpush v2, $0x5;
	_ =	sdelay $0x2  }
0x14e: {  	s9 =	simm.s32 $0xD000;
	s5 =	sadd.s32 s4, s5  }
0x14f: {  	[tilespmem:s9], [sflag:$0x4] =	stream.linear.gather [hbm4b:s5+s1], $0x400, $0x38;
	[tilespmem:$0x10A00] =	vst v63  }
0x150: {  	s5 =	sand.u32 $0xFFFFF80, s6;
	s6 =	spop (v2sf);
	(v2sf) =	vpush v1, $0x5;
	_ =	sdelay $0x1  }
0x151: {  	s9 =	simm.s32 $0x5400;
	s5 =	sadd.s32 s3, s5  }
0x152: {  	[tilespmem:s9], [sflag:$0x2] =	stream.linear.gather [hbm4b:s5+s1], $0x400, $0x38;
	[tilespmem:$0x10A00] =	vst v63  }
0x153: {  	s5 =	sand.u32 $0xFFFFF80, s6  }
0x154: {  	s9 =	simm.s32 $0xD400;
	s5 =	sadd.s32 s4, s5;
	s6 =	spop (v2sf);
	(v2sf) =	vpush v2, $0x6  }
0x155: {  	[tilespmem:s9], [sflag:$0x4] =	stream.linear.gather [hbm4b:s5+s1], $0x400, $0x38;
	[tilespmem:$0x10A00] =	vst v63  }
0x156: {  	s5 =	sand.u32 $0xFFFFF80, s6;
	s6 =	spop (v2sf);
	(v2sf) =	vpush v1, $0x6  }
0x157: {  	s9 =	simm.s32 $0x5800;
	s5 =	sadd.s32 s3, s5  }
0x158: {  	[tilespmem:s9], [sflag:$0x2] =	stream.linear.gather [hbm4b:s5+s1], $0x400, $0x38;
	[tilespmem:$0x10A00] =	vst v63  }
0x159: {  	s5 =	sand.u32 $0xFFFFF80, s6;
	s6 =	spop (v2sf);
	(v2sf) =	vpush v2, $0x7;
	_ =	sdelay $0x1  }
0x15a: {  	s9 =	simm.s32 $0xD800;
	s5 =	sadd.s32 s4, s5  }
0x15b: {  	[tilespmem:s9], [sflag:$0x4] =	stream.linear.gather [hbm4b:s5+s1], $0x400, $0x38;
	[tilespmem:$0x10A00] =	vst v63  }
0x15c: {  	s5 =	sand.u32 $0xFFFFF80, s6  }
0x15d: {  	s9 =	simm.s32 $0x5C00;
	s6 =	spop (v2sf);
	(v2sf) =	vpush v1, $0x7;
	s5 =	sadd.s32 s3, s5  }
0x15e: {  	[tilespmem:s9], [sflag:$0x2] =	stream.linear.gather [hbm4b:s5+s1], $0x400, $0x38;
	[tilespmem:$0x10A00] =	vst v63  }
0x15f: {  	s5 =	sand.u32 $0xFFFFF80, s6  }
0x160: {  	s9 =	simm.s32 $0xDC00;
	s5 =	sadd.s32 s4, s5  }
0x161: {  	[tilespmem:s9], [sflag:$0x4] =	stream.linear.gather [hbm4b:s5+s1], $0x400, $0x38;
	[tilespmem:$0x10A00] =	vst v63  }
0x162: {  	s6 =	spop (v2sf);
	(v2sf) =	vpush v2, $0x8  }
0x163: {  	s5 =	sand.u32 $0xFFFFF80, s6  }
0x164: {  	s9 =	simm.s32 $0x6000;
	s6 =	spop (v2sf);
	(v2sf) =	vpush v1, $0x8;
	s5 =	sadd.s32 s3, s5  }
0x165: {  	[tilespmem:s9], [sflag:$0x2] =	stream.linear.gather [hbm4b:s5+s1], $0x400, $0x38;
	[tilespmem:$0x10A00] =	vst v63  }
0x166: {  	s5 =	sand.u32 $0xFFFFF80, s6  }
0x167: {  	s9 =	simm.s32 $0xE000;
	s6 =	spop (v2sf);
	(v2sf) =	vpush v2, $0x9;
	s5 =	sadd.s32 s4, s5  }
0x168: {  	[tilespmem:s9], [sflag:$0x4] =	stream.linear.gather [hbm4b:s5+s1], $0x400, $0x38;
	[tilespmem:$0x10A00] =	vst v63  }
0x169: {  	s5 =	sand.u32 $0xFFFFF80, s6  }
0x16a: {  	s9 =	simm.s32 $0x6400;
	s5 =	sadd.s32 s3, s5  }
0x16b: {  	[tilespmem:s9], [sflag:$0x2] =	stream.linear.gather [hbm4b:s5+s1], $0x400, $0x38;
	[tilespmem:$0x10A00] =	vst v63  }
0x16c: {  	s9 =	spop (v2sf);
	(v2sf) =	vpush v1, $0x9;
	_ =	sdelay $0x4  }
0x16d: {  	s6 =	spop (v2sf);
	(v2sf) =	vpush v2, $0xA;
	_ =	sdelay $0x1  }
0x16e: {  	s5 =	sand.u32 $0xFFFFF80, s9;
	s9 =	spop (v2sf);
	(v2sf) =	vpush v1, $0xA  }
0x16f: {  	s5 =	sadd.s32 s4, s5  }
0x170: {  	[tilespmem:s10], [sflag:$0x4] =	stream.linear.gather [hbm4b:s5+s1], $0x400, $0x38;
	[tilespmem:$0x10A00] =	vst v63  }
0x171: {  	s5 =	sand.u32 $0xFFFFF80, s6;
	s6 =	spop (v2sf);
	(v2sf) =	vpush v2, $0xB;
	_ =	sdelay $0x1  }
0x172: {  	s5 =	sadd.s32 s3, s5  }
0x173: {  	[tilespmem:s11], [sflag:$0x2] =	stream.linear.gather [hbm4b:s5+s1], $0x400, $0x38;
	[tilespmem:$0x10A00] =	vst v63  }
0x174: {  	s5 =	sand.u32 $0xFFFFF80, s9  }
0x175: {  	s5 =	sadd.s32 s4, s5;
	s9 =	spop (v2sf);
	(v2sf) =	vpush v1, $0xB  }
0x176: {  	[tilespmem:s12], [sflag:$0x4] =	stream.linear.gather [hbm4b:s5+s1], $0x400, $0x38;
	[tilespmem:$0x10A00] =	vst v63  }
0x177: {  	s5 =	sand.u32 $0xFFFFF80, s6  }
0x178: {  	s5 =	sadd.s32 s3, s5  }
0x179: {  	[tilespmem:s13], [sflag:$0x2] =	stream.linear.gather [hbm4b:s5+s1], $0x400, $0x38;
	[tilespmem:$0x10A00] =	vst v63  }
0x17a: {  	s6 =	spop (v2sf);
	(v2sf) =	vpush v2, $0xC  }
0x17b: {  	s5 =	sand.u32 $0xFFFFF80, s9  }
0x17c: {  	s5 =	sadd.s32 s4, s5;
	s9 =	spop (v2sf);
	(v2sf) =	vpush v1, $0xC  }
0x17d: {  	[tilespmem:s14], [sflag:$0x4] =	stream.linear.gather [hbm4b:s5+s1], $0x400, $0x38;
	[tilespmem:$0x10A00] =	vst v63  }
0x17e: {  	s5 =	sand.u32 $0xFFFFF80, s6  }
0x17f: {  	s5 =	sadd.s32 s3, s5;
	s6 =	spop (v2sf);
	(v2sf) =	vpush v2, $0xD  }
0x180: {  	[tilespmem:s25], [sflag:$0x2] =	stream.linear.gather [hbm4b:s5+s1], $0x400, $0x38;
	[tilespmem:$0x10A00] =	vst v63  }
0x181: {  	s5 =	sand.u32 $0xFFFFF80, s9  }
0x182: {  	s5 =	sadd.s32 s4, s5  }
0x183: {  	[tilespmem:s26], [sflag:$0x4] =	stream.linear.gather [hbm4b:s5+s1], $0x400, $0x38;
	[tilespmem:$0x10A00] =	vst v63  }
0x184: {  	s9 =	spop (v2sf);
	(v2sf) =	vpush v1, $0xD  }
0x185: {  	s5 =	sand.u32 $0xFFFFF80, s6  }
0x186: {  	s5 =	sadd.s32 s3, s5  }
0x187: {  	[tilespmem:s28], [sflag:$0x2] =	stream.linear.gather [hbm4b:s5+s1], $0x400, $0x38;
	[tilespmem:$0x10A00] =	vst v63  }
0x188: {  	s5 =	sand.u32 $0xFFFFF80, s9  }
0x189: {  	s5 =	sadd.s32 s4, s5;
	s6 =	spop (v2sf);
	(v2sf) =	vpush v2, $0xE  }
0x18a: {  	[tilespmem:s29], [sflag:$0x4] =	stream.linear.gather [hbm4b:s5+s1], $0x400, $0x38;
	[tilespmem:$0x10A00] =	vst v63  }
0x18b: {  	s5 =	sand.u32 $0xFFFFF80, s6;
	s9 =	spop (v2sf);
	(v2sf) =	vpush v1, $0xE  }
0x18c: {  	s5 =	sadd.s32 s3, s5  }
0x18d: {  	[tilespmem:s30], [sflag:$0x2] =	stream.linear.gather [hbm4b:s5+s1], $0x400, $0x38;
	[tilespmem:$0x10A00] =	vst v63  }
0x18e: {  	s6 =	spop (v2sf);
	(v2sf) =	vpush v2, $0xF  }
0x18f: {  	s5 =	sand.u32 $0xFFFFF80, s9  }
0x190: {  	s5 =	sadd.s32 s4, s5  }
0x191: {  	[tilespmem:s22], [sflag:$0x4] =	stream.linear.gather [hbm4b:s5+s1], $0x400, $0x38;
	[tilespmem:$0x10A00] =	vst v63  }
0x192: {  	s5 =	sand.u32 $0xFFFFF80, s6  }
0x193: {  	s5 =	sadd.s32 s3, s5;
	s9 =	spop (v2sf);
	(v2sf) =	vpush v1, $0xF  }
0x194: {  	[tilespmem:s31], [sflag:$0x2] =	stream.linear.gather [hbm4b:s5+s1], $0x400, $0x38;
	[tilespmem:$0x10A00] =	vst v63  }
0x195: {  	s5 =	sand.u32 $0xFFFFF80, s9  }
0x196: {  	s5 =	sadd.s32 s4, s5  }
0x197: {  	[tilespmem:s0], [sflag:$0x4] =	stream.linear.gather [hbm4b:s5+s1], $0x400, $0x38;
	[tilespmem:$0x10A00] =	vst v63  }
0x198: {  	s6 =	spop (v2sf)  }
0x199: {  	s5 =	sand.u32 $0xFFFFF80, s6  }
0x19a: {  	s9 =	spop (v2sf);
	s5 =	sadd.s32 s3, s5  }
0x19b: {  	[tilespmem:s2], [sflag:$0x2] =	stream.linear.gather [hbm4b:s5+s1], $0x400, $0x38;
	[tilespmem:$0x10A00] =	vst v63  }
0x19c: {  	s5 =	sand.u32 $0xFFFFF80, s9  }
0x19d: {  	s6 =	spop (v2sf);
	s5 =	sadd.s32 s4, s5  }
0x19e: {  	[tilespmem:s15], [sflag:$0x4] =	stream.linear.gather [hbm4b:s5+s1], $0x400, $0x38;
	[tilespmem:$0x10A00] =	vst v63  }
0x19f: {  	s5 =	sand.u32 $0xFFFFF80, s6  }
0x1a0: {  	s5 =	sadd.s32 s3, s5  }
0x1a1: {  	[tilespmem:s16], [sflag:$0x2] =	stream.linear.gather [hbm4b:s5+s1], $0x400, $0x38;
	[tilespmem:$0x10A00] =	vst v63  }
0x1a2: {  	s9 =	spop (v2sf)  }
0x1a3: {  	s5 =	sand.u32 $0xFFFFF80, s9  }
0x1a4: {  	s5 =	sadd.s32 s4, s5  }
0x1a5: {  	[tilespmem:s17], [sflag:$0x4] =	stream.linear.gather [hbm4b:s5+s1], $0x400, $0x38;
	[tilespmem:$0x10A00] =	vst v63  }
0x1a6: {  	s5 =	simm.s32 $0x0  }
.LBB2_2:
0x1a7: {  	_ =	swait.ge [sflag:s18], $0x4000  }
0x1a8: {  	[sflag:s18] =	ssyncset.done $0x0  }
0x1a9: {  	[sflag:s18] =	ssyncadd.s32 $0xFFFFC000  }
0x1aa: {  	_ =	swait.ge [sflag:s19], $0x4000  }
0x1ab: {  	[sflag:s19] =	ssyncset.done $0x0  }
0x1ac: {  	s6 =	sshra.s32 s5, $0x2;
	[sflag:s19] =	ssyncadd.s32 $0xFFFFC000  }
0x1ad: {  	v1 =	vld [tilespmem:s6+$0x0]  }
0x1ae: {  	v2 =	vld [tilespmem:s6+$0x200];
	_ =	sdelay $0x3  }
0x1af: {  	v1 =	vshll.u32 v1, $0x7  }
0x1b0: {  	v2 =	vshll.u32 v2, $0x7;
	v1 =	vadd.s32 v0, v1  }
0x1b1: {  	v2 =	vadd.s32 v0, v2  }
0x1b2: {  	v3 =	vor.u32 $0x1, v1  }
0x1b3: {  	v4 =	vor.u32 $0x1, v2  }
0x1b4: {  	v5 =	vor.u32 $0x2, v1  }
0x1b5: {  	v7 =	vor.u32 $0x2, v2;
	v6 =	vld.idx.msk [tilespmem:v1+s23+$0x0], $0xffff  }
0x1b6: {  	v9 =	vor.u32 $0x3, v1;
	v8 =	vld.idx.msk [tilespmem:v2+s24+$0x0], $0xffff  }
0x1b7: {  	v10 =	vor.u32 $0x3, v2;
	v3 =	vld.idx.msk [tilespmem:v3+s23+$0x0], $0xffff  }
0x1b8: {  	v11 =	vor.u32 $0x4, v1;
	v4 =	vld.idx.msk [tilespmem:v4+s24+$0x0], $0xffff  }
0x1b9: {  	v12 =	vor.u32 $0x4, v2;
	v5 =	vld.idx.msk [tilespmem:v5+s23+$0x0], $0xffff  }
0x1ba: {  	v13 =	vor.u32 $0x5, v1;
	v7 =	vld.idx.msk [tilespmem:v7+s24+$0x0], $0xffff  }
0x1bb: {  	v14 =	vor.u32 $0x5, v2;
	v9 =	vld.idx.msk [tilespmem:v9+s23+$0x0], $0xffff  }
0x1bc: {  	v17 =	vor.u32 $0x6, v1;
	v10 =	vld.idx.msk [tilespmem:v10+s24+$0x0], $0xffff;
	v15 =	vmul.f32 v6, v6;
	v18 =	vmul.f32 v8, v8  }
0x1bd: {  	v20 =	vor.u32 $0x6, v2;
	v11 =	vld.idx.msk [tilespmem:v11+s23+$0x0], $0xffff;
	v16 =	vmul.f32 v3, v3;
	v19 =	vmul.f32 v4, v4  }
0x1be: {  	v21 =	vor.u32 $0x7, v1;
	v22 =	vor.u32 $0x7, v2;
	v12 =	vld.idx.msk [tilespmem:v12+s24+$0x0], $0xffff;
	v42 =	vmul.f32 v5, v5  }
0x1bf: {  	v13 =	vld.idx.msk [tilespmem:v13+s23+$0x0], $0xffff;
	v43 =	vmul.f32 v7, v7;
	v15 =	vadd.f32 v16, v15;
	v18 =	vadd.f32 v19, v18  }
0x1c0: {  	v23 =	vor.u32 $0x8, v1;
	v24 =	vor.u32 $0x8, v2;
	v14 =	vld.idx.msk [tilespmem:v14+s24+$0x0], $0xffff;
	v44 =	vmul.f32 v9, v9  }
0x1c1: {  	v17 =	vld.idx.msk [tilespmem:v17+s23+$0x0], $0xffff;
	v45 =	vmul.f32 v10, v10;
	v15 =	vadd.f32 v42, v15;
	v18 =	vadd.f32 v43, v18  }
0x1c2: {  	v25 =	vor.u32 $0x9, v1;
	v26 =	vor.u32 $0x9, v2;
	v20 =	vld.idx.msk [tilespmem:v20+s24+$0x0], $0xffff;
	v46 =	vmul.f32 v11, v11  }
0x1c3: {  	v21 =	vld.idx.msk [tilespmem:v21+s23+$0x0], $0xffff;
	v47 =	vmul.f32 v12, v12;
	v15 =	vadd.f32 v44, v15;
	v18 =	vadd.f32 v45, v18  }
0x1c4: {  	v27 =	vor.u32 $0xA, v1;
	v28 =	vor.u32 $0xA, v2;
	v22 =	vld.idx.msk [tilespmem:v22+s24+$0x0], $0xffff;
	v48 =	vmul.f32 v13, v13  }
0x1c5: {  	v23 =	vld.idx.msk [tilespmem:v23+s23+$0x0], $0xffff;
	v49 =	vmul.f32 v14, v14;
	v15 =	vadd.f32 v46, v15;
	v18 =	vadd.f32 v47, v18  }
0x1c6: {  	v29 =	vor.u32 $0xB, v1;
	v30 =	vor.u32 $0xB, v2;
	v24 =	vld.idx.msk [tilespmem:v24+s24+$0x0], $0xffff;
	v50 =	vmul.f32 v17, v17  }
0x1c7: {  	v25 =	vld.idx.msk [tilespmem:v25+s23+$0x0], $0xffff;
	v51 =	vmul.f32 v20, v20;
	v15 =	vadd.f32 v48, v15;
	v18 =	vadd.f32 v49, v18  }
0x1c8: {  	v31 =	vor.u32 $0xC, v1;
	v32 =	vor.u32 $0xC, v2;
	v26 =	vld.idx.msk [tilespmem:v26+s24+$0x0], $0xffff;
	v52 =	vmul.f32 v21, v21  }
0x1c9: {  	v27 =	vld.idx.msk [tilespmem:v27+s23+$0x0], $0xffff;
	v53 =	vmul.f32 v22, v22;
	v15 =	vadd.f32 v50, v15;
	v18 =	vadd.f32 v51, v18  }
0x1ca: {  	v33 =	vor.u32 $0xD, v1;
	v34 =	vor.u32 $0xD, v2;
	v28 =	vld.idx.msk [tilespmem:v28+s24+$0x0], $0xffff;
	v54 =	vmul.f32 v23, v23  }
0x1cb: {  	v29 =	vld.idx.msk [tilespmem:v29+s23+$0x0], $0xffff;
	v55 =	vmul.f32 v24, v24;
	v15 =	vadd.f32 v52, v15;
	v18 =	vadd.f32 v53, v18  }
0x1cc: {  	v35 =	vor.u32 $0xE, v1;
	v36 =	vor.u32 $0xE, v2;
	v30 =	vld.idx.msk [tilespmem:v30+s24+$0x0], $0xffff;
	v56 =	vmul.f32 v25, v25  }
0x1cd: {  	v31 =	vld.idx.msk [tilespmem:v31+s23+$0x0], $0xffff;
	v57 =	vmul.f32 v26, v26;
	v15 =	vadd.f32 v54, v15;
	v18 =	vadd.f32 v55, v18  }
0x1ce: {  	v1 =	vor.u32 $0xF, v1;
	v2 =	vor.u32 $0xF, v2;
	v32 =	vld.idx.msk [tilespmem:v32+s24+$0x0], $0xffff;
	v58 =	vmul.f32 v27, v27  }
0x1cf: {  	v33 =	vld.idx.msk [tilespmem:v33+s23+$0x0], $0xffff;
	v59 =	vmul.f32 v28, v28;
	v15 =	vadd.f32 v56, v15;
	v18 =	vadd.f32 v57, v18  }
0x1d0: {  	v34 =	vld.idx.msk [tilespmem:v34+s24+$0x0], $0xffff;
	v60 =	vmul.f32 v29, v29  }
0x1d1: {  	v35 =	vld.idx.msk [tilespmem:v35+s23+$0x0], $0xffff;
	v61 =	vmul.f32 v30, v30;
	v15 =	vadd.f32 v58, v15;
	v18 =	vadd.f32 v59, v18  }
0x1d2: {  	v36 =	vld.idx.msk [tilespmem:v36+s24+$0x0], $0xffff;
	v62 =	vmul.f32 v31, v31  }
0x1d3: {  	v1 =	vld.idx.msk [tilespmem:v1+s23+$0x0], $0xffff;
	v63 =	vmul.f32 v32, v32;
	v15 =	vadd.f32 v60, v15;
	v18 =	vadd.f32 v61, v18  }
0x1d4: {  	v2 =	vld.idx.msk [tilespmem:v2+s24+$0x0], $0xffff;
	v37 =	vmul.f32 v33, v33  }
0x1d5: {  	v38 =	vmul.f32 v34, v34;
	v15 =	vadd.f32 v62, v15;
	v18 =	vadd.f32 v63, v18  }
0x1d6: {  	v6 =	vmul.f32 v8, v6;
	v40 =	vmul.f32 v35, v35  }
0x1d7: {  	v42 =	vmul.f32 v36, v36;
	v39 =	vadd.f32 v37, v15;
	v41 =	vadd.f32 v38, v18  }
0x1d8: {  	v3 =	vmul.f32 v4, v3;
	v43 =	vadd.f32 $0.0e+00, v6;
	v46 =	vmul.f32 v1, v1  }
0x1d9: {  	v47 =	vmul.f32 v2, v2;
	v44 =	vadd.f32 v40, v39;
	v45 =	vadd.f32 v42, v41  }
0x1da: {  	v3 =	vadd.f32 v3, v43;
	v48 =	vmul.f32 v7, v5  }
0x1db: {  	v49 =	vadd.f32 v46, v44;
	v50 =	vadd.f32 v47, v45  }
0x1dc: {  	v3 =	vadd.f32 v48, v3  }
0x1dd: {  	v51 =	vmul.f32 v10, v9;
	v5 =	vmax.f32 v49, $1.000000020e-16;
	v6 =	vmax.f32 v50, $1.000000020e-16  }
0x1de: {  	v5 =	vmul.f32 v6, v5  }
0x1df: {  	v3 =	vadd.f32 v51, v3  }
0x1e0: {  	v52 =	vmul.f32 v12, v11;
	v6 =	vshrl.u32 v5, $0x1;
	v5 =	vmul.f32 $5.000000000e-01, v5  }
0x1e1: {  	v6 =	vsub.s32 $0x5F3759DF, v6  }
0x1e2: {  	v53 =	vmul.f32 v14, v13;
	v3 =	vadd.f32 v52, v3;
	v54 =	vmul.f32 v6, v5;
	_ =	sdelay $0x1  }
0x1e3: {  	v55 =	vmul.f32 v20, v17;
	v3 =	vadd.f32 v53, v3;
	v7 =	vmul.f32 v6, v54;
	_ =	sdelay $0x1  }
0x1e4: {  	v56 =	vmul.f32 v22, v21;
	v3 =	vadd.f32 v55, v3;
	v7 =	vsub.f32 $1.500000000e+00, v7;
	_ =	sdelay $0x1  }
0x1e5: {  	v57 =	vmul.f32 v24, v23;
	v3 =	vadd.f32 v56, v3;
	v6 =	vmul.f32 v6, v7;
	_ =	sdelay $0x1  }
0x1e6: {  	v58 =	vmul.f32 v26, v25;
	v3 =	vadd.f32 v57, v3;
	v7 =	vmul.f32 v6, v5;
	_ =	sdelay $0x1  }
0x1e7: {  	v59 =	vmul.f32 v28, v27;
	v3 =	vadd.f32 v58, v3;
	v7 =	vmul.f32 v7, v6;
	_ =	sdelay $0x1  }
0x1e8: {  	v60 =	vmul.f32 v30, v29;
	v3 =	vadd.f32 v59, v3;
	v7 =	vsub.f32 $1.500000000e+00, v7;
	_ =	sdelay $0x1  }
0x1e9: {  	v61 =	vmul.f32 v32, v31;
	v3 =	vadd.f32 v60, v3;
	v6 =	vmul.f32 v7, v6;
	_ =	sdelay $0x1  }
0x1ea: {  	v62 =	vmul.f32 v34, v33;
	v3 =	vadd.f32 v61, v3;
	v5 =	vmul.f32 v6, v5;
	_ =	sdelay $0x1  }
0x1eb: {  	v63 =	vmul.f32 v36, v35;
	v3 =	vadd.f32 v62, v3;
	v5 =	vmul.f32 v5, v6;
	_ =	sdelay $0x1  }
0x1ec: {  	v1 =	vmul.f32 v2, v1;
	v3 =	vadd.f32 v63, v3;
	v2 =	vsub.f32 $1.500000000e+00, v5;
	_ =	sdelay $0x1  }
0x1ed: {  	v1 =	vadd.f32 v1, v3;
	v2 =	vmul.f32 v2, v6;
	_ =	sdelay $0x1  }
0x1ee: {  	v1 =	vmul.f32 v2, v1  }
0x1ef: {  	p0 =	seq.s32 s5, $0x780  }
.Ltmp2:
0x1f0: {  	v1 =	vmul.f32 $2.500000000e+00, v1;
	(pc) =	sbr.rel @p0 .LBB2_4-.Ltmp2, $3  }
0x1f1: {  	_ = 	snop  }
0x1f2: {  	v1 =	vadd.f32 $2.750000000e+00, v1;
	_ =	sdelay $0x1  }
0x1f3: {  	[tilespmem:s6+$0x10800] =	vst v1  }
0x1f4: {  	v1 =	vld [tilespmem:s6+$0x420];
	_ =	sdelay $0x1  }
0x1f5: {  	v3 =	vld [tilespmem:s6+$0x620];
	_ =	sdelay $0x2  }
0x1f6: {  	v2 =	vshll.u32 v1, $0x4  }
0x1f7: {  	(v2sf) =	vpush v2, $0x0  }
0x1f8: {  	v1 =	vshll.u32 v3, $0x4  }
0x1f9: {  	(v2sf) =	vpush v1, $0x0;
	_ =	sdelay $0x2  }
0x1fa: {  	(v2sf) =	vpush v2, $0x1;
	_ =	sdelay $0x4  }
0x1fb: {  	(v2sf) =	vpush v1, $0x1;
	_ =	sdelay $0x4  }
0x1fc: {  	s7 =	spop (v2sf);
	(v2sf) =	vpush v2, $0x2  }
0x1fd: {  	s7 =	sand.u32 $0xFFFFF80, s7  }
0x1fe: {  	s8 =	spop (v2sf);
	(v2sf) =	vpush v1, $0x2;
	s7 =	sadd.s32 s3, s7  }
0x1ff: {  	[tilespmem:s23], [sflag:$0x1] =	stream.linear.gather [hbm4b:s7+s1], $0x400, $0x38;
	[tilespmem:$0x10A00] =	vst v63  }
0x200: {  	s7 =	sand.u32 $0xFFFFF80, s8  }
0x201: {  	s9 =	spop (v2sf);
	(v2sf) =	vpush v2, $0x3;
	s7 =	sadd.s32 s4, s7  }
0x202: {  	[tilespmem:s24], [sflag:$0x3] =	stream.linear.gather [hbm4b:s7+s1], $0x400, $0x38;
	[tilespmem:$0x10A00] =	vst v63  }
0x203: {  	s7 =	sand.u32 $0xFFFFF80, s9  }
0x204: {  	s8 =	simm.s32 $0xC00;
	s7 =	sadd.s32 s3, s7  }
0x205: {  	[tilespmem:s8], [sflag:$0x1] =	stream.linear.gather [hbm4b:s7+s1], $0x400, $0x38;
	[tilespmem:$0x10A00] =	vst v63  }
0x206: {  	s8 =	spop (v2sf);
	(v2sf) =	vpush v1, $0x3;
	_ =	sdelay $0x3  }
0x207: {  	s7 =	sand.u32 $0xFFFFF80, s8  }
0x208: {  	s9 =	simm.s32 $0x8C00;
	s7 =	sadd.s32 s4, s7;
	s8 =	spop (v2sf);
	(v2sf) =	vpush v2, $0x4  }
0x209: {  	[tilespmem:s9], [sflag:$0x3] =	stream.linear.gather [hbm4b:s7+s1], $0x400, $0x38;
	[tilespmem:$0x10A00] =	vst v63  }
0x20a: {  	s7 =	sand.u32 $0xFFFFF80, s8;
	s8 =	spop (v2sf);
	(v2sf) =	vpush v1, $0x4  }
0x20b: {  	s9 =	simm.s32 $0x1000;
	s7 =	sadd.s32 s3, s7  }
0x20c: {  	[tilespmem:s9], [sflag:$0x1] =	stream.linear.gather [hbm4b:s7+s1], $0x400, $0x38;
	[tilespmem:$0x10A00] =	vst v63  }
0x20d: {  	s7 =	sand.u32 $0xFFFFF80, s8;
	s8 =	spop (v2sf);
	(v2sf) =	vpush v2, $0x5;
	_ =	sdelay $0x2  }
0x20e: {  	s9 =	simm.s32 $0x9000;
	s7 =	sadd.s32 s4, s7  }
0x20f: {  	[tilespmem:s9], [sflag:$0x3] =	stream.linear.gather [hbm4b:s7+s1], $0x400, $0x38;
	[tilespmem:$0x10A00] =	vst v63  }
0x210: {  	s7 =	sand.u32 $0xFFFFF80, s8;
	s8 =	spop (v2sf);
	(v2sf) =	vpush v1, $0x5;
	_ =	sdelay $0x1  }
0x211: {  	s9 =	simm.s32 $0x1400;
	s7 =	sadd.s32 s3, s7  }
0x212: {  	[tilespmem:s9], [sflag:$0x1] =	stream.linear.gather [hbm4b:s7+s1], $0x400, $0x38;
	[tilespmem:$0x10A00] =	vst v63  }
0x213: {  	s7 =	sand.u32 $0xFFFFF80, s8  }
0x214: {  	s9 =	simm.s32 $0x9400;
	s7 =	sadd.s32 s4, s7;
	s8 =	spop (v2sf);
	(v2sf) =	vpush v2, $0x6  }
0x215: {  	[tilespmem:s9], [sflag:$0x3] =	stream.linear.gather [hbm4b:s7+s1], $0x400, $0x38;
	[tilespmem:$0x10A00] =	vst v63  }
0x216: {  	s7 =	sand.u32 $0xFFFFF80, s8;
	s8 =	spop (v2sf);
	(v2sf) =	vpush v1, $0x6  }
0x217: {  	s9 =	simm.s32 $0x1800;
	s7 =	sadd.s32 s3, s7  }
0x218: {  	[tilespmem:s9], [sflag:$0x1] =	stream.linear.gather [hbm4b:s7+s1], $0x400, $0x38;
	[tilespmem:$0x10A00] =	vst v63  }
0x219: {  	s7 =	sand.u32 $0xFFFFF80, s8;
	s8 =	spop (v2sf);
	(v2sf) =	vpush v2, $0x7;
	_ =	sdelay $0x2  }
0x21a: {  	s9 =	simm.s32 $0x9800;
	s7 =	sadd.s32 s4, s7  }
0x21b: {  	[tilespmem:s9], [sflag:$0x3] =	stream.linear.gather [hbm4b:s7+s1], $0x400, $0x38;
	[tilespmem:$0x10A00] =	vst v63  }
0x21c: {  	s7 =	sand.u32 $0xFFFFF80, s8;
	s8 =	spop (v2sf);
	(v2sf) =	vpush v1, $0x7;
	_ =	sdelay $0x1  }
0x21d: {  	s9 =	simm.s32 $0x1C00;
	s7 =	sadd.s32 s3, s7  }
0x21e: {  	[tilespmem:s9], [sflag:$0x1] =	stream.linear.gather [hbm4b:s7+s1], $0x400, $0x38;
	[tilespmem:$0x10A00] =	vst v63  }
0x21f: {  	s7 =	sand.u32 $0xFFFFF80, s8  }
0x220: {  	s9 =	simm.s32 $0x9C00;
	s7 =	sadd.s32 s4, s7;
	s8 =	spop (v2sf);
	(v2sf) =	vpush v2, $0x8  }
0x221: {  	[tilespmem:s9], [sflag:$0x3] =	stream.linear.gather [hbm4b:s7+s1], $0x400, $0x38;
	[tilespmem:$0x10A00] =	vst v63  }
0x222: {  	s7 =	sand.u32 $0xFFFFF80, s8;
	s8 =	spop (v2sf);
	(v2sf) =	vpush v1, $0x8  }
0x223: {  	s9 =	simm.s32 $0x2000;
	s7 =	sadd.s32 s3, s7  }
0x224: {  	[tilespmem:s9], [sflag:$0x1] =	stream.linear.gather [hbm4b:s7+s1], $0x400, $0x38;
	[tilespmem:$0x10A00] =	vst v63  }
0x225: {  	s7 =	sand.u32 $0xFFFFF80, s8;
	s8 =	spop (v2sf);
	(v2sf) =	vpush v2, $0x9;
	_ =	sdelay $0x2  }
0x226: {  	s9 =	simm.s32 $0xA000;
	s7 =	sadd.s32 s4, s7  }
0x227: {  	[tilespmem:s9], [sflag:$0x3] =	stream.linear.gather [hbm4b:s7+s1], $0x400, $0x38;
	[tilespmem:$0x10A00] =	vst v63  }
0x228: {  	s7 =	sand.u32 $0xFFFFF80, s8;
	s8 =	spop (v2sf);
	(v2sf) =	vpush v1, $0x9;
	_ =	sdelay $0x1  }
0x229: {  	s9 =	simm.s32 $0x2400;
	s7 =	sadd.s32 s3, s7  }
0x22a: {  	[tilespmem:s9], [sflag:$0x1] =	stream.linear.gather [hbm4b:s7+s1], $0x400, $0x38;
	[tilespmem:$0x10A00] =	vst v63  }
0x22b: {  	s7 =	sand.u32 $0xFFFFF80, s8  }
0x22c: {  	s9 =	simm.s32 $0xA400;
	s7 =	sadd.s32 s4, s7;
	s8 =	spop (v2sf);
	(v2sf) =	vpush v2, $0xA  }
0x22d: {  	[tilespmem:s9], [sflag:$0x3] =	stream.linear.gather [hbm4b:s7+s1], $0x400, $0x38;
	[tilespmem:$0x10A00] =	vst v63  }
0x22e: {  	s7 =	sand.u32 $0xFFFFF80, s8;
	s8 =	spop (v2sf);
	(v2sf) =	vpush v1, $0xA  }
0x22f: {  	s9 =	simm.s32 $0x2800;
	s7 =	sadd.s32 s3, s7  }
0x230: {  	[tilespmem:s9], [sflag:$0x1] =	stream.linear.gather [hbm4b:s7+s1], $0x400, $0x38;
	[tilespmem:$0x10A00] =	vst v63  }
0x231: {  	s7 =	sand.u32 $0xFFFFF80, s8;
	s8 =	spop (v2sf);
	(v2sf) =	vpush v2, $0xB;
	_ =	sdelay $0x2  }
0x232: {  	s9 =	simm.s32 $0xA800;
	s7 =	sadd.s32 s4, s7  }
0x233: {  	[tilespmem:s9], [sflag:$0x3] =	stream.linear.gather [hbm4b:s7+s1], $0x400, $0x38;
	[tilespmem:$0x10A00] =	vst v63  }
0x234: {  	s7 =	sand.u32 $0xFFFFF80, s8;
	s8 =	spop (v2sf);
	(v2sf) =	vpush v1, $0xB;
	_ =	sdelay $0x1  }
0x235: {  	s9 =	simm.s32 $0x2C00;
	s7 =	sadd.s32 s3, s7  }
0x236: {  	[tilespmem:s9], [sflag:$0x1] =	stream.linear.gather [hbm4b:s7+s1], $0x400, $0x38;
	[tilespmem:$0x10A00] =	vst v63  }
0x237: {  	s7 =	sand.u32 $0xFFFFF80, s8  }
0x238: {  	s9 =	simm.s32 $0xAC00;
	s7 =	sadd.s32 s4, s7;
	s8 =	spop (v2sf);
	(v2sf) =	vpush v2, $0xC  }
0x239: {  	[tilespmem:s9], [sflag:$0x3] =	stream.linear.gather [hbm4b:s7+s1], $0x400, $0x38;
	[tilespmem:$0x10A00] =	vst v63  }
0x23a: {  	s7 =	sand.u32 $0xFFFFF80, s8;
	s8 =	spop (v2sf);
	(v2sf) =	vpush v1, $0xC  }
0x23b: {  	s9 =	simm.s32 $0x3000;
	s7 =	sadd.s32 s3, s7  }
0x23c: {  	[tilespmem:s9], [sflag:$0x1] =	stream.linear.gather [hbm4b:s7+s1], $0x400, $0x38;
	[tilespmem:$0x10A00] =	vst v63  }
0x23d: {  	s7 =	sand.u32 $0xFFFFF80, s8;
	s8 =	spop (v2sf);
	(v2sf) =	vpush v2, $0xD;
	_ =	sdelay $0x2  }
0x23e: {  	s9 =	simm.s32 $0xB000;
	s7 =	sadd.s32 s4, s7  }
0x23f: {  	[tilespmem:s9], [sflag:$0x3] =	stream.linear.gather [hbm4b:s7+s1], $0x400, $0x38;
	[tilespmem:$0x10A00] =	vst v63  }
0x240: {  	s7 =	sand.u32 $0xFFFFF80, s8;
	s8 =	spop (v2sf);
	(v2sf) =	vpush v1, $0xD;
	_ =	sdelay $0x1  }
0x241: {  	s9 =	simm.s32 $0x3400;
	s7 =	sadd.s32 s3, s7  }
0x242: {  	[tilespmem:s9], [sflag:$0x1] =	stream.linear.gather [hbm4b:s7+s1], $0x400, $0x38;
	[tilespmem:$0x10A00] =	vst v63  }
0x243: {  	s7 =	sand.u32 $0xFFFFF80, s8  }
0x244: {  	s9 =	simm.s32 $0xB400;
	s7 =	sadd.s32 s4, s7;
	s8 =	spop (v2sf);
	(v2sf) =	vpush v2, $0xE  }
0x245: {  	[tilespmem:s9], [sflag:$0x3] =	stream.linear.gather [hbm4b:s7+s1], $0x400, $0x38;
	[tilespmem:$0x10A00] =	vst v63  }
0x246: {  	s7 =	sand.u32 $0xFFFFF80, s8;
	s8 =	spop (v2sf);
	(v2sf) =	vpush v1, $0xE  }
0x247: {  	s9 =	simm.s32 $0x3800;
	s7 =	sadd.s32 s3, s7  }
0x248: {  	[tilespmem:s9], [sflag:$0x1] =	stream.linear.gather [hbm4b:s7+s1], $0x400, $0x38;
	[tilespmem:$0x10A00] =	vst v63  }
0x249: {  	s7 =	sand.u32 $0xFFFFF80, s8;
	s8 =	spop (v2sf);
	(v2sf) =	vpush v2, $0xF;
	_ =	sdelay $0x1  }
0x24a: {  	s9 =	simm.s32 $0xB800;
	s7 =	sadd.s32 s4, s7  }
0x24b: {  	[tilespmem:s9], [sflag:$0x3] =	stream.linear.gather [hbm4b:s7+s1], $0x400, $0x38;
	[tilespmem:$0x10A00] =	vst v63  }
0x24c: {  	s7 =	sand.u32 $0xFFFFF80, s8  }
0x24d: {  	s9 =	simm.s32 $0x3C00;
	s7 =	sadd.s32 s3, s7;
	s8 =	spop (v2sf);
	(v2sf) =	vpush v1, $0xF  }
0x24e: {  	[tilespmem:s9], [sflag:$0x1] =	stream.linear.gather [hbm4b:s7+s1], $0x400, $0x38;
	[tilespmem:$0x10A00] =	vst v63  }
0x24f: {  	s7 =	sand.u32 $0xFFFFF80, s8  }
0x250: {  	s9 =	simm.s32 $0xBC00;
	s7 =	sadd.s32 s4, s7  }
0x251: {  	[tilespmem:s9], [sflag:$0x3] =	stream.linear.gather [hbm4b:s7+s1], $0x400, $0x38;
	[tilespmem:$0x10A00] =	vst v63  }
0x252: {  	s8 =	spop (v2sf)  }
0x253: {  	s7 =	sand.u32 $0xFFFFF80, s8  }
0x254: {  	s9 =	simm.s32 $0x4000;
	s8 =	spop (v2sf);
	s7 =	sadd.s32 s3, s7  }
0x255: {  	[tilespmem:s9], [sflag:$0x1] =	stream.linear.gather [hbm4b:s7+s1], $0x400, $0x38;
	[tilespmem:$0x10A00] =	vst v63  }
0x256: {  	s7 =	sand.u32 $0xFFFFF80, s8  }
0x257: {  	s9 =	simm.s32 $0xC000;
	s8 =	spop (v2sf);
	s7 =	sadd.s32 s4, s7  }
0x258: {  	[tilespmem:s9], [sflag:$0x3] =	stream.linear.gather [hbm4b:s7+s1], $0x400, $0x38;
	[tilespmem:$0x10A00] =	vst v63  }
0x259: {  	s7 =	sand.u32 $0xFFFFF80, s8  }
0x25a: {  	s9 =	simm.s32 $0x4400;
	s7 =	sadd.s32 s3, s7  }
0x25b: {  	[tilespmem:s9], [sflag:$0x1] =	stream.linear.gather [hbm4b:s7+s1], $0x400, $0x38;
	[tilespmem:$0x10A00] =	vst v63  }
0x25c: {  	s8 =	spop (v2sf)  }
0x25d: {  	s7 =	sand.u32 $0xFFFFF80, s8  }
0x25e: {  	s9 =	simm.s32 $0xC400;
	s7 =	sadd.s32 s4, s7  }
0x25f: {  	[tilespmem:s9], [sflag:$0x3] =	stream.linear.gather [hbm4b:s7+s1], $0x400, $0x38;
	[tilespmem:$0x10A00] =	vst v63  }
0x260: {  	s8 =	simm.s32 $0xC800;
	s7 =	simm.s32 $0x4800  }
.LBB2_4:
0x261: {  	_ =	swait.ge [sflag:s20], $0x4000  }
0x262: {  	[sflag:s20] =	ssyncset.done $0x0  }
0x263: {  	[sflag:s20] =	ssyncadd.s32 $0xFFFFC000  }
0x264: {  	_ =	swait.ge [sflag:s21], $0x4000  }
0x265: {  	[sflag:s21] =	ssyncset.done $0x0  }
0x266: {  	[sflag:s21] =	ssyncadd.s32 $0xFFFFC000  }
0x267: {  	v1 =	vld [tilespmem:s6+$0x10]  }
0x268: {  	v2 =	vld [tilespmem:s6+$0x210];
	_ =	sdelay $0x3  }
0x269: {  	v3 =	vor.u32 $0x4000, v0;
	v1 =	vshll.u32 v1, $0x7  }
0x26a: {  	v2 =	vshll.u32 v2, $0x7;
	v1 =	vadd.s32 v3, v1  }
0x26b: {  	v2 =	vadd.s32 v3, v2  }
0x26c: {  	v3 =	vor.u32 $0x1, v1  }
0x26d: {  	v4 =	vor.u32 $0x1, v2  }
0x26e: {  	v5 =	vor.u32 $0x2, v1  }
0x26f: {  	v7 =	vor.u32 $0x2, v2;
	v6 =	vld.idx.msk [tilespmem:v1+s23+$0x0], $0xffff  }
0x270: {  	v9 =	vor.u32 $0x3, v1;
	v8 =	vld.idx.msk [tilespmem:v2+s24+$0x0], $0xffff  }
0x271: {  	v10 =	vor.u32 $0x3, v2;
	v3 =	vld.idx.msk [tilespmem:v3+s23+$0x0], $0xffff  }
0x272: {  	v11 =	vor.u32 $0x4, v1;
	v4 =	vld.idx.msk [tilespmem:v4+s24+$0x0], $0xffff  }
0x273: {  	v12 =	vor.u32 $0x4, v2;
	v5 =	vld.idx.msk [tilespmem:v5+s23+$0x0], $0xffff  }
0x274: {  	v13 =	vor.u32 $0x5, v1;
	v7 =	vld.idx.msk [tilespmem:v7+s24+$0x0], $0xffff  }
0x275: {  	v14 =	vor.u32 $0x5, v2;
	v9 =	vld.idx.msk [tilespmem:v9+s23+$0x0], $0xffff  }
0x276: {  	v17 =	vor.u32 $0x6, v1;
	v10 =	vld.idx.msk [tilespmem:v10+s24+$0x0], $0xffff;
	v15 =	vmul.f32 v6, v6;
	v18 =	vmul.f32 v8, v8  }
0x277: {  	v20 =	vor.u32 $0x6, v2;
	v11 =	vld.idx.msk [tilespmem:v11+s23+$0x0], $0xffff;
	v16 =	vmul.f32 v3, v3;
	v19 =	vmul.f32 v4, v4  }
0x278: {  	v21 =	vor.u32 $0x7, v1;
	v22 =	vor.u32 $0x7, v2;
	v12 =	vld.idx.msk [tilespmem:v12+s24+$0x0], $0xffff;
	v42 =	vmul.f32 v5, v5  }
0x279: {  	v13 =	vld.idx.msk [tilespmem:v13+s23+$0x0], $0xffff;
	v43 =	vmul.f32 v7, v7;
	v15 =	vadd.f32 v16, v15;
	v18 =	vadd.f32 v19, v18  }
0x27a: {  	v23 =	vor.u32 $0x8, v1;
	v24 =	vor.u32 $0x8, v2;
	v14 =	vld.idx.msk [tilespmem:v14+s24+$0x0], $0xffff;
	v44 =	vmul.f32 v9, v9  }
0x27b: {  	v17 =	vld.idx.msk [tilespmem:v17+s23+$0x0], $0xffff;
	v45 =	vmul.f32 v10, v10;
	v15 =	vadd.f32 v42, v15;
	v18 =	vadd.f32 v43, v18  }
0x27c: {  	v25 =	vor.u32 $0x9, v1;
	v26 =	vor.u32 $0x9, v2;
	v20 =	vld.idx.msk [tilespmem:v20+s24+$0x0], $0xffff;
	v46 =	vmul.f32 v11, v11  }
0x27d: {  	v21 =	vld.idx.msk [tilespmem:v21+s23+$0x0], $0xffff;
	v47 =	vmul.f32 v12, v12;
	v15 =	vadd.f32 v44, v15;
	v18 =	vadd.f32 v45, v18  }
0x27e: {  	v27 =	vor.u32 $0xA, v1;
	v28 =	vor.u32 $0xA, v2;
	v22 =	vld.idx.msk [tilespmem:v22+s24+$0x0], $0xffff;
	v48 =	vmul.f32 v13, v13  }
0x27f: {  	v23 =	vld.idx.msk [tilespmem:v23+s23+$0x0], $0xffff;
	v49 =	vmul.f32 v14, v14;
	v15 =	vadd.f32 v46, v15;
	v18 =	vadd.f32 v47, v18  }
0x280: {  	v29 =	vor.u32 $0xB, v1;
	v30 =	vor.u32 $0xB, v2;
	v24 =	vld.idx.msk [tilespmem:v24+s24+$0x0], $0xffff;
	v50 =	vmul.f32 v17, v17  }
0x281: {  	v25 =	vld.idx.msk [tilespmem:v25+s23+$0x0], $0xffff;
	v51 =	vmul.f32 v20, v20;
	v15 =	vadd.f32 v48, v15;
	v18 =	vadd.f32 v49, v18  }
0x282: {  	v31 =	vor.u32 $0xC, v1;
	v32 =	vor.u32 $0xC, v2;
	v26 =	vld.idx.msk [tilespmem:v26+s24+$0x0], $0xffff;
	v52 =	vmul.f32 v21, v21  }
0x283: {  	v27 =	vld.idx.msk [tilespmem:v27+s23+$0x0], $0xffff;
	v53 =	vmul.f32 v22, v22;
	v15 =	vadd.f32 v50, v15;
	v18 =	vadd.f32 v51, v18  }
0x284: {  	v33 =	vor.u32 $0xD, v1;
	v34 =	vor.u32 $0xD, v2;
	v28 =	vld.idx.msk [tilespmem:v28+s24+$0x0], $0xffff;
	v54 =	vmul.f32 v23, v23  }
0x285: {  	v29 =	vld.idx.msk [tilespmem:v29+s23+$0x0], $0xffff;
	v55 =	vmul.f32 v24, v24;
	v15 =	vadd.f32 v52, v15;
	v18 =	vadd.f32 v53, v18  }
0x286: {  	v35 =	vor.u32 $0xE, v1;
	v36 =	vor.u32 $0xE, v2;
	v30 =	vld.idx.msk [tilespmem:v30+s24+$0x0], $0xffff;
	v56 =	vmul.f32 v25, v25  }
0x287: {  	v31 =	vld.idx.msk [tilespmem:v31+s23+$0x0], $0xffff;
	v57 =	vmul.f32 v26, v26;
	v15 =	vadd.f32 v54, v15;
	v18 =	vadd.f32 v55, v18  }
0x288: {  	v1 =	vor.u32 $0xF, v1;
	v2 =	vor.u32 $0xF, v2;
	v32 =	vld.idx.msk [tilespmem:v32+s24+$0x0], $0xffff;
	v58 =	vmul.f32 v27, v27  }
0x289: {  	v33 =	vld.idx.msk [tilespmem:v33+s23+$0x0], $0xffff;
	v59 =	vmul.f32 v28, v28;
	v15 =	vadd.f32 v56, v15;
	v18 =	vadd.f32 v57, v18  }
0x28a: {  	v34 =	vld.idx.msk [tilespmem:v34+s24+$0x0], $0xffff;
	v60 =	vmul.f32 v29, v29  }
0x28b: {  	v35 =	vld.idx.msk [tilespmem:v35+s23+$0x0], $0xffff;
	v61 =	vmul.f32 v30, v30;
	v15 =	vadd.f32 v58, v15;
	v18 =	vadd.f32 v59, v18  }
0x28c: {  	v36 =	vld.idx.msk [tilespmem:v36+s24+$0x0], $0xffff;
	v62 =	vmul.f32 v31, v31  }
0x28d: {  	v1 =	vld.idx.msk [tilespmem:v1+s23+$0x0], $0xffff;
	v63 =	vmul.f32 v32, v32;
	v15 =	vadd.f32 v60, v15;
	v18 =	vadd.f32 v61, v18  }
0x28e: {  	v2 =	vld.idx.msk [tilespmem:v2+s24+$0x0], $0xffff;
	v37 =	vmul.f32 v33, v33  }
0x28f: {  	v38 =	vmul.f32 v34, v34;
	v15 =	vadd.f32 v62, v15;
	v18 =	vadd.f32 v63, v18  }
0x290: {  	v6 =	vmul.f32 v8, v6;
	v40 =	vmul.f32 v35, v35  }
0x291: {  	v42 =	vmul.f32 v36, v36;
	v39 =	vadd.f32 v37, v15;
	v41 =	vadd.f32 v38, v18  }
0x292: {  	v3 =	vmul.f32 v4, v3;
	v43 =	vadd.f32 $0.0e+00, v6;
	v46 =	vmul.f32 v1, v1  }
0x293: {  	v47 =	vmul.f32 v2, v2;
	v44 =	vadd.f32 v40, v39;
	v45 =	vadd.f32 v42, v41  }
0x294: {  	v3 =	vadd.f32 v3, v43;
	v48 =	vmul.f32 v7, v5  }
0x295: {  	v49 =	vadd.f32 v46, v44;
	v50 =	vadd.f32 v47, v45  }
0x296: {  	v3 =	vadd.f32 v48, v3  }
0x297: {  	v51 =	vmul.f32 v10, v9;
	v5 =	vmax.f32 v49, $1.000000020e-16;
	v6 =	vmax.f32 v50, $1.000000020e-16  }
0x298: {  	v5 =	vmul.f32 v6, v5  }
0x299: {  	v3 =	vadd.f32 v51, v3  }
0x29a: {  	v52 =	vmul.f32 v12, v11;
	v6 =	vshrl.u32 v5, $0x1;
	v5 =	vmul.f32 $5.000000000e-01, v5  }
0x29b: {  	v6 =	vsub.s32 $0x5F3759DF, v6  }
0x29c: {  	v53 =	vmul.f32 v14, v13;
	v3 =	vadd.f32 v52, v3;
	v54 =	vmul.f32 v6, v5;
	_ =	sdelay $0x1  }
0x29d: {  	v55 =	vmul.f32 v20, v17;
	v3 =	vadd.f32 v53, v3;
	v7 =	vmul.f32 v6, v54;
	_ =	sdelay $0x1  }
0x29e: {  	v56 =	vmul.f32 v22, v21;
	v3 =	vadd.f32 v55, v3;
	v7 =	vsub.f32 $1.500000000e+00, v7;
	_ =	sdelay $0x1  }
0x29f: {  	v57 =	vmul.f32 v24, v23;
	v3 =	vadd.f32 v56, v3;
	v6 =	vmul.f32 v6, v7;
	_ =	sdelay $0x1  }
0x2a0: {  	v58 =	vmul.f32 v26, v25;
	v3 =	vadd.f32 v57, v3;
	v7 =	vmul.f32 v6, v5;
	_ =	sdelay $0x1  }
0x2a1: {  	v59 =	vmul.f32 v28, v27;
	v3 =	vadd.f32 v58, v3;
	v7 =	vmul.f32 v7, v6;
	_ =	sdelay $0x1  }
0x2a2: {  	v60 =	vmul.f32 v30, v29;
	v3 =	vadd.f32 v59, v3;
	v7 =	vsub.f32 $1.500000000e+00, v7;
	_ =	sdelay $0x1  }
0x2a3: {  	v61 =	vmul.f32 v32, v31;
	v3 =	vadd.f32 v60, v3;
	v6 =	vmul.f32 v7, v6;
	_ =	sdelay $0x1  }
0x2a4: {  	v62 =	vmul.f32 v34, v33;
	v3 =	vadd.f32 v61, v3;
	v5 =	vmul.f32 v6, v5;
	_ =	sdelay $0x1  }
0x2a5: {  	v63 =	vmul.f32 v36, v35;
	v3 =	vadd.f32 v62, v3;
	v5 =	vmul.f32 v5, v6;
	_ =	sdelay $0x1  }
0x2a6: {  	v1 =	vmul.f32 v2, v1;
	v3 =	vadd.f32 v63, v3;
	v2 =	vsub.f32 $1.500000000e+00, v5;
	_ =	sdelay $0x1  }
0x2a7: {  	v1 =	vadd.f32 v1, v3;
	v2 =	vmul.f32 v2, v6;
	_ =	sdelay $0x1  }
0x2a8: {  	v1 =	vmul.f32 v2, v1;
	_ =	sdelay $0x1  }
.Ltmp3:
0x2a9: {  	v1 =	vmul.f32 $2.500000000e+00, v1;
	(pc) =	sbr.rel @p0 .LBB2_6-.Ltmp3, $3  }
0x2aa: {  	_ = 	snop  }
0x2ab: {  	v1 =	vadd.f32 $2.750000000e+00, v1;
	_ =	sdelay $0x1  }
0x2ac: {  	[tilespmem:s6+$0x10810] =	vst v1  }
0x2ad: {  	v1 =	vld [tilespmem:s6+$0x430];
	_ =	sdelay $0x2  }
0x2ae: {  	v3 =	vld [tilespmem:s6+$0x630];
	_ =	sdelay $0x1  }
0x2af: {  	v2 =	vshll.u32 v1, $0x4  }
0x2b0: {  	(v2sf) =	vpush v2, $0x0;
	_ =	sdelay $0x1  }
0x2b1: {  	v1 =	vshll.u32 v3, $0x4  }
0x2b2: {  	(v2sf) =	vpush v1, $0x0;
	_ =	sdelay $0x2  }
0x2b3: {  	(v2sf) =	vpush v2, $0x1;
	_ =	sdelay $0x4  }
0x2b4: {  	(v2sf) =	vpush v1, $0x1;
	_ =	sdelay $0x3  }
0x2b5: {  	s9 =	spop (v2sf);
	(v2sf) =	vpush v2, $0x2;
	_ =	sdelay $0x1  }
0x2b6: {  	s6 =	sand.u32 $0xFFFFF80, s9  }
0x2b7: {  	s9 =	spop (v2sf);
	s6 =	sadd.s32 s3, s6  }
0x2b8: {  	(v2sf) =	vpush v1, $0x2;
	[tilespmem:s7], [sflag:$0x2] =	stream.linear.gather [hbm4b:s6+s1], $0x400, $0x38;
	[tilespmem:$0x10A00] =	vst v63  }
0x2b9: {  	s6 =	sand.u32 $0xFFFFF80, s9  }
0x2ba: {  	s9 =	spop (v2sf);
	s6 =	sadd.s32 s4, s6  }
0x2bb: {  	[tilespmem:s8], [sflag:$0x4] =	stream.linear.gather [hbm4b:s6+s1], $0x400, $0x38;
	[tilespmem:$0x10A00] =	vst v63  }
0x2bc: {  	(v2sf) =	vpush v2, $0x3;
	s6 =	sand.u32 $0xFFFFF80, s9  }
0x2bd: {  	s9 =	simm.s32 $0x4C00;
	s6 =	sadd.s32 s3, s6  }
0x2be: {  	[tilespmem:s9], [sflag:$0x2] =	stream.linear.gather [hbm4b:s6+s1], $0x400, $0x38;
	[tilespmem:$0x10A00] =	vst v63  }
0x2bf: {  	s9 =	spop (v2sf)  }
0x2c0: {  	(v2sf) =	vpush v1, $0x3;
	s6 =	sand.u32 $0xFFFFF80, s9  }
0x2c1: {  	s9 =	simm.s32 $0xCC00;
	s6 =	sadd.s32 s4, s6  }
0x2c2: {  	[tilespmem:s9], [sflag:$0x4] =	stream.linear.gather [hbm4b:s6+s1], $0x400, $0x38;
	[tilespmem:$0x10A00] =	vst v63  }
0x2c3: {  	s9 =	spop (v2sf)  }
0x2c4: {  	(v2sf) =	vpush v2, $0x4;
	s6 =	sand.u32 $0xFFFFF80, s9  }
0x2c5: {  	s9 =	simm.s32 $0x5000;
	s6 =	sadd.s32 s3, s6  }
0x2c6: {  	[tilespmem:s9], [sflag:$0x2] =	stream.linear.gather [hbm4b:s6+s1], $0x400, $0x38;
	[tilespmem:$0x10A00] =	vst v63  }
0x2c7: {  	s9 =	spop (v2sf)  }
0x2c8: {  	(v2sf) =	vpush v1, $0x4;
	s6 =	sand.u32 $0xFFFFF80, s9  }
0x2c9: {  	s9 =	simm.s32 $0xD000;
	s6 =	sadd.s32 s4, s6  }
0x2ca: {  	[tilespmem:s9], [sflag:$0x4] =	stream.linear.gather [hbm4b:s6+s1], $0x400, $0x38;
	[tilespmem:$0x10A00] =	vst v63  }
0x2cb: {  	s9 =	spop (v2sf)  }
0x2cc: {  	(v2sf) =	vpush v2, $0x5;
	s6 =	sand.u32 $0xFFFFF80, s9  }
0x2cd: {  	s9 =	simm.s32 $0x5400;
	s6 =	sadd.s32 s3, s6  }
0x2ce: {  	[tilespmem:s9], [sflag:$0x2] =	stream.linear.gather [hbm4b:s6+s1], $0x400, $0x38;
	[tilespmem:$0x10A00] =	vst v63  }
0x2cf: {  	s9 =	spop (v2sf)  }
0x2d0: {  	(v2sf) =	vpush v1, $0x5;
	s6 =	sand.u32 $0xFFFFF80, s9  }
0x2d1: {  	s9 =	simm.s32 $0xD400;
	s6 =	sadd.s32 s4, s6  }
0x2d2: {  	[tilespmem:s9], [sflag:$0x4] =	stream.linear.gather [hbm4b:s6+s1], $0x400, $0x38;
	[tilespmem:$0x10A00] =	vst v63  }
0x2d3: {  	s9 =	spop (v2sf)  }
0x2d4: {  	(v2sf) =	vpush v2, $0x6;
	s6 =	sand.u32 $0xFFFFF80, s9  }
0x2d5: {  	s9 =	simm.s32 $0x5800;
	s6 =	sadd.s32 s3, s6  }
0x2d6: {  	[tilespmem:s9], [sflag:$0x2] =	stream.linear.gather [hbm4b:s6+s1], $0x400, $0x38;
	[tilespmem:$0x10A00] =	vst v63  }
0x2d7: {  	s9 =	spop (v2sf)  }
0x2d8: {  	(v2sf) =	vpush v1, $0x6;
	s6 =	sand.u32 $0xFFFFF80, s9  }
0x2d9: {  	s9 =	simm.s32 $0xD800;
	s6 =	sadd.s32 s4, s6  }
0x2da: {  	[tilespmem:s9], [sflag:$0x4] =	stream.linear.gather [hbm4b:s6+s1], $0x400, $0x38;
	[tilespmem:$0x10A00] =	vst v63  }
0x2db: {  	s9 =	spop (v2sf)  }
0x2dc: {  	(v2sf) =	vpush v2, $0x7;
	s6 =	sand.u32 $0xFFFFF80, s9  }
0x2dd: {  	s9 =	simm.s32 $0x5C00;
	s6 =	sadd.s32 s3, s6  }
0x2de: {  	[tilespmem:s9], [sflag:$0x2] =	stream.linear.gather [hbm4b:s6+s1], $0x400, $0x38;
	[tilespmem:$0x10A00] =	vst v63  }
0x2df: {  	s9 =	spop (v2sf)  }
0x2e0: {  	(v2sf) =	vpush v1, $0x7;
	s6 =	sand.u32 $0xFFFFF80, s9  }
0x2e1: {  	s9 =	simm.s32 $0xDC00;
	s6 =	sadd.s32 s4, s6  }
0x2e2: {  	[tilespmem:s9], [sflag:$0x4] =	stream.linear.gather [hbm4b:s6+s1], $0x400, $0x38;
	[tilespmem:$0x10A00] =	vst v63  }
0x2e3: {  	s9 =	spop (v2sf)  }
0x2e4: {  	(v2sf) =	vpush v2, $0x8;
	s6 =	sand.u32 $0xFFFFF80, s9  }
0x2e5: {  	s9 =	simm.s32 $0x6000;
	s6 =	sadd.s32 s3, s6  }
0x2e6: {  	[tilespmem:s9], [sflag:$0x2] =	stream.linear.gather [hbm4b:s6+s1], $0x400, $0x38;
	[tilespmem:$0x10A00] =	vst v63  }
0x2e7: {  	s9 =	spop (v2sf)  }
0x2e8: {  	(v2sf) =	vpush v1, $0x8;
	s6 =	sand.u32 $0xFFFFF80, s9  }
0x2e9: {  	s9 =	simm.s32 $0xE000;
	s6 =	sadd.s32 s4, s6  }
0x2ea: {  	[tilespmem:s9], [sflag:$0x4] =	stream.linear.gather [hbm4b:s6+s1], $0x400, $0x38;
	[tilespmem:$0x10A00] =	vst v63  }
0x2eb: {  	s9 =	spop (v2sf)  }
0x2ec: {  	(v2sf) =	vpush v2, $0x9;
	s6 =	sand.u32 $0xFFFFF80, s9  }
0x2ed: {  	s9 =	simm.s32 $0x6400;
	s6 =	sadd.s32 s3, s6  }
0x2ee: {  	[tilespmem:s9], [sflag:$0x2] =	stream.linear.gather [hbm4b:s6+s1], $0x400, $0x38;
	[tilespmem:$0x10A00] =	vst v63  }
0x2ef: {  	s9 =	spop (v2sf)  }
0x2f0: {  	(v2sf) =	vpush v1, $0x9;
	s6 =	sand.u32 $0xFFFFF80, s9  }
0x2f1: {  	s6 =	sadd.s32 s4, s6  }
0x2f2: {  	[tilespmem:s10], [sflag:$0x4] =	stream.linear.gather [hbm4b:s6+s1], $0x400, $0x38;
	[tilespmem:$0x10A00] =	vst v63  }
0x2f3: {  	s9 =	spop (v2sf)  }
0x2f4: {  	(v2sf) =	vpush v2, $0xA;
	s6 =	sand.u32 $0xFFFFF80, s9  }
0x2f5: {  	s6 =	sadd.s32 s3, s6  }
0x2f6: {  	[tilespmem:s11], [sflag:$0x2] =	stream.linear.gather [hbm4b:s6+s1], $0x400, $0x38;
	[tilespmem:$0x10A00] =	vst v63  }
0x2f7: {  	s9 =	spop (v2sf)  }
0x2f8: {  	(v2sf) =	vpush v1, $0xA;
	s6 =	sand.u32 $0xFFFFF80, s9  }
0x2f9: {  	s6 =	sadd.s32 s4, s6  }
0x2fa: {  	[tilespmem:s12], [sflag:$0x4] =	stream.linear.gather [hbm4b:s6+s1], $0x400, $0x38;
	[tilespmem:$0x10A00] =	vst v63  }
0x2fb: {  	s9 =	spop (v2sf)  }
0x2fc: {  	(v2sf) =	vpush v2, $0xB;
	s6 =	sand.u32 $0xFFFFF80, s9  }
0x2fd: {  	s6 =	sadd.s32 s3, s6  }
0x2fe: {  	[tilespmem:s13], [sflag:$0x2] =	stream.linear.gather [hbm4b:s6+s1], $0x400, $0x38;
	[tilespmem:$0x10A00] =	vst v63  }
0x2ff: {  	s9 =	spop (v2sf)  }
0x300: {  	(v2sf) =	vpush v1, $0xB;
	s6 =	sand.u32 $0xFFFFF80, s9  }
0x301: {  	s6 =	sadd.s32 s4, s6  }
0x302: {  	[tilespmem:s14], [sflag:$0x4] =	stream.linear.gather [hbm4b:s6+s1], $0x400, $0x38;
	[tilespmem:$0x10A00] =	vst v63  }
0x303: {  	s9 =	spop (v2sf)  }
0x304: {  	(v2sf) =	vpush v2, $0xC;
	s6 =	sand.u32 $0xFFFFF80, s9  }
0x305: {  	s6 =	sadd.s32 s3, s6  }
0x306: {  	[tilespmem:s25], [sflag:$0x2] =	stream.linear.gather [hbm4b:s6+s1], $0x400, $0x38;
	[tilespmem:$0x10A00] =	vst v63  }
0x307: {  	s9 =	spop (v2sf)  }
0x308: {  	(v2sf) =	vpush v1, $0xC;
	s6 =	sand.u32 $0xFFFFF80, s9  }
0x309: {  	s6 =	sadd.s32 s4, s6  }
0x30a: {  	[tilespmem:s26], [sflag:$0x4] =	stream.linear.gather [hbm4b:s6+s1], $0x400, $0x38;
	[tilespmem:$0x10A00] =	vst v63  }
0x30b: {  	s9 =	spop (v2sf)  }
0x30c: {  	(v2sf) =	vpush v2, $0xD;
	s6 =	sand.u32 $0xFFFFF80, s9  }
0x30d: {  	s6 =	sadd.s32 s3, s6  }
0x30e: {  	[tilespmem:s28], [sflag:$0x2] =	stream.linear.gather [hbm4b:s6+s1], $0x400, $0x38;
	[tilespmem:$0x10A00] =	vst v63  }
0x30f: {  	s9 =	spop (v2sf)  }
0x310: {  	(v2sf) =	vpush v1, $0xD;
	s6 =	sand.u32 $0xFFFFF80, s9  }
0x311: {  	s6 =	sadd.s32 s4, s6  }
0x312: {  	[tilespmem:s29], [sflag:$0x4] =	stream.linear.gather [hbm4b:s6+s1], $0x400, $0x38;
	[tilespmem:$0x10A00] =	vst v63  }
0x313: {  	s9 =	spop (v2sf)  }
0x314: {  	(v2sf) =	vpush v2, $0xE;
	s6 =	sand.u32 $0xFFFFF80, s9  }
0x315: {  	s6 =	sadd.s32 s3, s6  }
0x316: {  	[tilespmem:s30], [sflag:$0x2] =	stream.linear.gather [hbm4b:s6+s1], $0x400, $0x38;
	[tilespmem:$0x10A00] =	vst v63  }
0x317: {  	s9 =	spop (v2sf)  }
0x318: {  	(v2sf) =	vpush v1, $0xE;
	s6 =	sand.u32 $0xFFFFF80, s9  }
0x319: {  	s6 =	sadd.s32 s4, s6  }
0x31a: {  	[tilespmem:s22], [sflag:$0x4] =	stream.linear.gather [hbm4b:s6+s1], $0x400, $0x38;
	[tilespmem:$0x10A00] =	vst v63  }
0x31b: {  	s9 =	spop (v2sf)  }
0x31c: {  	(v2sf) =	vpush v2, $0xF;
	s6 =	sand.u32 $0xFFFFF80, s9  }
0x31d: {  	s6 =	sadd.s32 s3, s6  }
0x31e: {  	[tilespmem:s31], [sflag:$0x2] =	stream.linear.gather [hbm4b:s6+s1], $0x400, $0x38;
	[tilespmem:$0x10A00] =	vst v63  }
0x31f: {  	s9 =	spop (v2sf)  }
0x320: {  	s6 =	sand.u32 $0xFFFFF80, s9  }
0x321: {  	(v2sf) =	vpush v1, $0xF;
	s6 =	sadd.s32 s4, s6  }
0x322: {  	[tilespmem:s0], [sflag:$0x4] =	stream.linear.gather [hbm4b:s6+s1], $0x400, $0x38;
	[tilespmem:$0x10A00] =	vst v63  }
0x323: {  	s9 =	spop (v2sf)  }
0x324: {  	s6 =	sand.u32 $0xFFFFF80, s9  }
0x325: {  	s6 =	sadd.s32 s3, s6  }
0x326: {  	[tilespmem:s2], [sflag:$0x2] =	stream.linear.gather [hbm4b:s6+s1], $0x400, $0x38;
	[tilespmem:$0x10A00] =	vst v63  }
0x327: {  	s9 =	spop (v2sf)  }
0x328: {  	s6 =	sand.u32 $0xFFFFF80, s9  }
0x329: {  	s6 =	sadd.s32 s4, s6  }
0x32a: {  	[tilespmem:s15], [sflag:$0x4] =	stream.linear.gather [hbm4b:s6+s1], $0x400, $0x38;
	[tilespmem:$0x10A00] =	vst v63  }
0x32b: {  	s9 =	spop (v2sf)  }
0x32c: {  	s6 =	sand.u32 $0xFFFFF80, s9  }
0x32d: {  	s6 =	sadd.s32 s3, s6  }
0x32e: {  	[tilespmem:s16], [sflag:$0x2] =	stream.linear.gather [hbm4b:s6+s1], $0x400, $0x38;
	[tilespmem:$0x10A00] =	vst v63  }
.Ltmp4:
0x32f: {  	_ = 	snop;
	(pc) =	sbr.rel .LBB2_2-.Ltmp4, $4  }
0x330: {  	s9 =	spop (v2sf)  }
0x331: {  	s6 =	sand.u32 $0xFFFFF80, s9  }
0x332: {  	s5 =	sadd.s32 $0x80, s5;
	s6 =	sadd.s32 s4, s6  }
0x333: {  	[tilespmem:s17], [sflag:$0x4] =	stream.linear.gather [hbm4b:s6+s1], $0x400, $0x38;
	[tilespmem:$0x10A00] =	vst v63  }
.LBB2_7:
0x334: {  	_ =	sfence.sel $0x180000  }
0x335: {  	[bflag:$0x0] =	sbarrier.arrive $0xFFFF  }
0x336: {  	_ =	strace $0x90000047  }
0x337: {  	s0 =	stileid.u32;
	[bflag:$0x2] =	sbarrier.arrive $0xFFFF  }
0x338: {  	p0 =	sne.s32 s0, $0x0;
	s0 =	rddreg [dreg:$0x4]  }
0x339: {  	s0 =	sadd.s32 @!p0 $0x100000, s0  }
0x33a: {  	[sflag:s0] =	ssyncadd.tile.s32 @!p0 $0x1;
	_ =	shalt  }
.Lfunc_end2:
_tile_overlayer_lowered:
.L_overlay_start_2:
0x33b: {  	(tag) =	ssettag $0x2  }
0x33c: {  	s0 =	rddreg [dreg:$0x0];
	s2 =	stileid.u32  }
0x33d: {  	s1 =	rddreg [dreg:$0x1];
	p0 =	sne.s32 s2, $0x0  }
0x33e: {  	s3 =	rddreg [dreg:$0x2];
	[bflag:$0x3] =	sbarrier.arrive $0xFFFF;
	s2 =	simm.s32 @!p0 $0x1C06  }
0x33f: {  	[timem:s3], [sflag:s2] =	dma.local @!p0 [hbm:s0], s1  }
0x340: {  	s0 =	simm.s32 @!p0 $0x6  }
0x341: {  	_ =	swait.ge @!p0 [sflag:s0], s1  }
0x342: {  	s1 =	ssub.s32 @!p0 $0x0, s1;
	[sflag:s0] =	ssyncset.done @!p0 $0x0  }
0x343: {  	[sflag:s0] =	ssyncadd.s32 @!p0 s1  }
0x344: {  	[bflag:$0x3] =	sbarrier.arrive $0xFFFF  }
0x345: {  	_ =	shalt  }

</sc_bundles>
